<compile_context>
chip_gen: v7x
topology: tpu7x:2x2x1
jax: 0.10.2.dev20260603
libtpu: 0.0.44.dev20260713+nightly
codegen_flags: <defaults>
</compile_context>

<pallas_src>
import functools

import jax
import jax.numpy as jnp
import numpy as np
from jax.experimental import pallas as pl
from jax.experimental.pallas import tpu as pltpu

_LOC_SCOPE = 3.0
_LOC_BIN_SIZE = 0.5
_NUM_HEAD_BIN = 12
_PRE_NMS_TOP_N = 9000
_POST_NMS_TOP_N = 512
_NMS_THRESH = 0.85
_MEAN_SIZES = np.array([[1.52563191, 1.62856739, 3.8831164],
                        [1.76255119, 0.66068622, 0.84422524],
                        [1.73698127, 0.59706367, 1.76282397]], dtype=np.float32)

_DEC_ROWS = 1024
_NMS_PAD = 9216
_NMS_COLS = 1152


def _decode_kernel(xyz_ref, reg_ref, out_ref):
    reg = reg_ref[0]
    xyz = xyz_ref[0]
    r = reg.shape[0]
    iota12 = jax.lax.broadcasted_iota(jnp.int32, (r, 12), 1)

    def argmax12(sl):
        m = jnp.max(sl, axis=1, keepdims=True)
        return jnp.min(jnp.where(sl == m, iota12, 12), axis=1, keepdims=True)

    def take12(sl, idx):
        return jnp.sum(jnp.where(iota12 == idx, sl, 0.0), axis=1, keepdims=True)

    xb = argmax12(reg[:, 0:12])
    zb = argmax12(reg[:, 12:24])
    px = xb.astype(jnp.float32) * _LOC_BIN_SIZE + _LOC_BIN_SIZE / 2.0 - _LOC_SCOPE
    pz = zb.astype(jnp.float32) * _LOC_BIN_SIZE + _LOC_BIN_SIZE / 2.0 - _LOC_SCOPE
    px = px + take12(reg[:, 24:36], xb) * _LOC_BIN_SIZE
    pz = pz + take12(reg[:, 36:48], zb) * _LOC_BIN_SIZE
    py0 = xyz[:, 1:2] + reg[:, 48:49]
    rb = argmax12(reg[:, 49:61])
    aper = 2.0 * np.pi / _NUM_HEAD_BIN
    rres = take12(reg[:, 61:73], rb) * (aper / 2.0)
    ry = rb.astype(jnp.float32) * aper + rres
    ry = jnp.mod(ry, 2.0 * np.pi)
    ry = jnp.where(ry > np.pi, ry - 2.0 * np.pi, ry)
    sr = reg[:, 73:76]
    px = px + xyz[:, 0:1]
    pz = pz + xyz[:, 2:3]
    out_ref[0] = jnp.concatenate(
        [px, py0, pz, sr, ry, jnp.zeros_like(ry)], axis=1)


def _decode(rpn_reg, xyz):
    b, n, _ = rpn_reg.shape
    return pl.pallas_call(
        _decode_kernel,
        grid=(b, n // _DEC_ROWS),
        in_specs=[
            pl.BlockSpec((1, _DEC_ROWS, 3), lambda i, j: (i, j, 0)),
            pl.BlockSpec((1, _DEC_ROWS, 76), lambda i, j: (i, j, 0)),
        ],
        out_specs=pl.BlockSpec((1, _DEC_ROWS, 8), lambda i, j: (i, j, 0)),
        out_shape=jax.ShapeDtypeStruct((b, n, 8), jnp.float32),
        compiler_params=pltpu.CompilerParams(
            dimension_semantics=("parallel", "parallel")),
    )(xyz, rpn_reg)


def _nms_kernel(planes_ref, out_ref):
    nb = planes_ref.shape[0]
    rank = (jax.lax.broadcasted_iota(jnp.int32, (8, _NMS_COLS), 0) * _NMS_COLS
            + jax.lax.broadcasted_iota(jnp.int32, (8, _NMS_COLS), 1))
    oh = [(jax.lax.broadcasted_iota(jnp.int32, (1, 8), 1) == c
           ).astype(jnp.float32) for c in range(8)]
    dead = jnp.int32(2 ** 30)

    geom = []
    for b in range(nb):
        def fld(i, b=b):
            return planes_ref[b, 8 * i:8 * i + 8, :]

        x, y, z = fld(0), fld(1), fld(2)
        h, w, l = fld(3), fld(4), fld(5)
        ry, sc = fld(6), fld(7)
        x1 = x - l * 0.5
        x2 = x + l * 0.5
        z1 = z - w * 0.5
        z2 = z + w * 0.5
        area = (x2 - x1) * (z2 - z1)
        geom.append((x, y, z, h, w, l, ry, sc, x1, x2, z1, z2, area))

    m0 = jnp.where(rank < _PRE_NMS_TOP_N, rank, dead)

    def body(t, ms):
        out = []
        for b in range(nb):
            m = ms[b]
            x, y, z, h, w, l, ry, sc, x1, x2, z1, z2, area = geom[b]
            r = jnp.min(m, keepdims=True)
            sel = rank == r

            def pick(v, sel=sel):
                return jnp.sum(jnp.where(sel, v, 0.0), keepdims=True)

            bx, bz, bw, bl = pick(x), pick(z), pick(w), pick(l)
            bx1 = bx - bl * 0.5
            bx2 = bx + bl * 0.5
            bz1 = bz - bw * 0.5
            bz2 = bz + bw * 0.5
            barea = (bx2 - bx1) * (bz2 - bz1)
            iw = jnp.maximum(jnp.minimum(bx2, x2) - jnp.maximum(bx1, x1), 0.0)
            iz = jnp.maximum(jnp.minimum(bz2, z2) - jnp.maximum(bz1, z1), 0.0)
            inter = iw * iz
            iou = inter / jnp.maximum(barea + area - inter, 1e-6)
            out.append(jnp.where((iou <= _NMS_THRESH) & (rank != r), m, dead))

            row = (bx * oh[0] + pick(y) * oh[1] + bz * oh[2]
                   + pick(h) * oh[3] + bw * oh[4] + bl * oh[5]
                   + pick(ry) * oh[6] + pick(sc) * oh[7])
            out_ref[b, pl.ds(t, 1), :] = row
        return tuple(out)

    jax.lax.fori_loop(0, _POST_NMS_TOP_N, body, (m0,) * nb, unroll=8)


def _nms(planes):
    b = planes.shape[0]
    return pl.pallas_call(
        _nms_kernel,
        out_shape=jax.ShapeDtypeStruct((b, _POST_NMS_TOP_N, 8), jnp.float32),
    )(planes)


@jax.jit
def kernel(rpn_cls, rpn_reg, xyz):
    b, n = rpn_cls.shape
    dec = _decode(rpn_reg, xyz)

    scores = jnp.tile(rpn_cls, (1, _MEAN_SIZES.shape[0]))
    sv, order = jax.lax.top_k(scores, _PRE_NMS_TOP_N)
    anchor = order // n
    pt = order % n

    cd = jnp.take_along_axis(dec, pt[..., None], axis=1)
    asz = jnp.asarray(_MEAN_SIZES)[anchor]
    px, py0, pz = cd[..., 0], cd[..., 1], cd[..., 2]
    h = cd[..., 3] * asz[..., 0] + asz[..., 0]
    w = cd[..., 4] * asz[..., 1] + asz[..., 1]
    l = cd[..., 5] * asz[..., 2] + asz[..., 2]
    y = py0 + h * 0.5
    ry = cd[..., 6]

    planes = jnp.stack([px, y, pz, h, w, l, ry, sv], axis=2)
    planes = jnp.pad(planes, ((0, 0), (0, _NMS_PAD - _PRE_NMS_TOP_N), (0, 0)))
    planes = planes.reshape(b, 8, _NMS_COLS, 8).transpose(0, 3, 1, 2)
    planes = planes.reshape(b, 64, _NMS_COLS)

    out = _nms(planes)
    return out[..., :7], out[..., 7]

# --- scband reference (transcript-rebuilt; emitter-appended) ---
"""Pipeline reference for scband-proposal-layer-45930380263991 (READ-ONLY COPY).

The authoritative reference and input builder live on the scoring server;
editing this copy changes nothing except your own understanding.
"""

import jax, jax.numpy as jnp
import numpy as np

LOC_SCOPE = 3.0
LOC_BIN_SIZE = 0.5
NUM_HEAD_BIN = 12
PRE_NMS_TOP_N = 9000
POST_NMS_TOP_N = 512
NMS_THRESH = 0.85
MEAN_SIZES = np.array([[1.52563191, 1.62856739, 3.8831164],
                       [1.76255119, 0.66068622, 0.84422524],
                       [1.73698127, 0.59706367, 1.76282397]], dtype=np.float32)


def decode_bbox_target(roi_xyz, pred_reg, anchor_size):
    per_loc_bin_num = int(LOC_SCOPE / LOC_BIN_SIZE) * 2
    x_bin = jnp.argmax(pred_reg[:, 0:per_loc_bin_num], axis=1)
    z_bin = jnp.argmax(pred_reg[:, per_loc_bin_num:per_loc_bin_num * 2], axis=1)
    pos_x = x_bin.astype(jnp.float32) * LOC_BIN_SIZE + LOC_BIN_SIZE / 2.0 - LOC_SCOPE
    pos_z = z_bin.astype(jnp.float32) * LOC_BIN_SIZE + LOC_BIN_SIZE / 2.0 - LOC_SCOPE
    x_res_norm = jnp.take_along_axis(pred_reg[:, per_loc_bin_num * 2:per_loc_bin_num * 3], x_bin[:, None], axis=1)[:, 0]
    z_res_norm = jnp.take_along_axis(pred_reg[:, per_loc_bin_num * 3:per_loc_bin_num * 4], z_bin[:, None], axis=1)[:, 0]
    pos_x = pos_x + x_res_norm * LOC_BIN_SIZE
    pos_z = pos_z + z_res_norm * LOC_BIN_SIZE
    start = per_loc_bin_num * 4
    pos_y = roi_xyz[:, 1] + pred_reg[:, start]
    start += 1
    ry_bin = jnp.argmax(pred_reg[:, start:start + NUM_HEAD_BIN], axis=1)
    ry_res_norm = jnp.take_along_axis(pred_reg[:, start + NUM_HEAD_BIN:start + 2 * NUM_HEAD_BIN], ry_bin[:, None], axis=1)[:, 0]
    angle_per_class = 2.0 * np.pi / NUM_HEAD_BIN
    ry_res = ry_res_norm * (angle_per_class / 2.0)
    ry = (ry_bin.astype(jnp.float32) * angle_per_class + ry_res) % (2.0 * np.pi)
    ry = jnp.where(ry > np.pi, ry - 2.0 * np.pi, ry)
    start += 2 * NUM_HEAD_BIN
    size_res_norm = pred_reg[:, start:start + 3]
    hwl = size_res_norm * anchor_size + anchor_size
    pos_x = pos_x + roi_xyz[:, 0]
    pos_z = pos_z + roi_xyz[:, 2]
    return jnp.concatenate([jnp.stack([pos_x, pos_y, pos_z], axis=1), hwl, ry[:, None]], axis=1)


def iou_bev(box, boxes):
    xa1 = box[0] - box[5] * 0.5
    xa2 = box[0] + box[5] * 0.5
    za1 = box[2] - box[4] * 0.5
    za2 = box[2] + box[4] * 0.5
    xb1 = boxes[:, 0] - boxes[:, 5] * 0.5
    xb2 = boxes[:, 0] + boxes[:, 5] * 0.5
    zb1 = boxes[:, 2] - boxes[:, 4] * 0.5
    zb2 = boxes[:, 2] + boxes[:, 4] * 0.5
    iw = jnp.maximum(jnp.minimum(xa2, xb2) - jnp.maximum(xa1, xb1), 0.0)
    iz = jnp.maximum(jnp.minimum(za2, zb2) - jnp.maximum(za1, zb1), 0.0)
    inter = iw * iz
    area_a = (xa2 - xa1) * (za2 - za1)
    area_b = (xb2 - xb1) * (zb2 - zb1)
    return inter / jnp.maximum(area_a + area_b - inter, 1e-6)


def nms_bev(boxes, scores):
    K = scores.shape[0]

    def step(valid, _):
        masked = jnp.where(valid, scores, -jnp.inf)
        best = jnp.argmax(masked)
        has = jnp.any(valid)
        ious = iou_bev(boxes[best], boxes)
        nv = valid & (ious <= NMS_THRESH)
        nv = nv.at[best].set(False)
        return nv, (jnp.where(has, best, 0), has)

    _, (idxs, keeps) = jax.lax.scan(step, jnp.ones((K,), dtype=bool), None, length=POST_NMS_TOP_N)
    return idxs, keeps


def propose_single(scores_b, proposals_b):
    order = jnp.argsort(-scores_b)[:PRE_NMS_TOP_N]
    s = scores_b[order]
    p = proposals_b[order]
    idxs, keeps = nms_bev(p, s)
    boxes = jnp.where(keeps[:, None], p[idxs], 0.0)
    sc = jnp.where(keeps, s[idxs], 0.0)
    return boxes, sc


def _forward(rpn_cls, rpn_reg, xyz):
    B, N = rpn_cls.shape
    flat_xyz = xyz.reshape(-1, 3)
    flat_reg = rpn_reg.reshape(-1, rpn_reg.shape[-1])
    mean_sizes = jnp.asarray(MEAN_SIZES)
    props = []
    for t in range(MEAN_SIZES.shape[0]):
        p = decode_bbox_target(flat_xyz, flat_reg, mean_sizes[t])
        p = p.at[:, 1].add(p[:, 3] * 0.5)
        props.append(p.reshape(B, N, 7))
    proposals = jnp.concatenate(props, axis=1)
    scores = jnp.tile(rpn_cls, (1, MEAN_SIZES.shape[0]))
    ret_bbox3d, ret_scores = jax.vmap(propose_single)(scores, proposals)
    return ret_bbox3d, ret_scores


def setup_inputs(seed: int = 0):
    key = jax.random.key(seed)
    k1, k2, k3 = jax.random.split(key, 3)
    rpn_cls = jax.random.normal(k1, (4, 16384), dtype=jnp.float32)
    rpn_reg = jax.random.normal(k2, (4, 16384, 76), dtype=jnp.float32)
    xyz = jax.random.normal(k3, (4, 16384, 3), dtype=jnp.float32) * 20.0
    return {"rpn_cls": rpn_cls, "rpn_reg": rpn_reg, "xyz": xyz}


def reference(rpn_cls, rpn_reg, xyz):
    return _forward(rpn_cls, rpn_reg, xyz)

if __name__ == "__main__":
    import jax
    _d = setup_inputs()
    print(jax.jit(kernel)(*tuple(_d.values())))

</pallas_src>

<mosaic_0001>
module attributes {stable_mosaic.version = 14 : i64} {
  func.func @_decode_kernel(%arg0: i32, %arg1: i32, %arg2: memref<1x1024x3xf32, #tpu.memory_space<vmem>>, %arg3: memref<1x1024x76xf32, #tpu.memory_space<vmem>>, %arg4: memref<1x1024x8xf32, #tpu.memory_space<vmem>>) attributes {dimension_semantics = [#tpu.dimension_semantics<parallel>, #tpu.dimension_semantics<parallel>], iteration_bounds = array<i64: 4, 16>, scalar_prefetch = 0 : i64, scratch_operands = 0 : i64, tpu.core_type = #tpu.core_type<tc>, window_params = [{transform_indices = @transform_0, window_bounds = array<i64: 1, 1024, 3>}, {transform_indices = @transform_1, window_bounds = array<i64: 1, 1024, 76>}, {transform_indices = @transform_2, window_bounds = array<i64: 1, 1024, 8>}]} {
    %get3A = arith.constant 0 : index
    %get3A_0 = arith.constant 0 : index
    %get3A_1 = arith.constant 0 : index
    %get3A_2 = vector.load %arg3[%get3A, %get3A_0, %get3A_1] : memref<1x1024x76xf32, #tpu.memory_space<vmem>>, vector<1x1024x76xf32>
    %get3A_3 = vector.shape_cast %get3A_2 : vector<1x1024x76xf32> to vector<1024x76xf32>
    %get3A_4 = arith.constant 0 : index
    %get3A_5 = arith.constant 0 : index
    %get3A_6 = arith.constant 0 : index
    %get3A_7 = vector.load %arg2[%get3A_4, %get3A_5, %get3A_6] : memref<1x1024x3xf32, #tpu.memory_space<vmem>>, vector<1x1024x3xf32>
    %get3A_8 = vector.shape_cast %get3A_7 : vector<1x1024x3xf32> to vector<1024x3xf32>
    %iota3A = tpu.iota {dimensions = array<i32: 1>} : vector<1024x12xi32>
    %slice3A = vector.extract_strided_slice %get3A_3 {offsets = [0, 0], sizes = [1024, 12], strides = [1, 1]} : vector<1024x76xf32> to vector<1024x12xf32>
    %reduce_max3A = arith.constant dense<0xFF800000> : vector<1024xf32>
    %reduce_max3A_9 = vector.multi_reduction <maximumf>, %slice3A, %reduce_max3A [1] : vector<1024x12xf32> to vector<1024xf32>
    %broadcast_in_dim3A = vector.shape_cast %reduce_max3A_9 : vector<1024xf32> to vector<1024x1xf32>
    %eq3A = vector.broadcast %broadcast_in_dim3A : vector<1024x1xf32> to vector<1024x12xf32>
    %eq3A_10 = arith.cmpf oeq, %slice3A, %eq3A : vector<1024x12xf32>
    %jit3A = arith.constant 12 : i32
    %broadcast_in_dim3A_11 = vector.broadcast %jit3A : i32 to vector<1024x12xi32>
    %select_n3A = arith.select %eq3A_10, %iota3A, %broadcast_in_dim3A_11 : vector<1024x12xi1>, vector<1024x12xi32>
    %reduce_min3A = arith.constant dense<2147483647> : vector<1024xi32>
    %reduce_min3A_12 = vector.multi_reduction <minsi>, %select_n3A, %reduce_min3A [1] : vector<1024x12xi32> to vector<1024xi32>
    %broadcast_in_dim3A_13 = vector.shape_cast %reduce_min3A_12 : vector<1024xi32> to vector<1024x1xi32>
    %slice3A_14 = vector.extract_strided_slice %get3A_3 {offsets = [0, 12], sizes = [1024, 12], strides = [1, 1]} : vector<1024x76xf32> to vector<1024x12xf32>
    %reduce_max3A_15 = arith.constant dense<0xFF800000> : vector<1024xf32>
    %reduce_max3A_16 = vector.multi_reduction <maximumf>, %slice3A_14, %reduce_max3A_15 [1] : vector<1024x12xf32> to vector<1024xf32>
    %broadcast_in_dim3A_17 = vector.shape_cast %reduce_max3A_16 : vector<1024xf32> to vector<1024x1xf32>
    %eq3A_18 = vector.broadcast %broadcast_in_dim3A_17 : vector<1024x1xf32> to vector<1024x12xf32>
    %eq3A_19 = arith.cmpf oeq, %slice3A_14, %eq3A_18 : vector<1024x12xf32>
    %jit3A_20 = arith.constant 12 : i32
    %broadcast_in_dim3A_21 = vector.broadcast %jit3A_20 : i32 to vector<1024x12xi32>
    %select_n3A_22 = arith.select %eq3A_19, %iota3A, %broadcast_in_dim3A_21 : vector<1024x12xi1>, vector<1024x12xi32>
    %reduce_min3A_23 = arith.constant dense<2147483647> : vector<1024xi32>
    %reduce_min3A_24 = vector.multi_reduction <minsi>, %select_n3A_22, %reduce_min3A_23 [1] : vector<1024x12xi32> to vector<1024xi32>
    %broadcast_in_dim3A_25 = vector.shape_cast %reduce_min3A_24 : vector<1024xi32> to vector<1024x1xi32>
    %convert_element_type3A = arith.sitofp %broadcast_in_dim3A_13 : vector<1024x1xi32> to vector<1024x1xf32>
    %mul3A = arith.constant 5.000000e-01 : f32
    %mul3A_26 = vector.broadcast %mul3A : f32 to vector<1024x1xf32>
    %mul3A_27 = arith.mulf %convert_element_type3A, %mul3A_26 : vector<1024x1xf32>
    %add3A = arith.constant 2.500000e-01 : f32
    %add3A_28 = vector.broadcast %add3A : f32 to vector<1024x1xf32>
    %add3A_29 = arith.addf %mul3A_27, %add3A_28 : vector<1024x1xf32>
    %sub3A = arith.constant 3.000000e+00 : f32
    %sub3A_30 = vector.broadcast %sub3A : f32 to vector<1024x1xf32>
    %sub3A_31 = arith.subf %add3A_29, %sub3A_30 : vector<1024x1xf32>
    %convert_element_type3A_32 = arith.sitofp %broadcast_in_dim3A_25 : vector<1024x1xi32> to vector<1024x1xf32>
    %mul3A_33 = arith.constant 5.000000e-01 : f32
    %mul3A_34 = vector.broadcast %mul3A_33 : f32 to vector<1024x1xf32>
    %mul3A_35 = arith.mulf %convert_element_type3A_32, %mul3A_34 : vector<1024x1xf32>
    %add3A_36 = arith.constant 2.500000e-01 : f32
    %add3A_37 = vector.broadcast %add3A_36 : f32 to vector<1024x1xf32>
    %add3A_38 = arith.addf %mul3A_35, %add3A_37 : vector<1024x1xf32>
    %sub3A_39 = arith.constant 3.000000e+00 : f32
    %sub3A_40 = vector.broadcast %sub3A_39 : f32 to vector<1024x1xf32>
    %sub3A_41 = arith.subf %add3A_38, %sub3A_40 : vector<1024x1xf32>
    %slice3A_42 = vector.extract_strided_slice %get3A_3 {offsets = [0, 24], sizes = [1024, 12], strides = [1, 1]} : vector<1024x76xf32> to vector<1024x12xf32>
    %eq3A_43 = vector.broadcast %broadcast_in_dim3A_13 : vector<1024x1xi32> to vector<1024x12xi32>
    %eq3A_44 = arith.cmpi eq, %iota3A, %eq3A_43 : vector<1024x12xi32>
    %jit3A_45 = arith.constant 0.000000e+00 : f32
    %broadcast_in_dim3A_46 = vector.broadcast %jit3A_45 : f32 to vector<1024x12xf32>
    %select_n3A_47 = arith.select %eq3A_44, %slice3A_42, %broadcast_in_dim3A_46 : vector<1024x12xi1>, vector<1024x12xf32>
    %reduce_sum3A = arith.constant dense<0.000000e+00> : vector<1024xf32>
    %reduce_sum3A_48 = vector.multi_reduction <add>, %select_n3A_47, %reduce_sum3A [1] : vector<1024x12xf32> to vector<1024xf32>
    %broadcast_in_dim3A_49 = vector.shape_cast %reduce_sum3A_48 : vector<1024xf32> to vector<1024x1xf32>
    %mul3A_50 = arith.constant 5.000000e-01 : f32
    %mul3A_51 = vector.broadcast %mul3A_50 : f32 to vector<1024x1xf32>
    %mul3A_52 = arith.mulf %broadcast_in_dim3A_49, %mul3A_51 : vector<1024x1xf32>
    %add3A_53 = arith.addf %sub3A_31, %mul3A_52 : vector<1024x1xf32>
    %slice3A_54 = vector.extract_strided_slice %get3A_3 {offsets = [0, 36], sizes = [1024, 12], strides = [1, 1]} : vector<1024x76xf32> to vector<1024x12xf32>
    %eq3A_55 = vector.broadcast %broadcast_in_dim3A_25 : vector<1024x1xi32> to vector<1024x12xi32>
    %eq3A_56 = arith.cmpi eq, %iota3A, %eq3A_55 : vector<1024x12xi32>
    %jit3A_57 = arith.constant 0.000000e+00 : f32
    %broadcast_in_dim3A_58 = vector.broadcast %jit3A_57 : f32 to vector<1024x12xf32>
    %select_n3A_59 = arith.select %eq3A_56, %slice3A_54, %broadcast_in_dim3A_58 : vector<1024x12xi1>, vector<1024x12xf32>
    %reduce_sum3A_60 = arith.constant dense<0.000000e+00> : vector<1024xf32>
    %reduce_sum3A_61 = vector.multi_reduction <add>, %select_n3A_59, %reduce_sum3A_60 [1] : vector<1024x12xf32> to vector<1024xf32>
    %broadcast_in_dim3A_62 = vector.shape_cast %reduce_sum3A_61 : vector<1024xf32> to vector<1024x1xf32>
    %mul3A_63 = arith.constant 5.000000e-01 : f32
    %mul3A_64 = vector.broadcast %mul3A_63 : f32 to vector<1024x1xf32>
    %mul3A_65 = arith.mulf %broadcast_in_dim3A_62, %mul3A_64 : vector<1024x1xf32>
    %add3A_66 = arith.addf %sub3A_41, %mul3A_65 : vector<1024x1xf32>
    %slice3A_67 = vector.extract_strided_slice %get3A_8 {offsets = [0, 1], sizes = [1024, 1], strides = [1, 1]} : vector<1024x3xf32> to vector<1024x1xf32>
    %slice3A_68 = vector.extract_strided_slice %get3A_3 {offsets = [0, 48], sizes = [1024, 1], strides = [1, 1]} : vector<1024x76xf32> to vector<1024x1xf32>
    %add3A_69 = arith.addf %slice3A_67, %slice3A_68 : vector<1024x1xf32>
    %slice3A_70 = vector.extract_strided_slice %get3A_3 {offsets = [0, 49], sizes = [1024, 12], strides = [1, 1]} : vector<1024x76xf32> to vector<1024x12xf32>
    %reduce_max3A_71 = arith.constant dense<0xFF800000> : vector<1024xf32>
    %reduce_max3A_72 = vector.multi_reduction <maximumf>, %slice3A_70, %reduce_max3A_71 [1] : vector<1024x12xf32> to vector<1024xf32>
    %broadcast_in_dim3A_73 = vector.shape_cast %reduce_max3A_72 : vector<1024xf32> to vector<1024x1xf32>
    %eq3A_74 = vector.broadcast %broadcast_in_dim3A_73 : vector<1024x1xf32> to vector<1024x12xf32>
    %eq3A_75 = arith.cmpf oeq, %slice3A_70, %eq3A_74 : vector<1024x12xf32>
    %jit3A_76 = arith.constant 12 : i32
    %broadcast_in_dim3A_77 = vector.broadcast %jit3A_76 : i32 to vector<1024x12xi32>
    %select_n3A_78 = arith.select %eq3A_75, %iota3A, %broadcast_in_dim3A_77 : vector<1024x12xi1>, vector<1024x12xi32>
    %reduce_min3A_79 = arith.constant dense<2147483647> : vector<1024xi32>
    %reduce_min3A_80 = vector.multi_reduction <minsi>, %select_n3A_78, %reduce_min3A_79 [1] : vector<1024x12xi32> to vector<1024xi32>
    %broadcast_in_dim3A_81 = vector.shape_cast %reduce_min3A_80 : vector<1024xi32> to vector<1024x1xi32>
    %slice3A_82 = vector.extract_strided_slice %get3A_3 {offsets = [0, 61], sizes = [1024, 12], strides = [1, 1]} : vector<1024x76xf32> to vector<1024x12xf32>
    %eq3A_83 = vector.broadcast %broadcast_in_dim3A_81 : vector<1024x1xi32> to vector<1024x12xi32>
    %eq3A_84 = arith.cmpi eq, %iota3A, %eq3A_83 : vector<1024x12xi32>
    %jit3A_85 = arith.constant 0.000000e+00 : f32
    %broadcast_in_dim3A_86 = vector.broadcast %jit3A_85 : f32 to vector<1024x12xf32>
    %select_n3A_87 = arith.select %eq3A_84, %slice3A_82, %broadcast_in_dim3A_86 : vector<1024x12xi1>, vector<1024x12xf32>
    %reduce_sum3A_88 = arith.constant dense<0.000000e+00> : vector<1024xf32>
    %reduce_sum3A_89 = vector.multi_reduction <add>, %select_n3A_87, %reduce_sum3A_88 [1] : vector<1024x12xf32> to vector<1024xf32>
    %broadcast_in_dim3A_90 = vector.shape_cast %reduce_sum3A_89 : vector<1024xf32> to vector<1024x1xf32>
    %mul3A_91 = arith.constant 0.261799395 : f32
    %mul3A_92 = vector.broadcast %mul3A_91 : f32 to vector<1024x1xf32>
    %mul3A_93 = arith.mulf %broadcast_in_dim3A_90, %mul3A_92 : vector<1024x1xf32>
    %convert_element_type3A_94 = arith.sitofp %broadcast_in_dim3A_81 : vector<1024x1xi32> to vector<1024x1xf32>
    %mul3A_95 = arith.constant 0.52359879 : f32
    %mul3A_96 = vector.broadcast %mul3A_95 : f32 to vector<1024x1xf32>
    %mul3A_97 = arith.mulf %convert_element_type3A_94, %mul3A_96 : vector<1024x1xf32>
    %add3A_98 = arith.addf %mul3A_97, %mul3A_93 : vector<1024x1xf32>
    %jit3A_99 = arith.constant 6.28318548 : f32
    %rem3A = vector.broadcast %jit3A_99 : f32 to vector<1024x1xf32>
    %rem3A_100 = arith.remf %add3A_98, %rem3A : vector<1024x1xf32>
    %ne3A = arith.constant 0.000000e+00 : f32
    %ne3A_101 = vector.broadcast %ne3A : f32 to vector<1024x1xf32>
    %ne3A_102 = arith.cmpf one, %rem3A_100, %ne3A_101 : vector<1024x1xf32>
    %lt3A = arith.constant 0.000000e+00 : f32
    %lt3A_103 = vector.broadcast %lt3A : f32 to vector<1024x1xf32>
    %lt3A_104 = arith.cmpf olt, %rem3A_100, %lt3A_103 : vector<1024x1xf32>
    %lt3A_105 = arith.constant 0.000000e+00 : f32
    %lt3A_106 = arith.cmpf olt, %jit3A_99, %lt3A_105 : f32
    %ne3A_107 = vector.broadcast %lt3A_106 : i1 to vector<1024x1xi1>
    %ne3A_108 = vector.broadcast %ne3A_107 : vector<1024x1xi1> to vector<1024x1xi1>
    %ne3A_109 = arith.xori %lt3A_104, %ne3A_108 : vector<1024x1xi1>
    %and3A = arith.andi %ne3A_109, %ne3A_102 : vector<1024x1xi1>
    %add3A_110 = vector.broadcast %jit3A_99 : f32 to vector<1024x1xf32>
    %add3A_111 = arith.addf %rem3A_100, %add3A_110 : vector<1024x1xf32>
    %select_n3A_112 = arith.select %and3A, %add3A_111, %rem3A_100 : vector<1024x1xi1>, vector<1024x1xf32>
    %gt3A = arith.constant 3.14159274 : f32
    %gt3A_113 = vector.broadcast %gt3A : f32 to vector<1024x1xf32>
    %gt3A_114 = arith.cmpf ogt, %select_n3A_112, %gt3A_113 : vector<1024x1xf32>
    %sub3A_115 = arith.constant 6.28318548 : f32
    %sub3A_116 = vector.broadcast %sub3A_115 : f32 to vector<1024x1xf32>
    %sub3A_117 = arith.subf %select_n3A_112, %sub3A_116 : vector<1024x1xf32>
    %select_n3A_118 = arith.select %gt3A_114, %sub3A_117, %select_n3A_112 : vector<1024x1xi1>, vector<1024x1xf32>
    %slice3A_119 = vector.extract_strided_slice %get3A_3 {offsets = [0, 73], sizes = [1024, 3], strides = [1, 1]} : vector<1024x76xf32> to vector<1024x3xf32>
    %slice3A_120 = vector.extract_strided_slice %get3A_8 {offsets = [0, 0], sizes = [1024, 1], strides = [1, 1]} : vector<1024x3xf32> to vector<1024x1xf32>
    %add3A_121 = arith.addf %add3A_53, %slice3A_120 : vector<1024x1xf32>
    %slice3A_122 = vector.extract_strided_slice %get3A_8 {offsets = [0, 2], sizes = [1024, 1], strides = [1, 1]} : vector<1024x3xf32> to vector<1024x1xf32>
    %add3A_123 = arith.addf %add3A_66, %slice3A_122 : vector<1024x1xf32>
    %broadcast_in_dim3A_124 = arith.constant 0.000000e+00 : f32
    %broadcast_in_dim3A_125 = vector.broadcast %broadcast_in_dim3A_124 : f32 to vector<1024x1xf32>
    %concatenate3A = tpu.concatenate %add3A_121, %add3A_69, %add3A_123, %slice3A_119, %select_n3A_118, %broadcast_in_dim3A_125 in 1 : vector<1024x1xf32>, vector<1024x1xf32>, vector<1024x1xf32>, vector<1024x3xf32>, vector<1024x1xf32>, vector<1024x1xf32> -> vector<1024x8xf32>
    %swap3A = arith.constant 0 : index
    %swap3A_126 = arith.constant 0 : index
    %swap3A_127 = arith.constant 0 : index
    %swap3A_128 = vector.load %arg4[%swap3A, %swap3A_126, %swap3A_127] : memref<1x1024x8xf32, #tpu.memory_space<vmem>>, vector<1x1024x8xf32>
    %swap3A_129 = vector.shape_cast %swap3A_128 : vector<1x1024x8xf32> to vector<1024x8xf32>
    %swap3A_130 = vector.shape_cast %concatenate3A : vector<1024x8xf32> to vector<1x1024x8xf32>
    tpu.vector_store %arg4[%swap3A, %swap3A_126, %swap3A_127], %swap3A_130 {strides = array<i32>} : memref<1x1024x8xf32, #tpu.memory_space<vmem>>, vector<1x1024x8xf32>,
    return
  }
  func.func @transform_0(%arg0: i32, %arg1: i32) -> (i32, i32, i32) {
    %c0_i32 = arith.constant 0 : i32
    %c0_i32_0 = arith.constant 0 : i32
    return %arg0, %arg1, %c0_i32 : i32, i32, i32
  }
  func.func @transform_1(%arg0: i32, %arg1: i32) -> (i32, i32, i32) {
    %c0_i32 = arith.constant 0 : i32
    %c0_i32_0 = arith.constant 0 : i32
    return %arg0, %arg1, %c0_i32 : i32, i32, i32
  }
  func.func @transform_2(%arg0: i32, %arg1: i32) -> (i32, i32, i32) {
    %c0_i32 = arith.constant 0 : i32
    %c0_i32_0 = arith.constant 0 : i32
    return %arg0, %arg1, %c0_i32 : i32, i32, i32
  }
}

module attributes {stable_mosaic.version = 14 : i64} {
  func.func @_nms_kernel(%arg0: memref<4x64x1152xf32, #tpu.memory_space<vmem>>, %arg1: memref<4x512x8xf32, #tpu.memory_space<vmem>>) attributes {dimension_semantics = [], scalar_prefetch = 0 : i64, scratch_operands = 0 : i64, tpu.core_type = #tpu.core_type<tc>} {
    %iota3A = tpu.iota {dimensions = array<i32: 0>} : vector<8x1152xi32>
    %mul3A = arith.constant 1152 : i32
    %mul3A_0 = vector.broadcast %mul3A : i32 to vector<8x1152xi32>
    %mul3A_1 = arith.muli %iota3A, %mul3A_0 : vector<8x1152xi32>
    %iota3A_2 = tpu.iota {dimensions = array<i32: 1>} : vector<8x1152xi32>
    %add3A = arith.addi %mul3A_1, %iota3A_2 : vector<8x1152xi32>
    %iota3A_3 = tpu.iota {dimensions = array<i32: 1>} : vector<1x8xi32>
    %eq3A = arith.constant 0 : i32
    %eq3A_4 = vector.broadcast %eq3A : i32 to vector<1x8xi32>
    %eq3A_5 = arith.cmpi eq, %iota3A_3, %eq3A_4 : vector<1x8xi32>
    %convert_element_type3A = arith.extui %eq3A_5 : vector<1x8xi1> to vector<1x8xi32>
    %convert_element_type3A_6 = arith.sitofp %convert_element_type3A : vector<1x8xi32> to vector<1x8xf32>
    %iota3A_7 = tpu.iota {dimensions = array<i32: 1>} : vector<1x8xi32>
    %eq3A_8 = arith.constant 1 : i32
    %eq3A_9 = vector.broadcast %eq3A_8 : i32 to vector<1x8xi32>
    %eq3A_10 = arith.cmpi eq, %iota3A_7, %eq3A_9 : vector<1x8xi32>
    %convert_element_type3A_11 = arith.extui %eq3A_10 : vector<1x8xi1> to vector<1x8xi32>
    %convert_element_type3A_12 = arith.sitofp %convert_element_type3A_11 : vector<1x8xi32> to vector<1x8xf32>
    %iota3A_13 = tpu.iota {dimensions = array<i32: 1>} : vector<1x8xi32>
    %eq3A_14 = arith.constant 2 : i32
    %eq3A_15 = vector.broadcast %eq3A_14 : i32 to vector<1x8xi32>
    %eq3A_16 = arith.cmpi eq, %iota3A_13, %eq3A_15 : vector<1x8xi32>
    %convert_element_type3A_17 = arith.extui %eq3A_16 : vector<1x8xi1> to vector<1x8xi32>
    %convert_element_type3A_18 = arith.sitofp %convert_element_type3A_17 : vector<1x8xi32> to vector<1x8xf32>
    %iota3A_19 = tpu.iota {dimensions = array<i32: 1>} : vector<1x8xi32>
    %eq3A_20 = arith.constant 3 : i32
    %eq3A_21 = vector.broadcast %eq3A_20 : i32 to vector<1x8xi32>
    %eq3A_22 = arith.cmpi eq, %iota3A_19, %eq3A_21 : vector<1x8xi32>
    %convert_element_type3A_23 = arith.extui %eq3A_22 : vector<1x8xi1> to vector<1x8xi32>
    %convert_element_type3A_24 = arith.sitofp %convert_element_type3A_23 : vector<1x8xi32> to vector<1x8xf32>
    %iota3A_25 = tpu.iota {dimensions = array<i32: 1>} : vector<1x8xi32>
    %eq3A_26 = arith.constant 4 : i32
    %eq3A_27 = vector.broadcast %eq3A_26 : i32 to vector<1x8xi32>
    %eq3A_28 = arith.cmpi eq, %iota3A_25, %eq3A_27 : vector<1x8xi32>
    %convert_element_type3A_29 = arith.extui %eq3A_28 : vector<1x8xi1> to vector<1x8xi32>
    %convert_element_type3A_30 = arith.sitofp %convert_element_type3A_29 : vector<1x8xi32> to vector<1x8xf32>
    %iota3A_31 = tpu.iota {dimensions = array<i32: 1>} : vector<1x8xi32>
    %eq3A_32 = arith.constant 5 : i32
    %eq3A_33 = vector.broadcast %eq3A_32 : i32 to vector<1x8xi32>
    %eq3A_34 = arith.cmpi eq, %iota3A_31, %eq3A_33 : vector<1x8xi32>
    %convert_element_type3A_35 = arith.extui %eq3A_34 : vector<1x8xi1> to vector<1x8xi32>
    %convert_element_type3A_36 = arith.sitofp %convert_element_type3A_35 : vector<1x8xi32> to vector<1x8xf32>
    %iota3A_37 = tpu.iota {dimensions = array<i32: 1>} : vector<1x8xi32>
    %eq3A_38 = arith.constant 6 : i32
    %eq3A_39 = vector.broadcast %eq3A_38 : i32 to vector<1x8xi32>
    %eq3A_40 = arith.cmpi eq, %iota3A_37, %eq3A_39 : vector<1x8xi32>
    %convert_element_type3A_41 = arith.extui %eq3A_40 : vector<1x8xi1> to vector<1x8xi32>
    %convert_element_type3A_42 = arith.sitofp %convert_element_type3A_41 : vector<1x8xi32> to vector<1x8xf32>
    %iota3A_43 = tpu.iota {dimensions = array<i32: 1>} : vector<1x8xi32>
    %eq3A_44 = arith.constant 7 : i32
    %eq3A_45 = vector.broadcast %eq3A_44 : i32 to vector<1x8xi32>
    %eq3A_46 = arith.cmpi eq, %iota3A_43, %eq3A_45 : vector<1x8xi32>
    %convert_element_type3A_47 = arith.extui %eq3A_46 : vector<1x8xi1> to vector<1x8xi32>
    %convert_element_type3A_48 = arith.sitofp %convert_element_type3A_47 : vector<1x8xi32> to vector<1x8xf32>
    %get3A = arith.constant 0 : index
    %get3A_49 = arith.constant 0 : index
    %get3A_50 = arith.constant 0 : index
    %get3A_51 = vector.load %arg0[%get3A, %get3A_49, %get3A_50] : memref<4x64x1152xf32, #tpu.memory_space<vmem>>, vector<1x8x1152xf32>
    %get3A_52 = vector.shape_cast %get3A_51 : vector<1x8x1152xf32> to vector<8x1152xf32>
    %get3A_53 = arith.constant 0 : index
    %get3A_54 = arith.constant 8 : index
    %get3A_55 = arith.constant 0 : index
    %get3A_56 = vector.load %arg0[%get3A_53, %get3A_54, %get3A_55] : memref<4x64x1152xf32, #tpu.memory_space<vmem>>, vector<1x8x1152xf32>
    %get3A_57 = vector.shape_cast %get3A_56 : vector<1x8x1152xf32> to vector<8x1152xf32>
    %get3A_58 = arith.constant 0 : index
    %get3A_59 = arith.constant 16 : index
    %get3A_60 = arith.constant 0 : index
    %get3A_61 = vector.load %arg0[%get3A_58, %get3A_59, %get3A_60] : memref<4x64x1152xf32, #tpu.memory_space<vmem>>, vector<1x8x1152xf32>
    %get3A_62 = vector.shape_cast %get3A_61 : vector<1x8x1152xf32> to vector<8x1152xf32>
    %get3A_63 = arith.constant 0 : index
    %get3A_64 = arith.constant 24 : index
    %get3A_65 = arith.constant 0 : index
    %get3A_66 = vector.load %arg0[%get3A_63, %get3A_64, %get3A_65] : memref<4x64x1152xf32, #tpu.memory_space<vmem>>, vector<1x8x1152xf32>
    %get3A_67 = vector.shape_cast %get3A_66 : vector<1x8x1152xf32> to vector<8x1152xf32>
    %get3A_68 = arith.constant 0 : index
    %get3A_69 = arith.constant 32 : index
    %get3A_70 = arith.constant 0 : index
    %get3A_71 = vector.load %arg0[%get3A_68, %get3A_69, %get3A_70] : memref<4x64x1152xf32, #tpu.memory_space<vmem>>, vector<1x8x1152xf32>
    %get3A_72 = vector.shape_cast %get3A_71 : vector<1x8x1152xf32> to vector<8x1152xf32>
    %get3A_73 = arith.constant 0 : index
    %get3A_74 = arith.constant 40 : index
    %get3A_75 = arith.constant 0 : index
    %get3A_76 = vector.load %arg0[%get3A_73, %get3A_74, %get3A_75] : memref<4x64x1152xf32, #tpu.memory_space<vmem>>, vector<1x8x1152xf32>
    %get3A_77 = vector.shape_cast %get3A_76 : vector<1x8x1152xf32> to vector<8x1152xf32>
    %get3A_78 = arith.constant 0 : index
    %get3A_79 = arith.constant 48 : index
    %get3A_80 = arith.constant 0 : index
    %get3A_81 = vector.load %arg0[%get3A_78, %get3A_79, %get3A_80] : memref<4x64x1152xf32, #tpu.memory_space<vmem>>, vector<1x8x1152xf32>
    %get3A_82 = vector.shape_cast %get3A_81 : vector<1x8x1152xf32> to vector<8x1152xf32>
    %get3A_83 = arith.constant 0 : index
    %get3A_84 = arith.constant 56 : index
    %get3A_85 = arith.constant 0 : index
    %get3A_86 = vector.load %arg0[%get3A_83, %get3A_84, %get3A_85] : memref<4x64x1152xf32, #tpu.memory_space<vmem>>, vector<1x8x1152xf32>
    %get3A_87 = vector.shape_cast %get3A_86 : vector<1x8x1152xf32> to vector<8x1152xf32>
    %mul3A_88 = arith.constant 5.000000e-01 : f32
    %mul3A_89 = vector.broadcast %mul3A_88 : f32 to vector<8x1152xf32>
    %mul3A_90 = arith.mulf %get3A_77, %mul3A_89 : vector<8x1152xf32>
    %sub3A = arith.subf %get3A_52, %mul3A_90 : vector<8x1152xf32>
    %mul3A_91 = arith.constant 5.000000e-01 : f32
    %mul3A_92 = vector.broadcast %mul3A_91 : f32 to vector<8x1152xf32>
    %mul3A_93 = arith.mulf %get3A_77, %mul3A_92 : vector<8x1152xf32>
    %add3A_94 = arith.addf %get3A_52, %mul3A_93 : vector<8x1152xf32>
    %mul3A_95 = arith.constant 5.000000e-01 : f32
    %mul3A_96 = vector.broadcast %mul3A_95 : f32 to vector<8x1152xf32>
    %mul3A_97 = arith.mulf %get3A_72, %mul3A_96 : vector<8x1152xf32>
    %sub3A_98 = arith.subf %get3A_62, %mul3A_97 : vector<8x1152xf32>
    %mul3A_99 = arith.constant 5.000000e-01 : f32
    %mul3A_100 = vector.broadcast %mul3A_99 : f32 to vector<8x1152xf32>
    %mul3A_101 = arith.mulf %get3A_72, %mul3A_100 : vector<8x1152xf32>
    %add3A_102 = arith.addf %get3A_62, %mul3A_101 : vector<8x1152xf32>
    %sub3A_103 = arith.subf %add3A_94, %sub3A : vector<8x1152xf32>
    %sub3A_104 = arith.subf %add3A_102, %sub3A_98 : vector<8x1152xf32>
    %mul3A_105 = arith.mulf %sub3A_103, %sub3A_104 : vector<8x1152xf32>
    %get3A_106 = arith.constant 1 : index
    %get3A_107 = arith.constant 0 : index
    %get3A_108 = arith.constant 0 : index
    %get3A_109 = vector.load %arg0[%get3A_106, %get3A_107, %get3A_108] : memref<4x64x1152xf32, #tpu.memory_space<vmem>>, vector<1x8x1152xf32>
    %get3A_110 = vector.shape_cast %get3A_109 : vector<1x8x1152xf32> to vector<8x1152xf32>
    %get3A_111 = arith.constant 1 : index
    %get3A_112 = arith.constant 8 : index
    %get3A_113 = arith.constant 0 : index
    %get3A_114 = vector.load %arg0[%get3A_111, %get3A_112, %get3A_113] : memref<4x64x1152xf32, #tpu.memory_space<vmem>>, vector<1x8x1152xf32>
    %get3A_115 = vector.shape_cast %get3A_114 : vector<1x8x1152xf32> to vector<8x1152xf32>
    %get3A_116 = arith.constant 1 : index
    %get3A_117 = arith.constant 16 : index
    %get3A_118 = arith.constant 0 : index
    %get3A_119 = vector.load %arg0[%get3A_116, %get3A_117, %get3A_118] : memref<4x64x1152xf32, #tpu.memory_space<vmem>>, vector<1x8x1152xf32>
    %get3A_120 = vector.shape_cast %get3A_119 : vector<1x8x1152xf32> to vector<8x1152xf32>
    %get3A_121 = arith.constant 1 : index
    %get3A_122 = arith.constant 24 : index
    %get3A_123 = arith.constant 0 : index
    %get3A_124 = vector.load %arg0[%get3A_121, %get3A_122, %get3A_123] : memref<4x64x1152xf32, #tpu.memory_space<vmem>>, vector<1x8x1152xf32>
    %get3A_125 = vector.shape_cast %get3A_124 : vector<1x8x1152xf32> to vector<8x1152xf32>
    %get3A_126 = arith.constant 1 : index
    %get3A_127 = arith.constant 32 : index
    %get3A_128 = arith.constant 0 : index
    %get3A_129 = vector.load %arg0[%get3A_126, %get3A_127, %get3A_128] : memref<4x64x1152xf32, #tpu.memory_space<vmem>>, vector<1x8x1152xf32>
    %get3A_130 = vector.shape_cast %get3A_129 : vector<1x8x1152xf32> to vector<8x1152xf32>
    %get3A_131 = arith.constant 1 : index
    %get3A_132 = arith.constant 40 : index
    %get3A_133 = arith.constant 0 : index
    %get3A_134 = vector.load %arg0[%get3A_131, %get3A_132, %get3A_133] : memref<4x64x1152xf32, #tpu.memory_space<vmem>>, vector<1x8x1152xf32>
    %get3A_135 = vector.shape_cast %get3A_134 : vector<1x8x1152xf32> to vector<8x1152xf32>
    %get3A_136 = arith.constant 1 : index
    %get3A_137 = arith.constant 48 : index
    %get3A_138 = arith.constant 0 : index
    %get3A_139 = vector.load %arg0[%get3A_136, %get3A_137, %get3A_138] : memref<4x64x1152xf32, #tpu.memory_space<vmem>>, vector<1x8x1152xf32>
    %get3A_140 = vector.shape_cast %get3A_139 : vector<1x8x1152xf32> to vector<8x1152xf32>
    %get3A_141 = arith.constant 1 : index
    %get3A_142 = arith.constant 56 : index
    %get3A_143 = arith.constant 0 : index
    %get3A_144 = vector.load %arg0[%get3A_141, %get3A_142, %get3A_143] : memref<4x64x1152xf32, #tpu.memory_space<vmem>>, vector<1x8x1152xf32>
    %get3A_145 = vector.shape_cast %get3A_144 : vector<1x8x1152xf32> to vector<8x1152xf32>
    %mul3A_146 = arith.constant 5.000000e-01 : f32
    %mul3A_147 = vector.broadcast %mul3A_146 : f32 to vector<8x1152xf32>
    %mul3A_148 = arith.mulf %get3A_135, %mul3A_147 : vector<8x1152xf32>
    %sub3A_149 = arith.subf %get3A_110, %mul3A_148 : vector<8x1152xf32>
    %mul3A_150 = arith.constant 5.000000e-01 : f32
    %mul3A_151 = vector.broadcast %mul3A_150 : f32 to vector<8x1152xf32>
    %mul3A_152 = arith.mulf %get3A_135, %mul3A_151 : vector<8x1152xf32>
    %add3A_153 = arith.addf %get3A_110, %mul3A_152 : vector<8x1152xf32>
    %mul3A_154 = arith.constant 5.000000e-01 : f32
    %mul3A_155 = vector.broadcast %mul3A_154 : f32 to vector<8x1152xf32>
    %mul3A_156 = arith.mulf %get3A_130, %mul3A_155 : vector<8x1152xf32>
    %sub3A_157 = arith.subf %get3A_120, %mul3A_156 : vector<8x1152xf32>
    %mul3A_158 = arith.constant 5.000000e-01 : f32
    %mul3A_159 = vector.broadcast %mul3A_158 : f32 to vector<8x1152xf32>
    %mul3A_160 = arith.mulf %get3A_130, %mul3A_159 : vector<8x1152xf32>
    %add3A_161 = arith.addf %get3A_120, %mul3A_160 : vector<8x1152xf32>
    %sub3A_162 = arith.subf %add3A_153, %sub3A_149 : vector<8x1152xf32>
    %sub3A_163 = arith.subf %add3A_161, %sub3A_157 : vector<8x1152xf32>
    %mul3A_164 = arith.mulf %sub3A_162, %sub3A_163 : vector<8x1152xf32>
    %get3A_165 = arith.constant 2 : index
    %get3A_166 = arith.constant 0 : index
    %get3A_167 = arith.constant 0 : index
    %get3A_168 = vector.load %arg0[%get3A_165, %get3A_166, %get3A_167] : memref<4x64x1152xf32, #tpu.memory_space<vmem>>, vector<1x8x1152xf32>
    %get3A_169 = vector.shape_cast %get3A_168 : vector<1x8x1152xf32> to vector<8x1152xf32>
    %get3A_170 = arith.constant 2 : index
    %get3A_171 = arith.constant 8 : index
    %get3A_172 = arith.constant 0 : index
    %get3A_173 = vector.load %arg0[%get3A_170, %get3A_171, %get3A_172] : memref<4x64x1152xf32, #tpu.memory_space<vmem>>, vector<1x8x1152xf32>
    %get3A_174 = vector.shape_cast %get3A_173 : vector<1x8x1152xf32> to vector<8x1152xf32>
    %get3A_175 = arith.constant 2 : index
    %get3A_176 = arith.constant 16 : index
    %get3A_177 = arith.constant 0 : index
    %get3A_178 = vector.load %arg0[%get3A_175, %get3A_176, %get3A_177] : memref<4x64x1152xf32, #tpu.memory_space<vmem>>, vector<1x8x1152xf32>
    %get3A_179 = vector.shape_cast %get3A_178 : vector<1x8x1152xf32> to vector<8x1152xf32>
    %get3A_180 = arith.constant 2 : index
    %get3A_181 = arith.constant 24 : index
    %get3A_182 = arith.constant 0 : index
    %get3A_183 = vector.load %arg0[%get3A_180, %get3A_181, %get3A_182] : memref<4x64x1152xf32, #tpu.memory_space<vmem>>, vector<1x8x1152xf32>
    %get3A_184 = vector.shape_cast %get3A_183 : vector<1x8x1152xf32> to vector<8x1152xf32>
    %get3A_185 = arith.constant 2 : index
    %get3A_186 = arith.constant 32 : index
    %get3A_187 = arith.constant 0 : index
    %get3A_188 = vector.load %arg0[%get3A_185, %get3A_186, %get3A_187] : memref<4x64x1152xf32, #tpu.memory_space<vmem>>, vector<1x8x1152xf32>
    %get3A_189 = vector.shape_cast %get3A_188 : vector<1x8x1152xf32> to vector<8x1152xf32>
    %get3A_190 = arith.constant 2 : index
    %get3A_191 = arith.constant 40 : index
    %get3A_192 = arith.constant 0 : index
    %get3A_193 = vector.load %arg0[%get3A_190, %get3A_191, %get3A_192] : memref<4x64x1152xf32, #tpu.memory_space<vmem>>, vector<1x8x1152xf32>
    %get3A_194 = vector.shape_cast %get3A_193 : vector<1x8x1152xf32> to vector<8x1152xf32>
    %get3A_195 = arith.constant 2 : index
    %get3A_196 = arith.constant 48 : index
    %get3A_197 = arith.constant 0 : index
    %get3A_198 = vector.load %arg0[%get3A_195, %get3A_196, %get3A_197] : memref<4x64x1152xf32, #tpu.memory_space<vmem>>, vector<1x8x1152xf32>
    %get3A_199 = vector.shape_cast %get3A_198 : vector<1x8x1152xf32> to vector<8x1152xf32>
    %get3A_200 = arith.constant 2 : index
    %get3A_201 = arith.constant 56 : index
    %get3A_202 = arith.constant 0 : index
    %get3A_203 = vector.load %arg0[%get3A_200, %get3A_201, %get3A_202] : memref<4x64x1152xf32, #tpu.memory_space<vmem>>, vector<1x8x1152xf32>
    %get3A_204 = vector.shape_cast %get3A_203 : vector<1x8x1152xf32> to vector<8x1152xf32>
    %mul3A_205 = arith.constant 5.000000e-01 : f32
    %mul3A_206 = vector.broadcast %mul3A_205 : f32 to vector<8x1152xf32>
    %mul3A_207 = arith.mulf %get3A_194, %mul3A_206 : vector<8x1152xf32>
    %sub3A_208 = arith.subf %get3A_169, %mul3A_207 : vector<8x1152xf32>
    %mul3A_209 = arith.constant 5.000000e-01 : f32
    %mul3A_210 = vector.broadcast %mul3A_209 : f32 to vector<8x1152xf32>
    %mul3A_211 = arith.mulf %get3A_194, %mul3A_210 : vector<8x1152xf32>
    %add3A_212 = arith.addf %get3A_169, %mul3A_211 : vector<8x1152xf32>
    %mul3A_213 = arith.constant 5.000000e-01 : f32
    %mul3A_214 = vector.broadcast %mul3A_213 : f32 to vector<8x1152xf32>
    %mul3A_215 = arith.mulf %get3A_189, %mul3A_214 : vector<8x1152xf32>
    %sub3A_216 = arith.subf %get3A_179, %mul3A_215 : vector<8x1152xf32>
    %mul3A_217 = arith.constant 5.000000e-01 : f32
    %mul3A_218 = vector.broadcast %mul3A_217 : f32 to vector<8x1152xf32>
    %mul3A_219 = arith.mulf %get3A_189, %mul3A_218 : vector<8x1152xf32>
    %add3A_220 = arith.addf %get3A_179, %mul3A_219 : vector<8x1152xf32>
    %sub3A_221 = arith.subf %add3A_212, %sub3A_208 : vector<8x1152xf32>
    %sub3A_222 = arith.subf %add3A_220, %sub3A_216 : vector<8x1152xf32>
    %mul3A_223 = arith.mulf %sub3A_221, %sub3A_222 : vector<8x1152xf32>
    %get3A_224 = arith.constant 3 : index
    %get3A_225 = arith.constant 0 : index
    %get3A_226 = arith.constant 0 : index
    %get3A_227 = vector.load %arg0[%get3A_224, %get3A_225, %get3A_226] : memref<4x64x1152xf32, #tpu.memory_space<vmem>>, vector<1x8x1152xf32>
    %get3A_228 = vector.shape_cast %get3A_227 : vector<1x8x1152xf32> to vector<8x1152xf32>
    %get3A_229 = arith.constant 3 : index
    %get3A_230 = arith.constant 8 : index
    %get3A_231 = arith.constant 0 : index
    %get3A_232 = vector.load %arg0[%get3A_229, %get3A_230, %get3A_231] : memref<4x64x1152xf32, #tpu.memory_space<vmem>>, vector<1x8x1152xf32>
    %get3A_233 = vector.shape_cast %get3A_232 : vector<1x8x1152xf32> to vector<8x1152xf32>
    %get3A_234 = arith.constant 3 : index
    %get3A_235 = arith.constant 16 : index
    %get3A_236 = arith.constant 0 : index
    %get3A_237 = vector.load %arg0[%get3A_234, %get3A_235, %get3A_236] : memref<4x64x1152xf32, #tpu.memory_space<vmem>>, vector<1x8x1152xf32>
    %get3A_238 = vector.shape_cast %get3A_237 : vector<1x8x1152xf32> to vector<8x1152xf32>
    %get3A_239 = arith.constant 3 : index
    %get3A_240 = arith.constant 24 : index
    %get3A_241 = arith.constant 0 : index
    %get3A_242 = vector.load %arg0[%get3A_239, %get3A_240, %get3A_241] : memref<4x64x1152xf32, #tpu.memory_space<vmem>>, vector<1x8x1152xf32>
    %get3A_243 = vector.shape_cast %get3A_242 : vector<1x8x1152xf32> to vector<8x1152xf32>
    %get3A_244 = arith.constant 3 : index
    %get3A_245 = arith.constant 32 : index
    %get3A_246 = arith.constant 0 : index
    %get3A_247 = vector.load %arg0[%get3A_244, %get3A_245, %get3A_246] : memref<4x64x1152xf32, #tpu.memory_space<vmem>>, vector<1x8x1152xf32>
    %get3A_248 = vector.shape_cast %get3A_247 : vector<1x8x1152xf32> to vector<8x1152xf32>
    %get3A_249 = arith.constant 3 : index
    %get3A_250 = arith.constant 40 : index
    %get3A_251 = arith.constant 0 : index
    %get3A_252 = vector.load %arg0[%get3A_249, %get3A_250, %get3A_251] : memref<4x64x1152xf32, #tpu.memory_space<vmem>>, vector<1x8x1152xf32>
    %get3A_253 = vector.shape_cast %get3A_252 : vector<1x8x1152xf32> to vector<8x1152xf32>
    %get3A_254 = arith.constant 3 : index
    %get3A_255 = arith.constant 48 : index
    %get3A_256 = arith.constant 0 : index
    %get3A_257 = vector.load %arg0[%get3A_254, %get3A_255, %get3A_256] : memref<4x64x1152xf32, #tpu.memory_space<vmem>>, vector<1x8x1152xf32>
    %get3A_258 = vector.shape_cast %get3A_257 : vector<1x8x1152xf32> to vector<8x1152xf32>
    %get3A_259 = arith.constant 3 : index
    %get3A_260 = arith.constant 56 : index
    %get3A_261 = arith.constant 0 : index
    %get3A_262 = vector.load %arg0[%get3A_259, %get3A_260, %get3A_261] : memref<4x64x1152xf32, #tpu.memory_space<vmem>>, vector<1x8x1152xf32>
    %get3A_263 = vector.shape_cast %get3A_262 : vector<1x8x1152xf32> to vector<8x1152xf32>
    %mul3A_264 = arith.constant 5.000000e-01 : f32
    %mul3A_265 = vector.broadcast %mul3A_264 : f32 to vector<8x1152xf32>
    %mul3A_266 = arith.mulf %get3A_253, %mul3A_265 : vector<8x1152xf32>
    %sub3A_267 = arith.subf %get3A_228, %mul3A_266 : vector<8x1152xf32>
    %mul3A_268 = arith.constant 5.000000e-01 : f32
    %mul3A_269 = vector.broadcast %mul3A_268 : f32 to vector<8x1152xf32>
    %mul3A_270 = arith.mulf %get3A_253, %mul3A_269 : vector<8x1152xf32>
    %add3A_271 = arith.addf %get3A_228, %mul3A_270 : vector<8x1152xf32>
    %mul3A_272 = arith.constant 5.000000e-01 : f32
    %mul3A_273 = vector.broadcast %mul3A_272 : f32 to vector<8x1152xf32>
    %mul3A_274 = arith.mulf %get3A_248, %mul3A_273 : vector<8x1152xf32>
    %sub3A_275 = arith.subf %get3A_238, %mul3A_274 : vector<8x1152xf32>
    %mul3A_276 = arith.constant 5.000000e-01 : f32
    %mul3A_277 = vector.broadcast %mul3A_276 : f32 to vector<8x1152xf32>
    %mul3A_278 = arith.mulf %get3A_248, %mul3A_277 : vector<8x1152xf32>
    %add3A_279 = arith.addf %get3A_238, %mul3A_278 : vector<8x1152xf32>
    %sub3A_280 = arith.subf %add3A_271, %sub3A_267 : vector<8x1152xf32>
    %sub3A_281 = arith.subf %add3A_279, %sub3A_275 : vector<8x1152xf32>
    %mul3A_282 = arith.mulf %sub3A_280, %sub3A_281 : vector<8x1152xf32>
    %lt3A = arith.constant 9000 : i32
    %lt3A_283 = vector.broadcast %lt3A : i32 to vector<8x1152xi32>
    %lt3A_284 = arith.cmpi slt, %add3A, %lt3A_283 : vector<8x1152xi32>
    %jit3A = arith.constant 1073741824 : i32
    %broadcast_in_dim3A = vector.broadcast %jit3A : i32 to vector<8x1152xi32>
    %select_n3A = arith.select %lt3A_284, %add3A, %broadcast_in_dim3A : vector<8x1152xi1>, vector<8x1152xi32>
    %scan3A = arith.constant 1073741824 : i32
    %scan3A_285 = arith.constant 0 : i32
    %scan3A_286 = arith.constant 512 : i32
    %scan3A_287 = arith.addi %scan3A_285, %scan3A_286 : i32
    %scan3A_288 = arith.constant 8 : i32
    %scan3A_289:4 = scf.for %scan3A_291 = %scan3A_285 to %scan3A_287 step %scan3A_288 iter_args(%scan3A_292 = %select_n3A, %scan3A_293 = %select_n3A, %scan3A_294 = %select_n3A, %scan3A_295 = %select_n3A) -> (vector<8x1152xi32>, vector<8x1152xi32>, vector<8x1152xi32>, vector<8x1152xi32>)  : i32 {
      %reduce_min3A = vector.shape_cast %scan3A_292 : vector<8x1152xi32> to vector<1x8x1152xi32>
      %reduce_min3A_296 = arith.constant dense<2147483647> : vector<1xi32>
      %reduce_min3A_297 = vector.multi_reduction <minsi>, %reduce_min3A, %reduce_min3A_296 [1, 2] : vector<1x8x1152xi32> to vector<1xi32>
      %reduce_min3A_298 = vector.shape_cast %reduce_min3A_297 : vector<1xi32> to vector<1x1x1xi32>
      %reduce_min3A_299 = vector.extract %reduce_min3A_298[0, 0, 0] : i32 from vector<1x1x1xi32>
      %broadcast_in_dim3A_300 = vector.broadcast %reduce_min3A_299 : i32 to vector<1x1xi32>
      %eq3A_301 = vector.broadcast %broadcast_in_dim3A_300 : vector<1x1xi32> to vector<8x1152xi32>
      %eq3A_302 = arith.cmpi eq, %add3A, %eq3A_301 : vector<8x1152xi32>
      %jit3A_303 = arith.constant 0.000000e+00 : f32
      %broadcast_in_dim3A_304 = vector.broadcast %jit3A_303 : f32 to vector<8x1152xf32>
      %select_n3A_305 = arith.select %eq3A_302, %get3A_52, %broadcast_in_dim3A_304 : vector<8x1152xi1>, vector<8x1152xf32>
      %reduce_sum3A = vector.shape_cast %select_n3A_305 : vector<8x1152xf32> to vector<1x8x1152xf32>
      %reduce_sum3A_306 = arith.constant dense<0.000000e+00> : vector<1xf32>
      %reduce_sum3A_307 = vector.multi_reduction <add>, %reduce_sum3A, %reduce_sum3A_306 [1, 2] : vector<1x8x1152xf32> to vector<1xf32>
      %reduce_sum3A_308 = vector.shape_cast %reduce_sum3A_307 : vector<1xf32> to vector<1x1x1xf32>
      %reduce_sum3A_309 = vector.extract %reduce_sum3A_308[0, 0, 0] : f32 from vector<1x1x1xf32>
      %broadcast_in_dim3A_310 = vector.broadcast %reduce_sum3A_309 : f32 to vector<1x1xf32>
      %jit3A_311 = arith.constant 0.000000e+00 : f32
      %broadcast_in_dim3A_312 = vector.broadcast %jit3A_311 : f32 to vector<8x1152xf32>
      %select_n3A_313 = arith.select %eq3A_302, %get3A_62, %broadcast_in_dim3A_312 : vector<8x1152xi1>, vector<8x1152xf32>
      %reduce_sum3A_314 = vector.shape_cast %select_n3A_313 : vector<8x1152xf32> to vector<1x8x1152xf32>
      %reduce_sum3A_315 = arith.constant dense<0.000000e+00> : vector<1xf32>
      %reduce_sum3A_316 = vector.multi_reduction <add>, %reduce_sum3A_314, %reduce_sum3A_315 [1, 2] : vector<1x8x1152xf32> to vector<1xf32>
      %reduce_sum3A_317 = vector.shape_cast %reduce_sum3A_316 : vector<1xf32> to vector<1x1x1xf32>
      %reduce_sum3A_318 = vector.extract %reduce_sum3A_317[0, 0, 0] : f32 from vector<1x1x1xf32>
      %broadcast_in_dim3A_319 = vector.broadcast %reduce_sum3A_318 : f32 to vector<1x1xf32>
      %jit3A_320 = arith.constant 0.000000e+00 : f32
      %broadcast_in_dim3A_321 = vector.broadcast %jit3A_320 : f32 to vector<8x1152xf32>
      %select_n3A_322 = arith.select %eq3A_302, %get3A_72, %broadcast_in_dim3A_321 : vector<8x1152xi1>, vector<8x1152xf32>
      %reduce_sum3A_323 = vector.shape_cast %select_n3A_322 : vector<8x1152xf32> to vector<1x8x1152xf32>
      %reduce_sum3A_324 = arith.constant dense<0.000000e+00> : vector<1xf32>
      %reduce_sum3A_325 = vector.multi_reduction <add>, %reduce_sum3A_323, %reduce_sum3A_324 [1, 2] : vector<1x8x1152xf32> to vector<1xf32>
      %reduce_sum3A_326 = vector.shape_cast %reduce_sum3A_325 : vector<1xf32> to vector<1x1x1xf32>
      %reduce_sum3A_327 = vector.extract %reduce_sum3A_326[0, 0, 0] : f32 from vector<1x1x1xf32>
      %broadcast_in_dim3A_328 = vector.broadcast %reduce_sum3A_327 : f32 to vector<1x1xf32>
      %jit3A_329 = arith.constant 0.000000e+00 : f32
      %broadcast_in_dim3A_330 = vector.broadcast %jit3A_329 : f32 to vector<8x1152xf32>
      %select_n3A_331 = arith.select %eq3A_302, %get3A_77, %broadcast_in_dim3A_330 : vector<8x1152xi1>, vector<8x1152xf32>
      %reduce_sum3A_332 = vector.shape_cast %select_n3A_331 : vector<8x1152xf32> to vector<1x8x1152xf32>
      %reduce_sum3A_333 = arith.constant dense<0.000000e+00> : vector<1xf32>
      %reduce_sum3A_334 = vector.multi_reduction <add>, %reduce_sum3A_332, %reduce_sum3A_333 [1, 2] : vector<1x8x1152xf32> to vector<1xf32>
      %reduce_sum3A_335 = vector.shape_cast %reduce_sum3A_334 : vector<1xf32> to vector<1x1x1xf32>
      %reduce_sum3A_336 = vector.extract %reduce_sum3A_335[0, 0, 0] : f32 from vector<1x1x1xf32>
      %broadcast_in_dim3A_337 = vector.broadcast %reduce_sum3A_336 : f32 to vector<1x1xf32>
      %mul3A_338 = arith.constant 5.000000e-01 : f32
      %mul3A_339 = vector.broadcast %mul3A_338 : f32 to vector<1x1xf32>
      %mul3A_340 = arith.mulf %broadcast_in_dim3A_337, %mul3A_339 : vector<1x1xf32>
      %sub3A_341 = arith.subf %broadcast_in_dim3A_310, %mul3A_340 : vector<1x1xf32>
      %mul3A_342 = arith.constant 5.000000e-01 : f32
      %mul3A_343 = vector.broadcast %mul3A_342 : f32 to vector<1x1xf32>
      %mul3A_344 = arith.mulf %broadcast_in_dim3A_337, %mul3A_343 : vector<1x1xf32>
      %add3A_345 = arith.addf %broadcast_in_dim3A_310, %mul3A_344 : vector<1x1xf32>
      %mul3A_346 = arith.constant 5.000000e-01 : f32
      %mul3A_347 = vector.broadcast %mul3A_346 : f32 to vector<1x1xf32>
      %mul3A_348 = arith.mulf %broadcast_in_dim3A_328, %mul3A_347 : vector<1x1xf32>
      %sub3A_349 = arith.subf %broadcast_in_dim3A_319, %mul3A_348 : vector<1x1xf32>
      %mul3A_350 = arith.constant 5.000000e-01 : f32
      %mul3A_351 = vector.broadcast %mul3A_350 : f32 to vector<1x1xf32>
      %mul3A_352 = arith.mulf %broadcast_in_dim3A_328, %mul3A_351 : vector<1x1xf32>
      %add3A_353 = arith.addf %broadcast_in_dim3A_319, %mul3A_352 : vector<1x1xf32>
      %sub3A_354 = arith.subf %add3A_345, %sub3A_341 : vector<1x1xf32>
      %sub3A_355 = arith.subf %add3A_353, %sub3A_349 : vector<1x1xf32>
      %mul3A_356 = arith.mulf %sub3A_354, %sub3A_355 : vector<1x1xf32>
      %min3A = vector.broadcast %add3A_345 : vector<1x1xf32> to vector<8x1152xf32>
      %min3A_357 = arith.minimumf %min3A, %add3A_94 : vector<8x1152xf32>
      %max3A = vector.broadcast %sub3A_341 : vector<1x1xf32> to vector<8x1152xf32>
      %max3A_358 = arith.maximumf %max3A, %sub3A : vector<8x1152xf32>
      %sub3A_359 = arith.subf %min3A_357, %max3A_358 : vector<8x1152xf32>
      %max3A_360 = arith.constant 0.000000e+00 : f32
      %max3A_361 = vector.broadcast %max3A_360 : f32 to vector<8x1152xf32>
      %max3A_362 = arith.maximumf %sub3A_359, %max3A_361 : vector<8x1152xf32>
      %min3A_363 = vector.broadcast %add3A_353 : vector<1x1xf32> to vector<8x1152xf32>
      %min3A_364 = arith.minimumf %min3A_363, %add3A_102 : vector<8x1152xf32>
      %max3A_365 = vector.broadcast %sub3A_349 : vector<1x1xf32> to vector<8x1152xf32>
      %max3A_366 = arith.maximumf %max3A_365, %sub3A_98 : vector<8x1152xf32>
      %sub3A_367 = arith.subf %min3A_364, %max3A_366 : vector<8x1152xf32>
      %max3A_368 = arith.constant 0.000000e+00 : f32
      %max3A_369 = vector.broadcast %max3A_368 : f32 to vector<8x1152xf32>
      %max3A_370 = arith.maximumf %sub3A_367, %max3A_369 : vector<8x1152xf32>
      %mul3A_371 = arith.mulf %max3A_362, %max3A_370 : vector<8x1152xf32>
      %add3A_372 = vector.broadcast %mul3A_356 : vector<1x1xf32> to vector<8x1152xf32>
      %add3A_373 = arith.addf %add3A_372, %mul3A_105 : vector<8x1152xf32>
      %sub3A_374 = arith.subf %add3A_373, %mul3A_371 : vector<8x1152xf32>
      %max3A_375 = arith.constant 9.99999997E-7 : f32
      %max3A_376 = vector.broadcast %max3A_375 : f32 to vector<8x1152xf32>
      %max3A_377 = arith.maximumf %sub3A_374, %max3A_376 : vector<8x1152xf32>
      %div3A = arith.divf %mul3A_371, %max3A_377 : vector<8x1152xf32>
      %le3A = arith.constant 8.500000e-01 : f32
      %le3A_378 = vector.broadcast %le3A : f32 to vector<8x1152xf32>
      %le3A_379 = arith.cmpf ole, %div3A, %le3A_378 : vector<8x1152xf32>
      %ne3A = vector.broadcast %broadcast_in_dim3A_300 : vector<1x1xi32> to vector<8x1152xi32>
      %ne3A_380 = arith.cmpi ne, %add3A, %ne3A : vector<8x1152xi32>
      %and3A = arith.andi %le3A_379, %ne3A_380 : vector<8x1152xi1>
      %broadcast_in_dim3A_381 = vector.broadcast %scan3A : i32 to vector<8x1152xi32>
      %select_n3A_382 = arith.select %and3A, %scan3A_292, %broadcast_in_dim3A_381 : vector<8x1152xi1>, vector<8x1152xi32>
      %mul3A_383 = vector.broadcast %broadcast_in_dim3A_310 : vector<1x1xf32> to vector<1x8xf32>
      %mul3A_384 = arith.mulf %mul3A_383, %convert_element_type3A_6 : vector<1x8xf32>
      %jit3A_385 = arith.constant 0.000000e+00 : f32
      %broadcast_in_dim3A_386 = vector.broadcast %jit3A_385 : f32 to vector<8x1152xf32>
      %select_n3A_387 = arith.select %eq3A_302, %get3A_57, %broadcast_in_dim3A_386 : vector<8x1152xi1>, vector<8x1152xf32>
      %reduce_sum3A_388 = vector.shape_cast %select_n3A_387 : vector<8x1152xf32> to vector<1x8x1152xf32>
      %reduce_sum3A_389 = arith.constant dense<0.000000e+00> : vector<1xf32>
      %reduce_sum3A_390 = vector.multi_reduction <add>, %reduce_sum3A_388, %reduce_sum3A_389 [1, 2] : vector<1x8x1152xf32> to vector<1xf32>
      %reduce_sum3A_391 = vector.shape_cast %reduce_sum3A_390 : vector<1xf32> to vector<1x1x1xf32>
      %reduce_sum3A_392 = vector.extract %reduce_sum3A_391[0, 0, 0] : f32 from vector<1x1x1xf32>
      %broadcast_in_dim3A_393 = vector.broadcast %reduce_sum3A_392 : f32 to vector<1x1xf32>
      %mul3A_394 = vector.broadcast %broadcast_in_dim3A_393 : vector<1x1xf32> to vector<1x8xf32>
      %mul3A_395 = arith.mulf %mul3A_394, %convert_element_type3A_12 : vector<1x8xf32>
      %add3A_396 = arith.addf %mul3A_384, %mul3A_395 : vector<1x8xf32>
      %mul3A_397 = vector.broadcast %broadcast_in_dim3A_319 : vector<1x1xf32> to vector<1x8xf32>
      %mul3A_398 = arith.mulf %mul3A_397, %convert_element_type3A_18 : vector<1x8xf32>
      %add3A_399 = arith.addf %add3A_396, %mul3A_398 : vector<1x8xf32>
      %jit3A_400 = arith.constant 0.000000e+00 : f32
      %broadcast_in_dim3A_401 = vector.broadcast %jit3A_400 : f32 to vector<8x1152xf32>
      %select_n3A_402 = arith.select %eq3A_302, %get3A_67, %broadcast_in_dim3A_401 : vector<8x1152xi1>, vector<8x1152xf32>
      %reduce_sum3A_403 = vector.shape_cast %select_n3A_402 : vector<8x1152xf32> to vector<1x8x1152xf32>
      %reduce_sum3A_404 = arith.constant dense<0.000000e+00> : vector<1xf32>
      %reduce_sum3A_405 = vector.multi_reduction <add>, %reduce_sum3A_403, %reduce_sum3A_404 [1, 2] : vector<1x8x1152xf32> to vector<1xf32>
      %reduce_sum3A_406 = vector.shape_cast %reduce_sum3A_405 : vector<1xf32> to vector<1x1x1xf32>
      %reduce_sum3A_407 = vector.extract %reduce_sum3A_406[0, 0, 0] : f32 from vector<1x1x1xf32>
      %broadcast_in_dim3A_408 = vector.broadcast %reduce_sum3A_407 : f32 to vector<1x1xf32>
      %mul3A_409 = vector.broadcast %broadcast_in_dim3A_408 : vector<1x1xf32> to vector<1x8xf32>
      %mul3A_410 = arith.mulf %mul3A_409, %convert_element_type3A_24 : vector<1x8xf32>
      %add3A_411 = arith.addf %add3A_399, %mul3A_410 : vector<1x8xf32>
      %mul3A_412 = vector.broadcast %broadcast_in_dim3A_328 : vector<1x1xf32> to vector<1x8xf32>
      %mul3A_413 = arith.mulf %mul3A_412, %convert_element_type3A_30 : vector<1x8xf32>
      %add3A_414 = arith.addf %add3A_411, %mul3A_413 : vector<1x8xf32>
      %mul3A_415 = vector.broadcast %broadcast_in_dim3A_337 : vector<1x1xf32> to vector<1x8xf32>
      %mul3A_416 = arith.mulf %mul3A_415, %convert_element_type3A_36 : vector<1x8xf32>
      %add3A_417 = arith.addf %add3A_414, %mul3A_416 : vector<1x8xf32>
      %jit3A_418 = arith.constant 0.000000e+00 : f32
      %broadcast_in_dim3A_419 = vector.broadcast %jit3A_418 : f32 to vector<8x1152xf32>
      %select_n3A_420 = arith.select %eq3A_302, %get3A_82, %broadcast_in_dim3A_419 : vector<8x1152xi1>, vector<8x1152xf32>
      %reduce_sum3A_421 = vector.shape_cast %select_n3A_420 : vector<8x1152xf32> to vector<1x8x1152xf32>
      %reduce_sum3A_422 = arith.constant dense<0.000000e+00> : vector<1xf32>
      %reduce_sum3A_423 = vector.multi_reduction <add>, %reduce_sum3A_421, %reduce_sum3A_422 [1, 2] : vector<1x8x1152xf32> to vector<1xf32>
      %reduce_sum3A_424 = vector.shape_cast %reduce_sum3A_423 : vector<1xf32> to vector<1x1x1xf32>
      %reduce_sum3A_425 = vector.extract %reduce_sum3A_424[0, 0, 0] : f32 from vector<1x1x1xf32>
      %broadcast_in_dim3A_426 = vector.broadcast %reduce_sum3A_425 : f32 to vector<1x1xf32>
      %mul3A_427 = vector.broadcast %broadcast_in_dim3A_426 : vector<1x1xf32> to vector<1x8xf32>
      %mul3A_428 = arith.mulf %mul3A_427, %convert_element_type3A_42 : vector<1x8xf32>
      %add3A_429 = arith.addf %add3A_417, %mul3A_428 : vector<1x8xf32>
      %jit3A_430 = arith.constant 0.000000e+00 : f32
      %broadcast_in_dim3A_431 = vector.broadcast %jit3A_430 : f32 to vector<8x1152xf32>
      %select_n3A_432 = arith.select %eq3A_302, %get3A_87, %broadcast_in_dim3A_431 : vector<8x1152xi1>, vector<8x1152xf32>
      %reduce_sum3A_433 = vector.shape_cast %select_n3A_432 : vector<8x1152xf32> to vector<1x8x1152xf32>
      %reduce_sum3A_434 = arith.constant dense<0.000000e+00> : vector<1xf32>
      %reduce_sum3A_435 = vector.multi_reduction <add>, %reduce_sum3A_433, %reduce_sum3A_434 [1, 2] : vector<1x8x1152xf32> to vector<1xf32>
      %reduce_sum3A_436 = vector.shape_cast %reduce_sum3A_435 : vector<1xf32> to vector<1x1x1xf32>
      %reduce_sum3A_437 = vector.extract %reduce_sum3A_436[0, 0, 0] : f32 from vector<1x1x1xf32>
      %broadcast_in_dim3A_438 = vector.broadcast %reduce_sum3A_437 : f32 to vector<1x1xf32>
      %mul3A_439 = vector.broadcast %broadcast_in_dim3A_438 : vector<1x1xf32> to vector<1x8xf32>
      %mul3A_440 = arith.mulf %mul3A_439, %convert_element_type3A_48 : vector<1x8xf32>
      %add3A_441 = arith.addf %add3A_429, %mul3A_440 : vector<1x8xf32>
      %swap3A = arith.constant 0 : index
      %swap3A_442 = arith.index_cast %scan3A_291 : i32 to index
      %swap3A_443 = arith.constant 0 : index
      %swap3A_444 = vector.load %arg1[%swap3A, %swap3A_442, %swap3A_443] : memref<4x512x8xf32, #tpu.memory_space<vmem>>, vector<1x1x8xf32>
      %swap3A_445 = vector.shape_cast %swap3A_444 : vector<1x1x8xf32> to vector<1x8xf32>
      %swap3A_446 = vector.shape_cast %add3A_441 : vector<1x8xf32> to vector<1x1x8xf32>
      tpu.vector_store %arg1[%swap3A, %swap3A_442, %swap3A_443], %swap3A_446 {strides = array<i32>} : memref<4x512x8xf32, #tpu.memory_space<vmem>>, vector<1x1x8xf32>,
      %reduce_min3A_447 = vector.shape_cast %scan3A_293 : vector<8x1152xi32> to vector<1x8x1152xi32>
      %reduce_min3A_448 = arith.constant dense<2147483647> : vector<1xi32>
      %reduce_min3A_449 = vector.multi_reduction <minsi>, %reduce_min3A_447, %reduce_min3A_448 [1, 2] : vector<1x8x1152xi32> to vector<1xi32>
      %reduce_min3A_450 = vector.shape_cast %reduce_min3A_449 : vector<1xi32> to vector<1x1x1xi32>
      %reduce_min3A_451 = vector.extract %reduce_min3A_450[0, 0, 0] : i32 from vector<1x1x1xi32>
      %broadcast_in_dim3A_452 = vector.broadcast %reduce_min3A_451 : i32 to vector<1x1xi32>
      %eq3A_453 = vector.broadcast %broadcast_in_dim3A_452 : vector<1x1xi32> to vector<8x1152xi32>
      %eq3A_454 = arith.cmpi eq, %add3A, %eq3A_453 : vector<8x1152xi32>
      %jit3A_455 = arith.constant 0.000000e+00 : f32
      %broadcast_in_dim3A_456 = vector.broadcast %jit3A_455 : f32 to vector<8x1152xf32>
      %select_n3A_457 = arith.select %eq3A_454, %get3A_110, %broadcast_in_dim3A_456 : vector<8x1152xi1>, vector<8x1152xf32>
      %reduce_sum3A_458 = vector.shape_cast %select_n3A_457 : vector<8x1152xf32> to vector<1x8x1152xf32>
      %reduce_sum3A_459 = arith.constant dense<0.000000e+00> : vector<1xf32>
      %reduce_sum3A_460 = vector.multi_reduction <add>, %reduce_sum3A_458, %reduce_sum3A_459 [1, 2] : vector<1x8x1152xf32> to vector<1xf32>
      %reduce_sum3A_461 = vector.shape_cast %reduce_sum3A_460 : vector<1xf32> to vector<1x1x1xf32>
      %reduce_sum3A_462 = vector.extract %reduce_sum3A_461[0, 0, 0] : f32 from vector<1x1x1xf32>
      %broadcast_in_dim3A_463 = vector.broadcast %reduce_sum3A_462 : f32 to vector<1x1xf32>
      %jit3A_464 = arith.constant 0.000000e+00 : f32
      %broadcast_in_dim3A_465 = vector.broadcast %jit3A_464 : f32 to vector<8x1152xf32>
      %select_n3A_466 = arith.select %eq3A_454, %get3A_120, %broadcast_in_dim3A_465 : vector<8x1152xi1>, vector<8x1152xf32>
      %reduce_sum3A_467 = vector.shape_cast %select_n3A_466 : vector<8x1152xf32> to vector<1x8x1152xf32>
      %reduce_sum3A_468 = arith.constant dense<0.000000e+00> : vector<1xf32>
      %reduce_sum3A_469 = vector.multi_reduction <add>, %reduce_sum3A_467, %reduce_sum3A_468 [1, 2] : vector<1x8x1152xf32> to vector<1xf32>
      %reduce_sum3A_470 = vector.shape_cast %reduce_sum3A_469 : vector<1xf32> to vector<1x1x1xf32>
      %reduce_sum3A_471 = vector.extract %reduce_sum3A_470[0, 0, 0] : f32 from vector<1x1x1xf32>
      %broadcast_in_dim3A_472 = vector.broadcast %reduce_sum3A_471 : f32 to vector<1x1xf32>
      %jit3A_473 = arith.constant 0.000000e+00 : f32
      %broadcast_in_dim3A_474 = vector.broadcast %jit3A_473 : f32 to vector<8x1152xf32>
      %select_n3A_475 = arith.select %eq3A_454, %get3A_130, %broadcast_in_dim3A_474 : vector<8x1152xi1>, vector<8x1152xf32>
      %reduce_sum3A_476 = vector.shape_cast %select_n3A_475 : vector<8x1152xf32> to vector<1x8x1152xf32>
      %reduce_sum3A_477 = arith.constant dense<0.000000e+00> : vector<1xf32>
      %reduce_sum3A_478 = vector.multi_reduction <add>, %reduce_sum3A_476, %reduce_sum3A_477 [1, 2] : vector<1x8x1152xf32> to vector<1xf32>
      %reduce_sum3A_479 = vector.shape_cast %reduce_sum3A_478 : vector<1xf32> to vector<1x1x1xf32>
      %reduce_sum3A_480 = vector.extract %reduce_sum3A_479[0, 0, 0] : f32 from vector<1x1x1xf32>
      %broadcast_in_dim3A_481 = vector.broadcast %reduce_sum3A_480 : f32 to vector<1x1xf32>
      %jit3A_482 = arith.constant 0.000000e+00 : f32
      %broadcast_in_dim3A_483 = vector.broadcast %jit3A_482 : f32 to vector<8x1152xf32>
      %select_n3A_484 = arith.select %eq3A_454, %get3A_135, %broadcast_in_dim3A_483 : vector<8x1152xi1>, vector<8x1152xf32>
      %reduce_sum3A_485 = vector.shape_cast %select_n3A_484 : vector<8x1152xf32> to vector<1x8x1152xf32>
      %reduce_sum3A_486 = arith.constant dense<0.000000e+00> : vector<1xf32>
      %reduce_sum3A_487 = vector.multi_reduction <add>, %reduce_sum3A_485, %reduce_sum3A_486 [1, 2] : vector<1x8x1152xf32> to vector<1xf32>
      %reduce_sum3A_488 = vector.shape_cast %reduce_sum3A_487 : vector<1xf32> to vector<1x1x1xf32>
      %reduce_sum3A_489 = vector.extract %reduce_sum3A_488[0, 0, 0] : f32 from vector<1x1x1xf32>
      %broadcast_in_dim3A_490 = vector.broadcast %reduce_sum3A_489 : f32 to vector<1x1xf32>
      %mul3A_491 = arith.constant 5.000000e-01 : f32
      %mul3A_492 = vector.broadcast %mul3A_491 : f32 to vector<1x1xf32>
      %mul3A_493 = arith.mulf %broadcast_in_dim3A_490, %mul3A_492 : vector<1x1xf32>
      %sub3A_494 = arith.subf %broadcast_in_dim3A_463, %mul3A_493 : vector<1x1xf32>
      %mul3A_495 = arith.constant 5.000000e-01 : f32
      %mul3A_496 = vector.broadcast %mul3A_495 : f32 to vector<1x1xf32>
      %mul3A_497 = arith.mulf %broadcast_in_dim3A_490, %mul3A_496 : vector<1x1xf32>
      %add3A_498 = arith.addf %broadcast_in_dim3A_463, %mul3A_497 : vector<1x1xf32>
      %mul3A_499 = arith.constant 5.000000e-01 : f32
      %mul3A_500 = vector.broadcast %mul3A_499 : f32 to vector<1x1xf32>
      %mul3A_501 = arith.mulf %broadcast_in_dim3A_481, %mul3A_500 : vector<1x1xf32>
      %sub3A_502 = arith.subf %broadcast_in_dim3A_472, %mul3A_501 : vector<1x1xf32>
      %mul3A_503 = arith.constant 5.000000e-01 : f32
      %mul3A_504 = vector.broadcast %mul3A_503 : f32 to vector<1x1xf32>
      %mul3A_505 = arith.mulf %broadcast_in_dim3A_481, %mul3A_504 : vector<1x1xf32>
      %add3A_506 = arith.addf %broadcast_in_dim3A_472, %mul3A_505 : vector<1x1xf32>
      %sub3A_507 = arith.subf %add3A_498, %sub3A_494 : vector<1x1xf32>
      %sub3A_508 = arith.subf %add3A_506, %sub3A_502 : vector<1x1xf32>
      %mul3A_509 = arith.mulf %sub3A_507, %sub3A_508 : vector<1x1xf32>
      %min3A_510 = vector.broadcast %add3A_498 : vector<1x1xf32> to vector<8x1152xf32>
      %min3A_511 = arith.minimumf %min3A_510, %add3A_153 : vector<8x1152xf32>
      %max3A_512 = vector.broadcast %sub3A_494 : vector<1x1xf32> to vector<8x1152xf32>
      %max3A_513 = arith.maximumf %max3A_512, %sub3A_149 : vector<8x1152xf32>
      %sub3A_514 = arith.subf %min3A_511, %max3A_513 : vector<8x1152xf32>
      %max3A_515 = arith.constant 0.000000e+00 : f32
      %max3A_516 = vector.broadcast %max3A_515 : f32 to vector<8x1152xf32>
      %max3A_517 = arith.maximumf %sub3A_514, %max3A_516 : vector<8x1152xf32>
      %min3A_518 = vector.broadcast %add3A_506 : vector<1x1xf32> to vector<8x1152xf32>
      %min3A_519 = arith.minimumf %min3A_518, %add3A_161 : vector<8x1152xf32>
      %max3A_520 = vector.broadcast %sub3A_502 : vector<1x1xf32> to vector<8x1152xf32>
      %max3A_521 = arith.maximumf %max3A_520, %sub3A_157 : vector<8x1152xf32>
      %sub3A_522 = arith.subf %min3A_519, %max3A_521 : vector<8x1152xf32>
      %max3A_523 = arith.constant 0.000000e+00 : f32
      %max3A_524 = vector.broadcast %max3A_523 : f32 to vector<8x1152xf32>
      %max3A_525 = arith.maximumf %sub3A_522, %max3A_524 : vector<8x1152xf32>
      %mul3A_526 = arith.mulf %max3A_517, %max3A_525 : vector<8x1152xf32>
      %add3A_527 = vector.broadcast %mul3A_509 : vector<1x1xf32> to vector<8x1152xf32>
      %add3A_528 = arith.addf %add3A_527, %mul3A_164 : vector<8x1152xf32>
      %sub3A_529 = arith.subf %add3A_528, %mul3A_526 : vector<8x1152xf32>
      %max3A_530 = arith.constant 9.99999997E-7 : f32
      %max3A_531 = vector.broadcast %max3A_530 : f32 to vector<8x1152xf32>
      %max3A_532 = arith.maximumf %sub3A_529, %max3A_531 : vector<8x1152xf32>
      %div3A_533 = arith.divf %mul3A_526, %max3A_532 : vector<8x1152xf32>
      %le3A_534 = arith.constant 8.500000e-01 : f32
      %le3A_535 = vector.broadcast %le3A_534 : f32 to vector<8x1152xf32>
      %le3A_536 = arith.cmpf ole, %div3A_533, %le3A_535 : vector<8x1152xf32>
      %ne3A_537 = vector.broadcast %broadcast_in_dim3A_452 : vector<1x1xi32> to vector<8x1152xi32>
      %ne3A_538 = arith.cmpi ne, %add3A, %ne3A_537 : vector<8x1152xi32>
      %and3A_539 = arith.andi %le3A_536, %ne3A_538 : vector<8x1152xi1>
      %broadcast_in_dim3A_540 = vector.broadcast %scan3A : i32 to vector<8x1152xi32>
      %select_n3A_541 = arith.select %and3A_539, %scan3A_293, %broadcast_in_dim3A_540 : vector<8x1152xi1>, vector<8x1152xi32>
      %mul3A_542 = vector.broadcast %broadcast_in_dim3A_463 : vector<1x1xf32> to vector<1x8xf32>
      %mul3A_543 = arith.mulf %mul3A_542, %convert_element_type3A_6 : vector<1x8xf32>
      %jit3A_544 = arith.constant 0.000000e+00 : f32
      %broadcast_in_dim3A_545 = vector.broadcast %jit3A_544 : f32 to vector<8x1152xf32>
      %select_n3A_546 = arith.select %eq3A_454, %get3A_115, %broadcast_in_dim3A_545 : vector<8x1152xi1>, vector<8x1152xf32>
      %reduce_sum3A_547 = vector.shape_cast %select_n3A_546 : vector<8x1152xf32> to vector<1x8x1152xf32>
      %reduce_sum3A_548 = arith.constant dense<0.000000e+00> : vector<1xf32>
      %reduce_sum3A_549 = vector.multi_reduction <add>, %reduce_sum3A_547, %reduce_sum3A_548 [1, 2] : vector<1x8x1152xf32> to vector<1xf32>
      %reduce_sum3A_550 = vector.shape_cast %reduce_sum3A_549 : vector<1xf32> to vector<1x1x1xf32>
      %reduce_sum3A_551 = vector.extract %reduce_sum3A_550[0, 0, 0] : f32 from vector<1x1x1xf32>
      %broadcast_in_dim3A_552 = vector.broadcast %reduce_sum3A_551 : f32 to vector<1x1xf32>
      %mul3A_553 = vector.broadcast %broadcast_in_dim3A_552 : vector<1x1xf32> to vector<1x8xf32>
      %mul3A_554 = arith.mulf %mul3A_553, %convert_element_type3A_12 : vector<1x8xf32>
      %add3A_555 = arith.addf %mul3A_543, %mul3A_554 : vector<1x8xf32>
      %mul3A_556 = vector.broadcast %broadcast_in_dim3A_472 : vector<1x1xf32> to vector<1x8xf32>
      %mul3A_557 = arith.mulf %mul3A_556, %convert_element_type3A_18 : vector<1x8xf32>
      %add3A_558 = arith.addf %add3A_555, %mul3A_557 : vector<1x8xf32>
      %jit3A_559 = arith.constant 0.000000e+00 : f32
      %broadcast_in_dim3A_560 = vector.broadcast %jit3A_559 : f32 to vector<8x1152xf32>
      %select_n3A_561 = arith.select %eq3A_454, %get3A_125, %broadcast_in_dim3A_560 : vector<8x1152xi1>, vector<8x1152xf32>
      %reduce_sum3A_562 = vector.shape_cast %select_n3A_561 : vector<8x1152xf32> to vector<1x8x1152xf32>
      %reduce_sum3A_563 = arith.constant dense<0.000000e+00> : vector<1xf32>
      %reduce_sum3A_564 = vector.multi_reduction <add>, %reduce_sum3A_562, %reduce_sum3A_563 [1, 2] : vector<1x8x1152xf32> to vector<1xf32>
      %reduce_sum3A_565 = vector.shape_cast %reduce_sum3A_564 : vector<1xf32> to vector<1x1x1xf32>
      %reduce_sum3A_566 = vector.extract %reduce_sum3A_565[0, 0, 0] : f32 from vector<1x1x1xf32>
      %broadcast_in_dim3A_567 = vector.broadcast %reduce_sum3A_566 : f32 to vector<1x1xf32>
      %mul3A_568 = vector.broadcast %broadcast_in_dim3A_567 : vector<1x1xf32> to vector<1x8xf32>
      %mul3A_569 = arith.mulf %mul3A_568, %convert_element_type3A_24 : vector<1x8xf32>
      %add3A_570 = arith.addf %add3A_558, %mul3A_569 : vector<1x8xf32>
      %mul3A_571 = vector.broadcast %broadcast_in_dim3A_481 : vector<1x1xf32> to vector<1x8xf32>
      %mul3A_572 = arith.mulf %mul3A_571, %convert_element_type3A_30 : vector<1x8xf32>
      %add3A_573 = arith.addf %add3A_570, %mul3A_572 : vector<1x8xf32>
      %mul3A_574 = vector.broadcast %broadcast_in_dim3A_490 : vector<1x1xf32> to vector<1x8xf32>
      %mul3A_575 = arith.mulf %mul3A_574, %convert_element_type3A_36 : vector<1x8xf32>
      %add3A_576 = arith.addf %add3A_573, %mul3A_575 : vector<1x8xf32>
      %jit3A_577 = arith.constant 0.000000e+00 : f32
      %broadcast_in_dim3A_578 = vector.broadcast %jit3A_577 : f32 to vector<8x1152xf32>
      %select_n3A_579 = arith.select %eq3A_454, %get3A_140, %broadcast_in_dim3A_578 : vector<8x1152xi1>, vector<8x1152xf32>
      %reduce_sum3A_580 = vector.shape_cast %select_n3A_579 : vector<8x1152xf32> to vector<1x8x1152xf32>
      %reduce_sum3A_581 = arith.constant dense<0.000000e+00> : vector<1xf32>
      %reduce_sum3A_582 = vector.multi_reduction <add>, %reduce_sum3A_580, %reduce_sum3A_581 [1, 2] : vector<1x8x1152xf32> to vector<1xf32>
      %reduce_sum3A_583 = vector.shape_cast %reduce_sum3A_582 : vector<1xf32> to vector<1x1x1xf32>
      %reduce_sum3A_584 = vector.extract %reduce_sum3A_583[0, 0, 0] : f32 from vector<1x1x1xf32>
      %broadcast_in_dim3A_585 = vector.broadcast %reduce_sum3A_584 : f32 to vector<1x1xf32>
      %mul3A_586 = vector.broadcast %broadcast_in_dim3A_585 : vector<1x1xf32> to vector<1x8xf32>
      %mul3A_587 = arith.mulf %mul3A_586, %convert_element_type3A_42 : vector<1x8xf32>
      %add3A_588 = arith.addf %add3A_576, %mul3A_587 : vector<1x8xf32>
      %jit3A_589 = arith.constant 0.000000e+00 : f32
      %broadcast_in_dim3A_590 = vector.broadcast %jit3A_589 : f32 to vector<8x1152xf32>
      %select_n3A_591 = arith.select %eq3A_454, %get3A_145, %broadcast_in_dim3A_590 : vector<8x1152xi1>, vector<8x1152xf32>
      %reduce_sum3A_592 = vector.shape_cast %select_n3A_591 : vector<8x1152xf32> to vector<1x8x1152xf32>
      %reduce_sum3A_593 = arith.constant dense<0.000000e+00> : vector<1xf32>
      %reduce_sum3A_594 = vector.multi_reduction <add>, %reduce_sum3A_592, %reduce_sum3A_593 [1, 2] : vector<1x8x1152xf32> to vector<1xf32>
      %reduce_sum3A_595 = vector.shape_cast %reduce_sum3A_594 : vector<1xf32> to vector<1x1x1xf32>
      %reduce_sum3A_596 = vector.extract %reduce_sum3A_595[0, 0, 0] : f32 from vector<1x1x1xf32>
      %broadcast_in_dim3A_597 = vector.broadcast %reduce_sum3A_596 : f32 to vector<1x1xf32>
      %mul3A_598 = vector.broadcast %broadcast_in_dim3A_597 : vector<1x1xf32> to vector<1x8xf32>
      %mul3A_599 = arith.mulf %mul3A_598, %convert_element_type3A_48 : vector<1x8xf32>
      %add3A_600 = arith.addf %add3A_588, %mul3A_599 : vector<1x8xf32>
      %swap3A_601 = arith.constant 1 : index
      %swap3A_602 = arith.index_cast %scan3A_291 : i32 to index
      %swap3A_603 = arith.constant 0 : index
      %swap3A_604 = vector.load %arg1[%swap3A_601, %swap3A_602, %swap3A_603] : memref<4x512x8xf32, #tpu.memory_space<vmem>>, vector<1x1x8xf32>
      %swap3A_605 = vector.shape_cast %swap3A_604 : vector<1x1x8xf32> to vector<1x8xf32>
      %swap3A_606 = vector.shape_cast %add3A_600 : vector<1x8xf32> to vector<1x1x8xf32>
      tpu.vector_store %arg1[%swap3A_601, %swap3A_602, %swap3A_603], %swap3A_606 {strides = array<i32>} : memref<4x512x8xf32, #tpu.memory_space<vmem>>, vector<1x1x8xf32>,
      %reduce_min3A_607 = vector.shape_cast %scan3A_294 : vector<8x1152xi32> to vector<1x8x1152xi32>
      %reduce_min3A_608 = arith.constant dense<2147483647> : vector<1xi32>
      %reduce_min3A_609 = vector.multi_reduction <minsi>, %reduce_min3A_607, %reduce_min3A_608 [1, 2] : vector<1x8x1152xi32> to vector<1xi32>
      %reduce_min3A_610 = vector.shape_cast %reduce_min3A_609 : vector<1xi32> to vector<1x1x1xi32>
      %reduce_min3A_611 = vector.extract %reduce_min3A_610[0, 0, 0] : i32 from vector<1x1x1xi32>
      %broadcast_in_dim3A_612 = vector.broadcast %reduce_min3A_611 : i32 to vector<1x1xi32>
      %eq3A_613 = vector.broadcast %broadcast_in_dim3A_612 : vector<1x1xi32> to vector<8x1152xi32>
      %eq3A_614 = arith.cmpi eq, %add3A, %eq3A_613 : vector<8x1152xi32>
      %jit3A_615 = arith.constant 0.000000e+00 : f32
      %broadcast_in_dim3A_616 = vector.broadcast %jit3A_615 : f32 to vector<8x1152xf32>
      %select_n3A_617 = arith.select %eq3A_614, %get3A_169, %broadcast_in_dim3A_616 : vector<8x1152xi1>, vector<8x1152xf32>
      %reduce_sum3A_618 = vector.shape_cast %select_n3A_617 : vector<8x1152xf32> to vector<1x8x1152xf32>
      %reduce_sum3A_619 = arith.constant dense<0.000000e+00> : vector<1xf32>
      %reduce_sum3A_620 = vector.multi_reduction <add>, %reduce_sum3A_618, %reduce_sum3A_619 [1, 2] : vector<1x8x1152xf32> to vector<1xf32>
      %reduce_sum3A_621 = vector.shape_cast %reduce_sum3A_620 : vector<1xf32> to vector<1x1x1xf32>
      %reduce_sum3A_622 = vector.extract %reduce_sum3A_621[0, 0, 0] : f32 from vector<1x1x1xf32>
      %broadcast_in_dim3A_623 = vector.broadcast %reduce_sum3A_622 : f32 to vector<1x1xf32>
      %jit3A_624 = arith.constant 0.000000e+00 : f32
      %broadcast_in_dim3A_625 = vector.broadcast %jit3A_624 : f32 to vector<8x1152xf32>
      %select_n3A_626 = arith.select %eq3A_614, %get3A_179, %broadcast_in_dim3A_625 : vector<8x1152xi1>, vector<8x1152xf32>
      %reduce_sum3A_627 = vector.shape_cast %select_n3A_626 : vector<8x1152xf32> to vector<1x8x1152xf32>
      %reduce_sum3A_628 = arith.constant dense<0.000000e+00> : vector<1xf32>
      %reduce_sum3A_629 = vector.multi_reduction <add>, %reduce_sum3A_627, %reduce_sum3A_628 [1, 2] : vector<1x8x1152xf32> to vector<1xf32>
      %reduce_sum3A_630 = vector.shape_cast %reduce_sum3A_629 : vector<1xf32> to vector<1x1x1xf32>
      %reduce_sum3A_631 = vector.extract %reduce_sum3A_630[0, 0, 0] : f32 from vector<1x1x1xf32>
      %broadcast_in_dim3A_632 = vector.broadcast %reduce_sum3A_631 : f32 to vector<1x1xf32>
      %jit3A_633 = arith.constant 0.000000e+00 : f32
      %broadcast_in_dim3A_634 = vector.broadcast %jit3A_633 : f32 to vector<8x1152xf32>
      %select_n3A_635 = arith.select %eq3A_614, %get3A_189, %broadcast_in_dim3A_634 : vector<8x1152xi1>, vector<8x1152xf32>
      %reduce_sum3A_636 = vector.shape_cast %select_n3A_635 : vector<8x1152xf32> to vector<1x8x1152xf32>
      %reduce_sum3A_637 = arith.constant dense<0.000000e+00> : vector<1xf32>
      %reduce_sum3A_638 = vector.multi_reduction <add>, %reduce_sum3A_636, %reduce_sum3A_637 [1, 2] : vector<1x8x1152xf32> to vector<1xf32>
      %reduce_sum3A_639 = vector.shape_cast %reduce_sum3A_638 : vector<1xf32> to vector<1x1x1xf32>
      %reduce_sum3A_640 = vector.extract %reduce_sum3A_639[0, 0, 0] : f32 from vector<1x1x1xf32>
      %broadcast_in_dim3A_641 = vector.broadcast %reduce_sum3A_640 : f32 to vector<1x1xf32>
      %jit3A_642 = arith.constant 0.000000e+00 : f32
      %broadcast_in_dim3A_643 = vector.broadcast %jit3A_642 : f32 to vector<8x1152xf32>
      %select_n3A_644 = arith.select %eq3A_614, %get3A_194, %broadcast_in_dim3A_643 : vector<8x1152xi1>, vector<8x1152xf32>
      %reduce_sum3A_645 = vector.shape_cast %select_n3A_644 : vector<8x1152xf32> to vector<1x8x1152xf32>
      %reduce_sum3A_646 = arith.constant dense<0.000000e+00> : vector<1xf32>
      %reduce_sum3A_647 = vector.multi_reduction <add>, %reduce_sum3A_645, %reduce_sum3A_646 [1, 2] : vector<1x8x1152xf32> to vector<1xf32>
      %reduce_sum3A_648 = vector.shape_cast %reduce_sum3A_647 : vector<1xf32> to vector<1x1x1xf32>
      %reduce_sum3A_649 = vector.extract %reduce_sum3A_648[0, 0, 0] : f32 from vector<1x1x1xf32>
      %broadcast_in_dim3A_650 = vector.broadcast %reduce_sum3A_649 : f32 to vector<1x1xf32>
      %mul3A_651 = arith.constant 5.000000e-01 : f32
      %mul3A_652 = vector.broadcast %mul3A_651 : f32 to vector<1x1xf32>
      %mul3A_653 = arith.mulf %broadcast_in_dim3A_650, %mul3A_652 : vector<1x1xf32>
      %sub3A_654 = arith.subf %broadcast_in_dim3A_623, %mul3A_653 : vector<1x1xf32>
      %mul3A_655 = arith.constant 5.000000e-01 : f32
      %mul3A_656 = vector.broadcast %mul3A_655 : f32 to vector<1x1xf32>
      %mul3A_657 = arith.mulf %broadcast_in_dim3A_650, %mul3A_656 : vector<1x1xf32>
      %add3A_658 = arith.addf %broadcast_in_dim3A_623, %mul3A_657 : vector<1x1xf32>
      %mul3A_659 = arith.constant 5.000000e-01 : f32
      %mul3A_660 = vector.broadcast %mul3A_659 : f32 to vector<1x1xf32>
      %mul3A_661 = arith.mulf %broadcast_in_dim3A_641, %mul3A_660 : vector<1x1xf32>
      %sub3A_662 = arith.subf %broadcast_in_dim3A_632, %mul3A_661 : vector<1x1xf32>
      %mul3A_663 = arith.constant 5.000000e-01 : f32
      %mul3A_664 = vector.broadcast %mul3A_663 : f32 to vector<1x1xf32>
      %mul3A_665 = arith.mulf %broadcast_in_dim3A_641, %mul3A_664 : vector<1x1xf32>
      %add3A_666 = arith.addf %broadcast_in_dim3A_632, %mul3A_665 : vector<1x1xf32>
      %sub3A_667 = arith.subf %add3A_658, %sub3A_654 : vector<1x1xf32>
      %sub3A_668 = arith.subf %add3A_666, %sub3A_662 : vector<1x1xf32>
      %mul3A_669 = arith.mulf %sub3A_667, %sub3A_668 : vector<1x1xf32>
      %min3A_670 = vector.broadcast %add3A_658 : vector<1x1xf32> to vector<8x1152xf32>
      %min3A_671 = arith.minimumf %min3A_670, %add3A_212 : vector<8x1152xf32>
      %max3A_672 = vector.broadcast %sub3A_654 : vector<1x1xf32> to vector<8x1152xf32>
      %max3A_673 = arith.maximumf %max3A_672, %sub3A_208 : vector<8x1152xf32>
      %sub3A_674 = arith.subf %min3A_671, %max3A_673 : vector<8x1152xf32>
      %max3A_675 = arith.constant 0.000000e+00 : f32
      %max3A_676 = vector.broadcast %max3A_675 : f32 to vector<8x1152xf32>
      %max3A_677 = arith.maximumf %sub3A_674, %max3A_676 : vector<8x1152xf32>
      %min3A_678 = vector.broadcast %add3A_666 : vector<1x1xf32> to vector<8x1152xf32>
      %min3A_679 = arith.minimumf %min3A_678, %add3A_220 : vector<8x1152xf32>
      %max3A_680 = vector.broadcast %sub3A_662 : vector<1x1xf32> to vector<8x1152xf32>
      %max3A_681 = arith.maximumf %max3A_680, %sub3A_216 : vector<8x1152xf32>
      %sub3A_682 = arith.subf %min3A_679, %max3A_681 : vector<8x1152xf32>
      %max3A_683 = arith.constant 0.000000e+00 : f32
      %max3A_684 = vector.broadcast %max3A_683 : f32 to vector<8x1152xf32>
      %max3A_685 = arith.maximumf %sub3A_682, %max3A_684 : vector<8x1152xf32>
      %mul3A_686 = arith.mulf %max3A_677, %max3A_685 : vector<8x1152xf32>
      %add3A_687 = vector.broadcast %mul3A_669 : vector<1x1xf32> to vector<8x1152xf32>
      %add3A_688 = arith.addf %add3A_687, %mul3A_223 : vector<8x1152xf32>
      %sub3A_689 = arith.subf %add3A_688, %mul3A_686 : vector<8x1152xf32>
      %max3A_690 = arith.constant 9.99999997E-7 : f32
      %max3A_691 = vector.broadcast %max3A_690 : f32 to vector<8x1152xf32>
      %max3A_692 = arith.maximumf %sub3A_689, %max3A_691 : vector<8x1152xf32>
      %div3A_693 = arith.divf %mul3A_686, %max3A_692 : vector<8x1152xf32>
      %le3A_694 = arith.constant 8.500000e-01 : f32
      %le3A_695 = vector.broadcast %le3A_694 : f32 to vector<8x1152xf32>
      %le3A_696 = arith.cmpf ole, %div3A_693, %le3A_695 : vector<8x1152xf32>
      %ne3A_697 = vector.broadcast %broadcast_in_dim3A_612 : vector<1x1xi32> to vector<8x1152xi32>
      %ne3A_698 = arith.cmpi ne, %add3A, %ne3A_697 : vector<8x1152xi32>
      %and3A_699 = arith.andi %le3A_696, %ne3A_698 : vector<8x1152xi1>
      %broadcast_in_dim3A_700 = vector.broadcast %scan3A : i32 to vector<8x1152xi32>
      %select_n3A_701 = arith.select %and3A_699, %scan3A_294, %broadcast_in_dim3A_700 : vector<8x1152xi1>, vector<8x1152xi32>
      %mul3A_702 = vector.broadcast %broadcast_in_dim3A_623 : vector<1x1xf32> to vector<1x8xf32>
      %mul3A_703 = arith.mulf %mul3A_702, %convert_element_type3A_6 : vector<1x8xf32>
      %jit3A_704 = arith.constant 0.000000e+00 : f32
      %broadcast_in_dim3A_705 = vector.broadcast %jit3A_704 : f32 to vector<8x1152xf32>
      %select_n3A_706 = arith.select %eq3A_614, %get3A_174, %broadcast_in_dim3A_705 : vector<8x1152xi1>, vector<8x1152xf32>
      %reduce_sum3A_707 = vector.shape_cast %select_n3A_706 : vector<8x1152xf32> to vector<1x8x1152xf32>
      %reduce_sum3A_708 = arith.constant dense<0.000000e+00> : vector<1xf32>
      %reduce_sum3A_709 = vector.multi_reduction <add>, %reduce_sum3A_707, %reduce_sum3A_708 [1, 2] : vector<1x8x1152xf32> to vector<1xf32>
      %reduce_sum3A_710 = vector.shape_cast %reduce_sum3A_709 : vector<1xf32> to vector<1x1x1xf32>
      %reduce_sum3A_711 = vector.extract %reduce_sum3A_710[0, 0, 0] : f32 from vector<1x1x1xf32>
      %broadcast_in_dim3A_712 = vector.broadcast %reduce_sum3A_711 : f32 to vector<1x1xf32>
      %mul3A_713 = vector.broadcast %broadcast_in_dim3A_712 : vector<1x1xf32> to vector<1x8xf32>
      %mul3A_714 = arith.mulf %mul3A_713, %convert_element_type3A_12 : vector<1x8xf32>
      %add3A_715 = arith.addf %mul3A_703, %mul3A_714 : vector<1x8xf32>
      %mul3A_716 = vector.broadcast %broadcast_in_dim3A_632 : vector<1x1xf32> to vector<1x8xf32>
      %mul3A_717 = arith.mulf %mul3A_716, %convert_element_type3A_18 : vector<1x8xf32>
      %add3A_718 = arith.addf %add3A_715, %mul3A_717 : vector<1x8xf32>
      %jit3A_719 = arith.constant 0.000000e+00 : f32
      %broadcast_in_dim3A_720 = vector.broadcast %jit3A_719 : f32 to vector<8x1152xf32>
      %select_n3A_721 = arith.select %eq3A_614, %get3A_184, %broadcast_in_dim3A_720 : vector<8x1152xi1>, vector<8x1152xf32>
      %reduce_sum3A_722 = vector.shape_cast %select_n3A_721 : vector<8x1152xf32> to vector<1x8x1152xf32>
      %reduce_sum3A_723 = arith.constant dense<0.000000e+00> : vector<1xf32>
      %reduce_sum3A_724 = vector.multi_reduction <add>, %reduce_sum3A_722, %reduce_sum3A_723 [1, 2] : vector<1x8x1152xf32> to vector<1xf32>
      %reduce_sum3A_725 = vector.shape_cast %reduce_sum3A_724 : vector<1xf32> to vector<1x1x1xf32>
      %reduce_sum3A_726 = vector.extract %reduce_sum3A_725[0, 0, 0] : f32 from vector<1x1x1xf32>
      %broadcast_in_dim3A_727 = vector.broadcast %reduce_sum3A_726 : f32 to vector<1x1xf32>
      %mul3A_728 = vector.broadcast %broadcast_in_dim3A_727 : vector<1x1xf32> to vector<1x8xf32>
      %mul3A_729 = arith.mulf %mul3A_728, %convert_element_type3A_24 : vector<1x8xf32>
      %add3A_730 = arith.addf %add3A_718, %mul3A_729 : vector<1x8xf32>
      %mul3A_731 = vector.broadcast %broadcast_in_dim3A_641 : vector<1x1xf32> to vector<1x8xf32>
      %mul3A_732 = arith.mulf %mul3A_731, %convert_element_type3A_30 : vector<1x8xf32>
      %add3A_733 = arith.addf %add3A_730, %mul3A_732 : vector<1x8xf32>
      %mul3A_734 = vector.broadcast %broadcast_in_dim3A_650 : vector<1x1xf32> to vector<1x8xf32>
      %mul3A_735 = arith.mulf %mul3A_734, %convert_element_type3A_36 : vector<1x8xf32>
      %add3A_736 = arith.addf %add3A_733, %mul3A_735 : vector<1x8xf32>
      %jit3A_737 = arith.constant 0.000000e+00 : f32
      %broadcast_in_dim3A_738 = vector.broadcast %jit3A_737 : f32 to vector<8x1152xf32>
      %select_n3A_739 = arith.select %eq3A_614, %get3A_199, %broadcast_in_dim3A_738 : vector<8x1152xi1>, vector<8x1152xf32>
      %reduce_sum3A_740 = vector.shape_cast %select_n3A_739 : vector<8x1152xf32> to vector<1x8x1152xf32>
      %reduce_sum3A_741 = arith.constant dense<0.000000e+00> : vector<1xf32>
      %reduce_sum3A_742 = vector.multi_reduction <add>, %reduce_sum3A_740, %reduce_sum3A_741 [1, 2] : vector<1x8x1152xf32> to vector<1xf32>
      %reduce_sum3A_743 = vector.shape_cast %reduce_sum3A_742 : vector<1xf32> to vector<1x1x1xf32>
      %reduce_sum3A_744 = vector.extract %reduce_sum3A_743[0, 0, 0] : f32 from vector<1x1x1xf32>
      %broadcast_in_dim3A_745 = vector.broadcast %reduce_sum3A_744 : f32 to vector<1x1xf32>
      %mul3A_746 = vector.broadcast %broadcast_in_dim3A_745 : vector<1x1xf32> to vector<1x8xf32>
      %mul3A_747 = arith.mulf %mul3A_746, %convert_element_type3A_42 : vector<1x8xf32>
      %add3A_748 = arith.addf %add3A_736, %mul3A_747 : vector<1x8xf32>
      %jit3A_749 = arith.constant 0.000000e+00 : f32
      %broadcast_in_dim3A_750 = vector.broadcast %jit3A_749 : f32 to vector<8x1152xf32>
      %select_n3A_751 = arith.select %eq3A_614, %get3A_204, %broadcast_in_dim3A_750 : vector<8x1152xi1>, vector<8x1152xf32>
      %reduce_sum3A_752 = vector.shape_cast %select_n3A_751 : vector<8x1152xf32> to vector<1x8x1152xf32>
      %reduce_sum3A_753 = arith.constant dense<0.000000e+00> : vector<1xf32>
      %reduce_sum3A_754 = vector.multi_reduction <add>, %reduce_sum3A_752, %reduce_sum3A_753 [1, 2] : vector<1x8x1152xf32> to vector<1xf32>
      %reduce_sum3A_755 = vector.shape_cast %reduce_sum3A_754 : vector<1xf32> to vector<1x1x1xf32>
      %reduce_sum3A_756 = vector.extract %reduce_sum3A_755[0, 0, 0] : f32 from vector<1x1x1xf32>
      %broadcast_in_dim3A_757 = vector.broadcast %reduce_sum3A_756 : f32 to vector<1x1xf32>
      %mul3A_758 = vector.broadcast %broadcast_in_dim3A_757 : vector<1x1xf32> to vector<1x8xf32>
      %mul3A_759 = arith.mulf %mul3A_758, %convert_element_type3A_48 : vector<1x8xf32>
      %add3A_760 = arith.addf %add3A_748, %mul3A_759 : vector<1x8xf32>
      %swap3A_761 = arith.constant 2 : index
      %swap3A_762 = arith.index_cast %scan3A_291 : i32 to index
      %swap3A_763 = arith.constant 0 : index
      %swap3A_764 = vector.load %arg1[%swap3A_761, %swap3A_762, %swap3A_763] : memref<4x512x8xf32, #tpu.memory_space<vmem>>, vector<1x1x8xf32>
      %swap3A_765 = vector.shape_cast %swap3A_764 : vector<1x1x8xf32> to vector<1x8xf32>
      %swap3A_766 = vector.shape_cast %add3A_760 : vector<1x8xf32> to vector<1x1x8xf32>
      tpu.vector_store %arg1[%swap3A_761, %swap3A_762, %swap3A_763], %swap3A_766 {strides = array<i32>} : memref<4x512x8xf32, #tpu.memory_space<vmem>>, vector<1x1x8xf32>,
      %reduce_min3A_767 = vector.shape_cast %scan3A_295 : vector<8x1152xi32> to vector<1x8x1152xi32>
      %reduce_min3A_768 = arith.constant dense<2147483647> : vector<1xi32>
      %reduce_min3A_769 = vector.multi_reduction <minsi>, %reduce_min3A_767, %reduce_min3A_768 [1, 2] : vector<1x8x1152xi32> to vector<1xi32>
      %reduce_min3A_770 = vector.shape_cast %reduce_min3A_769 : vector<1xi32> to vector<1x1x1xi32>
      %reduce_min3A_771 = vector.extract %reduce_min3A_770[0, 0, 0] : i32 from vector<1x1x1xi32>
      %broadcast_in_dim3A_772 = vector.broadcast %reduce_min3A_771 : i32 to vector<1x1xi32>
      %eq3A_773 = vector.broadcast %broadcast_in_dim3A_772 : vector<1x1xi32> to vector<8x1152xi32>
      %eq3A_774 = arith.cmpi eq, %add3A, %eq3A_773 : vector<8x1152xi32>
      %jit3A_775 = arith.constant 0.000000e+00 : f32
      %broadcast_in_dim3A_776 = vector.broadcast %jit3A_775 : f32 to vector<8x1152xf32>
      %select_n3A_777 = arith.select %eq3A_774, %get3A_228, %broadcast_in_dim3A_776 : vector<8x1152xi1>, vector<8x1152xf32>
      %reduce_sum3A_778 = vector.shape_cast %select_n3A_777 : vector<8x1152xf32> to vector<1x8x1152xf32>
      %reduce_sum3A_779 = arith.constant dense<0.000000e+00> : vector<1xf32>
      %reduce_sum3A_780 = vector.multi_reduction <add>, %reduce_sum3A_778, %reduce_sum3A_779 [1, 2] : vector<1x8x1152xf32> to vector<1xf32>
      %reduce_sum3A_781 = vector.shape_cast %reduce_sum3A_780 : vector<1xf32> to vector<1x1x1xf32>
      %reduce_sum3A_782 = vector.extract %reduce_sum3A_781[0, 0, 0] : f32 from vector<1x1x1xf32>
      %broadcast_in_dim3A_783 = vector.broadcast %reduce_sum3A_782 : f32 to vector<1x1xf32>
      %jit3A_784 = arith.constant 0.000000e+00 : f32
      %broadcast_in_dim3A_785 = vector.broadcast %jit3A_784 : f32 to vector<8x1152xf32>
      %select_n3A_786 = arith.select %eq3A_774, %get3A_238, %broadcast_in_dim3A_785 : vector<8x1152xi1>, vector<8x1152xf32>
      %reduce_sum3A_787 = vector.shape_cast %select_n3A_786 : vector<8x1152xf32> to vector<1x8x1152xf32>
      %reduce_sum3A_788 = arith.constant dense<0.000000e+00> : vector<1xf32>
      %reduce_sum3A_789 = vector.multi_reduction <add>, %reduce_sum3A_787, %reduce_sum3A_788 [1, 2] : vector<1x8x1152xf32> to vector<1xf32>
      %reduce_sum3A_790 = vector.shape_cast %reduce_sum3A_789 : vector<1xf32> to vector<1x1x1xf32>
      %reduce_sum3A_791 = vector.extract %reduce_sum3A_790[0, 0, 0] : f32 from vector<1x1x1xf32>
      %broadcast_in_dim3A_792 = vector.broadcast %reduce_sum3A_791 : f32 to vector<1x1xf32>
      %jit3A_793 = arith.constant 0.000000e+00 : f32
      %broadcast_in_dim3A_794 = vector.broadcast %jit3A_793 : f32 to vector<8x1152xf32>
      %select_n3A_795 = arith.select %eq3A_774, %get3A_248, %broadcast_in_dim3A_794 : vector<8x1152xi1>, vector<8x1152xf32>
      %reduce_sum3A_796 = vector.shape_cast %select_n3A_795 : vector<8x1152xf32> to vector<1x8x1152xf32>
      %reduce_sum3A_797 = arith.constant dense<0.000000e+00> : vector<1xf32>
      %reduce_sum3A_798 = vector.multi_reduction <add>, %reduce_sum3A_796, %reduce_sum3A_797 [1, 2] : vector<1x8x1152xf32> to vector<1xf32>
      %reduce_sum3A_799 = vector.shape_cast %reduce_sum3A_798 : vector<1xf32> to vector<1x1x1xf32>
      %reduce_sum3A_800 = vector.extract %reduce_sum3A_799[0, 0, 0] : f32 from vector<1x1x1xf32>
      %broadcast_in_dim3A_801 = vector.broadcast %reduce_sum3A_800 : f32 to vector<1x1xf32>
      %jit3A_802 = arith.constant 0.000000e+00 : f32
      %broadcast_in_dim3A_803 = vector.broadcast %jit3A_802 : f32 to vector<8x1152xf32>
      %select_n3A_804 = arith.select %eq3A_774, %get3A_253, %broadcast_in_dim3A_803 : vector<8x1152xi1>, vector<8x1152xf32>
      %reduce_sum3A_805 = vector.shape_cast %select_n3A_804 : vector<8x1152xf32> to vector<1x8x1152xf32>
      %reduce_sum3A_806 = arith.constant dense<0.000000e+00> : vector<1xf32>
      %reduce_sum3A_807 = vector.multi_reduction <add>, %reduce_sum3A_805, %reduce_sum3A_806 [1, 2] : vector<1x8x1152xf32> to vector<1xf32>
      %reduce_sum3A_808 = vector.shape_cast %reduce_sum3A_807 : vector<1xf32> to vector<1x1x1xf32>
      %reduce_sum3A_809 = vector.extract %reduce_sum3A_808[0, 0, 0] : f32 from vector<1x1x1xf32>
      %broadcast_in_dim3A_810 = vector.broadcast %reduce_sum3A_809 : f32 to vector<1x1xf32>
      %mul3A_811 = arith.constant 5.000000e-01 : f32
      %mul3A_812 = vector.broadcast %mul3A_811 : f32 to vector<1x1xf32>
      %mul3A_813 = arith.mulf %broadcast_in_dim3A_810, %mul3A_812 : vector<1x1xf32>
      %sub3A_814 = arith.subf %broadcast_in_dim3A_783, %mul3A_813 : vector<1x1xf32>
      %mul3A_815 = arith.constant 5.000000e-01 : f32
      %mul3A_816 = vector.broadcast %mul3A_815 : f32 to vector<1x1xf32>
      %mul3A_817 = arith.mulf %broadcast_in_dim3A_810, %mul3A_816 : vector<1x1xf32>
      %add3A_818 = arith.addf %broadcast_in_dim3A_783, %mul3A_817 : vector<1x1xf32>
      %mul3A_819 = arith.constant 5.000000e-01 : f32
      %mul3A_820 = vector.broadcast %mul3A_819 : f32 to vector<1x1xf32>
      %mul3A_821 = arith.mulf %broadcast_in_dim3A_801, %mul3A_820 : vector<1x1xf32>
      %sub3A_822 = arith.subf %broadcast_in_dim3A_792, %mul3A_821 : vector<1x1xf32>
      %mul3A_823 = arith.constant 5.000000e-01 : f32
      %mul3A_824 = vector.broadcast %mul3A_823 : f32 to vector<1x1xf32>
      %mul3A_825 = arith.mulf %broadcast_in_dim3A_801, %mul3A_824 : vector<1x1xf32>
      %add3A_826 = arith.addf %broadcast_in_dim3A_792, %mul3A_825 : vector<1x1xf32>
      %sub3A_827 = arith.subf %add3A_818, %sub3A_814 : vector<1x1xf32>
      %sub3A_828 = arith.subf %add3A_826, %sub3A_822 : vector<1x1xf32>
      %mul3A_829 = arith.mulf %sub3A_827, %sub3A_828 : vector<1x1xf32>
      %min3A_830 = vector.broadcast %add3A_818 : vector<1x1xf32> to vector<8x1152xf32>
      %min3A_831 = arith.minimumf %min3A_830, %add3A_271 : vector<8x1152xf32>
      %max3A_832 = vector.broadcast %sub3A_814 : vector<1x1xf32> to vector<8x1152xf32>
      %max3A_833 = arith.maximumf %max3A_832, %sub3A_267 : vector<8x1152xf32>
      %sub3A_834 = arith.subf %min3A_831, %max3A_833 : vector<8x1152xf32>
      %max3A_835 = arith.constant 0.000000e+00 : f32
      %max3A_836 = vector.broadcast %max3A_835 : f32 to vector<8x1152xf32>
      %max3A_837 = arith.maximumf %sub3A_834, %max3A_836 : vector<8x1152xf32>
      %min3A_838 = vector.broadcast %add3A_826 : vector<1x1xf32> to vector<8x1152xf32>
      %min3A_839 = arith.minimumf %min3A_838, %add3A_279 : vector<8x1152xf32>
      %max3A_840 = vector.broadcast %sub3A_822 : vector<1x1xf32> to vector<8x1152xf32>
      %max3A_841 = arith.maximumf %max3A_840, %sub3A_275 : vector<8x1152xf32>
      %sub3A_842 = arith.subf %min3A_839, %max3A_841 : vector<8x1152xf32>
      %max3A_843 = arith.constant 0.000000e+00 : f32
      %max3A_844 = vector.broadcast %max3A_843 : f32 to vector<8x1152xf32>
      %max3A_845 = arith.maximumf %sub3A_842, %max3A_844 : vector<8x1152xf32>
      %mul3A_846 = arith.mulf %max3A_837, %max3A_845 : vector<8x1152xf32>
      %add3A_847 = vector.broadcast %mul3A_829 : vector<1x1xf32> to vector<8x1152xf32>
      %add3A_848 = arith.addf %add3A_847, %mul3A_282 : vector<8x1152xf32>
      %sub3A_849 = arith.subf %add3A_848, %mul3A_846 : vector<8x1152xf32>
      %max3A_850 = arith.constant 9.99999997E-7 : f32
      %max3A_851 = vector.broadcast %max3A_850 : f32 to vector<8x1152xf32>
      %max3A_852 = arith.maximumf %sub3A_849, %max3A_851 : vector<8x1152xf32>
      %div3A_853 = arith.divf %mul3A_846, %max3A_852 : vector<8x1152xf32>
      %le3A_854 = arith.constant 8.500000e-01 : f32
      %le3A_855 = vector.broadcast %le3A_854 : f32 to vector<8x1152xf32>
      %le3A_856 = arith.cmpf ole, %div3A_853, %le3A_855 : vector<8x1152xf32>
      %ne3A_857 = vector.broadcast %broadcast_in_dim3A_772 : vector<1x1xi32> to vector<8x1152xi32>
      %ne3A_858 = arith.cmpi ne, %add3A, %ne3A_857 : vector<8x1152xi32>
      %and3A_859 = arith.andi %le3A_856, %ne3A_858 : vector<8x1152xi1>
      %broadcast_in_dim3A_860 = vector.broadcast %scan3A : i32 to vector<8x1152xi32>
      %select_n3A_861 = arith.select %and3A_859, %scan3A_295, %broadcast_in_dim3A_860 : vector<8x1152xi1>, vector<8x1152xi32>
      %mul3A_862 = vector.broadcast %broadcast_in_dim3A_783 : vector<1x1xf32> to vector<1x8xf32>
      %mul3A_863 = arith.mulf %mul3A_862, %convert_element_type3A_6 : vector<1x8xf32>
      %jit3A_864 = arith.constant 0.000000e+00 : f32
      %broadcast_in_dim3A_865 = vector.broadcast %jit3A_864 : f32 to vector<8x1152xf32>
      %select_n3A_866 = arith.select %eq3A_774, %get3A_233, %broadcast_in_dim3A_865 : vector<8x1152xi1>, vector<8x1152xf32>
      %reduce_sum3A_867 = vector.shape_cast %select_n3A_866 : vector<8x1152xf32> to vector<1x8x1152xf32>
      %reduce_sum3A_868 = arith.constant dense<0.000000e+00> : vector<1xf32>
      %reduce_sum3A_869 = vector.multi_reduction <add>, %reduce_sum3A_867, %reduce_sum3A_868 [1, 2] : vector<1x8x1152xf32> to vector<1xf32>
      %reduce_sum3A_870 = vector.shape_cast %reduce_sum3A_869 : vector<1xf32> to vector<1x1x1xf32>
      %reduce_sum3A_871 = vector.extract %reduce_sum3A_870[0, 0, 0] : f32 from vector<1x1x1xf32>
      %broadcast_in_dim3A_872 = vector.broadcast %reduce_sum3A_871 : f32 to vector<1x1xf32>
      %mul3A_873 = vector.broadcast %broadcast_in_dim3A_872 : vector<1x1xf32> to vector<1x8xf32>
      %mul3A_874 = arith.mulf %mul3A_873, %convert_element_type3A_12 : vector<1x8xf32>
      %add3A_875 = arith.addf %mul3A_863, %mul3A_874 : vector<1x8xf32>
      %mul3A_876 = vector.broadcast %broadcast_in_dim3A_792 : vector<1x1xf32> to vector<1x8xf32>
      %mul3A_877 = arith.mulf %mul3A_876, %convert_element_type3A_18 : vector<1x8xf32>
      %add3A_878 = arith.addf %add3A_875, %mul3A_877 : vector<1x8xf32>
      %jit3A_879 = arith.constant 0.000000e+00 : f32
      %broadcast_in_dim3A_880 = vector.broadcast %jit3A_879 : f32 to vector<8x1152xf32>
      %select_n3A_881 = arith.select %eq3A_774, %get3A_243, %broadcast_in_dim3A_880 : vector<8x1152xi1>, vector<8x1152xf32>
      %reduce_sum3A_882 = vector.shape_cast %select_n3A_881 : vector<8x1152xf32> to vector<1x8x1152xf32>
      %reduce_sum3A_883 = arith.constant dense<0.000000e+00> : vector<1xf32>
      %reduce_sum3A_884 = vector.multi_reduction <add>, %reduce_sum3A_882, %reduce_sum3A_883 [1, 2] : vector<1x8x1152xf32> to vector<1xf32>
      %reduce_sum3A_885 = vector.shape_cast %reduce_sum3A_884 : vector<1xf32> to vector<1x1x1xf32>
      %reduce_sum3A_886 = vector.extract %reduce_sum3A_885[0, 0, 0] : f32 from vector<1x1x1xf32>
      %broadcast_in_dim3A_887 = vector.broadcast %reduce_sum3A_886 : f32 to vector<1x1xf32>
      %mul3A_888 = vector.broadcast %broadcast_in_dim3A_887 : vector<1x1xf32> to vector<1x8xf32>
      %mul3A_889 = arith.mulf %mul3A_888, %convert_element_type3A_24 : vector<1x8xf32>
      %add3A_890 = arith.addf %add3A_878, %mul3A_889 : vector<1x8xf32>
      %mul3A_891 = vector.broadcast %broadcast_in_dim3A_801 : vector<1x1xf32> to vector<1x8xf32>
      %mul3A_892 = arith.mulf %mul3A_891, %convert_element_type3A_30 : vector<1x8xf32>
      %add3A_893 = arith.addf %add3A_890, %mul3A_892 : vector<1x8xf32>
      %mul3A_894 = vector.broadcast %broadcast_in_dim3A_810 : vector<1x1xf32> to vector<1x8xf32>
      %mul3A_895 = arith.mulf %mul3A_894, %convert_element_type3A_36 : vector<1x8xf32>
      %add3A_896 = arith.addf %add3A_893, %mul3A_895 : vector<1x8xf32>
      %jit3A_897 = arith.constant 0.000000e+00 : f32
      %broadcast_in_dim3A_898 = vector.broadcast %jit3A_897 : f32 to vector<8x1152xf32>
      %select_n3A_899 = arith.select %eq3A_774, %get3A_258, %broadcast_in_dim3A_898 : vector<8x1152xi1>, vector<8x1152xf32>
      %reduce_sum3A_900 = vector.shape_cast %select_n3A_899 : vector<8x1152xf32> to vector<1x8x1152xf32>
      %reduce_sum3A_901 = arith.constant dense<0.000000e+00> : vector<1xf32>
      %reduce_sum3A_902 = vector.multi_reduction <add>, %reduce_sum3A_900, %reduce_sum3A_901 [1, 2] : vector<1x8x1152xf32> to vector<1xf32>
      %reduce_sum3A_903 = vector.shape_cast %reduce_sum3A_902 : vector<1xf32> to vector<1x1x1xf32>
      %reduce_sum3A_904 = vector.extract %reduce_sum3A_903[0, 0, 0] : f32 from vector<1x1x1xf32>
      %broadcast_in_dim3A_905 = vector.broadcast %reduce_sum3A_904 : f32 to vector<1x1xf32>
      %mul3A_906 = vector.broadcast %broadcast_in_dim3A_905 : vector<1x1xf32> to vector<1x8xf32>
      %mul3A_907 = arith.mulf %mul3A_906, %convert_element_type3A_42 : vector<1x8xf32>
      %add3A_908 = arith.addf %add3A_896, %mul3A_907 : vector<1x8xf32>
      %jit3A_909 = arith.constant 0.000000e+00 : f32
      %broadcast_in_dim3A_910 = vector.broadcast %jit3A_909 : f32 to vector<8x1152xf32>
      %select_n3A_911 = arith.select %eq3A_774, %get3A_263, %broadcast_in_dim3A_910 : vector<8x1152xi1>, vector<8x1152xf32>
      %reduce_sum3A_912 = vector.shape_cast %select_n3A_911 : vector<8x1152xf32> to vector<1x8x1152xf32>
      %reduce_sum3A_913 = arith.constant dense<0.000000e+00> : vector<1xf32>
      %reduce_sum3A_914 = vector.multi_reduction <add>, %reduce_sum3A_912, %reduce_sum3A_913 [1, 2] : vector<1x8x1152xf32> to vector<1xf32>
      %reduce_sum3A_915 = vector.shape_cast %reduce_sum3A_914 : vector<1xf32> to vector<1x1x1xf32>
      %reduce_sum3A_916 = vector.extract %reduce_sum3A_915[0, 0, 0] : f32 from vector<1x1x1xf32>
      %broadcast_in_dim3A_917 = vector.broadcast %reduce_sum3A_916 : f32 to vector<1x1xf32>
      %mul3A_918 = vector.broadcast %broadcast_in_dim3A_917 : vector<1x1xf32> to vector<1x8xf32>
      %mul3A_919 = arith.mulf %mul3A_918, %convert_element_type3A_48 : vector<1x8xf32>
      %add3A_920 = arith.addf %add3A_908, %mul3A_919 : vector<1x8xf32>
      %swap3A_921 = arith.constant 3 : index
      %swap3A_922 = arith.index_cast %scan3A_291 : i32 to index
      %swap3A_923 = arith.constant 0 : index
      %swap3A_924 = vector.load %arg1[%swap3A_921, %swap3A_922, %swap3A_923] : memref<4x512x8xf32, #tpu.memory_space<vmem>>, vector<1x1x8xf32>
      %swap3A_925 = vector.shape_cast %swap3A_924 : vector<1x1x8xf32> to vector<1x8xf32>
      %swap3A_926 = vector.shape_cast %add3A_920 : vector<1x8xf32> to vector<1x1x8xf32>
      tpu.vector_store %arg1[%swap3A_921, %swap3A_922, %swap3A_923], %swap3A_926 {strides = array<i32>} : memref<4x512x8xf32, #tpu.memory_space<vmem>>, vector<1x1x8xf32>,
      %scan3A_927 = arith.constant 1 : i32
      %scan3A_928 = arith.addi %scan3A_291, %scan3A_927 : i32
      %reduce_min3A_929 = vector.shape_cast %select_n3A_382 : vector<8x1152xi32> to vector<1x8x1152xi32>
      %reduce_min3A_930 = arith.constant dense<2147483647> : vector<1xi32>
      %reduce_min3A_931 = vector.multi_reduction <minsi>, %reduce_min3A_929, %reduce_min3A_930 [1, 2] : vector<1x8x1152xi32> to vector<1xi32>
      %reduce_min3A_932 = vector.shape_cast %reduce_min3A_931 : vector<1xi32> to vector<1x1x1xi32>
      %reduce_min3A_933 = vector.extract %reduce_min3A_932[0, 0, 0] : i32 from vector<1x1x1xi32>
      %broadcast_in_dim3A_934 = vector.broadcast %reduce_min3A_933 : i32 to vector<1x1xi32>
      %eq3A_935 = vector.broadcast %broadcast_in_dim3A_934 : vector<1x1xi32> to vector<8x1152xi32>
      %eq3A_936 = arith.cmpi eq, %add3A, %eq3A_935 : vector<8x1152xi32>
      %jit3A_937 = arith.constant 0.000000e+00 : f32
      %broadcast_in_dim3A_938 = vector.broadcast %jit3A_937 : f32 to vector<8x1152xf32>
      %select_n3A_939 = arith.select %eq3A_936, %get3A_52, %broadcast_in_dim3A_938 : vector<8x1152xi1>, vector<8x1152xf32>
      %reduce_sum3A_940 = vector.shape_cast %select_n3A_939 : vector<8x1152xf32> to vector<1x8x1152xf32>
      %reduce_sum3A_941 = arith.constant dense<0.000000e+00> : vector<1xf32>
      %reduce_sum3A_942 = vector.multi_reduction <add>, %reduce_sum3A_940, %reduce_sum3A_941 [1, 2] : vector<1x8x1152xf32> to vector<1xf32>
      %reduce_sum3A_943 = vector.shape_cast %reduce_sum3A_942 : vector<1xf32> to vector<1x1x1xf32>
      %reduce_sum3A_944 = vector.extract %reduce_sum3A_943[0, 0, 0] : f32 from vector<1x1x1xf32>
      %broadcast_in_dim3A_945 = vector.broadcast %reduce_sum3A_944 : f32 to vector<1x1xf32>
      %jit3A_946 = arith.constant 0.000000e+00 : f32
      %broadcast_in_dim3A_947 = vector.broadcast %jit3A_946 : f32 to vector<8x1152xf32>
      %select_n3A_948 = arith.select %eq3A_936, %get3A_62, %broadcast_in_dim3A_947 : vector<8x1152xi1>, vector<8x1152xf32>
      %reduce_sum3A_949 = vector.shape_cast %select_n3A_948 : vector<8x1152xf32> to vector<1x8x1152xf32>
      %reduce_sum3A_950 = arith.constant dense<0.000000e+00> : vector<1xf32>
      %reduce_sum3A_951 = vector.multi_reduction <add>, %reduce_sum3A_949, %reduce_sum3A_950 [1, 2] : vector<1x8x1152xf32> to vector<1xf32>
      %reduce_sum3A_952 = vector.shape_cast %reduce_sum3A_951 : vector<1xf32> to vector<1x1x1xf32>
      %reduce_sum3A_953 = vector.extract %reduce_sum3A_952[0, 0, 0] : f32 from vector<1x1x1xf32>
      %broadcast_in_dim3A_954 = vector.broadcast %reduce_sum3A_953 : f32 to vector<1x1xf32>
      %jit3A_955 = arith.constant 0.000000e+00 : f32
      %broadcast_in_dim3A_956 = vector.broadcast %jit3A_955 : f32 to vector<8x1152xf32>
      %select_n3A_957 = arith.select %eq3A_936, %get3A_72, %broadcast_in_dim3A_956 : vector<8x1152xi1>, vector<8x1152xf32>
      %reduce_sum3A_958 = vector.shape_cast %select_n3A_957 : vector<8x1152xf32> to vector<1x8x1152xf32>
      %reduce_sum3A_959 = arith.constant dense<0.000000e+00> : vector<1xf32>
      %reduce_sum3A_960 = vector.multi_reduction <add>, %reduce_sum3A_958, %reduce_sum3A_959 [1, 2] : vector<1x8x1152xf32> to vector<1xf32>
      %reduce_sum3A_961 = vector.shape_cast %reduce_sum3A_960 : vector<1xf32> to vector<1x1x1xf32>
      %reduce_sum3A_962 = vector.extract %reduce_sum3A_961[0, 0, 0] : f32 from vector<1x1x1xf32>
      %broadcast_in_dim3A_963 = vector.broadcast %reduce_sum3A_962 : f32 to vector<1x1xf32>
      %jit3A_964 = arith.constant 0.000000e+00 : f32
      %broadcast_in_dim3A_965 = vector.broadcast %jit3A_964 : f32 to vector<8x1152xf32>
      %select_n3A_966 = arith.select %eq3A_936, %get3A_77, %broadcast_in_dim3A_965 : vector<8x1152xi1>, vector<8x1152xf32>
      %reduce_sum3A_967 = vector.shape_cast %select_n3A_966 : vector<8x1152xf32> to vector<1x8x1152xf32>
      %reduce_sum3A_968 = arith.constant dense<0.000000e+00> : vector<1xf32>
      %reduce_sum3A_969 = vector.multi_reduction <add>, %reduce_sum3A_967, %reduce_sum3A_968 [1, 2] : vector<1x8x1152xf32> to vector<1xf32>
      %reduce_sum3A_970 = vector.shape_cast %reduce_sum3A_969 : vector<1xf32> to vector<1x1x1xf32>
      %reduce_sum3A_971 = vector.extract %reduce_sum3A_970[0, 0, 0] : f32 from vector<1x1x1xf32>
      %broadcast_in_dim3A_972 = vector.broadcast %reduce_sum3A_971 : f32 to vector<1x1xf32>
      %mul3A_973 = arith.constant 5.000000e-01 : f32
      %mul3A_974 = vector.broadcast %mul3A_973 : f32 to vector<1x1xf32>
      %mul3A_975 = arith.mulf %broadcast_in_dim3A_972, %mul3A_974 : vector<1x1xf32>
      %sub3A_976 = arith.subf %broadcast_in_dim3A_945, %mul3A_975 : vector<1x1xf32>
      %mul3A_977 = arith.constant 5.000000e-01 : f32
      %mul3A_978 = vector.broadcast %mul3A_977 : f32 to vector<1x1xf32>
      %mul3A_979 = arith.mulf %broadcast_in_dim3A_972, %mul3A_978 : vector<1x1xf32>
      %add3A_980 = arith.addf %broadcast_in_dim3A_945, %mul3A_979 : vector<1x1xf32>
      %mul3A_981 = arith.constant 5.000000e-01 : f32
      %mul3A_982 = vector.broadcast %mul3A_981 : f32 to vector<1x1xf32>
      %mul3A_983 = arith.mulf %broadcast_in_dim3A_963, %mul3A_982 : vector<1x1xf32>
      %sub3A_984 = arith.subf %broadcast_in_dim3A_954, %mul3A_983 : vector<1x1xf32>
      %mul3A_985 = arith.constant 5.000000e-01 : f32
      %mul3A_986 = vector.broadcast %mul3A_985 : f32 to vector<1x1xf32>
      %mul3A_987 = arith.mulf %broadcast_in_dim3A_963, %mul3A_986 : vector<1x1xf32>
      %add3A_988 = arith.addf %broadcast_in_dim3A_954, %mul3A_987 : vector<1x1xf32>
      %sub3A_989 = arith.subf %add3A_980, %sub3A_976 : vector<1x1xf32>
      %sub3A_990 = arith.subf %add3A_988, %sub3A_984 : vector<1x1xf32>
      %mul3A_991 = arith.mulf %sub3A_989, %sub3A_990 : vector<1x1xf32>
      %min3A_992 = vector.broadcast %add3A_980 : vector<1x1xf32> to vector<8x1152xf32>
      %min3A_993 = arith.minimumf %min3A_992, %add3A_94 : vector<8x1152xf32>
      %max3A_994 = vector.broadcast %sub3A_976 : vector<1x1xf32> to vector<8x1152xf32>
      %max3A_995 = arith.maximumf %max3A_994, %sub3A : vector<8x1152xf32>
      %sub3A_996 = arith.subf %min3A_993, %max3A_995 : vector<8x1152xf32>
      %max3A_997 = arith.constant 0.000000e+00 : f32
      %max3A_998 = vector.broadcast %max3A_997 : f32 to vector<8x1152xf32>
      %max3A_999 = arith.maximumf %sub3A_996, %max3A_998 : vector<8x1152xf32>
      %min3A_1000 = vector.broadcast %add3A_988 : vector<1x1xf32> to vector<8x1152xf32>
      %min3A_1001 = arith.minimumf %min3A_1000, %add3A_102 : vector<8x1152xf32>
      %max3A_1002 = vector.broadcast %sub3A_984 : vector<1x1xf32> to vector<8x1152xf32>
      %max3A_1003 = arith.maximumf %max3A_1002, %sub3A_98 : vector<8x1152xf32>
      %sub3A_1004 = arith.subf %min3A_1001, %max3A_1003 : vector<8x1152xf32>
      %max3A_1005 = arith.constant 0.000000e+00 : f32
      %max3A_1006 = vector.broadcast %max3A_1005 : f32 to vector<8x1152xf32>
      %max3A_1007 = arith.maximumf %sub3A_1004, %max3A_1006 : vector<8x1152xf32>
      %mul3A_1008 = arith.mulf %max3A_999, %max3A_1007 : vector<8x1152xf32>
      %add3A_1009 = vector.broadcast %mul3A_991 : vector<1x1xf32> to vector<8x1152xf32>
      %add3A_1010 = arith.addf %add3A_1009, %mul3A_105 : vector<8x1152xf32>
      %sub3A_1011 = arith.subf %add3A_1010, %mul3A_1008 : vector<8x1152xf32>
      %max3A_1012 = arith.constant 9.99999997E-7 : f32
      %max3A_1013 = vector.broadcast %max3A_1012 : f32 to vector<8x1152xf32>
      %max3A_1014 = arith.maximumf %sub3A_1011, %max3A_1013 : vector<8x1152xf32>
      %div3A_1015 = arith.divf %mul3A_1008, %max3A_1014 : vector<8x1152xf32>
      %le3A_1016 = arith.constant 8.500000e-01 : f32
      %le3A_1017 = vector.broadcast %le3A_1016 : f32 to vector<8x1152xf32>
      %le3A_1018 = arith.cmpf ole, %div3A_1015, %le3A_1017 : vector<8x1152xf32>
      %ne3A_1019 = vector.broadcast %broadcast_in_dim3A_934 : vector<1x1xi32> to vector<8x1152xi32>
      %ne3A_1020 = arith.cmpi ne, %add3A, %ne3A_1019 : vector<8x1152xi32>
      %and3A_1021 = arith.andi %le3A_1018, %ne3A_1020 : vector<8x1152xi1>
      %broadcast_in_dim3A_1022 = vector.broadcast %scan3A : i32 to vector<8x1152xi32>
      %select_n3A_1023 = arith.select %and3A_1021, %select_n3A_382, %broadcast_in_dim3A_1022 : vector<8x1152xi1>, vector<8x1152xi32>
      %mul3A_1024 = vector.broadcast %broadcast_in_dim3A_945 : vector<1x1xf32> to vector<1x8xf32>
      %mul3A_1025 = arith.mulf %mul3A_1024, %convert_element_type3A_6 : vector<1x8xf32>
      %jit3A_1026 = arith.constant 0.000000e+00 : f32
      %broadcast_in_dim3A_1027 = vector.broadcast %jit3A_1026 : f32 to vector<8x1152xf32>
      %select_n3A_1028 = arith.select %eq3A_936, %get3A_57, %broadcast_in_dim3A_1027 : vector<8x1152xi1>, vector<8x1152xf32>
      %reduce_sum3A_1029 = vector.shape_cast %select_n3A_1028 : vector<8x1152xf32> to vector<1x8x1152xf32>
      %reduce_sum3A_1030 = arith.constant dense<0.000000e+00> : vector<1xf32>
      %reduce_sum3A_1031 = vector.multi_reduction <add>, %reduce_sum3A_1029, %reduce_sum3A_1030 [1, 2] : vector<1x8x1152xf32> to vector<1xf32>
      %reduce_sum3A_1032 = vector.shape_cast %reduce_sum3A_1031 : vector<1xf32> to vector<1x1x1xf32>
      %reduce_sum3A_1033 = vector.extract %reduce_sum3A_1032[0, 0, 0] : f32 from vector<1x1x1xf32>
      %broadcast_in_dim3A_1034 = vector.broadcast %reduce_sum3A_1033 : f32 to vector<1x1xf32>
      %mul3A_1035 = vector.broadcast %broadcast_in_dim3A_1034 : vector<1x1xf32> to vector<1x8xf32>
      %mul3A_1036 = arith.mulf %mul3A_1035, %convert_element_type3A_12 : vector<1x8xf32>
      %add3A_1037 = arith.addf %mul3A_1025, %mul3A_1036 : vector<1x8xf32>
      %mul3A_1038 = vector.broadcast %broadcast_in_dim3A_954 : vector<1x1xf32> to vector<1x8xf32>
      %mul3A_1039 = arith.mulf %mul3A_1038, %convert_element_type3A_18 : vector<1x8xf32>
      %add3A_1040 = arith.addf %add3A_1037, %mul3A_1039 : vector<1x8xf32>
      %jit3A_1041 = arith.constant 0.000000e+00 : f32
      %broadcast_in_dim3A_1042 = vector.broadcast %jit3A_1041 : f32 to vector<8x1152xf32>
      %select_n3A_1043 = arith.select %eq3A_936, %get3A_67, %broadcast_in_dim3A_1042 : vector<8x1152xi1>, vector<8x1152xf32>
      %reduce_sum3A_1044 = vector.shape_cast %select_n3A_1043 : vector<8x1152xf32> to vector<1x8x1152xf32>
      %reduce_sum3A_1045 = arith.constant dense<0.000000e+00> : vector<1xf32>
      %reduce_sum3A_1046 = vector.multi_reduction <add>, %reduce_sum3A_1044, %reduce_sum3A_1045 [1, 2] : vector<1x8x1152xf32> to vector<1xf32>
      %reduce_sum3A_1047 = vector.shape_cast %reduce_sum3A_1046 : vector<1xf32> to vector<1x1x1xf32>
      %reduce_sum3A_1048 = vector.extract %reduce_sum3A_1047[0, 0, 0] : f32 from vector<1x1x1xf32>
      %broadcast_in_dim3A_1049 = vector.broadcast %reduce_sum3A_1048 : f32 to vector<1x1xf32>
      %mul3A_1050 = vector.broadcast %broadcast_in_dim3A_1049 : vector<1x1xf32> to vector<1x8xf32>
      %mul3A_1051 = arith.mulf %mul3A_1050, %convert_element_type3A_24 : vector<1x8xf32>
      %add3A_1052 = arith.addf %add3A_1040, %mul3A_1051 : vector<1x8xf32>
      %mul3A_1053 = vector.broadcast %broadcast_in_dim3A_963 : vector<1x1xf32> to vector<1x8xf32>
      %mul3A_1054 = arith.mulf %mul3A_1053, %convert_element_type3A_30 : vector<1x8xf32>
      %add3A_1055 = arith.addf %add3A_1052, %mul3A_1054 : vector<1x8xf32>
      %mul3A_1056 = vector.broadcast %broadcast_in_dim3A_972 : vector<1x1xf32> to vector<1x8xf32>
      %mul3A_1057 = arith.mulf %mul3A_1056, %convert_element_type3A_36 : vector<1x8xf32>
      %add3A_1058 = arith.addf %add3A_1055, %mul3A_1057 : vector<1x8xf32>
      %jit3A_1059 = arith.constant 0.000000e+00 : f32
      %broadcast_in_dim3A_1060 = vector.broadcast %jit3A_1059 : f32 to vector<8x1152xf32>
      %select_n3A_1061 = arith.select %eq3A_936, %get3A_82, %broadcast_in_dim3A_1060 : vector<8x1152xi1>, vector<8x1152xf32>
      %reduce_sum3A_1062 = vector.shape_cast %select_n3A_1061 : vector<8x1152xf32> to vector<1x8x1152xf32>
      %reduce_sum3A_1063 = arith.constant dense<0.000000e+00> : vector<1xf32>
      %reduce_sum3A_1064 = vector.multi_reduction <add>, %reduce_sum3A_1062, %reduce_sum3A_1063 [1, 2] : vector<1x8x1152xf32> to vector<1xf32>
      %reduce_sum3A_1065 = vector.shape_cast %reduce_sum3A_1064 : vector<1xf32> to vector<1x1x1xf32>
      %reduce_sum3A_1066 = vector.extract %reduce_sum3A_1065[0, 0, 0] : f32 from vector<1x1x1xf32>
      %broadcast_in_dim3A_1067 = vector.broadcast %reduce_sum3A_1066 : f32 to vector<1x1xf32>
      %mul3A_1068 = vector.broadcast %broadcast_in_dim3A_1067 : vector<1x1xf32> to vector<1x8xf32>
      %mul3A_1069 = arith.mulf %mul3A_1068, %convert_element_type3A_42 : vector<1x8xf32>
      %add3A_1070 = arith.addf %add3A_1058, %mul3A_1069 : vector<1x8xf32>
      %jit3A_1071 = arith.constant 0.000000e+00 : f32
      %broadcast_in_dim3A_1072 = vector.broadcast %jit3A_1071 : f32 to vector<8x1152xf32>
      %select_n3A_1073 = arith.select %eq3A_936, %get3A_87, %broadcast_in_dim3A_1072 : vector<8x1152xi1>, vector<8x1152xf32>
      %reduce_sum3A_1074 = vector.shape_cast %select_n3A_1073 : vector<8x1152xf32> to vector<1x8x1152xf32>
      %reduce_sum3A_1075 = arith.constant dense<0.000000e+00> : vector<1xf32>
      %reduce_sum3A_1076 = vector.multi_reduction <add>, %reduce_sum3A_1074, %reduce_sum3A_1075 [1, 2] : vector<1x8x1152xf32> to vector<1xf32>
      %reduce_sum3A_1077 = vector.shape_cast %reduce_sum3A_1076 : vector<1xf32> to vector<1x1x1xf32>
      %reduce_sum3A_1078 = vector.extract %reduce_sum3A_1077[0, 0, 0] : f32 from vector<1x1x1xf32>
      %broadcast_in_dim3A_1079 = vector.broadcast %reduce_sum3A_1078 : f32 to vector<1x1xf32>
      %mul3A_1080 = vector.broadcast %broadcast_in_dim3A_1079 : vector<1x1xf32> to vector<1x8xf32>
      %mul3A_1081 = arith.mulf %mul3A_1080, %convert_element_type3A_48 : vector<1x8xf32>
      %add3A_1082 = arith.addf %add3A_1070, %mul3A_1081 : vector<1x8xf32>
      %swap3A_1083 = arith.constant 0 : index
      %swap3A_1084 = arith.index_cast %scan3A_928 : i32 to index
      %swap3A_1085 = arith.constant 0 : index
      %swap3A_1086 = vector.load %arg1[%swap3A_1083, %swap3A_1084, %swap3A_1085] : memref<4x512x8xf32, #tpu.memory_space<vmem>>, vector<1x1x8xf32>
      %swap3A_1087 = vector.shape_cast %swap3A_1086 : vector<1x1x8xf32> to vector<1x8xf32>
      %swap3A_1088 = vector.shape_cast %add3A_1082 : vector<1x8xf32> to vector<1x1x8xf32>
      tpu.vector_store %arg1[%swap3A_1083, %swap3A_1084, %swap3A_1085], %swap3A_1088 {strides = array<i32>} : memref<4x512x8xf32, #tpu.memory_space<vmem>>, vector<1x1x8xf32>,
      %reduce_min3A_1089 = vector.shape_cast %select_n3A_541 : vector<8x1152xi32> to vector<1x8x1152xi32>
      %reduce_min3A_1090 = arith.constant dense<2147483647> : vector<1xi32>
      %reduce_min3A_1091 = vector.multi_reduction <minsi>, %reduce_min3A_1089, %reduce_min3A_1090 [1, 2] : vector<1x8x1152xi32> to vector<1xi32>
      %reduce_min3A_1092 = vector.shape_cast %reduce_min3A_1091 : vector<1xi32> to vector<1x1x1xi32>
      %reduce_min3A_1093 = vector.extract %reduce_min3A_1092[0, 0, 0] : i32 from vector<1x1x1xi32>
      %broadcast_in_dim3A_1094 = vector.broadcast %reduce_min3A_1093 : i32 to vector<1x1xi32>
      %eq3A_1095 = vector.broadcast %broadcast_in_dim3A_1094 : vector<1x1xi32> to vector<8x1152xi32>
      %eq3A_1096 = arith.cmpi eq, %add3A, %eq3A_1095 : vector<8x1152xi32>
      %jit3A_1097 = arith.constant 0.000000e+00 : f32
      %broadcast_in_dim3A_1098 = vector.broadcast %jit3A_1097 : f32 to vector<8x1152xf32>
      %select_n3A_1099 = arith.select %eq3A_1096, %get3A_110, %broadcast_in_dim3A_1098 : vector<8x1152xi1>, vector<8x1152xf32>
      %reduce_sum3A_1100 = vector.shape_cast %select_n3A_1099 : vector<8x1152xf32> to vector<1x8x1152xf32>
      %reduce_sum3A_1101 = arith.constant dense<0.000000e+00> : vector<1xf32>
      %reduce_sum3A_1102 = vector.multi_reduction <add>, %reduce_sum3A_1100, %reduce_sum3A_1101 [1, 2] : vector<1x8x1152xf32> to vector<1xf32>
      %reduce_sum3A_1103 = vector.shape_cast %reduce_sum3A_1102 : vector<1xf32> to vector<1x1x1xf32>
      %reduce_sum3A_1104 = vector.extract %reduce_sum3A_1103[0, 0, 0] : f32 from vector<1x1x1xf32>
      %broadcast_in_dim3A_1105 = vector.broadcast %reduce_sum3A_1104 : f32 to vector<1x1xf32>
      %jit3A_1106 = arith.constant 0.000000e+00 : f32
      %broadcast_in_dim3A_1107 = vector.broadcast %jit3A_1106 : f32 to vector<8x1152xf32>
      %select_n3A_1108 = arith.select %eq3A_1096, %get3A_120, %broadcast_in_dim3A_1107 : vector<8x1152xi1>, vector<8x1152xf32>
      %reduce_sum3A_1109 = vector.shape_cast %select_n3A_1108 : vector<8x1152xf32> to vector<1x8x1152xf32>
      %reduce_sum3A_1110 = arith.constant dense<0.000000e+00> : vector<1xf32>
      %reduce_sum3A_1111 = vector.multi_reduction <add>, %reduce_sum3A_1109, %reduce_sum3A_1110 [1, 2] : vector<1x8x1152xf32> to vector<1xf32>
      %reduce_sum3A_1112 = vector.shape_cast %reduce_sum3A_1111 : vector<1xf32> to vector<1x1x1xf32>
      %reduce_sum3A_1113 = vector.extract %reduce_sum3A_1112[0, 0, 0] : f32 from vector<1x1x1xf32>
      %broadcast_in_dim3A_1114 = vector.broadcast %reduce_sum3A_1113 : f32 to vector<1x1xf32>
      %jit3A_1115 = arith.constant 0.000000e+00 : f32
      %broadcast_in_dim3A_1116 = vector.broadcast %jit3A_1115 : f32 to vector<8x1152xf32>
      %select_n3A_1117 = arith.select %eq3A_1096, %get3A_130, %broadcast_in_dim3A_1116 : vector<8x1152xi1>, vector<8x1152xf32>
      %reduce_sum3A_1118 = vector.shape_cast %select_n3A_1117 : vector<8x1152xf32> to vector<1x8x1152xf32>
      %reduce_sum3A_1119 = arith.constant dense<0.000000e+00> : vector<1xf32>
      %reduce_sum3A_1120 = vector.multi_reduction <add>, %reduce_sum3A_1118, %reduce_sum3A_1119 [1, 2] : vector<1x8x1152xf32> to vector<1xf32>
      %reduce_sum3A_1121 = vector.shape_cast %reduce_sum3A_1120 : vector<1xf32> to vector<1x1x1xf32>
      %reduce_sum3A_1122 = vector.extract %reduce_sum3A_1121[0, 0, 0] : f32 from vector<1x1x1xf32>
      %broadcast_in_dim3A_1123 = vector.broadcast %reduce_sum3A_1122 : f32 to vector<1x1xf32>
      %jit3A_1124 = arith.constant 0.000000e+00 : f32
      %broadcast_in_dim3A_1125 = vector.broadcast %jit3A_1124 : f32 to vector<8x1152xf32>
      %select_n3A_1126 = arith.select %eq3A_1096, %get3A_135, %broadcast_in_dim3A_1125 : vector<8x1152xi1>, vector<8x1152xf32>
      %reduce_sum3A_1127 = vector.shape_cast %select_n3A_1126 : vector<8x1152xf32> to vector<1x8x1152xf32>
      %reduce_sum3A_1128 = arith.constant dense<0.000000e+00> : vector<1xf32>
      %reduce_sum3A_1129 = vector.multi_reduction <add>, %reduce_sum3A_1127, %reduce_sum3A_1128 [1, 2] : vector<1x8x1152xf32> to vector<1xf32>
      %reduce_sum3A_1130 = vector.shape_cast %reduce_sum3A_1129 : vector<1xf32> to vector<1x1x1xf32>
      %reduce_sum3A_1131 = vector.extract %reduce_sum3A_1130[0, 0, 0] : f32 from vector<1x1x1xf32>
      %broadcast_in_dim3A_1132 = vector.broadcast %reduce_sum3A_1131 : f32 to vector<1x1xf32>
      %mul3A_1133 = arith.constant 5.000000e-01 : f32
      %mul3A_1134 = vector.broadcast %mul3A_1133 : f32 to vector<1x1xf32>
      %mul3A_1135 = arith.mulf %broadcast_in_dim3A_1132, %mul3A_1134 : vector<1x1xf32>
      %sub3A_1136 = arith.subf %broadcast_in_dim3A_1105, %mul3A_1135 : vector<1x1xf32>
      %mul3A_1137 = arith.constant 5.000000e-01 : f32
      %mul3A_1138 = vector.broadcast %mul3A_1137 : f32 to vector<1x1xf32>
      %mul3A_1139 = arith.mulf %broadcast_in_dim3A_1132, %mul3A_1138 : vector<1x1xf32>
      %add3A_1140 = arith.addf %broadcast_in_dim3A_1105, %mul3A_1139 : vector<1x1xf32>
      %mul3A_1141 = arith.constant 5.000000e-01 : f32
      %mul3A_1142 = vector.broadcast %mul3A_1141 : f32 to vector<1x1xf32>
      %mul3A_1143 = arith.mulf %broadcast_in_dim3A_1123, %mul3A_1142 : vector<1x1xf32>
      %sub3A_1144 = arith.subf %broadcast_in_dim3A_1114, %mul3A_1143 : vector<1x1xf32>
      %mul3A_1145 = arith.constant 5.000000e-01 : f32
      %mul3A_1146 = vector.broadcast %mul3A_1145 : f32 to vector<1x1xf32>
      %mul3A_1147 = arith.mulf %broadcast_in_dim3A_1123, %mul3A_1146 : vector<1x1xf32>
      %add3A_1148 = arith.addf %broadcast_in_dim3A_1114, %mul3A_1147 : vector<1x1xf32>
      %sub3A_1149 = arith.subf %add3A_1140, %sub3A_1136 : vector<1x1xf32>
      %sub3A_1150 = arith.subf %add3A_1148, %sub3A_1144 : vector<1x1xf32>
      %mul3A_1151 = arith.mulf %sub3A_1149, %sub3A_1150 : vector<1x1xf32>
      %min3A_1152 = vector.broadcast %add3A_1140 : vector<1x1xf32> to vector<8x1152xf32>
      %min3A_1153 = arith.minimumf %min3A_1152, %add3A_153 : vector<8x1152xf32>
      %max3A_1154 = vector.broadcast %sub3A_1136 : vector<1x1xf32> to vector<8x1152xf32>
      %max3A_1155 = arith.maximumf %max3A_1154, %sub3A_149 : vector<8x1152xf32>
      %sub3A_1156 = arith.subf %min3A_1153, %max3A_1155 : vector<8x1152xf32>
      %max3A_1157 = arith.constant 0.000000e+00 : f32
      %max3A_1158 = vector.broadcast %max3A_1157 : f32 to vector<8x1152xf32>
      %max3A_1159 = arith.maximumf %sub3A_1156, %max3A_1158 : vector<8x1152xf32>
      %min3A_1160 = vector.broadcast %add3A_1148 : vector<1x1xf32> to vector<8x1152xf32>
      %min3A_1161 = arith.minimumf %min3A_1160, %add3A_161 : vector<8x1152xf32>
      %max3A_1162 = vector.broadcast %sub3A_1144 : vector<1x1xf32> to vector<8x1152xf32>
      %max3A_1163 = arith.maximumf %max3A_1162, %sub3A_157 : vector<8x1152xf32>
      %sub3A_1164 = arith.subf %min3A_1161, %max3A_1163 : vector<8x1152xf32>
      %max3A_1165 = arith.constant 0.000000e+00 : f32
      %max3A_1166 = vector.broadcast %max3A_1165 : f32 to vector<8x1152xf32>
      %max3A_1167 = arith.maximumf %sub3A_1164, %max3A_1166 : vector<8x1152xf32>
      %mul3A_1168 = arith.mulf %max3A_1159, %max3A_1167 : vector<8x1152xf32>
      %add3A_1169 = vector.broadcast %mul3A_1151 : vector<1x1xf32> to vector<8x1152xf32>
      %add3A_1170 = arith.addf %add3A_1169, %mul3A_164 : vector<8x1152xf32>
      %sub3A_1171 = arith.subf %add3A_1170, %mul3A_1168 : vector<8x1152xf32>
      %max3A_1172 = arith.constant 9.99999997E-7 : f32
      %max3A_1173 = vector.broadcast %max3A_1172 : f32 to vector<8x1152xf32>
      %max3A_1174 = arith.maximumf %sub3A_1171, %max3A_1173 : vector<8x1152xf32>
      %div3A_1175 = arith.divf %mul3A_1168, %max3A_1174 : vector<8x1152xf32>
      %le3A_1176 = arith.constant 8.500000e-01 : f32
      %le3A_1177 = vector.broadcast %le3A_1176 : f32 to vector<8x1152xf32>
      %le3A_1178 = arith.cmpf ole, %div3A_1175, %le3A_1177 : vector<8x1152xf32>
      %ne3A_1179 = vector.broadcast %broadcast_in_dim3A_1094 : vector<1x1xi32> to vector<8x1152xi32>
      %ne3A_1180 = arith.cmpi ne, %add3A, %ne3A_1179 : vector<8x1152xi32>
      %and3A_1181 = arith.andi %le3A_1178, %ne3A_1180 : vector<8x1152xi1>
      %broadcast_in_dim3A_1182 = vector.broadcast %scan3A : i32 to vector<8x1152xi32>
      %select_n3A_1183 = arith.select %and3A_1181, %select_n3A_541, %broadcast_in_dim3A_1182 : vector<8x1152xi1>, vector<8x1152xi32>
      %mul3A_1184 = vector.broadcast %broadcast_in_dim3A_1105 : vector<1x1xf32> to vector<1x8xf32>
      %mul3A_1185 = arith.mulf %mul3A_1184, %convert_element_type3A_6 : vector<1x8xf32>
      %jit3A_1186 = arith.constant 0.000000e+00 : f32
      %broadcast_in_dim3A_1187 = vector.broadcast %jit3A_1186 : f32 to vector<8x1152xf32>
      %select_n3A_1188 = arith.select %eq3A_1096, %get3A_115, %broadcast_in_dim3A_1187 : vector<8x1152xi1>, vector<8x1152xf32>
      %reduce_sum3A_1189 = vector.shape_cast %select_n3A_1188 : vector<8x1152xf32> to vector<1x8x1152xf32>
      %reduce_sum3A_1190 = arith.constant dense<0.000000e+00> : vector<1xf32>
      %reduce_sum3A_1191 = vector.multi_reduction <add>, %reduce_sum3A_1189, %reduce_sum3A_1190 [1, 2] : vector<1x8x1152xf32> to vector<1xf32>
      %reduce_sum3A_1192 = vector.shape_cast %reduce_sum3A_1191 : vector<1xf32> to vector<1x1x1xf32>
      %reduce_sum3A_1193 = vector.extract %reduce_sum3A_1192[0, 0, 0] : f32 from vector<1x1x1xf32>
      %broadcast_in_dim3A_1194 = vector.broadcast %reduce_sum3A_1193 : f32 to vector<1x1xf32>
      %mul3A_1195 = vector.broadcast %broadcast_in_dim3A_1194 : vector<1x1xf32> to vector<1x8xf32>
      %mul3A_1196 = arith.mulf %mul3A_1195, %convert_element_type3A_12 : vector<1x8xf32>
      %add3A_1197 = arith.addf %mul3A_1185, %mul3A_1196 : vector<1x8xf32>
      %mul3A_1198 = vector.broadcast %broadcast_in_dim3A_1114 : vector<1x1xf32> to vector<1x8xf32>
      %mul3A_1199 = arith.mulf %mul3A_1198, %convert_element_type3A_18 : vector<1x8xf32>
      %add3A_1200 = arith.addf %add3A_1197, %mul3A_1199 : vector<1x8xf32>
      %jit3A_1201 = arith.constant 0.000000e+00 : f32
      %broadcast_in_dim3A_1202 = vector.broadcast %jit3A_1201 : f32 to vector<8x1152xf32>
      %select_n3A_1203 = arith.select %eq3A_1096, %get3A_125, %broadcast_in_dim3A_1202 : vector<8x1152xi1>, vector<8x1152xf32>
      %reduce_sum3A_1204 = vector.shape_cast %select_n3A_1203 : vector<8x1152xf32> to vector<1x8x1152xf32>
      %reduce_sum3A_1205 = arith.constant dense<0.000000e+00> : vector<1xf32>
      %reduce_sum3A_1206 = vector.multi_reduction <add>, %reduce_sum3A_1204, %reduce_sum3A_1205 [1, 2] : vector<1x8x1152xf32> to vector<1xf32>
      %reduce_sum3A_1207 = vector.shape_cast %reduce_sum3A_1206 : vector<1xf32> to vector<1x1x1xf32>
      %reduce_sum3A_1208 = vector.extract %reduce_sum3A_1207[0, 0, 0] : f32 from vector<1x1x1xf32>
      %broadcast_in_dim3A_1209 = vector.broadcast %reduce_sum3A_1208 : f32 to vector<1x1xf32>
      %mul3A_1210 = vector.broadcast %broadcast_in_dim3A_1209 : vector<1x1xf32> to vector<1x8xf32>
      %mul3A_1211 = arith.mulf %mul3A_1210, %convert_element_type3A_24 : vector<1x8xf32>
      %add3A_1212 = arith.addf %add3A_1200, %mul3A_1211 : vector<1x8xf32>
      %mul3A_1213 = vector.broadcast %broadcast_in_dim3A_1123 : vector<1x1xf32> to vector<1x8xf32>
      %mul3A_1214 = arith.mulf %mul3A_1213, %convert_element_type3A_30 : vector<1x8xf32>
      %add3A_1215 = arith.addf %add3A_1212, %mul3A_1214 : vector<1x8xf32>
      %mul3A_1216 = vector.broadcast %broadcast_in_dim3A_1132 : vector<1x1xf32> to vector<1x8xf32>
      %mul3A_1217 = arith.mulf %mul3A_1216, %convert_element_type3A_36 : vector<1x8xf32>
      %add3A_1218 = arith.addf %add3A_1215, %mul3A_1217 : vector<1x8xf32>
      %jit3A_1219 = arith.constant 0.000000e+00 : f32
      %broadcast_in_dim3A_1220 = vector.broadcast %jit3A_1219 : f32 to vector<8x1152xf32>
      %select_n3A_1221 = arith.select %eq3A_1096, %get3A_140, %broadcast_in_dim3A_1220 : vector<8x1152xi1>, vector<8x1152xf32>
      %reduce_sum3A_1222 = vector.shape_cast %select_n3A_1221 : vector<8x1152xf32> to vector<1x8x1152xf32>
      %reduce_sum3A_1223 = arith.constant dense<0.000000e+00> : vector<1xf32>
      %reduce_sum3A_1224 = vector.multi_reduction <add>, %reduce_sum3A_1222, %reduce_sum3A_1223 [1, 2] : vector<1x8x1152xf32> to vector<1xf32>
      %reduce_sum3A_1225 = vector.shape_cast %reduce_sum3A_1224 : vector<1xf32> to vector<1x1x1xf32>
      %reduce_sum3A_1226 = vector.extract %reduce_sum3A_1225[0, 0, 0] : f32 from vector<1x1x1xf32>
      %broadcast_in_dim3A_1227 = vector.broadcast %reduce_sum3A_1226 : f32 to vector<1x1xf32>
      %mul3A_1228 = vector.broadcast %broadcast_in_dim3A_1227 : vector<1x1xf32> to vector<1x8xf32>
      %mul3A_1229 = arith.mulf %mul3A_1228, %convert_element_type3A_42 : vector<1x8xf32>
      %add3A_1230 = arith.addf %add3A_1218, %mul3A_1229 : vector<1x8xf32>
      %jit3A_1231 = arith.constant 0.000000e+00 : f32
      %broadcast_in_dim3A_1232 = vector.broadcast %jit3A_1231 : f32 to vector<8x1152xf32>
      %select_n3A_1233 = arith.select %eq3A_1096, %get3A_145, %broadcast_in_dim3A_1232 : vector<8x1152xi1>, vector<8x1152xf32>
      %reduce_sum3A_1234 = vector.shape_cast %select_n3A_1233 : vector<8x1152xf32> to vector<1x8x1152xf32>
      %reduce_sum3A_1235 = arith.constant dense<0.000000e+00> : vector<1xf32>
      %reduce_sum3A_1236 = vector.multi_reduction <add>, %reduce_sum3A_1234, %reduce_sum3A_1235 [1, 2] : vector<1x8x1152xf32> to vector<1xf32>
      %reduce_sum3A_1237 = vector.shape_cast %reduce_sum3A_1236 : vector<1xf32> to vector<1x1x1xf32>
      %reduce_sum3A_1238 = vector.extract %reduce_sum3A_1237[0, 0, 0] : f32 from vector<1x1x1xf32>
      %broadcast_in_dim3A_1239 = vector.broadcast %reduce_sum3A_1238 : f32 to vector<1x1xf32>
      %mul3A_1240 = vector.broadcast %broadcast_in_dim3A_1239 : vector<1x1xf32> to vector<1x8xf32>
      %mul3A_1241 = arith.mulf %mul3A_1240, %convert_element_type3A_48 : vector<1x8xf32>
      %add3A_1242 = arith.addf %add3A_1230, %mul3A_1241 : vector<1x8xf32>
      %swap3A_1243 = arith.constant 1 : index
      %swap3A_1244 = arith.index_cast %scan3A_928 : i32 to index
      %swap3A_1245 = arith.constant 0 : index
      %swap3A_1246 = vector.load %arg1[%swap3A_1243, %swap3A_1244, %swap3A_1245] : memref<4x512x8xf32, #tpu.memory_space<vmem>>, vector<1x1x8xf32>
      %swap3A_1247 = vector.shape_cast %swap3A_1246 : vector<1x1x8xf32> to vector<1x8xf32>
      %swap3A_1248 = vector.shape_cast %add3A_1242 : vector<1x8xf32> to vector<1x1x8xf32>
      tpu.vector_store %arg1[%swap3A_1243, %swap3A_1244, %swap3A_1245], %swap3A_1248 {strides = array<i32>} : memref<4x512x8xf32, #tpu.memory_space<vmem>>, vector<1x1x8xf32>,
      %reduce_min3A_1249 = vector.shape_cast %select_n3A_701 : vector<8x1152xi32> to vector<1x8x1152xi32>
      %reduce_min3A_1250 = arith.constant dense<2147483647> : vector<1xi32>
      %reduce_min3A_1251 = vector.multi_reduction <minsi>, %reduce_min3A_1249, %reduce_min3A_1250 [1, 2] : vector<1x8x1152xi32> to vector<1xi32>
      %reduce_min3A_1252 = vector.shape_cast %reduce_min3A_1251 : vector<1xi32> to vector<1x1x1xi32>
      %reduce_min3A_1253 = vector.extract %reduce_min3A_1252[0, 0, 0] : i32 from vector<1x1x1xi32>
      %broadcast_in_dim3A_1254 = vector.broadcast %reduce_min3A_1253 : i32 to vector<1x1xi32>
      %eq3A_1255 = vector.broadcast %broadcast_in_dim3A_1254 : vector<1x1xi32> to vector<8x1152xi32>
      %eq3A_1256 = arith.cmpi eq, %add3A, %eq3A_1255 : vector<8x1152xi32>
      %jit3A_1257 = arith.constant 0.000000e+00 : f32
      %broadcast_in_dim3A_1258 = vector.broadcast %jit3A_1257 : f32 to vector<8x1152xf32>
      %select_n3A_1259 = arith.select %eq3A_1256, %get3A_169, %broadcast_in_dim3A_1258 : vector<8x1152xi1>, vector<8x1152xf32>
      %reduce_sum3A_1260 = vector.shape_cast %select_n3A_1259 : vector<8x1152xf32> to vector<1x8x1152xf32>
      %reduce_sum3A_1261 = arith.constant dense<0.000000e+00> : vector<1xf32>
      %reduce_sum3A_1262 = vector.multi_reduction <add>, %reduce_sum3A_1260, %reduce_sum3A_1261 [1, 2] : vector<1x8x1152xf32> to vector<1xf32>
      %reduce_sum3A_1263 = vector.shape_cast %reduce_sum3A_1262 : vector<1xf32> to vector<1x1x1xf32>
      %reduce_sum3A_1264 = vector.extract %reduce_sum3A_1263[0, 0, 0] : f32 from vector<1x1x1xf32>
      %broadcast_in_dim3A_1265 = vector.broadcast %reduce_sum3A_1264 : f32 to vector<1x1xf32>
      %jit3A_1266 = arith.constant 0.000000e+00 : f32
      %broadcast_in_dim3A_1267 = vector.broadcast %jit3A_1266 : f32 to vector<8x1152xf32>
      %select_n3A_1268 = arith.select %eq3A_1256, %get3A_179, %broadcast_in_dim3A_1267 : vector<8x1152xi1>, vector<8x1152xf32>
      %reduce_sum3A_1269 = vector.shape_cast %select_n3A_1268 : vector<8x1152xf32> to vector<1x8x1152xf32>
      %reduce_sum3A_1270 = arith.constant dense<0.000000e+00> : vector<1xf32>
      %reduce_sum3A_1271 = vector.multi_reduction <add>, %reduce_sum3A_1269, %reduce_sum3A_1270 [1, 2] : vector<1x8x1152xf32> to vector<1xf32>
      %reduce_sum3A_1272 = vector.shape_cast %reduce_sum3A_1271 : vector<1xf32> to vector<1x1x1xf32>
      %reduce_sum3A_1273 = vector.extract %reduce_sum3A_1272[0, 0, 0] : f32 from vector<1x1x1xf32>
      %broadcast_in_dim3A_1274 = vector.broadcast %reduce_sum3A_1273 : f32 to vector<1x1xf32>
      %jit3A_1275 = arith.constant 0.000000e+00 : f32
      %broadcast_in_dim3A_1276 = vector.broadcast %jit3A_1275 : f32 to vector<8x1152xf32>
      %select_n3A_1277 = arith.select %eq3A_1256, %get3A_189, %broadcast_in_dim3A_1276 : vector<8x1152xi1>, vector<8x1152xf32>
      %reduce_sum3A_1278 = vector.shape_cast %select_n3A_1277 : vector<8x1152xf32> to vector<1x8x1152xf32>
      %reduce_sum3A_1279 = arith.constant dense<0.000000e+00> : vector<1xf32>
      %reduce_sum3A_1280 = vector.multi_reduction <add>, %reduce_sum3A_1278, %reduce_sum3A_1279 [1, 2] : vector<1x8x1152xf32> to vector<1xf32>
      %reduce_sum3A_1281 = vector.shape_cast %reduce_sum3A_1280 : vector<1xf32> to vector<1x1x1xf32>
      %reduce_sum3A_1282 = vector.extract %reduce_sum3A_1281[0, 0, 0] : f32 from vector<1x1x1xf32>
      %broadcast_in_dim3A_1283 = vector.broadcast %reduce_sum3A_1282 : f32 to vector<1x1xf32>
      %jit3A_1284 = arith.constant 0.000000e+00 : f32
      %broadcast_in_dim3A_1285 = vector.broadcast %jit3A_1284 : f32 to vector<8x1152xf32>
      %select_n3A_1286 = arith.select %eq3A_1256, %get3A_194, %broadcast_in_dim3A_1285 : vector<8x1152xi1>, vector<8x1152xf32>
      %reduce_sum3A_1287 = vector.shape_cast %select_n3A_1286 : vector<8x1152xf32> to vector<1x8x1152xf32>
      %reduce_sum3A_1288 = arith.constant dense<0.000000e+00> : vector<1xf32>
      %reduce_sum3A_1289 = vector.multi_reduction <add>, %reduce_sum3A_1287, %reduce_sum3A_1288 [1, 2] : vector<1x8x1152xf32> to vector<1xf32>
      %reduce_sum3A_1290 = vector.shape_cast %reduce_sum3A_1289 : vector<1xf32> to vector<1x1x1xf32>
      %reduce_sum3A_1291 = vector.extract %reduce_sum3A_1290[0, 0, 0] : f32 from vector<1x1x1xf32>
      %broadcast_in_dim3A_1292 = vector.broadcast %reduce_sum3A_1291 : f32 to vector<1x1xf32>
      %mul3A_1293 = arith.constant 5.000000e-01 : f32
      %mul3A_1294 = vector.broadcast %mul3A_1293 : f32 to vector<1x1xf32>
      %mul3A_1295 = arith.mulf %broadcast_in_dim3A_1292, %mul3A_1294 : vector<1x1xf32>
      %sub3A_1296 = arith.subf %broadcast_in_dim3A_1265, %mul3A_1295 : vector<1x1xf32>
      %mul3A_1297 = arith.constant 5.000000e-01 : f32
      %mul3A_1298 = vector.broadcast %mul3A_1297 : f32 to vector<1x1xf32>
      %mul3A_1299 = arith.mulf %broadcast_in_dim3A_1292, %mul3A_1298 : vector<1x1xf32>
      %add3A_1300 = arith.addf %broadcast_in_dim3A_1265, %mul3A_1299 : vector<1x1xf32>
      %mul3A_1301 = arith.constant 5.000000e-01 : f32
      %mul3A_1302 = vector.broadcast %mul3A_1301 : f32 to vector<1x1xf32>
      %mul3A_1303 = arith.mulf %broadcast_in_dim3A_1283, %mul3A_1302 : vector<1x1xf32>
      %sub3A_1304 = arith.subf %broadcast_in_dim3A_1274, %mul3A_1303 : vector<1x1xf32>
      %mul3A_1305 = arith.constant 5.000000e-01 : f32
      %mul3A_1306 = vector.broadcast %mul3A_1305 : f32 to vector<1x1xf32>
      %mul3A_1307 = arith.mulf %broadcast_in_dim3A_1283, %mul3A_1306 : vector<1x1xf32>
      %add3A_1308 = arith.addf %broadcast_in_dim3A_1274, %mul3A_1307 : vector<1x1xf32>
      %sub3A_1309 = arith.subf %add3A_1300, %sub3A_1296 : vector<1x1xf32>
      %sub3A_1310 = arith.subf %add3A_1308, %sub3A_1304 : vector<1x1xf32>
      %mul3A_1311 = arith.mulf %sub3A_1309, %sub3A_1310 : vector<1x1xf32>
      %min3A_1312 = vector.broadcast %add3A_1300 : vector<1x1xf32> to vector<8x1152xf32>
      %min3A_1313 = arith.minimumf %min3A_1312, %add3A_212 : vector<8x1152xf32>
      %max3A_1314 = vector.broadcast %sub3A_1296 : vector<1x1xf32> to vector<8x1152xf32>
      %max3A_1315 = arith.maximumf %max3A_1314, %sub3A_208 : vector<8x1152xf32>
      %sub3A_1316 = arith.subf %min3A_1313, %max3A_1315 : vector<8x1152xf32>
      %max3A_1317 = arith.constant 0.000000e+00 : f32
      %max3A_1318 = vector.broadcast %max3A_1317 : f32 to vector<8x1152xf32>
      %max3A_1319 = arith.maximumf %sub3A_1316, %max3A_1318 : vector<8x1152xf32>
      %min3A_1320 = vector.broadcast %add3A_1308 : vector<1x1xf32> to vector<8x1152xf32>
      %min3A_1321 = arith.minimumf %min3A_1320, %add3A_220 : vector<8x1152xf32>
      %max3A_1322 = vector.broadcast %sub3A_1304 : vector<1x1xf32> to vector<8x1152xf32>
      %max3A_1323 = arith.maximumf %max3A_1322, %sub3A_216 : vector<8x1152xf32>
      %sub3A_1324 = arith.subf %min3A_1321, %max3A_1323 : vector<8x1152xf32>
      %max3A_1325 = arith.constant 0.000000e+00 : f32
      %max3A_1326 = vector.broadcast %max3A_1325 : f32 to vector<8x1152xf32>
      %max3A_1327 = arith.maximumf %sub3A_1324, %max3A_1326 : vector<8x1152xf32>
      %mul3A_1328 = arith.mulf %max3A_1319, %max3A_1327 : vector<8x1152xf32>
      %add3A_1329 = vector.broadcast %mul3A_1311 : vector<1x1xf32> to vector<8x1152xf32>
      %add3A_1330 = arith.addf %add3A_1329, %mul3A_223 : vector<8x1152xf32>
      %sub3A_1331 = arith.subf %add3A_1330, %mul3A_1328 : vector<8x1152xf32>
      %max3A_1332 = arith.constant 9.99999997E-7 : f32
      %max3A_1333 = vector.broadcast %max3A_1332 : f32 to vector<8x1152xf32>
      %max3A_1334 = arith.maximumf %sub3A_1331, %max3A_1333 : vector<8x1152xf32>
      %div3A_1335 = arith.divf %mul3A_1328, %max3A_1334 : vector<8x1152xf32>
      %le3A_1336 = arith.constant 8.500000e-01 : f32
      %le3A_1337 = vector.broadcast %le3A_1336 : f32 to vector<8x1152xf32>
      %le3A_1338 = arith.cmpf ole, %div3A_1335, %le3A_1337 : vector<8x1152xf32>
      %ne3A_1339 = vector.broadcast %broadcast_in_dim3A_1254 : vector<1x1xi32> to vector<8x1152xi32>
      %ne3A_1340 = arith.cmpi ne, %add3A, %ne3A_1339 : vector<8x1152xi32>
      %and3A_1341 = arith.andi %le3A_1338, %ne3A_1340 : vector<8x1152xi1>
      %broadcast_in_dim3A_1342 = vector.broadcast %scan3A : i32 to vector<8x1152xi32>
      %select_n3A_1343 = arith.select %and3A_1341, %select_n3A_701, %broadcast_in_dim3A_1342 : vector<8x1152xi1>, vector<8x1152xi32>
      %mul3A_1344 = vector.broadcast %broadcast_in_dim3A_1265 : vector<1x1xf32> to vector<1x8xf32>
      %mul3A_1345 = arith.mulf %mul3A_1344, %convert_element_type3A_6 : vector<1x8xf32>
      %jit3A_1346 = arith.constant 0.000000e+00 : f32
      %broadcast_in_dim3A_1347 = vector.broadcast %jit3A_1346 : f32 to vector<8x1152xf32>
      %select_n3A_1348 = arith.select %eq3A_1256, %get3A_174, %broadcast_in_dim3A_1347 : vector<8x1152xi1>, vector<8x1152xf32>
      %reduce_sum3A_1349 = vector.shape_cast %select_n3A_1348 : vector<8x1152xf32> to vector<1x8x1152xf32>
      %reduce_sum3A_1350 = arith.constant dense<0.000000e+00> : vector<1xf32>
      %reduce_sum3A_1351 = vector.multi_reduction <add>, %reduce_sum3A_1349, %reduce_sum3A_1350 [1, 2] : vector<1x8x1152xf32> to vector<1xf32>
      %reduce_sum3A_1352 = vector.shape_cast %reduce_sum3A_1351 : vector<1xf32> to vector<1x1x1xf32>
      %reduce_sum3A_1353 = vector.extract %reduce_sum3A_1352[0, 0, 0] : f32 from vector<1x1x1xf32>
      %broadcast_in_dim3A_1354 = vector.broadcast %reduce_sum3A_1353 : f32 to vector<1x1xf32>
      %mul3A_1355 = vector.broadcast %broadcast_in_dim3A_1354 : vector<1x1xf32> to vector<1x8xf32>
      %mul3A_1356 = arith.mulf %mul3A_1355, %convert_element_type3A_12 : vector<1x8xf32>
      %add3A_1357 = arith.addf %mul3A_1345, %mul3A_1356 : vector<1x8xf32>
      %mul3A_1358 = vector.broadcast %broadcast_in_dim3A_1274 : vector<1x1xf32> to vector<1x8xf32>
      %mul3A_1359 = arith.mulf %mul3A_1358, %convert_element_type3A_18 : vector<1x8xf32>
      %add3A_1360 = arith.addf %add3A_1357, %mul3A_1359 : vector<1x8xf32>
      %jit3A_1361 = arith.constant 0.000000e+00 : f32
      %broadcast_in_dim3A_1362 = vector.broadcast %jit3A_1361 : f32 to vector<8x1152xf32>
      %select_n3A_1363 = arith.select %eq3A_1256, %get3A_184, %broadcast_in_dim3A_1362 : vector<8x1152xi1>, vector<8x1152xf32>
      %reduce_sum3A_1364 = vector.shape_cast %select_n3A_1363 : vector<8x1152xf32> to vector<1x8x1152xf32>
      %reduce_sum3A_1365 = arith.constant dense<0.000000e+00> : vector<1xf32>
      %reduce_sum3A_1366 = vector.multi_reduction <add>, %reduce_sum3A_1364, %reduce_sum3A_1365 [1, 2] : vector<1x8x1152xf32> to vector<1xf32>
      %reduce_sum3A_1367 = vector.shape_cast %reduce_sum3A_1366 : vector<1xf32> to vector<1x1x1xf32>
      %reduce_sum3A_1368 = vector.extract %reduce_sum3A_1367[0, 0, 0] : f32 from vector<1x1x1xf32>
      %broadcast_in_dim3A_1369 = vector.broadcast %reduce_sum3A_1368 : f32 to vector<1x1xf32>
      %mul3A_1370 = vector.broadcast %broadcast_in_dim3A_1369 : vector<1x1xf32> to vector<1x8xf32>
      %mul3A_1371 = arith.mulf %mul3A_1370, %convert_element_type3A_24 : vector<1x8xf32>
      %add3A_1372 = arith.addf %add3A_1360, %mul3A_1371 : vector<1x8xf32>
      %mul3A_1373 = vector.broadcast %broadcast_in_dim3A_1283 : vector<1x1xf32> to vector<1x8xf32>
      %mul3A_1374 = arith.mulf %mul3A_1373, %convert_element_type3A_30 : vector<1x8xf32>
      %add3A_1375 = arith.addf %add3A_1372, %mul3A_1374 : vector<1x8xf32>
      %mul3A_1376 = vector.broadcast %broadcast_in_dim3A_1292 : vector<1x1xf32> to vector<1x8xf32>
      %mul3A_1377 = arith.mulf %mul3A_1376, %convert_element_type3A_36 : vector<1x8xf32>
      %add3A_1378 = arith.addf %add3A_1375, %mul3A_1377 : vector<1x8xf32>
      %jit3A_1379 = arith.constant 0.000000e+00 : f32
      %broadcast_in_dim3A_1380 = vector.broadcast %jit3A_1379 : f32 to vector<8x1152xf32>
      %select_n3A_1381 = arith.select %eq3A_1256, %get3A_199, %broadcast_in_dim3A_1380 : vector<8x1152xi1>, vector<8x1152xf32>
      %reduce_sum3A_1382 = vector.shape_cast %select_n3A_1381 : vector<8x1152xf32> to vector<1x8x1152xf32>
      %reduce_sum3A_1383 = arith.constant dense<0.000000e+00> : vector<1xf32>
      %reduce_sum3A_1384 = vector.multi_reduction <add>, %reduce_sum3A_1382, %reduce_sum3A_1383 [1, 2] : vector<1x8x1152xf32> to vector<1xf32>
      %reduce_sum3A_1385 = vector.shape_cast %reduce_sum3A_1384 : vector<1xf32> to vector<1x1x1xf32>
      %reduce_sum3A_1386 = vector.extract %reduce_sum3A_1385[0, 0, 0] : f32 from vector<1x1x1xf32>
      %broadcast_in_dim3A_1387 = vector.broadcast %reduce_sum3A_1386 : f32 to vector<1x1xf32>
      %mul3A_1388 = vector.broadcast %broadcast_in_dim3A_1387 : vector<1x1xf32> to vector<1x8xf32>
      %mul3A_1389 = arith.mulf %mul3A_1388, %convert_element_type3A_42 : vector<1x8xf32>
      %add3A_1390 = arith.addf %add3A_1378, %mul3A_1389 : vector<1x8xf32>
      %jit3A_1391 = arith.constant 0.000000e+00 : f32
      %broadcast_in_dim3A_1392 = vector.broadcast %jit3A_1391 : f32 to vector<8x1152xf32>
      %select_n3A_1393 = arith.select %eq3A_1256, %get3A_204, %broadcast_in_dim3A_1392 : vector<8x1152xi1>, vector<8x1152xf32>
      %reduce_sum3A_1394 = vector.shape_cast %select_n3A_1393 : vector<8x1152xf32> to vector<1x8x1152xf32>
      %reduce_sum3A_1395 = arith.constant dense<0.000000e+00> : vector<1xf32>
      %reduce_sum3A_1396 = vector.multi_reduction <add>, %reduce_sum3A_1394, %reduce_sum3A_1395 [1, 2] : vector<1x8x1152xf32> to vector<1xf32>
      %reduce_sum3A_1397 = vector.shape_cast %reduce_sum3A_1396 : vector<1xf32> to vector<1x1x1xf32>
      %reduce_sum3A_1398 = vector.extract %reduce_sum3A_1397[0, 0, 0] : f32 from vector<1x1x1xf32>
      %broadcast_in_dim3A_1399 = vector.broadcast %reduce_sum3A_1398 : f32 to vector<1x1xf32>
      %mul3A_1400 = vector.broadcast %broadcast_in_dim3A_1399 : vector<1x1xf32> to vector<1x8xf32>
      %mul3A_1401 = arith.mulf %mul3A_1400, %convert_element_type3A_48 : vector<1x8xf32>
      %add3A_1402 = arith.addf %add3A_1390, %mul3A_1401 : vector<1x8xf32>
      %swap3A_1403 = arith.constant 2 : index
      %swap3A_1404 = arith.index_cast %scan3A_928 : i32 to index
      %swap3A_1405 = arith.constant 0 : index
      %swap3A_1406 = vector.load %arg1[%swap3A_1403, %swap3A_1404, %swap3A_1405] : memref<4x512x8xf32, #tpu.memory_space<vmem>>, vector<1x1x8xf32>
      %swap3A_1407 = vector.shape_cast %swap3A_1406 : vector<1x1x8xf32> to vector<1x8xf32>
      %swap3A_1408 = vector.shape_cast %add3A_1402 : vector<1x8xf32> to vector<1x1x8xf32>
      tpu.vector_store %arg1[%swap3A_1403, %swap3A_1404, %swap3A_1405], %swap3A_1408 {strides = array<i32>} : memref<4x512x8xf32, #tpu.memory_space<vmem>>, vector<1x1x8xf32>,
      %reduce_min3A_1409 = vector.shape_cast %select_n3A_861 : vector<8x1152xi32> to vector<1x8x1152xi32>
      %reduce_min3A_1410 = arith.constant dense<2147483647> : vector<1xi32>
      %reduce_min3A_1411 = vector.multi_reduction <minsi>, %reduce_min3A_1409, %reduce_min3A_1410 [1, 2] : vector<1x8x1152xi32> to vector<1xi32>
      %reduce_min3A_1412 = vector.shape_cast %reduce_min3A_1411 : vector<1xi32> to vector<1x1x1xi32>
      %reduce_min3A_1413 = vector.extract %reduce_min3A_1412[0, 0, 0] : i32 from vector<1x1x1xi32>
      %broadcast_in_dim3A_1414 = vector.broadcast %reduce_min3A_1413 : i32 to vector<1x1xi32>
      %eq3A_1415 = vector.broadcast %broadcast_in_dim3A_1414 : vector<1x1xi32> to vector<8x1152xi32>
      %eq3A_1416 = arith.cmpi eq, %add3A, %eq3A_1415 : vector<8x1152xi32>
      %jit3A_1417 = arith.constant 0.000000e+00 : f32
      %broadcast_in_dim3A_1418 = vector.broadcast %jit3A_1417 : f32 to vector<8x1152xf32>
      %select_n3A_1419 = arith.select %eq3A_1416, %get3A_228, %broadcast_in_dim3A_1418 : vector<8x1152xi1>, vector<8x1152xf32>
      %reduce_sum3A_1420 = vector.shape_cast %select_n3A_1419 : vector<8x1152xf32> to vector<1x8x1152xf32>
      %reduce_sum3A_1421 = arith.constant dense<0.000000e+00> : vector<1xf32>
      %reduce_sum3A_1422 = vector.multi_reduction <add>, %reduce_sum3A_1420, %reduce_sum3A_1421 [1, 2] : vector<1x8x1152xf32> to vector<1xf32>
      %reduce_sum3A_1423 = vector.shape_cast %reduce_sum3A_1422 : vector<1xf32> to vector<1x1x1xf32>
      %reduce_sum3A_1424 = vector.extract %reduce_sum3A_1423[0, 0, 0] : f32 from vector<1x1x1xf32>
      %broadcast_in_dim3A_1425 = vector.broadcast %reduce_sum3A_1424 : f32 to vector<1x1xf32>
      %jit3A_1426 = arith.constant 0.000000e+00 : f32
      %broadcast_in_dim3A_1427 = vector.broadcast %jit3A_1426 : f32 to vector<8x1152xf32>
      %select_n3A_1428 = arith.select %eq3A_1416, %get3A_238, %broadcast_in_dim3A_1427 : vector<8x1152xi1>, vector<8x1152xf32>
      %reduce_sum3A_1429 = vector.shape_cast %select_n3A_1428 : vector<8x1152xf32> to vector<1x8x1152xf32>
      %reduce_sum3A_1430 = arith.constant dense<0.000000e+00> : vector<1xf32>
      %reduce_sum3A_1431 = vector.multi_reduction <add>, %reduce_sum3A_1429, %reduce_sum3A_1430 [1, 2] : vector<1x8x1152xf32> to vector<1xf32>
      %reduce_sum3A_1432 = vector.shape_cast %reduce_sum3A_1431 : vector<1xf32> to vector<1x1x1xf32>
      %reduce_sum3A_1433 = vector.extract %reduce_sum3A_1432[0, 0, 0] : f32 from vector<1x1x1xf32>
      %broadcast_in_dim3A_1434 = vector.broadcast %reduce_sum3A_1433 : f32 to vector<1x1xf32>
      %jit3A_1435 = arith.constant 0.000000e+00 : f32
      %broadcast_in_dim3A_1436 = vector.broadcast %jit3A_1435 : f32 to vector<8x1152xf32>
      %select_n3A_1437 = arith.select %eq3A_1416, %get3A_248, %broadcast_in_dim3A_1436 : vector<8x1152xi1>, vector<8x1152xf32>
      %reduce_sum3A_1438 = vector.shape_cast %select_n3A_1437 : vector<8x1152xf32> to vector<1x8x1152xf32>
      %reduce_sum3A_1439 = arith.constant dense<0.000000e+00> : vector<1xf32>
      %reduce_sum3A_1440 = vector.multi_reduction <add>, %reduce_sum3A_1438, %reduce_sum3A_1439 [1, 2] : vector<1x8x1152xf32> to vector<1xf32>
      %reduce_sum3A_1441 = vector.shape_cast %reduce_sum3A_1440 : vector<1xf32> to vector<1x1x1xf32>
      %reduce_sum3A_1442 = vector.extract %reduce_sum3A_1441[0, 0, 0] : f32 from vector<1x1x1xf32>
      %broadcast_in_dim3A_1443 = vector.broadcast %reduce_sum3A_1442 : f32 to vector<1x1xf32>
      %jit3A_1444 = arith.constant 0.000000e+00 : f32
      %broadcast_in_dim3A_1445 = vector.broadcast %jit3A_1444 : f32 to vector<8x1152xf32>
      %select_n3A_1446 = arith.select %eq3A_1416, %get3A_253, %broadcast_in_dim3A_1445 : vector<8x1152xi1>, vector<8x1152xf32>
      %reduce_sum3A_1447 = vector.shape_cast %select_n3A_1446 : vector<8x1152xf32> to vector<1x8x1152xf32>
      %reduce_sum3A_1448 = arith.constant dense<0.000000e+00> : vector<1xf32>
      %reduce_sum3A_1449 = vector.multi_reduction <add>, %reduce_sum3A_1447, %reduce_sum3A_1448 [1, 2] : vector<1x8x1152xf32> to vector<1xf32>
      %reduce_sum3A_1450 = vector.shape_cast %reduce_sum3A_1449 : vector<1xf32> to vector<1x1x1xf32>
      %reduce_sum3A_1451 = vector.extract %reduce_sum3A_1450[0, 0, 0] : f32 from vector<1x1x1xf32>
      %broadcast_in_dim3A_1452 = vector.broadcast %reduce_sum3A_1451 : f32 to vector<1x1xf32>
      %mul3A_1453 = arith.constant 5.000000e-01 : f32
      %mul3A_1454 = vector.broadcast %mul3A_1453 : f32 to vector<1x1xf32>
      %mul3A_1455 = arith.mulf %broadcast_in_dim3A_1452, %mul3A_1454 : vector<1x1xf32>
      %sub3A_1456 = arith.subf %broadcast_in_dim3A_1425, %mul3A_1455 : vector<1x1xf32>
      %mul3A_1457 = arith.constant 5.000000e-01 : f32
      %mul3A_1458 = vector.broadcast %mul3A_1457 : f32 to vector<1x1xf32>
      %mul3A_1459 = arith.mulf %broadcast_in_dim3A_1452, %mul3A_1458 : vector<1x1xf32>
      %add3A_1460 = arith.addf %broadcast_in_dim3A_1425, %mul3A_1459 : vector<1x1xf32>
      %mul3A_1461 = arith.constant 5.000000e-01 : f32
      %mul3A_1462 = vector.broadcast %mul3A_1461 : f32 to vector<1x1xf32>
      %mul3A_1463 = arith.mulf %broadcast_in_dim3A_1443, %mul3A_1462 : vector<1x1xf32>
      %sub3A_1464 = arith.subf %broadcast_in_dim3A_1434, %mul3A_1463 : vector<1x1xf32>
      %mul3A_1465 = arith.constant 5.000000e-01 : f32
      %mul3A_1466 = vector.broadcast %mul3A_1465 : f32 to vector<1x1xf32>
      %mul3A_1467 = arith.mulf %broadcast_in_dim3A_1443, %mul3A_1466 : vector<1x1xf32>
      %add3A_1468 = arith.addf %broadcast_in_dim3A_1434, %mul3A_1467 : vector<1x1xf32>
      %sub3A_1469 = arith.subf %add3A_1460, %sub3A_1456 : vector<1x1xf32>
      %sub3A_1470 = arith.subf %add3A_1468, %sub3A_1464 : vector<1x1xf32>
      %mul3A_1471 = arith.mulf %sub3A_1469, %sub3A_1470 : vector<1x1xf32>
      %min3A_1472 = vector.broadcast %add3A_1460 : vector<1x1xf32> to vector<8x1152xf32>
      %min3A_1473 = arith.minimumf %min3A_1472, %add3A_271 : vector<8x1152xf32>
      %max3A_1474 = vector.broadcast %sub3A_1456 : vector<1x1xf32> to vector<8x1152xf32>
      %max3A_1475 = arith.maximumf %max3A_1474, %sub3A_267 : vector<8x1152xf32>
      %sub3A_1476 = arith.subf %min3A_1473, %max3A_1475 : vector<8x1152xf32>
      %max3A_1477 = arith.constant 0.000000e+00 : f32
      %max3A_1478 = vector.broadcast %max3A_1477 : f32 to vector<8x1152xf32>
      %max3A_1479 = arith.maximumf %sub3A_1476, %max3A_1478 : vector<8x1152xf32>
      %min3A_1480 = vector.broadcast %add3A_1468 : vector<1x1xf32> to vector<8x1152xf32>
      %min3A_1481 = arith.minimumf %min3A_1480, %add3A_279 : vector<8x1152xf32>
      %max3A_1482 = vector.broadcast %sub3A_1464 : vector<1x1xf32> to vector<8x1152xf32>
      %max3A_1483 = arith.maximumf %max3A_1482, %sub3A_275 : vector<8x1152xf32>
      %sub3A_1484 = arith.subf %min3A_1481, %max3A_1483 : vector<8x1152xf32>
      %max3A_1485 = arith.constant 0.000000e+00 : f32
      %max3A_1486 = vector.broadcast %max3A_1485 : f32 to vector<8x1152xf32>
      %max3A_1487 = arith.maximumf %sub3A_1484, %max3A_1486 : vector<8x1152xf32>
      %mul3A_1488 = arith.mulf %max3A_1479, %max3A_1487 : vector<8x1152xf32>
      %add3A_1489 = vector.broadcast %mul3A_1471 : vector<1x1xf32> to vector<8x1152xf32>
      %add3A_1490 = arith.addf %add3A_1489, %mul3A_282 : vector<8x1152xf32>
      %sub3A_1491 = arith.subf %add3A_1490, %mul3A_1488 : vector<8x1152xf32>
      %max3A_1492 = arith.constant 9.99999997E-7 : f32
      %max3A_1493 = vector.broadcast %max3A_1492 : f32 to vector<8x1152xf32>
      %max3A_1494 = arith.maximumf %sub3A_1491, %max3A_1493 : vector<8x1152xf32>
      %div3A_1495 = arith.divf %mul3A_1488, %max3A_1494 : vector<8x1152xf32>
      %le3A_1496 = arith.constant 8.500000e-01 : f32
      %le3A_1497 = vector.broadcast %le3A_1496 : f32 to vector<8x1152xf32>
      %le3A_1498 = arith.cmpf ole, %div3A_1495, %le3A_1497 : vector<8x1152xf32>
      %ne3A_1499 = vector.broadcast %broadcast_in_dim3A_1414 : vector<1x1xi32> to vector<8x1152xi32>
      %ne3A_1500 = arith.cmpi ne, %add3A, %ne3A_1499 : vector<8x1152xi32>
      %and3A_1501 = arith.andi %le3A_1498, %ne3A_1500 : vector<8x1152xi1>
      %broadcast_in_dim3A_1502 = vector.broadcast %scan3A : i32 to vector<8x1152xi32>
      %select_n3A_1503 = arith.select %and3A_1501, %select_n3A_861, %broadcast_in_dim3A_1502 : vector<8x1152xi1>, vector<8x1152xi32>
      %mul3A_1504 = vector.broadcast %broadcast_in_dim3A_1425 : vector<1x1xf32> to vector<1x8xf32>
      %mul3A_1505 = arith.mulf %mul3A_1504, %convert_element_type3A_6 : vector<1x8xf32>
      %jit3A_1506 = arith.constant 0.000000e+00 : f32
      %broadcast_in_dim3A_1507 = vector.broadcast %jit3A_1506 : f32 to vector<8x1152xf32>
      %select_n3A_1508 = arith.select %eq3A_1416, %get3A_233, %broadcast_in_dim3A_1507 : vector<8x1152xi1>, vector<8x1152xf32>
      %reduce_sum3A_1509 = vector.shape_cast %select_n3A_1508 : vector<8x1152xf32> to vector<1x8x1152xf32>
      %reduce_sum3A_1510 = arith.constant dense<0.000000e+00> : vector<1xf32>
      %reduce_sum3A_1511 = vector.multi_reduction <add>, %reduce_sum3A_1509, %reduce_sum3A_1510 [1, 2] : vector<1x8x1152xf32> to vector<1xf32>
      %reduce_sum3A_1512 = vector.shape_cast %reduce_sum3A_1511 : vector<1xf32> to vector<1x1x1xf32>
      %reduce_sum3A_1513 = vector.extract %reduce_sum3A_1512[0, 0, 0] : f32 from vector<1x1x1xf32>
      %broadcast_in_dim3A_1514 = vector.broadcast %reduce_sum3A_1513 : f32 to vector<1x1xf32>
      %mul3A_1515 = vector.broadcast %broadcast_in_dim3A_1514 : vector<1x1xf32> to vector<1x8xf32>
      %mul3A_1516 = arith.mulf %mul3A_1515, %convert_element_type3A_12 : vector<1x8xf32>
      %add3A_1517 = arith.addf %mul3A_1505, %mul3A_1516 : vector<1x8xf32>
      %mul3A_1518 = vector.broadcast %broadcast_in_dim3A_1434 : vector<1x1xf32> to vector<1x8xf32>
      %mul3A_1519 = arith.mulf %mul3A_1518, %convert_element_type3A_18 : vector<1x8xf32>
      %add3A_1520 = arith.addf %add3A_1517, %mul3A_1519 : vector<1x8xf32>
      %jit3A_1521 = arith.constant 0.000000e+00 : f32
      %broadcast_in_dim3A_1522 = vector.broadcast %jit3A_1521 : f32 to vector<8x1152xf32>
      %select_n3A_1523 = arith.select %eq3A_1416, %get3A_243, %broadcast_in_dim3A_1522 : vector<8x1152xi1>, vector<8x1152xf32>
      %reduce_sum3A_1524 = vector.shape_cast %select_n3A_1523 : vector<8x1152xf32> to vector<1x8x1152xf32>
      %reduce_sum3A_1525 = arith.constant dense<0.000000e+00> : vector<1xf32>
      %reduce_sum3A_1526 = vector.multi_reduction <add>, %reduce_sum3A_1524, %reduce_sum3A_1525 [1, 2] : vector<1x8x1152xf32> to vector<1xf32>
      %reduce_sum3A_1527 = vector.shape_cast %reduce_sum3A_1526 : vector<1xf32> to vector<1x1x1xf32>
      %reduce_sum3A_1528 = vector.extract %reduce_sum3A_1527[0, 0, 0] : f32 from vector<1x1x1xf32>
      %broadcast_in_dim3A_1529 = vector.broadcast %reduce_sum3A_1528 : f32 to vector<1x1xf32>
      %mul3A_1530 = vector.broadcast %broadcast_in_dim3A_1529 : vector<1x1xf32> to vector<1x8xf32>
      %mul3A_1531 = arith.mulf %mul3A_1530, %convert_element_type3A_24 : vector<1x8xf32>
      %add3A_1532 = arith.addf %add3A_1520, %mul3A_1531 : vector<1x8xf32>
      %mul3A_1533 = vector.broadcast %broadcast_in_dim3A_1443 : vector<1x1xf32> to vector<1x8xf32>
      %mul3A_1534 = arith.mulf %mul3A_1533, %convert_element_type3A_30 : vector<1x8xf32>
      %add3A_1535 = arith.addf %add3A_1532, %mul3A_1534 : vector<1x8xf32>
      %mul3A_1536 = vector.broadcast %broadcast_in_dim3A_1452 : vector<1x1xf32> to vector<1x8xf32>
      %mul3A_1537 = arith.mulf %mul3A_1536, %convert_element_type3A_36 : vector<1x8xf32>
      %add3A_1538 = arith.addf %add3A_1535, %mul3A_1537 : vector<1x8xf32>
      %jit3A_1539 = arith.constant 0.000000e+00 : f32
      %broadcast_in_dim3A_1540 = vector.broadcast %jit3A_1539 : f32 to vector<8x1152xf32>
      %select_n3A_1541 = arith.select %eq3A_1416, %get3A_258, %broadcast_in_dim3A_1540 : vector<8x1152xi1>, vector<8x1152xf32>
      %reduce_sum3A_1542 = vector.shape_cast %select_n3A_1541 : vector<8x1152xf32> to vector<1x8x1152xf32>
      %reduce_sum3A_1543 = arith.constant dense<0.000000e+00> : vector<1xf32>
      %reduce_sum3A_1544 = vector.multi_reduction <add>, %reduce_sum3A_1542, %reduce_sum3A_1543 [1, 2] : vector<1x8x1152xf32> to vector<1xf32>
      %reduce_sum3A_1545 = vector.shape_cast %reduce_sum3A_1544 : vector<1xf32> to vector<1x1x1xf32>
      %reduce_sum3A_1546 = vector.extract %reduce_sum3A_1545[0, 0, 0] : f32 from vector<1x1x1xf32>
      %broadcast_in_dim3A_1547 = vector.broadcast %reduce_sum3A_1546 : f32 to vector<1x1xf32>
      %mul3A_1548 = vector.broadcast %broadcast_in_dim3A_1547 : vector<1x1xf32> to vector<1x8xf32>
      %mul3A_1549 = arith.mulf %mul3A_1548, %convert_element_type3A_42 : vector<1x8xf32>
      %add3A_1550 = arith.addf %add3A_1538, %mul3A_1549 : vector<1x8xf32>
      %jit3A_1551 = arith.constant 0.000000e+00 : f32
      %broadcast_in_dim3A_1552 = vector.broadcast %jit3A_1551 : f32 to vector<8x1152xf32>
      %select_n3A_1553 = arith.select %eq3A_1416, %get3A_263, %broadcast_in_dim3A_1552 : vector<8x1152xi1>, vector<8x1152xf32>
      %reduce_sum3A_1554 = vector.shape_cast %select_n3A_1553 : vector<8x1152xf32> to vector<1x8x1152xf32>
      %reduce_sum3A_1555 = arith.constant dense<0.000000e+00> : vector<1xf32>
      %reduce_sum3A_1556 = vector.multi_reduction <add>, %reduce_sum3A_1554, %reduce_sum3A_1555 [1, 2] : vector<1x8x1152xf32> to vector<1xf32>
      %reduce_sum3A_1557 = vector.shape_cast %reduce_sum3A_1556 : vector<1xf32> to vector<1x1x1xf32>
      %reduce_sum3A_1558 = vector.extract %reduce_sum3A_1557[0, 0, 0] : f32 from vector<1x1x1xf32>
      %broadcast_in_dim3A_1559 = vector.broadcast %reduce_sum3A_1558 : f32 to vector<1x1xf32>
      %mul3A_1560 = vector.broadcast %broadcast_in_dim3A_1559 : vector<1x1xf32> to vector<1x8xf32>
      %mul3A_1561 = arith.mulf %mul3A_1560, %convert_element_type3A_48 : vector<1x8xf32>
      %add3A_1562 = arith.addf %add3A_1550, %mul3A_1561 : vector<1x8xf32>
      %swap3A_1563 = arith.constant 3 : index
      %swap3A_1564 = arith.index_cast %scan3A_928 : i32 to index
      %swap3A_1565 = arith.constant 0 : index
      %swap3A_1566 = vector.load %arg1[%swap3A_1563, %swap3A_1564, %swap3A_1565] : memref<4x512x8xf32, #tpu.memory_space<vmem>>, vector<1x1x8xf32>
      %swap3A_1567 = vector.shape_cast %swap3A_1566 : vector<1x1x8xf32> to vector<1x8xf32>
      %swap3A_1568 = vector.shape_cast %add3A_1562 : vector<1x8xf32> to vector<1x1x8xf32>
      tpu.vector_store %arg1[%swap3A_1563, %swap3A_1564, %swap3A_1565], %swap3A_1568 {strides = array<i32>} : memref<4x512x8xf32, #tpu.memory_space<vmem>>, vector<1x1x8xf32>,
      %scan3A_1569 = arith.constant 2 : i32
      %scan3A_1570 = arith.addi %scan3A_291, %scan3A_1569 : i32
      %reduce_min3A_1571 = vector.shape_cast %select_n3A_1023 : vector<8x1152xi32> to vector<1x8x1152xi32>
      %reduce_min3A_1572 = arith.constant dense<2147483647> : vector<1xi32>
      %reduce_min3A_1573 = vector.multi_reduction <minsi>, %reduce_min3A_1571, %reduce_min3A_1572 [1, 2] : vector<1x8x1152xi32> to vector<1xi32>
      %reduce_min3A_1574 = vector.shape_cast %reduce_min3A_1573 : vector<1xi32> to vector<1x1x1xi32>
      %reduce_min3A_1575 = vector.extract %reduce_min3A_1574[0, 0, 0] : i32 from vector<1x1x1xi32>
      %broadcast_in_dim3A_1576 = vector.broadcast %reduce_min3A_1575 : i32 to vector<1x1xi32>
      %eq3A_1577 = vector.broadcast %broadcast_in_dim3A_1576 : vector<1x1xi32> to vector<8x1152xi32>
      %eq3A_1578 = arith.cmpi eq, %add3A, %eq3A_1577 : vector<8x1152xi32>
      %jit3A_1579 = arith.constant 0.000000e+00 : f32
      %broadcast_in_dim3A_1580 = vector.broadcast %jit3A_1579 : f32 to vector<8x1152xf32>
      %select_n3A_1581 = arith.select %eq3A_1578, %get3A_52, %broadcast_in_dim3A_1580 : vector<8x1152xi1>, vector<8x1152xf32>
      %reduce_sum3A_1582 = vector.shape_cast %select_n3A_1581 : vector<8x1152xf32> to vector<1x8x1152xf32>
      %reduce_sum3A_1583 = arith.constant dense<0.000000e+00> : vector<1xf32>
      %reduce_sum3A_1584 = vector.multi_reduction <add>, %reduce_sum3A_1582, %reduce_sum3A_1583 [1, 2] : vector<1x8x1152xf32> to vector<1xf32>
      %reduce_sum3A_1585 = vector.shape_cast %reduce_sum3A_1584 : vector<1xf32> to vector<1x1x1xf32>
      %reduce_sum3A_1586 = vector.extract %reduce_sum3A_1585[0, 0, 0] : f32 from vector<1x1x1xf32>
      %broadcast_in_dim3A_1587 = vector.broadcast %reduce_sum3A_1586 : f32 to vector<1x1xf32>
      %jit3A_1588 = arith.constant 0.000000e+00 : f32
      %broadcast_in_dim3A_1589 = vector.broadcast %jit3A_1588 : f32 to vector<8x1152xf32>
      %select_n3A_1590 = arith.select %eq3A_1578, %get3A_62, %broadcast_in_dim3A_1589 : vector<8x1152xi1>, vector<8x1152xf32>
      %reduce_sum3A_1591 = vector.shape_cast %select_n3A_1590 : vector<8x1152xf32> to vector<1x8x1152xf32>
      %reduce_sum3A_1592 = arith.constant dense<0.000000e+00> : vector<1xf32>
      %reduce_sum3A_1593 = vector.multi_reduction <add>, %reduce_sum3A_1591, %reduce_sum3A_1592 [1, 2] : vector<1x8x1152xf32> to vector<1xf32>
      %reduce_sum3A_1594 = vector.shape_cast %reduce_sum3A_1593 : vector<1xf32> to vector<1x1x1xf32>
      %reduce_sum3A_1595 = vector.extract %reduce_sum3A_1594[0, 0, 0] : f32 from vector<1x1x1xf32>
      %broadcast_in_dim3A_1596 = vector.broadcast %reduce_sum3A_1595 : f32 to vector<1x1xf32>
      %jit3A_1597 = arith.constant 0.000000e+00 : f32
      %broadcast_in_dim3A_1598 = vector.broadcast %jit3A_1597 : f32 to vector<8x1152xf32>
      %select_n3A_1599 = arith.select %eq3A_1578, %get3A_72, %broadcast_in_dim3A_1598 : vector<8x1152xi1>, vector<8x1152xf32>
      %reduce_sum3A_1600 = vector.shape_cast %select_n3A_1599 : vector<8x1152xf32> to vector<1x8x1152xf32>
      %reduce_sum3A_1601 = arith.constant dense<0.000000e+00> : vector<1xf32>
      %reduce_sum3A_1602 = vector.multi_reduction <add>, %reduce_sum3A_1600, %reduce_sum3A_1601 [1, 2] : vector<1x8x1152xf32> to vector<1xf32>
      %reduce_sum3A_1603 = vector.shape_cast %reduce_sum3A_1602 : vector<1xf32> to vector<1x1x1xf32>
      %reduce_sum3A_1604 = vector.extract %reduce_sum3A_1603[0, 0, 0] : f32 from vector<1x1x1xf32>
      %broadcast_in_dim3A_1605 = vector.broadcast %reduce_sum3A_1604 : f32 to vector<1x1xf32>
      %jit3A_1606 = arith.constant 0.000000e+00 : f32
      %broadcast_in_dim3A_1607 = vector.broadcast %jit3A_1606 : f32 to vector<8x1152xf32>
      %select_n3A_1608 = arith.select %eq3A_1578, %get3A_77, %broadcast_in_dim3A_1607 : vector<8x1152xi1>, vector<8x1152xf32>
      %reduce_sum3A_1609 = vector.shape_cast %select_n3A_1608 : vector<8x1152xf32> to vector<1x8x1152xf32>
      %reduce_sum3A_1610 = arith.constant dense<0.000000e+00> : vector<1xf32>
      %reduce_sum3A_1611 = vector.multi_reduction <add>, %reduce_sum3A_1609, %reduce_sum3A_1610 [1, 2] : vector<1x8x1152xf32> to vector<1xf32>
      %reduce_sum3A_1612 = vector.shape_cast %reduce_sum3A_1611 : vector<1xf32> to vector<1x1x1xf32>
      %reduce_sum3A_1613 = vector.extract %reduce_sum3A_1612[0, 0, 0] : f32 from vector<1x1x1xf32>
      %broadcast_in_dim3A_1614 = vector.broadcast %reduce_sum3A_1613 : f32 to vector<1x1xf32>
      %mul3A_1615 = arith.constant 5.000000e-01 : f32
      %mul3A_1616 = vector.broadcast %mul3A_1615 : f32 to vector<1x1xf32>
      %mul3A_1617 = arith.mulf %broadcast_in_dim3A_1614, %mul3A_1616 : vector<1x1xf32>
      %sub3A_1618 = arith.subf %broadcast_in_dim3A_1587, %mul3A_1617 : vector<1x1xf32>
      %mul3A_1619 = arith.constant 5.000000e-01 : f32
      %mul3A_1620 = vector.broadcast %mul3A_1619 : f32 to vector<1x1xf32>
      %mul3A_1621 = arith.mulf %broadcast_in_dim3A_1614, %mul3A_1620 : vector<1x1xf32>
      %add3A_1622 = arith.addf %broadcast_in_dim3A_1587, %mul3A_1621 : vector<1x1xf32>
      %mul3A_1623 = arith.constant 5.000000e-01 : f32
      %mul3A_1624 = vector.broadcast %mul3A_1623 : f32 to vector<1x1xf32>
      %mul3A_1625 = arith.mulf %broadcast_in_dim3A_1605, %mul3A_1624 : vector<1x1xf32>
      %sub3A_1626 = arith.subf %broadcast_in_dim3A_1596, %mul3A_1625 : vector<1x1xf32>
      %mul3A_1627 = arith.constant 5.000000e-01 : f32
      %mul3A_1628 = vector.broadcast %mul3A_1627 : f32 to vector<1x1xf32>
      %mul3A_1629 = arith.mulf %broadcast_in_dim3A_1605, %mul3A_1628 : vector<1x1xf32>
      %add3A_1630 = arith.addf %broadcast_in_dim3A_1596, %mul3A_1629 : vector<1x1xf32>
      %sub3A_1631 = arith.subf %add3A_1622, %sub3A_1618 : vector<1x1xf32>
      %sub3A_1632 = arith.subf %add3A_1630, %sub3A_1626 : vector<1x1xf32>
      %mul3A_1633 = arith.mulf %sub3A_1631, %sub3A_1632 : vector<1x1xf32>
      %min3A_1634 = vector.broadcast %add3A_1622 : vector<1x1xf32> to vector<8x1152xf32>
      %min3A_1635 = arith.minimumf %min3A_1634, %add3A_94 : vector<8x1152xf32>
      %max3A_1636 = vector.broadcast %sub3A_1618 : vector<1x1xf32> to vector<8x1152xf32>
      %max3A_1637 = arith.maximumf %max3A_1636, %sub3A : vector<8x1152xf32>
      %sub3A_1638 = arith.subf %min3A_1635, %max3A_1637 : vector<8x1152xf32>
      %max3A_1639 = arith.constant 0.000000e+00 : f32
      %max3A_1640 = vector.broadcast %max3A_1639 : f32 to vector<8x1152xf32>
      %max3A_1641 = arith.maximumf %sub3A_1638, %max3A_1640 : vector<8x1152xf32>
      %min3A_1642 = vector.broadcast %add3A_1630 : vector<1x1xf32> to vector<8x1152xf32>
      %min3A_1643 = arith.minimumf %min3A_1642, %add3A_102 : vector<8x1152xf32>
      %max3A_1644 = vector.broadcast %sub3A_1626 : vector<1x1xf32> to vector<8x1152xf32>
      %max3A_1645 = arith.maximumf %max3A_1644, %sub3A_98 : vector<8x1152xf32>
      %sub3A_1646 = arith.subf %min3A_1643, %max3A_1645 : vector<8x1152xf32>
      %max3A_1647 = arith.constant 0.000000e+00 : f32
      %max3A_1648 = vector.broadcast %max3A_1647 : f32 to vector<8x1152xf32>
      %max3A_1649 = arith.maximumf %sub3A_1646, %max3A_1648 : vector<8x1152xf32>
      %mul3A_1650 = arith.mulf %max3A_1641, %max3A_1649 : vector<8x1152xf32>
      %add3A_1651 = vector.broadcast %mul3A_1633 : vector<1x1xf32> to vector<8x1152xf32>
      %add3A_1652 = arith.addf %add3A_1651, %mul3A_105 : vector<8x1152xf32>
      %sub3A_1653 = arith.subf %add3A_1652, %mul3A_1650 : vector<8x1152xf32>
      %max3A_1654 = arith.constant 9.99999997E-7 : f32
      %max3A_1655 = vector.broadcast %max3A_1654 : f32 to vector<8x1152xf32>
      %max3A_1656 = arith.maximumf %sub3A_1653, %max3A_1655 : vector<8x1152xf32>
      %div3A_1657 = arith.divf %mul3A_1650, %max3A_1656 : vector<8x1152xf32>
      %le3A_1658 = arith.constant 8.500000e-01 : f32
      %le3A_1659 = vector.broadcast %le3A_1658 : f32 to vector<8x1152xf32>
      %le3A_1660 = arith.cmpf ole, %div3A_1657, %le3A_1659 : vector<8x1152xf32>
      %ne3A_1661 = vector.broadcast %broadcast_in_dim3A_1576 : vector<1x1xi32> to vector<8x1152xi32>
      %ne3A_1662 = arith.cmpi ne, %add3A, %ne3A_1661 : vector<8x1152xi32>
      %and3A_1663 = arith.andi %le3A_1660, %ne3A_1662 : vector<8x1152xi1>
      %broadcast_in_dim3A_1664 = vector.broadcast %scan3A : i32 to vector<8x1152xi32>
      %select_n3A_1665 = arith.select %and3A_1663, %select_n3A_1023, %broadcast_in_dim3A_1664 : vector<8x1152xi1>, vector<8x1152xi32>
      %mul3A_1666 = vector.broadcast %broadcast_in_dim3A_1587 : vector<1x1xf32> to vector<1x8xf32>
      %mul3A_1667 = arith.mulf %mul3A_1666, %convert_element_type3A_6 : vector<1x8xf32>
      %jit3A_1668 = arith.constant 0.000000e+00 : f32
      %broadcast_in_dim3A_1669 = vector.broadcast %jit3A_1668 : f32 to vector<8x1152xf32>
      %select_n3A_1670 = arith.select %eq3A_1578, %get3A_57, %broadcast_in_dim3A_1669 : vector<8x1152xi1>, vector<8x1152xf32>
      %reduce_sum3A_1671 = vector.shape_cast %select_n3A_1670 : vector<8x1152xf32> to vector<1x8x1152xf32>
      %reduce_sum3A_1672 = arith.constant dense<0.000000e+00> : vector<1xf32>
      %reduce_sum3A_1673 = vector.multi_reduction <add>, %reduce_sum3A_1671, %reduce_sum3A_1672 [1, 2] : vector<1x8x1152xf32> to vector<1xf32>
      %reduce_sum3A_1674 = vector.shape_cast %reduce_sum3A_1673 : vector<1xf32> to vector<1x1x1xf32>
      %reduce_sum3A_1675 = vector.extract %reduce_sum3A_1674[0, 0, 0] : f32 from vector<1x1x1xf32>
      %broadcast_in_dim3A_1676 = vector.broadcast %reduce_sum3A_1675 : f32 to vector<1x1xf32>
      %mul3A_1677 = vector.broadcast %broadcast_in_dim3A_1676 : vector<1x1xf32> to vector<1x8xf32>
      %mul3A_1678 = arith.mulf %mul3A_1677, %convert_element_type3A_12 : vector<1x8xf32>
      %add3A_1679 = arith.addf %mul3A_1667, %mul3A_1678 : vector<1x8xf32>
      %mul3A_1680 = vector.broadcast %broadcast_in_dim3A_1596 : vector<1x1xf32> to vector<1x8xf32>
      %mul3A_1681 = arith.mulf %mul3A_1680, %convert_element_type3A_18 : vector<1x8xf32>
      %add3A_1682 = arith.addf %add3A_1679, %mul3A_1681 : vector<1x8xf32>
      %jit3A_1683 = arith.constant 0.000000e+00 : f32
      %broadcast_in_dim3A_1684 = vector.broadcast %jit3A_1683 : f32 to vector<8x1152xf32>
      %select_n3A_1685 = arith.select %eq3A_1578, %get3A_67, %broadcast_in_dim3A_1684 : vector<8x1152xi1>, vector<8x1152xf32>
      %reduce_sum3A_1686 = vector.shape_cast %select_n3A_1685 : vector<8x1152xf32> to vector<1x8x1152xf32>
      %reduce_sum3A_1687 = arith.constant dense<0.000000e+00> : vector<1xf32>
      %reduce_sum3A_1688 = vector.multi_reduction <add>, %reduce_sum3A_1686, %reduce_sum3A_1687 [1, 2] : vector<1x8x1152xf32> to vector<1xf32>
      %reduce_sum3A_1689 = vector.shape_cast %reduce_sum3A_1688 : vector<1xf32> to vector<1x1x1xf32>
      %reduce_sum3A_1690 = vector.extract %reduce_sum3A_1689[0, 0, 0] : f32 from vector<1x1x1xf32>
      %broadcast_in_dim3A_1691 = vector.broadcast %reduce_sum3A_1690 : f32 to vector<1x1xf32>
      %mul3A_1692 = vector.broadcast %broadcast_in_dim3A_1691 : vector<1x1xf32> to vector<1x8xf32>
      %mul3A_1693 = arith.mulf %mul3A_1692, %convert_element_type3A_24 : vector<1x8xf32>
      %add3A_1694 = arith.addf %add3A_1682, %mul3A_1693 : vector<1x8xf32>
      %mul3A_1695 = vector.broadcast %broadcast_in_dim3A_1605 : vector<1x1xf32> to vector<1x8xf32>
      %mul3A_1696 = arith.mulf %mul3A_1695, %convert_element_type3A_30 : vector<1x8xf32>
      %add3A_1697 = arith.addf %add3A_1694, %mul3A_1696 : vector<1x8xf32>
      %mul3A_1698 = vector.broadcast %broadcast_in_dim3A_1614 : vector<1x1xf32> to vector<1x8xf32>
      %mul3A_1699 = arith.mulf %mul3A_1698, %convert_element_type3A_36 : vector<1x8xf32>
      %add3A_1700 = arith.addf %add3A_1697, %mul3A_1699 : vector<1x8xf32>
      %jit3A_1701 = arith.constant 0.000000e+00 : f32
      %broadcast_in_dim3A_1702 = vector.broadcast %jit3A_1701 : f32 to vector<8x1152xf32>
      %select_n3A_1703 = arith.select %eq3A_1578, %get3A_82, %broadcast_in_dim3A_1702 : vector<8x1152xi1>, vector<8x1152xf32>
      %reduce_sum3A_1704 = vector.shape_cast %select_n3A_1703 : vector<8x1152xf32> to vector<1x8x1152xf32>
      %reduce_sum3A_1705 = arith.constant dense<0.000000e+00> : vector<1xf32>
      %reduce_sum3A_1706 = vector.multi_reduction <add>, %reduce_sum3A_1704, %reduce_sum3A_1705 [1, 2] : vector<1x8x1152xf32> to vector<1xf32>
      %reduce_sum3A_1707 = vector.shape_cast %reduce_sum3A_1706 : vector<1xf32> to vector<1x1x1xf32>
      %reduce_sum3A_1708 = vector.extract %reduce_sum3A_1707[0, 0, 0] : f32 from vector<1x1x1xf32>
      %broadcast_in_dim3A_1709 = vector.broadcast %reduce_sum3A_1708 : f32 to vector<1x1xf32>
      %mul3A_1710 = vector.broadcast %broadcast_in_dim3A_1709 : vector<1x1xf32> to vector<1x8xf32>
      %mul3A_1711 = arith.mulf %mul3A_1710, %convert_element_type3A_42 : vector<1x8xf32>
      %add3A_1712 = arith.addf %add3A_1700, %mul3A_1711 : vector<1x8xf32>
      %jit3A_1713 = arith.constant 0.000000e+00 : f32
      %broadcast_in_dim3A_1714 = vector.broadcast %jit3A_1713 : f32 to vector<8x1152xf32>
      %select_n3A_1715 = arith.select %eq3A_1578, %get3A_87, %broadcast_in_dim3A_1714 : vector<8x1152xi1>, vector<8x1152xf32>
      %reduce_sum3A_1716 = vector.shape_cast %select_n3A_1715 : vector<8x1152xf32> to vector<1x8x1152xf32>
      %reduce_sum3A_1717 = arith.constant dense<0.000000e+00> : vector<1xf32>
      %reduce_sum3A_1718 = vector.multi_reduction <add>, %reduce_sum3A_1716, %reduce_sum3A_1717 [1, 2] : vector<1x8x1152xf32> to vector<1xf32>
      %reduce_sum3A_1719 = vector.shape_cast %reduce_sum3A_1718 : vector<1xf32> to vector<1x1x1xf32>
      %reduce_sum3A_1720 = vector.extract %reduce_sum3A_1719[0, 0, 0] : f32 from vector<1x1x1xf32>
      %broadcast_in_dim3A_1721 = vector.broadcast %reduce_sum3A_1720 : f32 to vector<1x1xf32>
      %mul3A_1722 = vector.broadcast %broadcast_in_dim3A_1721 : vector<1x1xf32> to vector<1x8xf32>
      %mul3A_1723 = arith.mulf %mul3A_1722, %convert_element_type3A_48 : vector<1x8xf32>
      %add3A_1724 = arith.addf %add3A_1712, %mul3A_1723 : vector<1x8xf32>
      %swap3A_1725 = arith.constant 0 : index
      %swap3A_1726 = arith.index_cast %scan3A_1570 : i32 to index
      %swap3A_1727 = arith.constant 0 : index
      %swap3A_1728 = vector.load %arg1[%swap3A_1725, %swap3A_1726, %swap3A_1727] : memref<4x512x8xf32, #tpu.memory_space<vmem>>, vector<1x1x8xf32>
      %swap3A_1729 = vector.shape_cast %swap3A_1728 : vector<1x1x8xf32> to vector<1x8xf32>
      %swap3A_1730 = vector.shape_cast %add3A_1724 : vector<1x8xf32> to vector<1x1x8xf32>
      tpu.vector_store %arg1[%swap3A_1725, %swap3A_1726, %swap3A_1727], %swap3A_1730 {strides = array<i32>} : memref<4x512x8xf32, #tpu.memory_space<vmem>>, vector<1x1x8xf32>,
      %reduce_min3A_1731 = vector.shape_cast %select_n3A_1183 : vector<8x1152xi32> to vector<1x8x1152xi32>
      %reduce_min3A_1732 = arith.constant dense<2147483647> : vector<1xi32>
      %reduce_min3A_1733 = vector.multi_reduction <minsi>, %reduce_min3A_1731, %reduce_min3A_1732 [1, 2] : vector<1x8x1152xi32> to vector<1xi32>
      %reduce_min3A_1734 = vector.shape_cast %reduce_min3A_1733 : vector<1xi32> to vector<1x1x1xi32>
      %reduce_min3A_1735 = vector.extract %reduce_min3A_1734[0, 0, 0] : i32 from vector<1x1x1xi32>
      %broadcast_in_dim3A_1736 = vector.broadcast %reduce_min3A_1735 : i32 to vector<1x1xi32>
      %eq3A_1737 = vector.broadcast %broadcast_in_dim3A_1736 : vector<1x1xi32> to vector<8x1152xi32>
      %eq3A_1738 = arith.cmpi eq, %add3A, %eq3A_1737 : vector<8x1152xi32>
      %jit3A_1739 = arith.constant 0.000000e+00 : f32
      %broadcast_in_dim3A_1740 = vector.broadcast %jit3A_1739 : f32 to vector<8x1152xf32>
      %select_n3A_1741 = arith.select %eq3A_1738, %get3A_110, %broadcast_in_dim3A_1740 : vector<8x1152xi1>, vector<8x1152xf32>
      %reduce_sum3A_1742 = vector.shape_cast %select_n3A_1741 : vector<8x1152xf32> to vector<1x8x1152xf32>
      %reduce_sum3A_1743 = arith.constant dense<0.000000e+00> : vector<1xf32>
      %reduce_sum3A_1744 = vector.multi_reduction <add>, %reduce_sum3A_1742, %reduce_sum3A_1743 [1, 2] : vector<1x8x1152xf32> to vector<1xf32>
      %reduce_sum3A_1745 = vector.shape_cast %reduce_sum3A_1744 : vector<1xf32> to vector<1x1x1xf32>
      %reduce_sum3A_1746 = vector.extract %reduce_sum3A_1745[0, 0, 0] : f32 from vector<1x1x1xf32>
      %broadcast_in_dim3A_1747 = vector.broadcast %reduce_sum3A_1746 : f32 to vector<1x1xf32>
      %jit3A_1748 = arith.constant 0.000000e+00 : f32
      %broadcast_in_dim3A_1749 = vector.broadcast %jit3A_1748 : f32 to vector<8x1152xf32>
      %select_n3A_1750 = arith.select %eq3A_1738, %get3A_120, %broadcast_in_dim3A_1749 : vector<8x1152xi1>, vector<8x1152xf32>
      %reduce_sum3A_1751 = vector.shape_cast %select_n3A_1750 : vector<8x1152xf32> to vector<1x8x1152xf32>
      %reduce_sum3A_1752 = arith.constant dense<0.000000e+00> : vector<1xf32>
      %reduce_sum3A_1753 = vector.multi_reduction <add>, %reduce_sum3A_1751, %reduce_sum3A_1752 [1, 2] : vector<1x8x1152xf32> to vector<1xf32>
      %reduce_sum3A_1754 = vector.shape_cast %reduce_sum3A_1753 : vector<1xf32> to vector<1x1x1xf32>
      %reduce_sum3A_1755 = vector.extract %reduce_sum3A_1754[0, 0, 0] : f32 from vector<1x1x1xf32>
      %broadcast_in_dim3A_1756 = vector.broadcast %reduce_sum3A_1755 : f32 to vector<1x1xf32>
      %jit3A_1757 = arith.constant 0.000000e+00 : f32
      %broadcast_in_dim3A_1758 = vector.broadcast %jit3A_1757 : f32 to vector<8x1152xf32>
      %select_n3A_1759 = arith.select %eq3A_1738, %get3A_130, %broadcast_in_dim3A_1758 : vector<8x1152xi1>, vector<8x1152xf32>
      %reduce_sum3A_1760 = vector.shape_cast %select_n3A_1759 : vector<8x1152xf32> to vector<1x8x1152xf32>
      %reduce_sum3A_1761 = arith.constant dense<0.000000e+00> : vector<1xf32>
      %reduce_sum3A_1762 = vector.multi_reduction <add>, %reduce_sum3A_1760, %reduce_sum3A_1761 [1, 2] : vector<1x8x1152xf32> to vector<1xf32>
      %reduce_sum3A_1763 = vector.shape_cast %reduce_sum3A_1762 : vector<1xf32> to vector<1x1x1xf32>
      %reduce_sum3A_1764 = vector.extract %reduce_sum3A_1763[0, 0, 0] : f32 from vector<1x1x1xf32>
      %broadcast_in_dim3A_1765 = vector.broadcast %reduce_sum3A_1764 : f32 to vector<1x1xf32>
      %jit3A_1766 = arith.constant 0.000000e+00 : f32
      %broadcast_in_dim3A_1767 = vector.broadcast %jit3A_1766 : f32 to vector<8x1152xf32>
      %select_n3A_1768 = arith.select %eq3A_1738, %get3A_135, %broadcast_in_dim3A_1767 : vector<8x1152xi1>, vector<8x1152xf32>
      %reduce_sum3A_1769 = vector.shape_cast %select_n3A_1768 : vector<8x1152xf32> to vector<1x8x1152xf32>
      %reduce_sum3A_1770 = arith.constant dense<0.000000e+00> : vector<1xf32>
      %reduce_sum3A_1771 = vector.multi_reduction <add>, %reduce_sum3A_1769, %reduce_sum3A_1770 [1, 2] : vector<1x8x1152xf32> to vector<1xf32>
      %reduce_sum3A_1772 = vector.shape_cast %reduce_sum3A_1771 : vector<1xf32> to vector<1x1x1xf32>
      %reduce_sum3A_1773 = vector.extract %reduce_sum3A_1772[0, 0, 0] : f32 from vector<1x1x1xf32>
      %broadcast_in_dim3A_1774 = vector.broadcast %reduce_sum3A_1773 : f32 to vector<1x1xf32>
      %mul3A_1775 = arith.constant 5.000000e-01 : f32
      %mul3A_1776 = vector.broadcast %mul3A_1775 : f32 to vector<1x1xf32>
      %mul3A_1777 = arith.mulf %broadcast_in_dim3A_1774, %mul3A_1776 : vector<1x1xf32>
      %sub3A_1778 = arith.subf %broadcast_in_dim3A_1747, %mul3A_1777 : vector<1x1xf32>
      %mul3A_1779 = arith.constant 5.000000e-01 : f32
      %mul3A_1780 = vector.broadcast %mul3A_1779 : f32 to vector<1x1xf32>
      %mul3A_1781 = arith.mulf %broadcast_in_dim3A_1774, %mul3A_1780 : vector<1x1xf32>
      %add3A_1782 = arith.addf %broadcast_in_dim3A_1747, %mul3A_1781 : vector<1x1xf32>
      %mul3A_1783 = arith.constant 5.000000e-01 : f32
      %mul3A_1784 = vector.broadcast %mul3A_1783 : f32 to vector<1x1xf32>
      %mul3A_1785 = arith.mulf %broadcast_in_dim3A_1765, %mul3A_1784 : vector<1x1xf32>
      %sub3A_1786 = arith.subf %broadcast_in_dim3A_1756, %mul3A_1785 : vector<1x1xf32>
      %mul3A_1787 = arith.constant 5.000000e-01 : f32
      %mul3A_1788 = vector.broadcast %mul3A_1787 : f32 to vector<1x1xf32>
      %mul3A_1789 = arith.mulf %broadcast_in_dim3A_1765, %mul3A_1788 : vector<1x1xf32>
      %add3A_1790 = arith.addf %broadcast_in_dim3A_1756, %mul3A_1789 : vector<1x1xf32>
      %sub3A_1791 = arith.subf %add3A_1782, %sub3A_1778 : vector<1x1xf32>
      %sub3A_1792 = arith.subf %add3A_1790, %sub3A_1786 : vector<1x1xf32>
      %mul3A_1793 = arith.mulf %sub3A_1791, %sub3A_1792 : vector<1x1xf32>
      %min3A_1794 = vector.broadcast %add3A_1782 : vector<1x1xf32> to vector<8x1152xf32>
      %min3A_1795 = arith.minimumf %min3A_1794, %add3A_153 : vector<8x1152xf32>
      %max3A_1796 = vector.broadcast %sub3A_1778 : vector<1x1xf32> to vector<8x1152xf32>
      %max3A_1797 = arith.maximumf %max3A_1796, %sub3A_149 : vector<8x1152xf32>
      %sub3A_1798 = arith.subf %min3A_1795, %max3A_1797 : vector<8x1152xf32>
      %max3A_1799 = arith.constant 0.000000e+00 : f32
      %max3A_1800 = vector.broadcast %max3A_1799 : f32 to vector<8x1152xf32>
      %max3A_1801 = arith.maximumf %sub3A_1798, %max3A_1800 : vector<8x1152xf32>
      %min3A_1802 = vector.broadcast %add3A_1790 : vector<1x1xf32> to vector<8x1152xf32>
      %min3A_1803 = arith.minimumf %min3A_1802, %add3A_161 : vector<8x1152xf32>
      %max3A_1804 = vector.broadcast %sub3A_1786 : vector<1x1xf32> to vector<8x1152xf32>
      %max3A_1805 = arith.maximumf %max3A_1804, %sub3A_157 : vector<8x1152xf32>
      %sub3A_1806 = arith.subf %min3A_1803, %max3A_1805 : vector<8x1152xf32>
      %max3A_1807 = arith.constant 0.000000e+00 : f32
      %max3A_1808 = vector.broadcast %max3A_1807 : f32 to vector<8x1152xf32>
      %max3A_1809 = arith.maximumf %sub3A_1806, %max3A_1808 : vector<8x1152xf32>
      %mul3A_1810 = arith.mulf %max3A_1801, %max3A_1809 : vector<8x1152xf32>
      %add3A_1811 = vector.broadcast %mul3A_1793 : vector<1x1xf32> to vector<8x1152xf32>
      %add3A_1812 = arith.addf %add3A_1811, %mul3A_164 : vector<8x1152xf32>
      %sub3A_1813 = arith.subf %add3A_1812, %mul3A_1810 : vector<8x1152xf32>
      %max3A_1814 = arith.constant 9.99999997E-7 : f32
      %max3A_1815 = vector.broadcast %max3A_1814 : f32 to vector<8x1152xf32>
      %max3A_1816 = arith.maximumf %sub3A_1813, %max3A_1815 : vector<8x1152xf32>
      %div3A_1817 = arith.divf %mul3A_1810, %max3A_1816 : vector<8x1152xf32>
      %le3A_1818 = arith.constant 8.500000e-01 : f32
      %le3A_1819 = vector.broadcast %le3A_1818 : f32 to vector<8x1152xf32>
      %le3A_1820 = arith.cmpf ole, %div3A_1817, %le3A_1819 : vector<8x1152xf32>
      %ne3A_1821 = vector.broadcast %broadcast_in_dim3A_1736 : vector<1x1xi32> to vector<8x1152xi32>
      %ne3A_1822 = arith.cmpi ne, %add3A, %ne3A_1821 : vector<8x1152xi32>
      %and3A_1823 = arith.andi %le3A_1820, %ne3A_1822 : vector<8x1152xi1>
      %broadcast_in_dim3A_1824 = vector.broadcast %scan3A : i32 to vector<8x1152xi32>
      %select_n3A_1825 = arith.select %and3A_1823, %select_n3A_1183, %broadcast_in_dim3A_1824 : vector<8x1152xi1>, vector<8x1152xi32>
      %mul3A_1826 = vector.broadcast %broadcast_in_dim3A_1747 : vector<1x1xf32> to vector<1x8xf32>
      %mul3A_1827 = arith.mulf %mul3A_1826, %convert_element_type3A_6 : vector<1x8xf32>
      %jit3A_1828 = arith.constant 0.000000e+00 : f32
      %broadcast_in_dim3A_1829 = vector.broadcast %jit3A_1828 : f32 to vector<8x1152xf32>
      %select_n3A_1830 = arith.select %eq3A_1738, %get3A_115, %broadcast_in_dim3A_1829 : vector<8x1152xi1>, vector<8x1152xf32>
      %reduce_sum3A_1831 = vector.shape_cast %select_n3A_1830 : vector<8x1152xf32> to vector<1x8x1152xf32>
      %reduce_sum3A_1832 = arith.constant dense<0.000000e+00> : vector<1xf32>
      %reduce_sum3A_1833 = vector.multi_reduction <add>, %reduce_sum3A_1831, %reduce_sum3A_1832 [1, 2] : vector<1x8x1152xf32> to vector<1xf32>
      %reduce_sum3A_1834 = vector.shape_cast %reduce_sum3A_1833 : vector<1xf32> to vector<1x1x1xf32>
      %reduce_sum3A_1835 = vector.extract %reduce_sum3A_1834[0, 0, 0] : f32 from vector<1x1x1xf32>
      %broadcast_in_dim3A_1836 = vector.broadcast %reduce_sum3A_1835 : f32 to vector<1x1xf32>
      %mul3A_1837 = vector.broadcast %broadcast_in_dim3A_1836 : vector<1x1xf32> to vector<1x8xf32>
      %mul3A_1838 = arith.mulf %mul3A_1837, %convert_element_type3A_12 : vector<1x8xf32>
      %add3A_1839 = arith.addf %mul3A_1827, %mul3A_1838 : vector<1x8xf32>
      %mul3A_1840 = vector.broadcast %broadcast_in_dim3A_1756 : vector<1x1xf32> to vector<1x8xf32>
      %mul3A_1841 = arith.mulf %mul3A_1840, %convert_element_type3A_18 : vector<1x8xf32>
      %add3A_1842 = arith.addf %add3A_1839, %mul3A_1841 : vector<1x8xf32>
      %jit3A_1843 = arith.constant 0.000000e+00 : f32
      %broadcast_in_dim3A_1844 = vector.broadcast %jit3A_1843 : f32 to vector<8x1152xf32>
      %select_n3A_1845 = arith.select %eq3A_1738, %get3A_125, %broadcast_in_dim3A_1844 : vector<8x1152xi1>, vector<8x1152xf32>
      %reduce_sum3A_1846 = vector.shape_cast %select_n3A_1845 : vector<8x1152xf32> to vector<1x8x1152xf32>
      %reduce_sum3A_1847 = arith.constant dense<0.000000e+00> : vector<1xf32>
      %reduce_sum3A_1848 = vector.multi_reduction <add>, %reduce_sum3A_1846, %reduce_sum3A_1847 [1, 2] : vector<1x8x1152xf32> to vector<1xf32>
      %reduce_sum3A_1849 = vector.shape_cast %reduce_sum3A_1848 : vector<1xf32> to vector<1x1x1xf32>
      %reduce_sum3A_1850 = vector.extract %reduce_sum3A_1849[0, 0, 0] : f32 from vector<1x1x1xf32>
      %broadcast_in_dim3A_1851 = vector.broadcast %reduce_sum3A_1850 : f32 to vector<1x1xf32>
      %mul3A_1852 = vector.broadcast %broadcast_in_dim3A_1851 : vector<1x1xf32> to vector<1x8xf32>
      %mul3A_1853 = arith.mulf %mul3A_1852, %convert_element_type3A_24 : vector<1x8xf32>
      %add3A_1854 = arith.addf %add3A_1842, %mul3A_1853 : vector<1x8xf32>
      %mul3A_1855 = vector.broadcast %broadcast_in_dim3A_1765 : vector<1x1xf32> to vector<1x8xf32>
      %mul3A_1856 = arith.mulf %mul3A_1855, %convert_element_type3A_30 : vector<1x8xf32>
      %add3A_1857 = arith.addf %add3A_1854, %mul3A_1856 : vector<1x8xf32>
      %mul3A_1858 = vector.broadcast %broadcast_in_dim3A_1774 : vector<1x1xf32> to vector<1x8xf32>
      %mul3A_1859 = arith.mulf %mul3A_1858, %convert_element_type3A_36 : vector<1x8xf32>
      %add3A_1860 = arith.addf %add3A_1857, %mul3A_1859 : vector<1x8xf32>
      %jit3A_1861 = arith.constant 0.000000e+00 : f32
      %broadcast_in_dim3A_1862 = vector.broadcast %jit3A_1861 : f32 to vector<8x1152xf32>
      %select_n3A_1863 = arith.select %eq3A_1738, %get3A_140, %broadcast_in_dim3A_1862 : vector<8x1152xi1>, vector<8x1152xf32>
      %reduce_sum3A_1864 = vector.shape_cast %select_n3A_1863 : vector<8x1152xf32> to vector<1x8x1152xf32>
      %reduce_sum3A_1865 = arith.constant dense<0.000000e+00> : vector<1xf32>
      %reduce_sum3A_1866 = vector.multi_reduction <add>, %reduce_sum3A_1864, %reduce_sum3A_1865 [1, 2] : vector<1x8x1152xf32> to vector<1xf32>
      %reduce_sum3A_1867 = vector.shape_cast %reduce_sum3A_1866 : vector<1xf32> to vector<1x1x1xf32>
      %reduce_sum3A_1868 = vector.extract %reduce_sum3A_1867[0, 0, 0] : f32 from vector<1x1x1xf32>
      %broadcast_in_dim3A_1869 = vector.broadcast %reduce_sum3A_1868 : f32 to vector<1x1xf32>
      %mul3A_1870 = vector.broadcast %broadcast_in_dim3A_1869 : vector<1x1xf32> to vector<1x8xf32>
      %mul3A_1871 = arith.mulf %mul3A_1870, %convert_element_type3A_42 : vector<1x8xf32>
      %add3A_1872 = arith.addf %add3A_1860, %mul3A_1871 : vector<1x8xf32>
      %jit3A_1873 = arith.constant 0.000000e+00 : f32
      %broadcast_in_dim3A_1874 = vector.broadcast %jit3A_1873 : f32 to vector<8x1152xf32>
      %select_n3A_1875 = arith.select %eq3A_1738, %get3A_145, %broadcast_in_dim3A_1874 : vector<8x1152xi1>, vector<8x1152xf32>
      %reduce_sum3A_1876 = vector.shape_cast %select_n3A_1875 : vector<8x1152xf32> to vector<1x8x1152xf32>
      %reduce_sum3A_1877 = arith.constant dense<0.000000e+00> : vector<1xf32>
      %reduce_sum3A_1878 = vector.multi_reduction <add>, %reduce_sum3A_1876, %reduce_sum3A_1877 [1, 2] : vector<1x8x1152xf32> to vector<1xf32>
      %reduce_sum3A_1879 = vector.shape_cast %reduce_sum3A_1878 : vector<1xf32> to vector<1x1x1xf32>
      %reduce_sum3A_1880 = vector.extract %reduce_sum3A_1879[0, 0, 0] : f32 from vector<1x1x1xf32>
      %broadcast_in_dim3A_1881 = vector.broadcast %reduce_sum3A_1880 : f32 to vector<1x1xf32>
      %mul3A_1882 = vector.broadcast %broadcast_in_dim3A_1881 : vector<1x1xf32> to vector<1x8xf32>
      %mul3A_1883 = arith.mulf %mul3A_1882, %convert_element_type3A_48 : vector<1x8xf32>
      %add3A_1884 = arith.addf %add3A_1872, %mul3A_1883 : vector<1x8xf32>
      %swap3A_1885 = arith.constant 1 : index
      %swap3A_1886 = arith.index_cast %scan3A_1570 : i32 to index
      %swap3A_1887 = arith.constant 0 : index
      %swap3A_1888 = vector.load %arg1[%swap3A_1885, %swap3A_1886, %swap3A_1887] : memref<4x512x8xf32, #tpu.memory_space<vmem>>, vector<1x1x8xf32>
      %swap3A_1889 = vector.shape_cast %swap3A_1888 : vector<1x1x8xf32> to vector<1x8xf32>
      %swap3A_1890 = vector.shape_cast %add3A_1884 : vector<1x8xf32> to vector<1x1x8xf32>
      tpu.vector_store %arg1[%swap3A_1885, %swap3A_1886, %swap3A_1887], %swap3A_1890 {strides = array<i32>} : memref<4x512x8xf32, #tpu.memory_space<vmem>>, vector<1x1x8xf32>,
      %reduce_min3A_1891 = vector.shape_cast %select_n3A_1343 : vector<8x1152xi32> to vector<1x8x1152xi32>
      %reduce_min3A_1892 = arith.constant dense<2147483647> : vector<1xi32>
      %reduce_min3A_1893 = vector.multi_reduction <minsi>, %reduce_min3A_1891, %reduce_min3A_1892 [1, 2] : vector<1x8x1152xi32> to vector<1xi32>
      %reduce_min3A_1894 = vector.shape_cast %reduce_min3A_1893 : vector<1xi32> to vector<1x1x1xi32>
      %reduce_min3A_1895 = vector.extract %reduce_min3A_1894[0, 0, 0] : i32 from vector<1x1x1xi32>
      %broadcast_in_dim3A_1896 = vector.broadcast %reduce_min3A_1895 : i32 to vector<1x1xi32>
      %eq3A_1897 = vector.broadcast %broadcast_in_dim3A_1896 : vector<1x1xi32> to vector<8x1152xi32>
      %eq3A_1898 = arith.cmpi eq, %add3A, %eq3A_1897 : vector<8x1152xi32>
      %jit3A_1899 = arith.constant 0.000000e+00 : f32
      %broadcast_in_dim3A_1900 = vector.broadcast %jit3A_1899 : f32 to vector<8x1152xf32>
      %select_n3A_1901 = arith.select %eq3A_1898, %get3A_169, %broadcast_in_dim3A_1900 : vector<8x1152xi1>, vector<8x1152xf32>
      %reduce_sum3A_1902 = vector.shape_cast %select_n3A_1901 : vector<8x1152xf32> to vector<1x8x1152xf32>
      %reduce_sum3A_1903 = arith.constant dense<0.000000e+00> : vector<1xf32>
      %reduce_sum3A_1904 = vector.multi_reduction <add>, %reduce_sum3A_1902, %reduce_sum3A_1903 [1, 2] : vector<1x8x1152xf32> to vector<1xf32>
      %reduce_sum3A_1905 = vector.shape_cast %reduce_sum3A_1904 : vector<1xf32> to vector<1x1x1xf32>
      %reduce_sum3A_1906 = vector.extract %reduce_sum3A_1905[0, 0, 0] : f32 from vector<1x1x1xf32>
      %broadcast_in_dim3A_1907 = vector.broadcast %reduce_sum3A_1906 : f32 to vector<1x1xf32>
      %jit3A_1908 = arith.constant 0.000000e+00 : f32
      %broadcast_in_dim3A_1909 = vector.broadcast %jit3A_1908 : f32 to vector<8x1152xf32>
      %select_n3A_1910 = arith.select %eq3A_1898, %get3A_179, %broadcast_in_dim3A_1909 : vector<8x1152xi1>, vector<8x1152xf32>
      %reduce_sum3A_1911 = vector.shape_cast %select_n3A_1910 : vector<8x1152xf32> to vector<1x8x1152xf32>
      %reduce_sum3A_1912 = arith.constant dense<0.000000e+00> : vector<1xf32>
      %reduce_sum3A_1913 = vector.multi_reduction <add>, %reduce_sum3A_1911, %reduce_sum3A_1912 [1, 2] : vector<1x8x1152xf32> to vector<1xf32>
      %reduce_sum3A_1914 = vector.shape_cast %reduce_sum3A_1913 : vector<1xf32> to vector<1x1x1xf32>
      %reduce_sum3A_1915 = vector.extract %reduce_sum3A_1914[0, 0, 0] : f32 from vector<1x1x1xf32>
      %broadcast_in_dim3A_1916 = vector.broadcast %reduce_sum3A_1915 : f32 to vector<1x1xf32>
      %jit3A_1917 = arith.constant 0.000000e+00 : f32
      %broadcast_in_dim3A_1918 = vector.broadcast %jit3A_1917 : f32 to vector<8x1152xf32>
      %select_n3A_1919 = arith.select %eq3A_1898, %get3A_189, %broadcast_in_dim3A_1918 : vector<8x1152xi1>, vector<8x1152xf32>
      %reduce_sum3A_1920 = vector.shape_cast %select_n3A_1919 : vector<8x1152xf32> to vector<1x8x1152xf32>
      %reduce_sum3A_1921 = arith.constant dense<0.000000e+00> : vector<1xf32>
      %reduce_sum3A_1922 = vector.multi_reduction <add>, %reduce_sum3A_1920, %reduce_sum3A_1921 [1, 2] : vector<1x8x1152xf32> to vector<1xf32>
      %reduce_sum3A_1923 = vector.shape_cast %reduce_sum3A_1922 : vector<1xf32> to vector<1x1x1xf32>
      %reduce_sum3A_1924 = vector.extract %reduce_sum3A_1923[0, 0, 0] : f32 from vector<1x1x1xf32>
      %broadcast_in_dim3A_1925 = vector.broadcast %reduce_sum3A_1924 : f32 to vector<1x1xf32>
      %jit3A_1926 = arith.constant 0.000000e+00 : f32
      %broadcast_in_dim3A_1927 = vector.broadcast %jit3A_1926 : f32 to vector<8x1152xf32>
      %select_n3A_1928 = arith.select %eq3A_1898, %get3A_194, %broadcast_in_dim3A_1927 : vector<8x1152xi1>, vector<8x1152xf32>
      %reduce_sum3A_1929 = vector.shape_cast %select_n3A_1928 : vector<8x1152xf32> to vector<1x8x1152xf32>
      %reduce_sum3A_1930 = arith.constant dense<0.000000e+00> : vector<1xf32>
      %reduce_sum3A_1931 = vector.multi_reduction <add>, %reduce_sum3A_1929, %reduce_sum3A_1930 [1, 2] : vector<1x8x1152xf32> to vector<1xf32>
      %reduce_sum3A_1932 = vector.shape_cast %reduce_sum3A_1931 : vector<1xf32> to vector<1x1x1xf32>
      %reduce_sum3A_1933 = vector.extract %reduce_sum3A_1932[0, 0, 0] : f32 from vector<1x1x1xf32>
      %broadcast_in_dim3A_1934 = vector.broadcast %reduce_sum3A_1933 : f32 to vector<1x1xf32>
      %mul3A_1935 = arith.constant 5.000000e-01 : f32
      %mul3A_1936 = vector.broadcast %mul3A_1935 : f32 to vector<1x1xf32>
      %mul3A_1937 = arith.mulf %broadcast_in_dim3A_1934, %mul3A_1936 : vector<1x1xf32>
      %sub3A_1938 = arith.subf %broadcast_in_dim3A_1907, %mul3A_1937 : vector<1x1xf32>
      %mul3A_1939 = arith.constant 5.000000e-01 : f32
      %mul3A_1940 = vector.broadcast %mul3A_1939 : f32 to vector<1x1xf32>
      %mul3A_1941 = arith.mulf %broadcast_in_dim3A_1934, %mul3A_1940 : vector<1x1xf32>
      %add3A_1942 = arith.addf %broadcast_in_dim3A_1907, %mul3A_1941 : vector<1x1xf32>
      %mul3A_1943 = arith.constant 5.000000e-01 : f32
      %mul3A_1944 = vector.broadcast %mul3A_1943 : f32 to vector<1x1xf32>
      %mul3A_1945 = arith.mulf %broadcast_in_dim3A_1925, %mul3A_1944 : vector<1x1xf32>
      %sub3A_1946 = arith.subf %broadcast_in_dim3A_1916, %mul3A_1945 : vector<1x1xf32>
      %mul3A_1947 = arith.constant 5.000000e-01 : f32
      %mul3A_1948 = vector.broadcast %mul3A_1947 : f32 to vector<1x1xf32>
      %mul3A_1949 = arith.mulf %broadcast_in_dim3A_1925, %mul3A_1948 : vector<1x1xf32>
      %add3A_1950 = arith.addf %broadcast_in_dim3A_1916, %mul3A_1949 : vector<1x1xf32>
      %sub3A_1951 = arith.subf %add3A_1942, %sub3A_1938 : vector<1x1xf32>
      %sub3A_1952 = arith.subf %add3A_1950, %sub3A_1946 : vector<1x1xf32>
      %mul3A_1953 = arith.mulf %sub3A_1951, %sub3A_1952 : vector<1x1xf32>
      %min3A_1954 = vector.broadcast %add3A_1942 : vector<1x1xf32> to vector<8x1152xf32>
      %min3A_1955 = arith.minimumf %min3A_1954, %add3A_212 : vector<8x1152xf32>
      %max3A_1956 = vector.broadcast %sub3A_1938 : vector<1x1xf32> to vector<8x1152xf32>
      %max3A_1957 = arith.maximumf %max3A_1956, %sub3A_208 : vector<8x1152xf32>
      %sub3A_1958 = arith.subf %min3A_1955, %max3A_1957 : vector<8x1152xf32>
      %max3A_1959 = arith.constant 0.000000e+00 : f32
      %max3A_1960 = vector.broadcast %max3A_1959 : f32 to vector<8x1152xf32>
      %max3A_1961 = arith.maximumf %sub3A_1958, %max3A_1960 : vector<8x1152xf32>
      %min3A_1962 = vector.broadcast %add3A_1950 : vector<1x1xf32> to vector<8x1152xf32>
      %min3A_1963 = arith.minimumf %min3A_1962, %add3A_220 : vector<8x1152xf32>
      %max3A_1964 = vector.broadcast %sub3A_1946 : vector<1x1xf32> to vector<8x1152xf32>
      %max3A_1965 = arith.maximumf %max3A_1964, %sub3A_216 : vector<8x1152xf32>
      %sub3A_1966 = arith.subf %min3A_1963, %max3A_1965 : vector<8x1152xf32>
      %max3A_1967 = arith.constant 0.000000e+00 : f32
      %max3A_1968 = vector.broadcast %max3A_1967 : f32 to vector<8x1152xf32>
      %max3A_1969 = arith.maximumf %sub3A_1966, %max3A_1968 : vector<8x1152xf32>
      %mul3A_1970 = arith.mulf %max3A_1961, %max3A_1969 : vector<8x1152xf32>
      %add3A_1971 = vector.broadcast %mul3A_1953 : vector<1x1xf32> to vector<8x1152xf32>
      %add3A_1972 = arith.addf %add3A_1971, %mul3A_223 : vector<8x1152xf32>
      %sub3A_1973 = arith.subf %add3A_1972, %mul3A_1970 : vector<8x1152xf32>
      %max3A_1974 = arith.constant 9.99999997E-7 : f32
      %max3A_1975 = vector.broadcast %max3A_1974 : f32 to vector<8x1152xf32>
      %max3A_1976 = arith.maximumf %sub3A_1973, %max3A_1975 : vector<8x1152xf32>
      %div3A_1977 = arith.divf %mul3A_1970, %max3A_1976 : vector<8x1152xf32>
      %le3A_1978 = arith.constant 8.500000e-01 : f32
      %le3A_1979 = vector.broadcast %le3A_1978 : f32 to vector<8x1152xf32>
      %le3A_1980 = arith.cmpf ole, %div3A_1977, %le3A_1979 : vector<8x1152xf32>
      %ne3A_1981 = vector.broadcast %broadcast_in_dim3A_1896 : vector<1x1xi32> to vector<8x1152xi32>
      %ne3A_1982 = arith.cmpi ne, %add3A, %ne3A_1981 : vector<8x1152xi32>
      %and3A_1983 = arith.andi %le3A_1980, %ne3A_1982 : vector<8x1152xi1>
      %broadcast_in_dim3A_1984 = vector.broadcast %scan3A : i32 to vector<8x1152xi32>
      %select_n3A_1985 = arith.select %and3A_1983, %select_n3A_1343, %broadcast_in_dim3A_1984 : vector<8x1152xi1>, vector<8x1152xi32>
      %mul3A_1986 = vector.broadcast %broadcast_in_dim3A_1907 : vector<1x1xf32> to vector<1x8xf32>
      %mul3A_1987 = arith.mulf %mul3A_1986, %convert_element_type3A_6 : vector<1x8xf32>
      %jit3A_1988 = arith.constant 0.000000e+00 : f32
      %broadcast_in_dim3A_1989 = vector.broadcast %jit3A_1988 : f32 to vector<8x1152xf32>
      %select_n3A_1990 = arith.select %eq3A_1898, %get3A_174, %broadcast_in_dim3A_1989 : vector<8x1152xi1>, vector<8x1152xf32>
      %reduce_sum3A_1991 = vector.shape_cast %select_n3A_1990 : vector<8x1152xf32> to vector<1x8x1152xf32>
      %reduce_sum3A_1992 = arith.constant dense<0.000000e+00> : vector<1xf32>
      %reduce_sum3A_1993 = vector.multi_reduction <add>, %reduce_sum3A_1991, %reduce_sum3A_1992 [1, 2] : vector<1x8x1152xf32> to vector<1xf32>
      %reduce_sum3A_1994 = vector.shape_cast %reduce_sum3A_1993 : vector<1xf32> to vector<1x1x1xf32>
      %reduce_sum3A_1995 = vector.extract %reduce_sum3A_1994[0, 0, 0] : f32 from vector<1x1x1xf32>
      %broadcast_in_dim3A_1996 = vector.broadcast %reduce_sum3A_1995 : f32 to vector<1x1xf32>
      %mul3A_1997 = vector.broadcast %broadcast_in_dim3A_1996 : vector<1x1xf32> to vector<1x8xf32>
      %mul3A_1998 = arith.mulf %mul3A_1997, %convert_element_type3A_12 : vector<1x8xf32>
      %add3A_1999 = arith.addf %mul3A_1987, %mul3A_1998 : vector<1x8xf32>
      %mul3A_2000 = vector.broadcast %broadcast_in_dim3A_1916 : vector<1x1xf32> to vector<1x8xf32>
      %mul3A_2001 = arith.mulf %mul3A_2000, %convert_element_type3A_18 : vector<1x8xf32>
      %add3A_2002 = arith.addf %add3A_1999, %mul3A_2001 : vector<1x8xf32>
      %jit3A_2003 = arith.constant 0.000000e+00 : f32
      %broadcast_in_dim3A_2004 = vector.broadcast %jit3A_2003 : f32 to vector<8x1152xf32>
      %select_n3A_2005 = arith.select %eq3A_1898, %get3A_184, %broadcast_in_dim3A_2004 : vector<8x1152xi1>, vector<8x1152xf32>
      %reduce_sum3A_2006 = vector.shape_cast %select_n3A_2005 : vector<8x1152xf32> to vector<1x8x1152xf32>
      %reduce_sum3A_2007 = arith.constant dense<0.000000e+00> : vector<1xf32>
      %reduce_sum3A_2008 = vector.multi_reduction <add>, %reduce_sum3A_2006, %reduce_sum3A_2007 [1, 2] : vector<1x8x1152xf32> to vector<1xf32>
      %reduce_sum3A_2009 = vector.shape_cast %reduce_sum3A_2008 : vector<1xf32> to vector<1x1x1xf32>
      %reduce_sum3A_2010 = vector.extract %reduce_sum3A_2009[0, 0, 0] : f32 from vector<1x1x1xf32>
      %broadcast_in_dim3A_2011 = vector.broadcast %reduce_sum3A_2010 : f32 to vector<1x1xf32>
      %mul3A_2012 = vector.broadcast %broadcast_in_dim3A_2011 : vector<1x1xf32> to vector<1x8xf32>
      %mul3A_2013 = arith.mulf %mul3A_2012, %convert_element_type3A_24 : vector<1x8xf32>
      %add3A_2014 = arith.addf %add3A_2002, %mul3A_2013 : vector<1x8xf32>
      %mul3A_2015 = vector.broadcast %broadcast_in_dim3A_1925 : vector<1x1xf32> to vector<1x8xf32>
      %mul3A_2016 = arith.mulf %mul3A_2015, %convert_element_type3A_30 : vector<1x8xf32>
      %add3A_2017 = arith.addf %add3A_2014, %mul3A_2016 : vector<1x8xf32>
      %mul3A_2018 = vector.broadcast %broadcast_in_dim3A_1934 : vector<1x1xf32> to vector<1x8xf32>
      %mul3A_2019 = arith.mulf %mul3A_2018, %convert_element_type3A_36 : vector<1x8xf32>
      %add3A_2020 = arith.addf %add3A_2017, %mul3A_2019 : vector<1x8xf32>
      %jit3A_2021 = arith.constant 0.000000e+00 : f32
      %broadcast_in_dim3A_2022 = vector.broadcast %jit3A_2021 : f32 to vector<8x1152xf32>
      %select_n3A_2023 = arith.select %eq3A_1898, %get3A_199, %broadcast_in_dim3A_2022 : vector<8x1152xi1>, vector<8x1152xf32>
      %reduce_sum3A_2024 = vector.shape_cast %select_n3A_2023 : vector<8x1152xf32> to vector<1x8x1152xf32>
      %reduce_sum3A_2025 = arith.constant dense<0.000000e+00> : vector<1xf32>
      %reduce_sum3A_2026 = vector.multi_reduction <add>, %reduce_sum3A_2024, %reduce_sum3A_2025 [1, 2] : vector<1x8x1152xf32> to vector<1xf32>
      %reduce_sum3A_2027 = vector.shape_cast %reduce_sum3A_2026 : vector<1xf32> to vector<1x1x1xf32>
      %reduce_sum3A_2028 = vector.extract %reduce_sum3A_2027[0, 0, 0] : f32 from vector<1x1x1xf32>
      %broadcast_in_dim3A_2029 = vector.broadcast %reduce_sum3A_2028 : f32 to vector<1x1xf32>
      %mul3A_2030 = vector.broadcast %broadcast_in_dim3A_2029 : vector<1x1xf32> to vector<1x8xf32>
      %mul3A_2031 = arith.mulf %mul3A_2030, %convert_element_type3A_42 : vector<1x8xf32>
      %add3A_2032 = arith.addf %add3A_2020, %mul3A_2031 : vector<1x8xf32>
      %jit3A_2033 = arith.constant 0.000000e+00 : f32
      %broadcast_in_dim3A_2034 = vector.broadcast %jit3A_2033 : f32 to vector<8x1152xf32>
      %select_n3A_2035 = arith.select %eq3A_1898, %get3A_204, %broadcast_in_dim3A_2034 : vector<8x1152xi1>, vector<8x1152xf32>
      %reduce_sum3A_2036 = vector.shape_cast %select_n3A_2035 : vector<8x1152xf32> to vector<1x8x1152xf32>
      %reduce_sum3A_2037 = arith.constant dense<0.000000e+00> : vector<1xf32>
      %reduce_sum3A_2038 = vector.multi_reduction <add>, %reduce_sum3A_2036, %reduce_sum3A_2037 [1, 2] : vector<1x8x1152xf32> to vector<1xf32>
      %reduce_sum3A_2039 = vector.shape_cast %reduce_sum3A_2038 : vector<1xf32> to vector<1x1x1xf32>
      %reduce_sum3A_2040 = vector.extract %reduce_sum3A_2039[0, 0, 0] : f32 from vector<1x1x1xf32>
      %broadcast_in_dim3A_2041 = vector.broadcast %reduce_sum3A_2040 : f32 to vector<1x1xf32>
      %mul3A_2042 = vector.broadcast %broadcast_in_dim3A_2041 : vector<1x1xf32> to vector<1x8xf32>
      %mul3A_2043 = arith.mulf %mul3A_2042, %convert_element_type3A_48 : vector<1x8xf32>
      %add3A_2044 = arith.addf %add3A_2032, %mul3A_2043 : vector<1x8xf32>
      %swap3A_2045 = arith.constant 2 : index
      %swap3A_2046 = arith.index_cast %scan3A_1570 : i32 to index
      %swap3A_2047 = arith.constant 0 : index
      %swap3A_2048 = vector.load %arg1[%swap3A_2045, %swap3A_2046, %swap3A_2047] : memref<4x512x8xf32, #tpu.memory_space<vmem>>, vector<1x1x8xf32>
      %swap3A_2049 = vector.shape_cast %swap3A_2048 : vector<1x1x8xf32> to vector<1x8xf32>
      %swap3A_2050 = vector.shape_cast %add3A_2044 : vector<1x8xf32> to vector<1x1x8xf32>
      tpu.vector_store %arg1[%swap3A_2045, %swap3A_2046, %swap3A_2047], %swap3A_2050 {strides = array<i32>} : memref<4x512x8xf32, #tpu.memory_space<vmem>>, vector<1x1x8xf32>,
      %reduce_min3A_2051 = vector.shape_cast %select_n3A_1503 : vector<8x1152xi32> to vector<1x8x1152xi32>
      %reduce_min3A_2052 = arith.constant dense<2147483647> : vector<1xi32>
      %reduce_min3A_2053 = vector.multi_reduction <minsi>, %reduce_min3A_2051, %reduce_min3A_2052 [1, 2] : vector<1x8x1152xi32> to vector<1xi32>
      %reduce_min3A_2054 = vector.shape_cast %reduce_min3A_2053 : vector<1xi32> to vector<1x1x1xi32>
      %reduce_min3A_2055 = vector.extract %reduce_min3A_2054[0, 0, 0] : i32 from vector<1x1x1xi32>
      %broadcast_in_dim3A_2056 = vector.broadcast %reduce_min3A_2055 : i32 to vector<1x1xi32>
      %eq3A_2057 = vector.broadcast %broadcast_in_dim3A_2056 : vector<1x1xi32> to vector<8x1152xi32>
      %eq3A_2058 = arith.cmpi eq, %add3A, %eq3A_2057 : vector<8x1152xi32>
      %jit3A_2059 = arith.constant 0.000000e+00 : f32
      %broadcast_in_dim3A_2060 = vector.broadcast %jit3A_2059 : f32 to vector<8x1152xf32>
      %select_n3A_2061 = arith.select %eq3A_2058, %get3A_228, %broadcast_in_dim3A_2060 : vector<8x1152xi1>, vector<8x1152xf32>
      %reduce_sum3A_2062 = vector.shape_cast %select_n3A_2061 : vector<8x1152xf32> to vector<1x8x1152xf32>
      %reduce_sum3A_2063 = arith.constant dense<0.000000e+00> : vector<1xf32>
      %reduce_sum3A_2064 = vector.multi_reduction <add>, %reduce_sum3A_2062, %reduce_sum3A_2063 [1, 2] : vector<1x8x1152xf32> to vector<1xf32>
      %reduce_sum3A_2065 = vector.shape_cast %reduce_sum3A_2064 : vector<1xf32> to vector<1x1x1xf32>
      %reduce_sum3A_2066 = vector.extract %reduce_sum3A_2065[0, 0, 0] : f32 from vector<1x1x1xf32>
      %broadcast_in_dim3A_2067 = vector.broadcast %reduce_sum3A_2066 : f32 to vector<1x1xf32>
      %jit3A_2068 = arith.constant 0.000000e+00 : f32
      %broadcast_in_dim3A_2069 = vector.broadcast %jit3A_2068 : f32 to vector<8x1152xf32>
      %select_n3A_2070 = arith.select %eq3A_2058, %get3A_238, %broadcast_in_dim3A_2069 : vector<8x1152xi1>, vector<8x1152xf32>
      %reduce_sum3A_2071 = vector.shape_cast %select_n3A_2070 : vector<8x1152xf32> to vector<1x8x1152xf32>
      %reduce_sum3A_2072 = arith.constant dense<0.000000e+00> : vector<1xf32>
      %reduce_sum3A_2073 = vector.multi_reduction <add>, %reduce_sum3A_2071, %reduce_sum3A_2072 [1, 2] : vector<1x8x1152xf32> to vector<1xf32>
      %reduce_sum3A_2074 = vector.shape_cast %reduce_sum3A_2073 : vector<1xf32> to vector<1x1x1xf32>
      %reduce_sum3A_2075 = vector.extract %reduce_sum3A_2074[0, 0, 0] : f32 from vector<1x1x1xf32>
      %broadcast_in_dim3A_2076 = vector.broadcast %reduce_sum3A_2075 : f32 to vector<1x1xf32>
      %jit3A_2077 = arith.constant 0.000000e+00 : f32
      %broadcast_in_dim3A_2078 = vector.broadcast %jit3A_2077 : f32 to vector<8x1152xf32>
      %select_n3A_2079 = arith.select %eq3A_2058, %get3A_248, %broadcast_in_dim3A_2078 : vector<8x1152xi1>, vector<8x1152xf32>
      %reduce_sum3A_2080 = vector.shape_cast %select_n3A_2079 : vector<8x1152xf32> to vector<1x8x1152xf32>
      %reduce_sum3A_2081 = arith.constant dense<0.000000e+00> : vector<1xf32>
      %reduce_sum3A_2082 = vector.multi_reduction <add>, %reduce_sum3A_2080, %reduce_sum3A_2081 [1, 2] : vector<1x8x1152xf32> to vector<1xf32>
      %reduce_sum3A_2083 = vector.shape_cast %reduce_sum3A_2082 : vector<1xf32> to vector<1x1x1xf32>
      %reduce_sum3A_2084 = vector.extract %reduce_sum3A_2083[0, 0, 0] : f32 from vector<1x1x1xf32>
      %broadcast_in_dim3A_2085 = vector.broadcast %reduce_sum3A_2084 : f32 to vector<1x1xf32>
      %jit3A_2086 = arith.constant 0.000000e+00 : f32
      %broadcast_in_dim3A_2087 = vector.broadcast %jit3A_2086 : f32 to vector<8x1152xf32>
      %select_n3A_2088 = arith.select %eq3A_2058, %get3A_253, %broadcast_in_dim3A_2087 : vector<8x1152xi1>, vector<8x1152xf32>
      %reduce_sum3A_2089 = vector.shape_cast %select_n3A_2088 : vector<8x1152xf32> to vector<1x8x1152xf32>
      %reduce_sum3A_2090 = arith.constant dense<0.000000e+00> : vector<1xf32>
      %reduce_sum3A_2091 = vector.multi_reduction <add>, %reduce_sum3A_2089, %reduce_sum3A_2090 [1, 2] : vector<1x8x1152xf32> to vector<1xf32>
      %reduce_sum3A_2092 = vector.shape_cast %reduce_sum3A_2091 : vector<1xf32> to vector<1x1x1xf32>
      %reduce_sum3A_2093 = vector.extract %reduce_sum3A_2092[0, 0, 0] : f32 from vector<1x1x1xf32>
      %broadcast_in_dim3A_2094 = vector.broadcast %reduce_sum3A_2093 : f32 to vector<1x1xf32>
      %mul3A_2095 = arith.constant 5.000000e-01 : f32
      %mul3A_2096 = vector.broadcast %mul3A_2095 : f32 to vector<1x1xf32>
      %mul3A_2097 = arith.mulf %broadcast_in_dim3A_2094, %mul3A_2096 : vector<1x1xf32>
      %sub3A_2098 = arith.subf %broadcast_in_dim3A_2067, %mul3A_2097 : vector<1x1xf32>
      %mul3A_2099 = arith.constant 5.000000e-01 : f32
      %mul3A_2100 = vector.broadcast %mul3A_2099 : f32 to vector<1x1xf32>
      %mul3A_2101 = arith.mulf %broadcast_in_dim3A_2094, %mul3A_2100 : vector<1x1xf32>
      %add3A_2102 = arith.addf %broadcast_in_dim3A_2067, %mul3A_2101 : vector<1x1xf32>
      %mul3A_2103 = arith.constant 5.000000e-01 : f32
      %mul3A_2104 = vector.broadcast %mul3A_2103 : f32 to vector<1x1xf32>
      %mul3A_2105 = arith.mulf %broadcast_in_dim3A_2085, %mul3A_2104 : vector<1x1xf32>
      %sub3A_2106 = arith.subf %broadcast_in_dim3A_2076, %mul3A_2105 : vector<1x1xf32>
      %mul3A_2107 = arith.constant 5.000000e-01 : f32
      %mul3A_2108 = vector.broadcast %mul3A_2107 : f32 to vector<1x1xf32>
      %mul3A_2109 = arith.mulf %broadcast_in_dim3A_2085, %mul3A_2108 : vector<1x1xf32>
      %add3A_2110 = arith.addf %broadcast_in_dim3A_2076, %mul3A_2109 : vector<1x1xf32>
      %sub3A_2111 = arith.subf %add3A_2102, %sub3A_2098 : vector<1x1xf32>
      %sub3A_2112 = arith.subf %add3A_2110, %sub3A_2106 : vector<1x1xf32>
      %mul3A_2113 = arith.mulf %sub3A_2111, %sub3A_2112 : vector<1x1xf32>
      %min3A_2114 = vector.broadcast %add3A_2102 : vector<1x1xf32> to vector<8x1152xf32>
      %min3A_2115 = arith.minimumf %min3A_2114, %add3A_271 : vector<8x1152xf32>
      %max3A_2116 = vector.broadcast %sub3A_2098 : vector<1x1xf32> to vector<8x1152xf32>
      %max3A_2117 = arith.maximumf %max3A_2116, %sub3A_267 : vector<8x1152xf32>
      %sub3A_2118 = arith.subf %min3A_2115, %max3A_2117 : vector<8x1152xf32>
      %max3A_2119 = arith.constant 0.000000e+00 : f32
      %max3A_2120 = vector.broadcast %max3A_2119 : f32 to vector<8x1152xf32>
      %max3A_2121 = arith.maximumf %sub3A_2118, %max3A_2120 : vector<8x1152xf32>
      %min3A_2122 = vector.broadcast %add3A_2110 : vector<1x1xf32> to vector<8x1152xf32>
      %min3A_2123 = arith.minimumf %min3A_2122, %add3A_279 : vector<8x1152xf32>
      %max3A_2124 = vector.broadcast %sub3A_2106 : vector<1x1xf32> to vector<8x1152xf32>
      %max3A_2125 = arith.maximumf %max3A_2124, %sub3A_275 : vector<8x1152xf32>
      %sub3A_2126 = arith.subf %min3A_2123, %max3A_2125 : vector<8x1152xf32>
      %max3A_2127 = arith.constant 0.000000e+00 : f32
      %max3A_2128 = vector.broadcast %max3A_2127 : f32 to vector<8x1152xf32>
      %max3A_2129 = arith.maximumf %sub3A_2126, %max3A_2128 : vector<8x1152xf32>
      %mul3A_2130 = arith.mulf %max3A_2121, %max3A_2129 : vector<8x1152xf32>
      %add3A_2131 = vector.broadcast %mul3A_2113 : vector<1x1xf32> to vector<8x1152xf32>
      %add3A_2132 = arith.addf %add3A_2131, %mul3A_282 : vector<8x1152xf32>
      %sub3A_2133 = arith.subf %add3A_2132, %mul3A_2130 : vector<8x1152xf32>
      %max3A_2134 = arith.constant 9.99999997E-7 : f32
      %max3A_2135 = vector.broadcast %max3A_2134 : f32 to vector<8x1152xf32>
      %max3A_2136 = arith.maximumf %sub3A_2133, %max3A_2135 : vector<8x1152xf32>
      %div3A_2137 = arith.divf %mul3A_2130, %max3A_2136 : vector<8x1152xf32>
      %le3A_2138 = arith.constant 8.500000e-01 : f32
      %le3A_2139 = vector.broadcast %le3A_2138 : f32 to vector<8x1152xf32>
      %le3A_2140 = arith.cmpf ole, %div3A_2137, %le3A_2139 : vector<8x1152xf32>
      %ne3A_2141 = vector.broadcast %broadcast_in_dim3A_2056 : vector<1x1xi32> to vector<8x1152xi32>
      %ne3A_2142 = arith.cmpi ne, %add3A, %ne3A_2141 : vector<8x1152xi32>
      %and3A_2143 = arith.andi %le3A_2140, %ne3A_2142 : vector<8x1152xi1>
      %broadcast_in_dim3A_2144 = vector.broadcast %scan3A : i32 to vector<8x1152xi32>
      %select_n3A_2145 = arith.select %and3A_2143, %select_n3A_1503, %broadcast_in_dim3A_2144 : vector<8x1152xi1>, vector<8x1152xi32>
      %mul3A_2146 = vector.broadcast %broadcast_in_dim3A_2067 : vector<1x1xf32> to vector<1x8xf32>
      %mul3A_2147 = arith.mulf %mul3A_2146, %convert_element_type3A_6 : vector<1x8xf32>
      %jit3A_2148 = arith.constant 0.000000e+00 : f32
      %broadcast_in_dim3A_2149 = vector.broadcast %jit3A_2148 : f32 to vector<8x1152xf32>
      %select_n3A_2150 = arith.select %eq3A_2058, %get3A_233, %broadcast_in_dim3A_2149 : vector<8x1152xi1>, vector<8x1152xf32>
      %reduce_sum3A_2151 = vector.shape_cast %select_n3A_2150 : vector<8x1152xf32> to vector<1x8x1152xf32>
      %reduce_sum3A_2152 = arith.constant dense<0.000000e+00> : vector<1xf32>
      %reduce_sum3A_2153 = vector.multi_reduction <add>, %reduce_sum3A_2151, %reduce_sum3A_2152 [1, 2] : vector<1x8x1152xf32> to vector<1xf32>
      %reduce_sum3A_2154 = vector.shape_cast %reduce_sum3A_2153 : vector<1xf32> to vector<1x1x1xf32>
      %reduce_sum3A_2155 = vector.extract %reduce_sum3A_2154[0, 0, 0] : f32 from vector<1x1x1xf32>
      %broadcast_in_dim3A_2156 = vector.broadcast %reduce_sum3A_2155 : f32 to vector<1x1xf32>
      %mul3A_2157 = vector.broadcast %broadcast_in_dim3A_2156 : vector<1x1xf32> to vector<1x8xf32>
      %mul3A_2158 = arith.mulf %mul3A_2157, %convert_element_type3A_12 : vector<1x8xf32>
      %add3A_2159 = arith.addf %mul3A_2147, %mul3A_2158 : vector<1x8xf32>
      %mul3A_2160 = vector.broadcast %broadcast_in_dim3A_2076 : vector<1x1xf32> to vector<1x8xf32>
      %mul3A_2161 = arith.mulf %mul3A_2160, %convert_element_type3A_18 : vector<1x8xf32>
      %add3A_2162 = arith.addf %add3A_2159, %mul3A_2161 : vector<1x8xf32>
      %jit3A_2163 = arith.constant 0.000000e+00 : f32
      %broadcast_in_dim3A_2164 = vector.broadcast %jit3A_2163 : f32 to vector<8x1152xf32>
      %select_n3A_2165 = arith.select %eq3A_2058, %get3A_243, %broadcast_in_dim3A_2164 : vector<8x1152xi1>, vector<8x1152xf32>
      %reduce_sum3A_2166 = vector.shape_cast %select_n3A_2165 : vector<8x1152xf32> to vector<1x8x1152xf32>
      %reduce_sum3A_2167 = arith.constant dense<0.000000e+00> : vector<1xf32>
      %reduce_sum3A_2168 = vector.multi_reduction <add>, %reduce_sum3A_2166, %reduce_sum3A_2167 [1, 2] : vector<1x8x1152xf32> to vector<1xf32>
      %reduce_sum3A_2169 = vector.shape_cast %reduce_sum3A_2168 : vector<1xf32> to vector<1x1x1xf32>
      %reduce_sum3A_2170 = vector.extract %reduce_sum3A_2169[0, 0, 0] : f32 from vector<1x1x1xf32>
      %broadcast_in_dim3A_2171 = vector.broadcast %reduce_sum3A_2170 : f32 to vector<1x1xf32>
      %mul3A_2172 = vector.broadcast %broadcast_in_dim3A_2171 : vector<1x1xf32> to vector<1x8xf32>
      %mul3A_2173 = arith.mulf %mul3A_2172, %convert_element_type3A_24 : vector<1x8xf32>
      %add3A_2174 = arith.addf %add3A_2162, %mul3A_2173 : vector<1x8xf32>
      %mul3A_2175 = vector.broadcast %broadcast_in_dim3A_2085 : vector<1x1xf32> to vector<1x8xf32>
      %mul3A_2176 = arith.mulf %mul3A_2175, %convert_element_type3A_30 : vector<1x8xf32>
      %add3A_2177 = arith.addf %add3A_2174, %mul3A_2176 : vector<1x8xf32>
      %mul3A_2178 = vector.broadcast %broadcast_in_dim3A_2094 : vector<1x1xf32> to vector<1x8xf32>
      %mul3A_2179 = arith.mulf %mul3A_2178, %convert_element_type3A_36 : vector<1x8xf32>
      %add3A_2180 = arith.addf %add3A_2177, %mul3A_2179 : vector<1x8xf32>
      %jit3A_2181 = arith.constant 0.000000e+00 : f32
      %broadcast_in_dim3A_2182 = vector.broadcast %jit3A_2181 : f32 to vector<8x1152xf32>
      %select_n3A_2183 = arith.select %eq3A_2058, %get3A_258, %broadcast_in_dim3A_2182 : vector<8x1152xi1>, vector<8x1152xf32>
      %reduce_sum3A_2184 = vector.shape_cast %select_n3A_2183 : vector<8x1152xf32> to vector<1x8x1152xf32>
      %reduce_sum3A_2185 = arith.constant dense<0.000000e+00> : vector<1xf32>
      %reduce_sum3A_2186 = vector.multi_reduction <add>, %reduce_sum3A_2184, %reduce_sum3A_2185 [1, 2] : vector<1x8x1152xf32> to vector<1xf32>
      %reduce_sum3A_2187 = vector.shape_cast %reduce_sum3A_2186 : vector<1xf32> to vector<1x1x1xf32>
      %reduce_sum3A_2188 = vector.extract %reduce_sum3A_2187[0, 0, 0] : f32 from vector<1x1x1xf32>
      %broadcast_in_dim3A_2189 = vector.broadcast %reduce_sum3A_2188 : f32 to vector<1x1xf32>
      %mul3A_2190 = vector.broadcast %broadcast_in_dim3A_2189 : vector<1x1xf32> to vector<1x8xf32>
      %mul3A_2191 = arith.mulf %mul3A_2190, %convert_element_type3A_42 : vector<1x8xf32>
      %add3A_2192 = arith.addf %add3A_2180, %mul3A_2191 : vector<1x8xf32>
      %jit3A_2193 = arith.constant 0.000000e+00 : f32
      %broadcast_in_dim3A_2194 = vector.broadcast %jit3A_2193 : f32 to vector<8x1152xf32>
      %select_n3A_2195 = arith.select %eq3A_2058, %get3A_263, %broadcast_in_dim3A_2194 : vector<8x1152xi1>, vector<8x1152xf32>
      %reduce_sum3A_2196 = vector.shape_cast %select_n3A_2195 : vector<8x1152xf32> to vector<1x8x1152xf32>
      %reduce_sum3A_2197 = arith.constant dense<0.000000e+00> : vector<1xf32>
      %reduce_sum3A_2198 = vector.multi_reduction <add>, %reduce_sum3A_2196, %reduce_sum3A_2197 [1, 2] : vector<1x8x1152xf32> to vector<1xf32>
      %reduce_sum3A_2199 = vector.shape_cast %reduce_sum3A_2198 : vector<1xf32> to vector<1x1x1xf32>
      %reduce_sum3A_2200 = vector.extract %reduce_sum3A_2199[0, 0, 0] : f32 from vector<1x1x1xf32>
      %broadcast_in_dim3A_2201 = vector.broadcast %reduce_sum3A_2200 : f32 to vector<1x1xf32>
      %mul3A_2202 = vector.broadcast %broadcast_in_dim3A_2201 : vector<1x1xf32> to vector<1x8xf32>
      %mul3A_2203 = arith.mulf %mul3A_2202, %convert_element_type3A_48 : vector<1x8xf32>
      %add3A_2204 = arith.addf %add3A_2192, %mul3A_2203 : vector<1x8xf32>
      %swap3A_2205 = arith.constant 3 : index
      %swap3A_2206 = arith.index_cast %scan3A_1570 : i32 to index
      %swap3A_2207 = arith.constant 0 : index
      %swap3A_2208 = vector.load %arg1[%swap3A_2205, %swap3A_2206, %swap3A_2207] : memref<4x512x8xf32, #tpu.memory_space<vmem>>, vector<1x1x8xf32>
      %swap3A_2209 = vector.shape_cast %swap3A_2208 : vector<1x1x8xf32> to vector<1x8xf32>
      %swap3A_2210 = vector.shape_cast %add3A_2204 : vector<1x8xf32> to vector<1x1x8xf32>
      tpu.vector_store %arg1[%swap3A_2205, %swap3A_2206, %swap3A_2207], %swap3A_2210 {strides = array<i32>} : memref<4x512x8xf32, #tpu.memory_space<vmem>>, vector<1x1x8xf32>,
      %scan3A_2211 = arith.constant 3 : i32
      %scan3A_2212 = arith.addi %scan3A_291, %scan3A_2211 : i32
      %reduce_min3A_2213 = vector.shape_cast %select_n3A_1665 : vector<8x1152xi32> to vector<1x8x1152xi32>
      %reduce_min3A_2214 = arith.constant dense<2147483647> : vector<1xi32>
      %reduce_min3A_2215 = vector.multi_reduction <minsi>, %reduce_min3A_2213, %reduce_min3A_2214 [1, 2] : vector<1x8x1152xi32> to vector<1xi32>
      %reduce_min3A_2216 = vector.shape_cast %reduce_min3A_2215 : vector<1xi32> to vector<1x1x1xi32>
      %reduce_min3A_2217 = vector.extract %reduce_min3A_2216[0, 0, 0] : i32 from vector<1x1x1xi32>
      %broadcast_in_dim3A_2218 = vector.broadcast %reduce_min3A_2217 : i32 to vector<1x1xi32>
      %eq3A_2219 = vector.broadcast %broadcast_in_dim3A_2218 : vector<1x1xi32> to vector<8x1152xi32>
      %eq3A_2220 = arith.cmpi eq, %add3A, %eq3A_2219 : vector<8x1152xi32>
      %jit3A_2221 = arith.constant 0.000000e+00 : f32
      %broadcast_in_dim3A_2222 = vector.broadcast %jit3A_2221 : f32 to vector<8x1152xf32>
      %select_n3A_2223 = arith.select %eq3A_2220, %get3A_52, %broadcast_in_dim3A_2222 : vector<8x1152xi1>, vector<8x1152xf32>
      %reduce_sum3A_2224 = vector.shape_cast %select_n3A_2223 : vector<8x1152xf32> to vector<1x8x1152xf32>
      %reduce_sum3A_2225 = arith.constant dense<0.000000e+00> : vector<1xf32>
      %reduce_sum3A_2226 = vector.multi_reduction <add>, %reduce_sum3A_2224, %reduce_sum3A_2225 [1, 2] : vector<1x8x1152xf32> to vector<1xf32>
      %reduce_sum3A_2227 = vector.shape_cast %reduce_sum3A_2226 : vector<1xf32> to vector<1x1x1xf32>
      %reduce_sum3A_2228 = vector.extract %reduce_sum3A_2227[0, 0, 0] : f32 from vector<1x1x1xf32>
      %broadcast_in_dim3A_2229 = vector.broadcast %reduce_sum3A_2228 : f32 to vector<1x1xf32>
      %jit3A_2230 = arith.constant 0.000000e+00 : f32
      %broadcast_in_dim3A_2231 = vector.broadcast %jit3A_2230 : f32 to vector<8x1152xf32>
      %select_n3A_2232 = arith.select %eq3A_2220, %get3A_62, %broadcast_in_dim3A_2231 : vector<8x1152xi1>, vector<8x1152xf32>
      %reduce_sum3A_2233 = vector.shape_cast %select_n3A_2232 : vector<8x1152xf32> to vector<1x8x1152xf32>
      %reduce_sum3A_2234 = arith.constant dense<0.000000e+00> : vector<1xf32>
      %reduce_sum3A_2235 = vector.multi_reduction <add>, %reduce_sum3A_2233, %reduce_sum3A_2234 [1, 2] : vector<1x8x1152xf32> to vector<1xf32>
      %reduce_sum3A_2236 = vector.shape_cast %reduce_sum3A_2235 : vector<1xf32> to vector<1x1x1xf32>
      %reduce_sum3A_2237 = vector.extract %reduce_sum3A_2236[0, 0, 0] : f32 from vector<1x1x1xf32>
      %broadcast_in_dim3A_2238 = vector.broadcast %reduce_sum3A_2237 : f32 to vector<1x1xf32>
      %jit3A_2239 = arith.constant 0.000000e+00 : f32
      %broadcast_in_dim3A_2240 = vector.broadcast %jit3A_2239 : f32 to vector<8x1152xf32>
      %select_n3A_2241 = arith.select %eq3A_2220, %get3A_72, %broadcast_in_dim3A_2240 : vector<8x1152xi1>, vector<8x1152xf32>
      %reduce_sum3A_2242 = vector.shape_cast %select_n3A_2241 : vector<8x1152xf32> to vector<1x8x1152xf32>
      %reduce_sum3A_2243 = arith.constant dense<0.000000e+00> : vector<1xf32>
      %reduce_sum3A_2244 = vector.multi_reduction <add>, %reduce_sum3A_2242, %reduce_sum3A_2243 [1, 2] : vector<1x8x1152xf32> to vector<1xf32>
      %reduce_sum3A_2245 = vector.shape_cast %reduce_sum3A_2244 : vector<1xf32> to vector<1x1x1xf32>
      %reduce_sum3A_2246 = vector.extract %reduce_sum3A_2245[0, 0, 0] : f32 from vector<1x1x1xf32>
      %broadcast_in_dim3A_2247 = vector.broadcast %reduce_sum3A_2246 : f32 to vector<1x1xf32>
      %jit3A_2248 = arith.constant 0.000000e+00 : f32
      %broadcast_in_dim3A_2249 = vector.broadcast %jit3A_2248 : f32 to vector<8x1152xf32>
      %select_n3A_2250 = arith.select %eq3A_2220, %get3A_77, %broadcast_in_dim3A_2249 : vector<8x1152xi1>, vector<8x1152xf32>
      %reduce_sum3A_2251 = vector.shape_cast %select_n3A_2250 : vector<8x1152xf32> to vector<1x8x1152xf32>
      %reduce_sum3A_2252 = arith.constant dense<0.000000e+00> : vector<1xf32>
      %reduce_sum3A_2253 = vector.multi_reduction <add>, %reduce_sum3A_2251, %reduce_sum3A_2252 [1, 2] : vector<1x8x1152xf32> to vector<1xf32>
      %reduce_sum3A_2254 = vector.shape_cast %reduce_sum3A_2253 : vector<1xf32> to vector<1x1x1xf32>
      %reduce_sum3A_2255 = vector.extract %reduce_sum3A_2254[0, 0, 0] : f32 from vector<1x1x1xf32>
      %broadcast_in_dim3A_2256 = vector.broadcast %reduce_sum3A_2255 : f32 to vector<1x1xf32>
      %mul3A_2257 = arith.constant 5.000000e-01 : f32
      %mul3A_2258 = vector.broadcast %mul3A_2257 : f32 to vector<1x1xf32>
      %mul3A_2259 = arith.mulf %broadcast_in_dim3A_2256, %mul3A_2258 : vector<1x1xf32>
      %sub3A_2260 = arith.subf %broadcast_in_dim3A_2229, %mul3A_2259 : vector<1x1xf32>
      %mul3A_2261 = arith.constant 5.000000e-01 : f32
      %mul3A_2262 = vector.broadcast %mul3A_2261 : f32 to vector<1x1xf32>
      %mul3A_2263 = arith.mulf %broadcast_in_dim3A_2256, %mul3A_2262 : vector<1x1xf32>
      %add3A_2264 = arith.addf %broadcast_in_dim3A_2229, %mul3A_2263 : vector<1x1xf32>
      %mul3A_2265 = arith.constant 5.000000e-01 : f32
      %mul3A_2266 = vector.broadcast %mul3A_2265 : f32 to vector<1x1xf32>
      %mul3A_2267 = arith.mulf %broadcast_in_dim3A_2247, %mul3A_2266 : vector<1x1xf32>
      %sub3A_2268 = arith.subf %broadcast_in_dim3A_2238, %mul3A_2267 : vector<1x1xf32>
      %mul3A_2269 = arith.constant 5.000000e-01 : f32
      %mul3A_2270 = vector.broadcast %mul3A_2269 : f32 to vector<1x1xf32>
      %mul3A_2271 = arith.mulf %broadcast_in_dim3A_2247, %mul3A_2270 : vector<1x1xf32>
      %add3A_2272 = arith.addf %broadcast_in_dim3A_2238, %mul3A_2271 : vector<1x1xf32>
      %sub3A_2273 = arith.subf %add3A_2264, %sub3A_2260 : vector<1x1xf32>
      %sub3A_2274 = arith.subf %add3A_2272, %sub3A_2268 : vector<1x1xf32>
      %mul3A_2275 = arith.mulf %sub3A_2273, %sub3A_2274 : vector<1x1xf32>
      %min3A_2276 = vector.broadcast %add3A_2264 : vector<1x1xf32> to vector<8x1152xf32>
      %min3A_2277 = arith.minimumf %min3A_2276, %add3A_94 : vector<8x1152xf32>
      %max3A_2278 = vector.broadcast %sub3A_2260 : vector<1x1xf32> to vector<8x1152xf32>
      %max3A_2279 = arith.maximumf %max3A_2278, %sub3A : vector<8x1152xf32>
      %sub3A_2280 = arith.subf %min3A_2277, %max3A_2279 : vector<8x1152xf32>
      %max3A_2281 = arith.constant 0.000000e+00 : f32
      %max3A_2282 = vector.broadcast %max3A_2281 : f32 to vector<8x1152xf32>
      %max3A_2283 = arith.maximumf %sub3A_2280, %max3A_2282 : vector<8x1152xf32>
      %min3A_2284 = vector.broadcast %add3A_2272 : vector<1x1xf32> to vector<8x1152xf32>
      %min3A_2285 = arith.minimumf %min3A_2284, %add3A_102 : vector<8x1152xf32>
      %max3A_2286 = vector.broadcast %sub3A_2268 : vector<1x1xf32> to vector<8x1152xf32>
      %max3A_2287 = arith.maximumf %max3A_2286, %sub3A_98 : vector<8x1152xf32>
      %sub3A_2288 = arith.subf %min3A_2285, %max3A_2287 : vector<8x1152xf32>
      %max3A_2289 = arith.constant 0.000000e+00 : f32
      %max3A_2290 = vector.broadcast %max3A_2289 : f32 to vector<8x1152xf32>
      %max3A_2291 = arith.maximumf %sub3A_2288, %max3A_2290 : vector<8x1152xf32>
      %mul3A_2292 = arith.mulf %max3A_2283, %max3A_2291 : vector<8x1152xf32>
      %add3A_2293 = vector.broadcast %mul3A_2275 : vector<1x1xf32> to vector<8x1152xf32>
      %add3A_2294 = arith.addf %add3A_2293, %mul3A_105 : vector<8x1152xf32>
      %sub3A_2295 = arith.subf %add3A_2294, %mul3A_2292 : vector<8x1152xf32>
      %max3A_2296 = arith.constant 9.99999997E-7 : f32
      %max3A_2297 = vector.broadcast %max3A_2296 : f32 to vector<8x1152xf32>
      %max3A_2298 = arith.maximumf %sub3A_2295, %max3A_2297 : vector<8x1152xf32>
      %div3A_2299 = arith.divf %mul3A_2292, %max3A_2298 : vector<8x1152xf32>
      %le3A_2300 = arith.constant 8.500000e-01 : f32
      %le3A_2301 = vector.broadcast %le3A_2300 : f32 to vector<8x1152xf32>
      %le3A_2302 = arith.cmpf ole, %div3A_2299, %le3A_2301 : vector<8x1152xf32>
      %ne3A_2303 = vector.broadcast %broadcast_in_dim3A_2218 : vector<1x1xi32> to vector<8x1152xi32>
      %ne3A_2304 = arith.cmpi ne, %add3A, %ne3A_2303 : vector<8x1152xi32>
      %and3A_2305 = arith.andi %le3A_2302, %ne3A_2304 : vector<8x1152xi1>
      %broadcast_in_dim3A_2306 = vector.broadcast %scan3A : i32 to vector<8x1152xi32>
      %select_n3A_2307 = arith.select %and3A_2305, %select_n3A_1665, %broadcast_in_dim3A_2306 : vector<8x1152xi1>, vector<8x1152xi32>
      %mul3A_2308 = vector.broadcast %broadcast_in_dim3A_2229 : vector<1x1xf32> to vector<1x8xf32>
      %mul3A_2309 = arith.mulf %mul3A_2308, %convert_element_type3A_6 : vector<1x8xf32>
      %jit3A_2310 = arith.constant 0.000000e+00 : f32
      %broadcast_in_dim3A_2311 = vector.broadcast %jit3A_2310 : f32 to vector<8x1152xf32>
      %select_n3A_2312 = arith.select %eq3A_2220, %get3A_57, %broadcast_in_dim3A_2311 : vector<8x1152xi1>, vector<8x1152xf32>
      %reduce_sum3A_2313 = vector.shape_cast %select_n3A_2312 : vector<8x1152xf32> to vector<1x8x1152xf32>
      %reduce_sum3A_2314 = arith.constant dense<0.000000e+00> : vector<1xf32>
      %reduce_sum3A_2315 = vector.multi_reduction <add>, %reduce_sum3A_2313, %reduce_sum3A_2314 [1, 2] : vector<1x8x1152xf32> to vector<1xf32>
      %reduce_sum3A_2316 = vector.shape_cast %reduce_sum3A_2315 : vector<1xf32> to vector<1x1x1xf32>
      %reduce_sum3A_2317 = vector.extract %reduce_sum3A_2316[0, 0, 0] : f32 from vector<1x1x1xf32>
      %broadcast_in_dim3A_2318 = vector.broadcast %reduce_sum3A_2317 : f32 to vector<1x1xf32>
      %mul3A_2319 = vector.broadcast %broadcast_in_dim3A_2318 : vector<1x1xf32> to vector<1x8xf32>
      %mul3A_2320 = arith.mulf %mul3A_2319, %convert_element_type3A_12 : vector<1x8xf32>
      %add3A_2321 = arith.addf %mul3A_2309, %mul3A_2320 : vector<1x8xf32>
      %mul3A_2322 = vector.broadcast %broadcast_in_dim3A_2238 : vector<1x1xf32> to vector<1x8xf32>
      %mul3A_2323 = arith.mulf %mul3A_2322, %convert_element_type3A_18 : vector<1x8xf32>
      %add3A_2324 = arith.addf %add3A_2321, %mul3A_2323 : vector<1x8xf32>
      %jit3A_2325 = arith.constant 0.000000e+00 : f32
      %broadcast_in_dim3A_2326 = vector.broadcast %jit3A_2325 : f32 to vector<8x1152xf32>
      %select_n3A_2327 = arith.select %eq3A_2220, %get3A_67, %broadcast_in_dim3A_2326 : vector<8x1152xi1>, vector<8x1152xf32>
      %reduce_sum3A_2328 = vector.shape_cast %select_n3A_2327 : vector<8x1152xf32> to vector<1x8x1152xf32>
      %reduce_sum3A_2329 = arith.constant dense<0.000000e+00> : vector<1xf32>
      %reduce_sum3A_2330 = vector.multi_reduction <add>, %reduce_sum3A_2328, %reduce_sum3A_2329 [1, 2] : vector<1x8x1152xf32> to vector<1xf32>
      %reduce_sum3A_2331 = vector.shape_cast %reduce_sum3A_2330 : vector<1xf32> to vector<1x1x1xf32>
      %reduce_sum3A_2332 = vector.extract %reduce_sum3A_2331[0, 0, 0] : f32 from vector<1x1x1xf32>
      %broadcast_in_dim3A_2333 = vector.broadcast %reduce_sum3A_2332 : f32 to vector<1x1xf32>
      %mul3A_2334 = vector.broadcast %broadcast_in_dim3A_2333 : vector<1x1xf32> to vector<1x8xf32>
      %mul3A_2335 = arith.mulf %mul3A_2334, %convert_element_type3A_24 : vector<1x8xf32>
      %add3A_2336 = arith.addf %add3A_2324, %mul3A_2335 : vector<1x8xf32>
      %mul3A_2337 = vector.broadcast %broadcast_in_dim3A_2247 : vector<1x1xf32> to vector<1x8xf32>
      %mul3A_2338 = arith.mulf %mul3A_2337, %convert_element_type3A_30 : vector<1x8xf32>
      %add3A_2339 = arith.addf %add3A_2336, %mul3A_2338 : vector<1x8xf32>
      %mul3A_2340 = vector.broadcast %broadcast_in_dim3A_2256 : vector<1x1xf32> to vector<1x8xf32>
      %mul3A_2341 = arith.mulf %mul3A_2340, %convert_element_type3A_36 : vector<1x8xf32>
      %add3A_2342 = arith.addf %add3A_2339, %mul3A_2341 : vector<1x8xf32>
      %jit3A_2343 = arith.constant 0.000000e+00 : f32
      %broadcast_in_dim3A_2344 = vector.broadcast %jit3A_2343 : f32 to vector<8x1152xf32>
      %select_n3A_2345 = arith.select %eq3A_2220, %get3A_82, %broadcast_in_dim3A_2344 : vector<8x1152xi1>, vector<8x1152xf32>
      %reduce_sum3A_2346 = vector.shape_cast %select_n3A_2345 : vector<8x1152xf32> to vector<1x8x1152xf32>
      %reduce_sum3A_2347 = arith.constant dense<0.000000e+00> : vector<1xf32>
      %reduce_sum3A_2348 = vector.multi_reduction <add>, %reduce_sum3A_2346, %reduce_sum3A_2347 [1, 2] : vector<1x8x1152xf32> to vector<1xf32>
      %reduce_sum3A_2349 = vector.shape_cast %reduce_sum3A_2348 : vector<1xf32> to vector<1x1x1xf32>
      %reduce_sum3A_2350 = vector.extract %reduce_sum3A_2349[0, 0, 0] : f32 from vector<1x1x1xf32>
      %broadcast_in_dim3A_2351 = vector.broadcast %reduce_sum3A_2350 : f32 to vector<1x1xf32>
      %mul3A_2352 = vector.broadcast %broadcast_in_dim3A_2351 : vector<1x1xf32> to vector<1x8xf32>
      %mul3A_2353 = arith.mulf %mul3A_2352, %convert_element_type3A_42 : vector<1x8xf32>
      %add3A_2354 = arith.addf %add3A_2342, %mul3A_2353 : vector<1x8xf32>
      %jit3A_2355 = arith.constant 0.000000e+00 : f32
      %broadcast_in_dim3A_2356 = vector.broadcast %jit3A_2355 : f32 to vector<8x1152xf32>
      %select_n3A_2357 = arith.select %eq3A_2220, %get3A_87, %broadcast_in_dim3A_2356 : vector<8x1152xi1>, vector<8x1152xf32>
      %reduce_sum3A_2358 = vector.shape_cast %select_n3A_2357 : vector<8x1152xf32> to vector<1x8x1152xf32>
      %reduce_sum3A_2359 = arith.constant dense<0.000000e+00> : vector<1xf32>
      %reduce_sum3A_2360 = vector.multi_reduction <add>, %reduce_sum3A_2358, %reduce_sum3A_2359 [1, 2] : vector<1x8x1152xf32> to vector<1xf32>
      %reduce_sum3A_2361 = vector.shape_cast %reduce_sum3A_2360 : vector<1xf32> to vector<1x1x1xf32>
      %reduce_sum3A_2362 = vector.extract %reduce_sum3A_2361[0, 0, 0] : f32 from vector<1x1x1xf32>
      %broadcast_in_dim3A_2363 = vector.broadcast %reduce_sum3A_2362 : f32 to vector<1x1xf32>
      %mul3A_2364 = vector.broadcast %broadcast_in_dim3A_2363 : vector<1x1xf32> to vector<1x8xf32>
      %mul3A_2365 = arith.mulf %mul3A_2364, %convert_element_type3A_48 : vector<1x8xf32>
      %add3A_2366 = arith.addf %add3A_2354, %mul3A_2365 : vector<1x8xf32>
      %swap3A_2367 = arith.constant 0 : index
      %swap3A_2368 = arith.index_cast %scan3A_2212 : i32 to index
      %swap3A_2369 = arith.constant 0 : index
      %swap3A_2370 = vector.load %arg1[%swap3A_2367, %swap3A_2368, %swap3A_2369] : memref<4x512x8xf32, #tpu.memory_space<vmem>>, vector<1x1x8xf32>
      %swap3A_2371 = vector.shape_cast %swap3A_2370 : vector<1x1x8xf32> to vector<1x8xf32>
      %swap3A_2372 = vector.shape_cast %add3A_2366 : vector<1x8xf32> to vector<1x1x8xf32>
      tpu.vector_store %arg1[%swap3A_2367, %swap3A_2368, %swap3A_2369], %swap3A_2372 {strides = array<i32>} : memref<4x512x8xf32, #tpu.memory_space<vmem>>, vector<1x1x8xf32>,
      %reduce_min3A_2373 = vector.shape_cast %select_n3A_1825 : vector<8x1152xi32> to vector<1x8x1152xi32>
      %reduce_min3A_2374 = arith.constant dense<2147483647> : vector<1xi32>
      %reduce_min3A_2375 = vector.multi_reduction <minsi>, %reduce_min3A_2373, %reduce_min3A_2374 [1, 2] : vector<1x8x1152xi32> to vector<1xi32>
      %reduce_min3A_2376 = vector.shape_cast %reduce_min3A_2375 : vector<1xi32> to vector<1x1x1xi32>
      %reduce_min3A_2377 = vector.extract %reduce_min3A_2376[0, 0, 0] : i32 from vector<1x1x1xi32>
      %broadcast_in_dim3A_2378 = vector.broadcast %reduce_min3A_2377 : i32 to vector<1x1xi32>
      %eq3A_2379 = vector.broadcast %broadcast_in_dim3A_2378 : vector<1x1xi32> to vector<8x1152xi32>
      %eq3A_2380 = arith.cmpi eq, %add3A, %eq3A_2379 : vector<8x1152xi32>
      %jit3A_2381 = arith.constant 0.000000e+00 : f32
      %broadcast_in_dim3A_2382 = vector.broadcast %jit3A_2381 : f32 to vector<8x1152xf32>
      %select_n3A_2383 = arith.select %eq3A_2380, %get3A_110, %broadcast_in_dim3A_2382 : vector<8x1152xi1>, vector<8x1152xf32>
      %reduce_sum3A_2384 = vector.shape_cast %select_n3A_2383 : vector<8x1152xf32> to vector<1x8x1152xf32>
      %reduce_sum3A_2385 = arith.constant dense<0.000000e+00> : vector<1xf32>
      %reduce_sum3A_2386 = vector.multi_reduction <add>, %reduce_sum3A_2384, %reduce_sum3A_2385 [1, 2] : vector<1x8x1152xf32> to vector<1xf32>
      %reduce_sum3A_2387 = vector.shape_cast %reduce_sum3A_2386 : vector<1xf32> to vector<1x1x1xf32>
      %reduce_sum3A_2388 = vector.extract %reduce_sum3A_2387[0, 0, 0] : f32 from vector<1x1x1xf32>
      %broadcast_in_dim3A_2389 = vector.broadcast %reduce_sum3A_2388 : f32 to vector<1x1xf32>
      %jit3A_2390 = arith.constant 0.000000e+00 : f32
      %broadcast_in_dim3A_2391 = vector.broadcast %jit3A_2390 : f32 to vector<8x1152xf32>
      %select_n3A_2392 = arith.select %eq3A_2380, %get3A_120, %broadcast_in_dim3A_2391 : vector<8x1152xi1>, vector<8x1152xf32>
      %reduce_sum3A_2393 = vector.shape_cast %select_n3A_2392 : vector<8x1152xf32> to vector<1x8x1152xf32>
      %reduce_sum3A_2394 = arith.constant dense<0.000000e+00> : vector<1xf32>
      %reduce_sum3A_2395 = vector.multi_reduction <add>, %reduce_sum3A_2393, %reduce_sum3A_2394 [1, 2] : vector<1x8x1152xf32> to vector<1xf32>
      %reduce_sum3A_2396 = vector.shape_cast %reduce_sum3A_2395 : vector<1xf32> to vector<1x1x1xf32>
      %reduce_sum3A_2397 = vector.extract %reduce_sum3A_2396[0, 0, 0] : f32 from vector<1x1x1xf32>
      %broadcast_in_dim3A_2398 = vector.broadcast %reduce_sum3A_2397 : f32 to vector<1x1xf32>
      %jit3A_2399 = arith.constant 0.000000e+00 : f32
      %broadcast_in_dim3A_2400 = vector.broadcast %jit3A_2399 : f32 to vector<8x1152xf32>
      %select_n3A_2401 = arith.select %eq3A_2380, %get3A_130, %broadcast_in_dim3A_2400 : vector<8x1152xi1>, vector<8x1152xf32>
      %reduce_sum3A_2402 = vector.shape_cast %select_n3A_2401 : vector<8x1152xf32> to vector<1x8x1152xf32>
      %reduce_sum3A_2403 = arith.constant dense<0.000000e+00> : vector<1xf32>
      %reduce_sum3A_2404 = vector.multi_reduction <add>, %reduce_sum3A_2402, %reduce_sum3A_2403 [1, 2] : vector<1x8x1152xf32> to vector<1xf32>
      %reduce_sum3A_2405 = vector.shape_cast %reduce_sum3A_2404 : vector<1xf32> to vector<1x1x1xf32>
      %reduce_sum3A_2406 = vector.extract %reduce_sum3A_2405[0, 0, 0] : f32 from vector<1x1x1xf32>
      %broadcast_in_dim3A_2407 = vector.broadcast %reduce_sum3A_2406 : f32 to vector<1x1xf32>
      %jit3A_2408 = arith.constant 0.000000e+00 : f32
      %broadcast_in_dim3A_2409 = vector.broadcast %jit3A_2408 : f32 to vector<8x1152xf32>
      %select_n3A_2410 = arith.select %eq3A_2380, %get3A_135, %broadcast_in_dim3A_2409 : vector<8x1152xi1>, vector<8x1152xf32>
      %reduce_sum3A_2411 = vector.shape_cast %select_n3A_2410 : vector<8x1152xf32> to vector<1x8x1152xf32>
      %reduce_sum3A_2412 = arith.constant dense<0.000000e+00> : vector<1xf32>
      %reduce_sum3A_2413 = vector.multi_reduction <add>, %reduce_sum3A_2411, %reduce_sum3A_2412 [1, 2] : vector<1x8x1152xf32> to vector<1xf32>
      %reduce_sum3A_2414 = vector.shape_cast %reduce_sum3A_2413 : vector<1xf32> to vector<1x1x1xf32>
      %reduce_sum3A_2415 = vector.extract %reduce_sum3A_2414[0, 0, 0] : f32 from vector<1x1x1xf32>
      %broadcast_in_dim3A_2416 = vector.broadcast %reduce_sum3A_2415 : f32 to vector<1x1xf32>
      %mul3A_2417 = arith.constant 5.000000e-01 : f32
      %mul3A_2418 = vector.broadcast %mul3A_2417 : f32 to vector<1x1xf32>
      %mul3A_2419 = arith.mulf %broadcast_in_dim3A_2416, %mul3A_2418 : vector<1x1xf32>
      %sub3A_2420 = arith.subf %broadcast_in_dim3A_2389, %mul3A_2419 : vector<1x1xf32>
      %mul3A_2421 = arith.constant 5.000000e-01 : f32
      %mul3A_2422 = vector.broadcast %mul3A_2421 : f32 to vector<1x1xf32>
      %mul3A_2423 = arith.mulf %broadcast_in_dim3A_2416, %mul3A_2422 : vector<1x1xf32>
      %add3A_2424 = arith.addf %broadcast_in_dim3A_2389, %mul3A_2423 : vector<1x1xf32>
      %mul3A_2425 = arith.constant 5.000000e-01 : f32
      %mul3A_2426 = vector.broadcast %mul3A_2425 : f32 to vector<1x1xf32>
      %mul3A_2427 = arith.mulf %broadcast_in_dim3A_2407, %mul3A_2426 : vector<1x1xf32>
      %sub3A_2428 = arith.subf %broadcast_in_dim3A_2398, %mul3A_2427 : vector<1x1xf32>
      %mul3A_2429 = arith.constant 5.000000e-01 : f32
      %mul3A_2430 = vector.broadcast %mul3A_2429 : f32 to vector<1x1xf32>
      %mul3A_2431 = arith.mulf %broadcast_in_dim3A_2407, %mul3A_2430 : vector<1x1xf32>
      %add3A_2432 = arith.addf %broadcast_in_dim3A_2398, %mul3A_2431 : vector<1x1xf32>
      %sub3A_2433 = arith.subf %add3A_2424, %sub3A_2420 : vector<1x1xf32>
      %sub3A_2434 = arith.subf %add3A_2432, %sub3A_2428 : vector<1x1xf32>
      %mul3A_2435 = arith.mulf %sub3A_2433, %sub3A_2434 : vector<1x1xf32>
      %min3A_2436 = vector.broadcast %add3A_2424 : vector<1x1xf32> to vector<8x1152xf32>
      %min3A_2437 = arith.minimumf %min3A_2436, %add3A_153 : vector<8x1152xf32>
      %max3A_2438 = vector.broadcast %sub3A_2420 : vector<1x1xf32> to vector<8x1152xf32>
      %max3A_2439 = arith.maximumf %max3A_2438, %sub3A_149 : vector<8x1152xf32>
      %sub3A_2440 = arith.subf %min3A_2437, %max3A_2439 : vector<8x1152xf32>
      %max3A_2441 = arith.constant 0.000000e+00 : f32
      %max3A_2442 = vector.broadcast %max3A_2441 : f32 to vector<8x1152xf32>
      %max3A_2443 = arith.maximumf %sub3A_2440, %max3A_2442 : vector<8x1152xf32>
      %min3A_2444 = vector.broadcast %add3A_2432 : vector<1x1xf32> to vector<8x1152xf32>
      %min3A_2445 = arith.minimumf %min3A_2444, %add3A_161 : vector<8x1152xf32>
      %max3A_2446 = vector.broadcast %sub3A_2428 : vector<1x1xf32> to vector<8x1152xf32>
      %max3A_2447 = arith.maximumf %max3A_2446, %sub3A_157 : vector<8x1152xf32>
      %sub3A_2448 = arith.subf %min3A_2445, %max3A_2447 : vector<8x1152xf32>
      %max3A_2449 = arith.constant 0.000000e+00 : f32
      %max3A_2450 = vector.broadcast %max3A_2449 : f32 to vector<8x1152xf32>
      %max3A_2451 = arith.maximumf %sub3A_2448, %max3A_2450 : vector<8x1152xf32>
      %mul3A_2452 = arith.mulf %max3A_2443, %max3A_2451 : vector<8x1152xf32>
      %add3A_2453 = vector.broadcast %mul3A_2435 : vector<1x1xf32> to vector<8x1152xf32>
      %add3A_2454 = arith.addf %add3A_2453, %mul3A_164 : vector<8x1152xf32>
      %sub3A_2455 = arith.subf %add3A_2454, %mul3A_2452 : vector<8x1152xf32>
      %max3A_2456 = arith.constant 9.99999997E-7 : f32
      %max3A_2457 = vector.broadcast %max3A_2456 : f32 to vector<8x1152xf32>
      %max3A_2458 = arith.maximumf %sub3A_2455, %max3A_2457 : vector<8x1152xf32>
      %div3A_2459 = arith.divf %mul3A_2452, %max3A_2458 : vector<8x1152xf32>
      %le3A_2460 = arith.constant 8.500000e-01 : f32
      %le3A_2461 = vector.broadcast %le3A_2460 : f32 to vector<8x1152xf32>
      %le3A_2462 = arith.cmpf ole, %div3A_2459, %le3A_2461 : vector<8x1152xf32>
      %ne3A_2463 = vector.broadcast %broadcast_in_dim3A_2378 : vector<1x1xi32> to vector<8x1152xi32>
      %ne3A_2464 = arith.cmpi ne, %add3A, %ne3A_2463 : vector<8x1152xi32>
      %and3A_2465 = arith.andi %le3A_2462, %ne3A_2464 : vector<8x1152xi1>
      %broadcast_in_dim3A_2466 = vector.broadcast %scan3A : i32 to vector<8x1152xi32>
      %select_n3A_2467 = arith.select %and3A_2465, %select_n3A_1825, %broadcast_in_dim3A_2466 : vector<8x1152xi1>, vector<8x1152xi32>
      %mul3A_2468 = vector.broadcast %broadcast_in_dim3A_2389 : vector<1x1xf32> to vector<1x8xf32>
      %mul3A_2469 = arith.mulf %mul3A_2468, %convert_element_type3A_6 : vector<1x8xf32>
      %jit3A_2470 = arith.constant 0.000000e+00 : f32
      %broadcast_in_dim3A_2471 = vector.broadcast %jit3A_2470 : f32 to vector<8x1152xf32>
      %select_n3A_2472 = arith.select %eq3A_2380, %get3A_115, %broadcast_in_dim3A_2471 : vector<8x1152xi1>, vector<8x1152xf32>
      %reduce_sum3A_2473 = vector.shape_cast %select_n3A_2472 : vector<8x1152xf32> to vector<1x8x1152xf32>
      %reduce_sum3A_2474 = arith.constant dense<0.000000e+00> : vector<1xf32>
      %reduce_sum3A_2475 = vector.multi_reduction <add>, %reduce_sum3A_2473, %reduce_sum3A_2474 [1, 2] : vector<1x8x1152xf32> to vector<1xf32>
      %reduce_sum3A_2476 = vector.shape_cast %reduce_sum3A_2475 : vector<1xf32> to vector<1x1x1xf32>
      %reduce_sum3A_2477 = vector.extract %reduce_sum3A_2476[0, 0, 0] : f32 from vector<1x1x1xf32>
      %broadcast_in_dim3A_2478 = vector.broadcast %reduce_sum3A_2477 : f32 to vector<1x1xf32>
      %mul3A_2479 = vector.broadcast %broadcast_in_dim3A_2478 : vector<1x1xf32> to vector<1x8xf32>
      %mul3A_2480 = arith.mulf %mul3A_2479, %convert_element_type3A_12 : vector<1x8xf32>
      %add3A_2481 = arith.addf %mul3A_2469, %mul3A_2480 : vector<1x8xf32>
      %mul3A_2482 = vector.broadcast %broadcast_in_dim3A_2398 : vector<1x1xf32> to vector<1x8xf32>
      %mul3A_2483 = arith.mulf %mul3A_2482, %convert_element_type3A_18 : vector<1x8xf32>
      %add3A_2484 = arith.addf %add3A_2481, %mul3A_2483 : vector<1x8xf32>
      %jit3A_2485 = arith.constant 0.000000e+00 : f32
      %broadcast_in_dim3A_2486 = vector.broadcast %jit3A_2485 : f32 to vector<8x1152xf32>
      %select_n3A_2487 = arith.select %eq3A_2380, %get3A_125, %broadcast_in_dim3A_2486 : vector<8x1152xi1>, vector<8x1152xf32>
      %reduce_sum3A_2488 = vector.shape_cast %select_n3A_2487 : vector<8x1152xf32> to vector<1x8x1152xf32>
      %reduce_sum3A_2489 = arith.constant dense<0.000000e+00> : vector<1xf32>
      %reduce_sum3A_2490 = vector.multi_reduction <add>, %reduce_sum3A_2488, %reduce_sum3A_2489 [1, 2] : vector<1x8x1152xf32> to vector<1xf32>
      %reduce_sum3A_2491 = vector.shape_cast %reduce_sum3A_2490 : vector<1xf32> to vector<1x1x1xf32>
      %reduce_sum3A_2492 = vector.extract %reduce_sum3A_2491[0, 0, 0] : f32 from vector<1x1x1xf32>
      %broadcast_in_dim3A_2493 = vector.broadcast %reduce_sum3A_2492 : f32 to vector<1x1xf32>
      %mul3A_2494 = vector.broadcast %broadcast_in_dim3A_2493 : vector<1x1xf32> to vector<1x8xf32>
      %mul3A_2495 = arith.mulf %mul3A_2494, %convert_element_type3A_24 : vector<1x8xf32>
      %add3A_2496 = arith.addf %add3A_2484, %mul3A_2495 : vector<1x8xf32>
      %mul3A_2497 = vector.broadcast %broadcast_in_dim3A_2407 : vector<1x1xf32> to vector<1x8xf32>
      %mul3A_2498 = arith.mulf %mul3A_2497, %convert_element_type3A_30 : vector<1x8xf32>
      %add3A_2499 = arith.addf %add3A_2496, %mul3A_2498 : vector<1x8xf32>
      %mul3A_2500 = vector.broadcast %broadcast_in_dim3A_2416 : vector<1x1xf32> to vector<1x8xf32>
      %mul3A_2501 = arith.mulf %mul3A_2500, %convert_element_type3A_36 : vector<1x8xf32>
      %add3A_2502 = arith.addf %add3A_2499, %mul3A_2501 : vector<1x8xf32>
      %jit3A_2503 = arith.constant 0.000000e+00 : f32
      %broadcast_in_dim3A_2504 = vector.broadcast %jit3A_2503 : f32 to vector<8x1152xf32>
      %select_n3A_2505 = arith.select %eq3A_2380, %get3A_140, %broadcast_in_dim3A_2504 : vector<8x1152xi1>, vector<8x1152xf32>
      %reduce_sum3A_2506 = vector.shape_cast %select_n3A_2505 : vector<8x1152xf32> to vector<1x8x1152xf32>
      %reduce_sum3A_2507 = arith.constant dense<0.000000e+00> : vector<1xf32>
      %reduce_sum3A_2508 = vector.multi_reduction <add>, %reduce_sum3A_2506, %reduce_sum3A_2507 [1, 2] : vector<1x8x1152xf32> to vector<1xf32>
      %reduce_sum3A_2509 = vector.shape_cast %reduce_sum3A_2508 : vector<1xf32> to vector<1x1x1xf32>
      %reduce_sum3A_2510 = vector.extract %reduce_sum3A_2509[0, 0, 0] : f32 from vector<1x1x1xf32>
      %broadcast_in_dim3A_2511 = vector.broadcast %reduce_sum3A_2510 : f32 to vector<1x1xf32>
      %mul3A_2512 = vector.broadcast %broadcast_in_dim3A_2511 : vector<1x1xf32> to vector<1x8xf32>
      %mul3A_2513 = arith.mulf %mul3A_2512, %convert_element_type3A_42 : vector<1x8xf32>
      %add3A_2514 = arith.addf %add3A_2502, %mul3A_2513 : vector<1x8xf32>
      %jit3A_2515 = arith.constant 0.000000e+00 : f32
      %broadcast_in_dim3A_2516 = vector.broadcast %jit3A_2515 : f32 to vector<8x1152xf32>
      %select_n3A_2517 = arith.select %eq3A_2380, %get3A_145, %broadcast_in_dim3A_2516 : vector<8x1152xi1>, vector<8x1152xf32>
      %reduce_sum3A_2518 = vector.shape_cast %select_n3A_2517 : vector<8x1152xf32> to vector<1x8x1152xf32>
      %reduce_sum3A_2519 = arith.constant dense<0.000000e+00> : vector<1xf32>
      %reduce_sum3A_2520 = vector.multi_reduction <add>, %reduce_sum3A_2518, %reduce_sum3A_2519 [1, 2] : vector<1x8x1152xf32> to vector<1xf32>
      %reduce_sum3A_2521 = vector.shape_cast %reduce_sum3A_2520 : vector<1xf32> to vector<1x1x1xf32>
      %reduce_sum3A_2522 = vector.extract %reduce_sum3A_2521[0, 0, 0] : f32 from vector<1x1x1xf32>
      %broadcast_in_dim3A_2523 = vector.broadcast %reduce_sum3A_2522 : f32 to vector<1x1xf32>
      %mul3A_2524 = vector.broadcast %broadcast_in_dim3A_2523 : vector<1x1xf32> to vector<1x8xf32>
      %mul3A_2525 = arith.mulf %mul3A_2524, %convert_element_type3A_48 : vector<1x8xf32>
      %add3A_2526 = arith.addf %add3A_2514, %mul3A_2525 : vector<1x8xf32>
      %swap3A_2527 = arith.constant 1 : index
      %swap3A_2528 = arith.index_cast %scan3A_2212 : i32 to index
      %swap3A_2529 = arith.constant 0 : index
      %swap3A_2530 = vector.load %arg1[%swap3A_2527, %swap3A_2528, %swap3A_2529] : memref<4x512x8xf32, #tpu.memory_space<vmem>>, vector<1x1x8xf32>
      %swap3A_2531 = vector.shape_cast %swap3A_2530 : vector<1x1x8xf32> to vector<1x8xf32>
      %swap3A_2532 = vector.shape_cast %add3A_2526 : vector<1x8xf32> to vector<1x1x8xf32>
      tpu.vector_store %arg1[%swap3A_2527, %swap3A_2528, %swap3A_2529], %swap3A_2532 {strides = array<i32>} : memref<4x512x8xf32, #tpu.memory_space<vmem>>, vector<1x1x8xf32>,
      %reduce_min3A_2533 = vector.shape_cast %select_n3A_1985 : vector<8x1152xi32> to vector<1x8x1152xi32>
      %reduce_min3A_2534 = arith.constant dense<2147483647> : vector<1xi32>
      %reduce_min3A_2535 = vector.multi_reduction <minsi>, %reduce_min3A_2533, %reduce_min3A_2534 [1, 2] : vector<1x8x1152xi32> to vector<1xi32>
      %reduce_min3A_2536 = vector.shape_cast %reduce_min3A_2535 : vector<1xi32> to vector<1x1x1xi32>
      %reduce_min3A_2537 = vector.extract %reduce_min3A_2536[0, 0, 0] : i32 from vector<1x1x1xi32>
      %broadcast_in_dim3A_2538 = vector.broadcast %reduce_min3A_2537 : i32 to vector<1x1xi32>
      %eq3A_2539 = vector.broadcast %broadcast_in_dim3A_2538 : vector<1x1xi32> to vector<8x1152xi32>
      %eq3A_2540 = arith.cmpi eq, %add3A, %eq3A_2539 : vector<8x1152xi32>
      %jit3A_2541 = arith.constant 0.000000e+00 : f32
      %broadcast_in_dim3A_2542 = vector.broadcast %jit3A_2541 : f32 to vector<8x1152xf32>
      %select_n3A_2543 = arith.select %eq3A_2540, %get3A_169, %broadcast_in_dim3A_2542 : vector<8x1152xi1>, vector<8x1152xf32>
      %reduce_sum3A_2544 = vector.shape_cast %select_n3A_2543 : vector<8x1152xf32> to vector<1x8x1152xf32>
      %reduce_sum3A_2545 = arith.constant dense<0.000000e+00> : vector<1xf32>
      %reduce_sum3A_2546 = vector.multi_reduction <add>, %reduce_sum3A_2544, %reduce_sum3A_2545 [1, 2] : vector<1x8x1152xf32> to vector<1xf32>
      %reduce_sum3A_2547 = vector.shape_cast %reduce_sum3A_2546 : vector<1xf32> to vector<1x1x1xf32>
      %reduce_sum3A_2548 = vector.extract %reduce_sum3A_2547[0, 0, 0] : f32 from vector<1x1x1xf32>
      %broadcast_in_dim3A_2549 = vector.broadcast %reduce_sum3A_2548 : f32 to vector<1x1xf32>
      %jit3A_2550 = arith.constant 0.000000e+00 : f32
      %broadcast_in_dim3A_2551 = vector.broadcast %jit3A_2550 : f32 to vector<8x1152xf32>
      %select_n3A_2552 = arith.select %eq3A_2540, %get3A_179, %broadcast_in_dim3A_2551 : vector<8x1152xi1>, vector<8x1152xf32>
      %reduce_sum3A_2553 = vector.shape_cast %select_n3A_2552 : vector<8x1152xf32> to vector<1x8x1152xf32>
      %reduce_sum3A_2554 = arith.constant dense<0.000000e+00> : vector<1xf32>
      %reduce_sum3A_2555 = vector.multi_reduction <add>, %reduce_sum3A_2553, %reduce_sum3A_2554 [1, 2] : vector<1x8x1152xf32> to vector<1xf32>
      %reduce_sum3A_2556 = vector.shape_cast %reduce_sum3A_2555 : vector<1xf32> to vector<1x1x1xf32>
      %reduce_sum3A_2557 = vector.extract %reduce_sum3A_2556[0, 0, 0] : f32 from vector<1x1x1xf32>
      %broadcast_in_dim3A_2558 = vector.broadcast %reduce_sum3A_2557 : f32 to vector<1x1xf32>
      %jit3A_2559 = arith.constant 0.000000e+00 : f32
      %broadcast_in_dim3A_2560 = vector.broadcast %jit3A_2559 : f32 to vector<8x1152xf32>
      %select_n3A_2561 = arith.select %eq3A_2540, %get3A_189, %broadcast_in_dim3A_2560 : vector<8x1152xi1>, vector<8x1152xf32>
      %reduce_sum3A_2562 = vector.shape_cast %select_n3A_2561 : vector<8x1152xf32> to vector<1x8x1152xf32>
      %reduce_sum3A_2563 = arith.constant dense<0.000000e+00> : vector<1xf32>
      %reduce_sum3A_2564 = vector.multi_reduction <add>, %reduce_sum3A_2562, %reduce_sum3A_2563 [1, 2] : vector<1x8x1152xf32> to vector<1xf32>
      %reduce_sum3A_2565 = vector.shape_cast %reduce_sum3A_2564 : vector<1xf32> to vector<1x1x1xf32>
      %reduce_sum3A_2566 = vector.extract %reduce_sum3A_2565[0, 0, 0] : f32 from vector<1x1x1xf32>
      %broadcast_in_dim3A_2567 = vector.broadcast %reduce_sum3A_2566 : f32 to vector<1x1xf32>
      %jit3A_2568 = arith.constant 0.000000e+00 : f32
      %broadcast_in_dim3A_2569 = vector.broadcast %jit3A_2568 : f32 to vector<8x1152xf32>
      %select_n3A_2570 = arith.select %eq3A_2540, %get3A_194, %broadcast_in_dim3A_2569 : vector<8x1152xi1>, vector<8x1152xf32>
      %reduce_sum3A_2571 = vector.shape_cast %select_n3A_2570 : vector<8x1152xf32> to vector<1x8x1152xf32>
      %reduce_sum3A_2572 = arith.constant dense<0.000000e+00> : vector<1xf32>
      %reduce_sum3A_2573 = vector.multi_reduction <add>, %reduce_sum3A_2571, %reduce_sum3A_2572 [1, 2] : vector<1x8x1152xf32> to vector<1xf32>
      %reduce_sum3A_2574 = vector.shape_cast %reduce_sum3A_2573 : vector<1xf32> to vector<1x1x1xf32>
      %reduce_sum3A_2575 = vector.extract %reduce_sum3A_2574[0, 0, 0] : f32 from vector<1x1x1xf32>
      %broadcast_in_dim3A_2576 = vector.broadcast %reduce_sum3A_2575 : f32 to vector<1x1xf32>
      %mul3A_2577 = arith.constant 5.000000e-01 : f32
      %mul3A_2578 = vector.broadcast %mul3A_2577 : f32 to vector<1x1xf32>
      %mul3A_2579 = arith.mulf %broadcast_in_dim3A_2576, %mul3A_2578 : vector<1x1xf32>
      %sub3A_2580 = arith.subf %broadcast_in_dim3A_2549, %mul3A_2579 : vector<1x1xf32>
      %mul3A_2581 = arith.constant 5.000000e-01 : f32
      %mul3A_2582 = vector.broadcast %mul3A_2581 : f32 to vector<1x1xf32>
      %mul3A_2583 = arith.mulf %broadcast_in_dim3A_2576, %mul3A_2582 : vector<1x1xf32>
      %add3A_2584 = arith.addf %broadcast_in_dim3A_2549, %mul3A_2583 : vector<1x1xf32>
      %mul3A_2585 = arith.constant 5.000000e-01 : f32
      %mul3A_2586 = vector.broadcast %mul3A_2585 : f32 to vector<1x1xf32>
      %mul3A_2587 = arith.mulf %broadcast_in_dim3A_2567, %mul3A_2586 : vector<1x1xf32>
      %sub3A_2588 = arith.subf %broadcast_in_dim3A_2558, %mul3A_2587 : vector<1x1xf32>
      %mul3A_2589 = arith.constant 5.000000e-01 : f32
      %mul3A_2590 = vector.broadcast %mul3A_2589 : f32 to vector<1x1xf32>
      %mul3A_2591 = arith.mulf %broadcast_in_dim3A_2567, %mul3A_2590 : vector<1x1xf32>
      %add3A_2592 = arith.addf %broadcast_in_dim3A_2558, %mul3A_2591 : vector<1x1xf32>
      %sub3A_2593 = arith.subf %add3A_2584, %sub3A_2580 : vector<1x1xf32>
      %sub3A_2594 = arith.subf %add3A_2592, %sub3A_2588 : vector<1x1xf32>
      %mul3A_2595 = arith.mulf %sub3A_2593, %sub3A_2594 : vector<1x1xf32>
      %min3A_2596 = vector.broadcast %add3A_2584 : vector<1x1xf32> to vector<8x1152xf32>
      %min3A_2597 = arith.minimumf %min3A_2596, %add3A_212 : vector<8x1152xf32>
      %max3A_2598 = vector.broadcast %sub3A_2580 : vector<1x1xf32> to vector<8x1152xf32>
      %max3A_2599 = arith.maximumf %max3A_2598, %sub3A_208 : vector<8x1152xf32>
      %sub3A_2600 = arith.subf %min3A_2597, %max3A_2599 : vector<8x1152xf32>
      %max3A_2601 = arith.constant 0.000000e+00 : f32
      %max3A_2602 = vector.broadcast %max3A_2601 : f32 to vector<8x1152xf32>
      %max3A_2603 = arith.maximumf %sub3A_2600, %max3A_2602 : vector<8x1152xf32>
      %min3A_2604 = vector.broadcast %add3A_2592 : vector<1x1xf32> to vector<8x1152xf32>
      %min3A_2605 = arith.minimumf %min3A_2604, %add3A_220 : vector<8x1152xf32>
      %max3A_2606 = vector.broadcast %sub3A_2588 : vector<1x1xf32> to vector<8x1152xf32>
      %max3A_2607 = arith.maximumf %max3A_2606, %sub3A_216 : vector<8x1152xf32>
      %sub3A_2608 = arith.subf %min3A_2605, %max3A_2607 : vector<8x1152xf32>
      %max3A_2609 = arith.constant 0.000000e+00 : f32
      %max3A_2610 = vector.broadcast %max3A_2609 : f32 to vector<8x1152xf32>
      %max3A_2611 = arith.maximumf %sub3A_2608, %max3A_2610 : vector<8x1152xf32>
      %mul3A_2612 = arith.mulf %max3A_2603, %max3A_2611 : vector<8x1152xf32>
      %add3A_2613 = vector.broadcast %mul3A_2595 : vector<1x1xf32> to vector<8x1152xf32>
      %add3A_2614 = arith.addf %add3A_2613, %mul3A_223 : vector<8x1152xf32>
      %sub3A_2615 = arith.subf %add3A_2614, %mul3A_2612 : vector<8x1152xf32>
      %max3A_2616 = arith.constant 9.99999997E-7 : f32
      %max3A_2617 = vector.broadcast %max3A_2616 : f32 to vector<8x1152xf32>
      %max3A_2618 = arith.maximumf %sub3A_2615, %max3A_2617 : vector<8x1152xf32>
      %div3A_2619 = arith.divf %mul3A_2612, %max3A_2618 : vector<8x1152xf32>
      %le3A_2620 = arith.constant 8.500000e-01 : f32
      %le3A_2621 = vector.broadcast %le3A_2620 : f32 to vector<8x1152xf32>
      %le3A_2622 = arith.cmpf ole, %div3A_2619, %le3A_2621 : vector<8x1152xf32>
      %ne3A_2623 = vector.broadcast %broadcast_in_dim3A_2538 : vector<1x1xi32> to vector<8x1152xi32>
      %ne3A_2624 = arith.cmpi ne, %add3A, %ne3A_2623 : vector<8x1152xi32>
      %and3A_2625 = arith.andi %le3A_2622, %ne3A_2624 : vector<8x1152xi1>
      %broadcast_in_dim3A_2626 = vector.broadcast %scan3A : i32 to vector<8x1152xi32>
      %select_n3A_2627 = arith.select %and3A_2625, %select_n3A_1985, %broadcast_in_dim3A_2626 : vector<8x1152xi1>, vector<8x1152xi32>
      %mul3A_2628 = vector.broadcast %broadcast_in_dim3A_2549 : vector<1x1xf32> to vector<1x8xf32>
      %mul3A_2629 = arith.mulf %mul3A_2628, %convert_element_type3A_6 : vector<1x8xf32>
      %jit3A_2630 = arith.constant 0.000000e+00 : f32
      %broadcast_in_dim3A_2631 = vector.broadcast %jit3A_2630 : f32 to vector<8x1152xf32>
      %select_n3A_2632 = arith.select %eq3A_2540, %get3A_174, %broadcast_in_dim3A_2631 : vector<8x1152xi1>, vector<8x1152xf32>
      %reduce_sum3A_2633 = vector.shape_cast %select_n3A_2632 : vector<8x1152xf32> to vector<1x8x1152xf32>
      %reduce_sum3A_2634 = arith.constant dense<0.000000e+00> : vector<1xf32>
      %reduce_sum3A_2635 = vector.multi_reduction <add>, %reduce_sum3A_2633, %reduce_sum3A_2634 [1, 2] : vector<1x8x1152xf32> to vector<1xf32>
      %reduce_sum3A_2636 = vector.shape_cast %reduce_sum3A_2635 : vector<1xf32> to vector<1x1x1xf32>
      %reduce_sum3A_2637 = vector.extract %reduce_sum3A_2636[0, 0, 0] : f32 from vector<1x1x1xf32>
      %broadcast_in_dim3A_2638 = vector.broadcast %reduce_sum3A_2637 : f32 to vector<1x1xf32>
      %mul3A_2639 = vector.broadcast %broadcast_in_dim3A_2638 : vector<1x1xf32> to vector<1x8xf32>
      %mul3A_2640 = arith.mulf %mul3A_2639, %convert_element_type3A_12 : vector<1x8xf32>
      %add3A_2641 = arith.addf %mul3A_2629, %mul3A_2640 : vector<1x8xf32>
      %mul3A_2642 = vector.broadcast %broadcast_in_dim3A_2558 : vector<1x1xf32> to vector<1x8xf32>
      %mul3A_2643 = arith.mulf %mul3A_2642, %convert_element_type3A_18 : vector<1x8xf32>
      %add3A_2644 = arith.addf %add3A_2641, %mul3A_2643 : vector<1x8xf32>
      %jit3A_2645 = arith.constant 0.000000e+00 : f32
      %broadcast_in_dim3A_2646 = vector.broadcast %jit3A_2645 : f32 to vector<8x1152xf32>
      %select_n3A_2647 = arith.select %eq3A_2540, %get3A_184, %broadcast_in_dim3A_2646 : vector<8x1152xi1>, vector<8x1152xf32>
      %reduce_sum3A_2648 = vector.shape_cast %select_n3A_2647 : vector<8x1152xf32> to vector<1x8x1152xf32>
      %reduce_sum3A_2649 = arith.constant dense<0.000000e+00> : vector<1xf32>
      %reduce_sum3A_2650 = vector.multi_reduction <add>, %reduce_sum3A_2648, %reduce_sum3A_2649 [1, 2] : vector<1x8x1152xf32> to vector<1xf32>
      %reduce_sum3A_2651 = vector.shape_cast %reduce_sum3A_2650 : vector<1xf32> to vector<1x1x1xf32>
      %reduce_sum3A_2652 = vector.extract %reduce_sum3A_2651[0, 0, 0] : f32 from vector<1x1x1xf32>
      %broadcast_in_dim3A_2653 = vector.broadcast %reduce_sum3A_2652 : f32 to vector<1x1xf32>
      %mul3A_2654 = vector.broadcast %broadcast_in_dim3A_2653 : vector<1x1xf32> to vector<1x8xf32>
      %mul3A_2655 = arith.mulf %mul3A_2654, %convert_element_type3A_24 : vector<1x8xf32>
      %add3A_2656 = arith.addf %add3A_2644, %mul3A_2655 : vector<1x8xf32>
      %mul3A_2657 = vector.broadcast %broadcast_in_dim3A_2567 : vector<1x1xf32> to vector<1x8xf32>
      %mul3A_2658 = arith.mulf %mul3A_2657, %convert_element_type3A_30 : vector<1x8xf32>
      %add3A_2659 = arith.addf %add3A_2656, %mul3A_2658 : vector<1x8xf32>
      %mul3A_2660 = vector.broadcast %broadcast_in_dim3A_2576 : vector<1x1xf32> to vector<1x8xf32>
      %mul3A_2661 = arith.mulf %mul3A_2660, %convert_element_type3A_36 : vector<1x8xf32>
      %add3A_2662 = arith.addf %add3A_2659, %mul3A_2661 : vector<1x8xf32>
      %jit3A_2663 = arith.constant 0.000000e+00 : f32
      %broadcast_in_dim3A_2664 = vector.broadcast %jit3A_2663 : f32 to vector<8x1152xf32>
      %select_n3A_2665 = arith.select %eq3A_2540, %get3A_199, %broadcast_in_dim3A_2664 : vector<8x1152xi1>, vector<8x1152xf32>
      %reduce_sum3A_2666 = vector.shape_cast %select_n3A_2665 : vector<8x1152xf32> to vector<1x8x1152xf32>
      %reduce_sum3A_2667 = arith.constant dense<0.000000e+00> : vector<1xf32>
      %reduce_sum3A_2668 = vector.multi_reduction <add>, %reduce_sum3A_2666, %reduce_sum3A_2667 [1, 2] : vector<1x8x1152xf32> to vector<1xf32>
      %reduce_sum3A_2669 = vector.shape_cast %reduce_sum3A_2668 : vector<1xf32> to vector<1x1x1xf32>
      %reduce_sum3A_2670 = vector.extract %reduce_sum3A_2669[0, 0, 0] : f32 from vector<1x1x1xf32>
      %broadcast_in_dim3A_2671 = vector.broadcast %reduce_sum3A_2670 : f32 to vector<1x1xf32>
      %mul3A_2672 = vector.broadcast %broadcast_in_dim3A_2671 : vector<1x1xf32> to vector<1x8xf32>
      %mul3A_2673 = arith.mulf %mul3A_2672, %convert_element_type3A_42 : vector<1x8xf32>
      %add3A_2674 = arith.addf %add3A_2662, %mul3A_2673 : vector<1x8xf32>
      %jit3A_2675 = arith.constant 0.000000e+00 : f32
      %broadcast_in_dim3A_2676 = vector.broadcast %jit3A_2675 : f32 to vector<8x1152xf32>
      %select_n3A_2677 = arith.select %eq3A_2540, %get3A_204, %broadcast_in_dim3A_2676 : vector<8x1152xi1>, vector<8x1152xf32>
      %reduce_sum3A_2678 = vector.shape_cast %select_n3A_2677 : vector<8x1152xf32> to vector<1x8x1152xf32>
      %reduce_sum3A_2679 = arith.constant dense<0.000000e+00> : vector<1xf32>
      %reduce_sum3A_2680 = vector.multi_reduction <add>, %reduce_sum3A_2678, %reduce_sum3A_2679 [1, 2] : vector<1x8x1152xf32> to vector<1xf32>
      %reduce_sum3A_2681 = vector.shape_cast %reduce_sum3A_2680 : vector<1xf32> to vector<1x1x1xf32>
      %reduce_sum3A_2682 = vector.extract %reduce_sum3A_2681[0, 0, 0] : f32 from vector<1x1x1xf32>
      %broadcast_in_dim3A_2683 = vector.broadcast %reduce_sum3A_2682 : f32 to vector<1x1xf32>
      %mul3A_2684 = vector.broadcast %broadcast_in_dim3A_2683 : vector<1x1xf32> to vector<1x8xf32>
      %mul3A_2685 = arith.mulf %mul3A_2684, %convert_element_type3A_48 : vector<1x8xf32>
      %add3A_2686 = arith.addf %add3A_2674, %mul3A_2685 : vector<1x8xf32>
      %swap3A_2687 = arith.constant 2 : index
      %swap3A_2688 = arith.index_cast %scan3A_2212 : i32 to index
      %swap3A_2689 = arith.constant 0 : index
      %swap3A_2690 = vector.load %arg1[%swap3A_2687, %swap3A_2688, %swap3A_2689] : memref<4x512x8xf32, #tpu.memory_space<vmem>>, vector<1x1x8xf32>
      %swap3A_2691 = vector.shape_cast %swap3A_2690 : vector<1x1x8xf32> to vector<1x8xf32>
      %swap3A_2692 = vector.shape_cast %add3A_2686 : vector<1x8xf32> to vector<1x1x8xf32>
      tpu.vector_store %arg1[%swap3A_2687, %swap3A_2688, %swap3A_2689], %swap3A_2692 {strides = array<i32>} : memref<4x512x8xf32, #tpu.memory_space<vmem>>, vector<1x1x8xf32>,
      %reduce_min3A_2693 = vector.shape_cast %select_n3A_2145 : vector<8x1152xi32> to vector<1x8x1152xi32>
      %reduce_min3A_2694 = arith.constant dense<2147483647> : vector<1xi32>
      %reduce_min3A_2695 = vector.multi_reduction <minsi>, %reduce_min3A_2693, %reduce_min3A_2694 [1, 2] : vector<1x8x1152xi32> to vector<1xi32>
      %reduce_min3A_2696 = vector.shape_cast %reduce_min3A_2695 : vector<1xi32> to vector<1x1x1xi32>
      %reduce_min3A_2697 = vector.extract %reduce_min3A_2696[0, 0, 0] : i32 from vector<1x1x1xi32>
      %broadcast_in_dim3A_2698 = vector.broadcast %reduce_min3A_2697 : i32 to vector<1x1xi32>
      %eq3A_2699 = vector.broadcast %broadcast_in_dim3A_2698 : vector<1x1xi32> to vector<8x1152xi32>
      %eq3A_2700 = arith.cmpi eq, %add3A, %eq3A_2699 : vector<8x1152xi32>
      %jit3A_2701 = arith.constant 0.000000e+00 : f32
      %broadcast_in_dim3A_2702 = vector.broadcast %jit3A_2701 : f32 to vector<8x1152xf32>
      %select_n3A_2703 = arith.select %eq3A_2700, %get3A_228, %broadcast_in_dim3A_2702 : vector<8x1152xi1>, vector<8x1152xf32>
      %reduce_sum3A_2704 = vector.shape_cast %select_n3A_2703 : vector<8x1152xf32> to vector<1x8x1152xf32>
      %reduce_sum3A_2705 = arith.constant dense<0.000000e+00> : vector<1xf32>
      %reduce_sum3A_2706 = vector.multi_reduction <add>, %reduce_sum3A_2704, %reduce_sum3A_2705 [1, 2] : vector<1x8x1152xf32> to vector<1xf32>
      %reduce_sum3A_2707 = vector.shape_cast %reduce_sum3A_2706 : vector<1xf32> to vector<1x1x1xf32>
      %reduce_sum3A_2708 = vector.extract %reduce_sum3A_2707[0, 0, 0] : f32 from vector<1x1x1xf32>
      %broadcast_in_dim3A_2709 = vector.broadcast %reduce_sum3A_2708 : f32 to vector<1x1xf32>
      %jit3A_2710 = arith.constant 0.000000e+00 : f32
      %broadcast_in_dim3A_2711 = vector.broadcast %jit3A_2710 : f32 to vector<8x1152xf32>
      %select_n3A_2712 = arith.select %eq3A_2700, %get3A_238, %broadcast_in_dim3A_2711 : vector<8x1152xi1>, vector<8x1152xf32>
      %reduce_sum3A_2713 = vector.shape_cast %select_n3A_2712 : vector<8x1152xf32> to vector<1x8x1152xf32>
      %reduce_sum3A_2714 = arith.constant dense<0.000000e+00> : vector<1xf32>
      %reduce_sum3A_2715 = vector.multi_reduction <add>, %reduce_sum3A_2713, %reduce_sum3A_2714 [1, 2] : vector<1x8x1152xf32> to vector<1xf32>
      %reduce_sum3A_2716 = vector.shape_cast %reduce_sum3A_2715 : vector<1xf32> to vector<1x1x1xf32>
      %reduce_sum3A_2717 = vector.extract %reduce_sum3A_2716[0, 0, 0] : f32 from vector<1x1x1xf32>
      %broadcast_in_dim3A_2718 = vector.broadcast %reduce_sum3A_2717 : f32 to vector<1x1xf32>
      %jit3A_2719 = arith.constant 0.000000e+00 : f32
      %broadcast_in_dim3A_2720 = vector.broadcast %jit3A_2719 : f32 to vector<8x1152xf32>
      %select_n3A_2721 = arith.select %eq3A_2700, %get3A_248, %broadcast_in_dim3A_2720 : vector<8x1152xi1>, vector<8x1152xf32>
      %reduce_sum3A_2722 = vector.shape_cast %select_n3A_2721 : vector<8x1152xf32> to vector<1x8x1152xf32>
      %reduce_sum3A_2723 = arith.constant dense<0.000000e+00> : vector<1xf32>
      %reduce_sum3A_2724 = vector.multi_reduction <add>, %reduce_sum3A_2722, %reduce_sum3A_2723 [1, 2] : vector<1x8x1152xf32> to vector<1xf32>
      %reduce_sum3A_2725 = vector.shape_cast %reduce_sum3A_2724 : vector<1xf32> to vector<1x1x1xf32>
      %reduce_sum3A_2726 = vector.extract %reduce_sum3A_2725[0, 0, 0] : f32 from vector<1x1x1xf32>
      %broadcast_in_dim3A_2727 = vector.broadcast %reduce_sum3A_2726 : f32 to vector<1x1xf32>
      %jit3A_2728 = arith.constant 0.000000e+00 : f32
      %broadcast_in_dim3A_2729 = vector.broadcast %jit3A_2728 : f32 to vector<8x1152xf32>
      %select_n3A_2730 = arith.select %eq3A_2700, %get3A_253, %broadcast_in_dim3A_2729 : vector<8x1152xi1>, vector<8x1152xf32>
      %reduce_sum3A_2731 = vector.shape_cast %select_n3A_2730 : vector<8x1152xf32> to vector<1x8x1152xf32>
      %reduce_sum3A_2732 = arith.constant dense<0.000000e+00> : vector<1xf32>
      %reduce_sum3A_2733 = vector.multi_reduction <add>, %reduce_sum3A_2731, %reduce_sum3A_2732 [1, 2] : vector<1x8x1152xf32> to vector<1xf32>
      %reduce_sum3A_2734 = vector.shape_cast %reduce_sum3A_2733 : vector<1xf32> to vector<1x1x1xf32>
      %reduce_sum3A_2735 = vector.extract %reduce_sum3A_2734[0, 0, 0] : f32 from vector<1x1x1xf32>
      %broadcast_in_dim3A_2736 = vector.broadcast %reduce_sum3A_2735 : f32 to vector<1x1xf32>
      %mul3A_2737 = arith.constant 5.000000e-01 : f32
      %mul3A_2738 = vector.broadcast %mul3A_2737 : f32 to vector<1x1xf32>
      %mul3A_2739 = arith.mulf %broadcast_in_dim3A_2736, %mul3A_2738 : vector<1x1xf32>
      %sub3A_2740 = arith.subf %broadcast_in_dim3A_2709, %mul3A_2739 : vector<1x1xf32>
      %mul3A_2741 = arith.constant 5.000000e-01 : f32
      %mul3A_2742 = vector.broadcast %mul3A_2741 : f32 to vector<1x1xf32>
      %mul3A_2743 = arith.mulf %broadcast_in_dim3A_2736, %mul3A_2742 : vector<1x1xf32>
      %add3A_2744 = arith.addf %broadcast_in_dim3A_2709, %mul3A_2743 : vector<1x1xf32>
      %mul3A_2745 = arith.constant 5.000000e-01 : f32
      %mul3A_2746 = vector.broadcast %mul3A_2745 : f32 to vector<1x1xf32>
      %mul3A_2747 = arith.mulf %broadcast_in_dim3A_2727, %mul3A_2746 : vector<1x1xf32>
      %sub3A_2748 = arith.subf %broadcast_in_dim3A_2718, %mul3A_2747 : vector<1x1xf32>
      %mul3A_2749 = arith.constant 5.000000e-01 : f32
      %mul3A_2750 = vector.broadcast %mul3A_2749 : f32 to vector<1x1xf32>
      %mul3A_2751 = arith.mulf %broadcast_in_dim3A_2727, %mul3A_2750 : vector<1x1xf32>
      %add3A_2752 = arith.addf %broadcast_in_dim3A_2718, %mul3A_2751 : vector<1x1xf32>
      %sub3A_2753 = arith.subf %add3A_2744, %sub3A_2740 : vector<1x1xf32>
      %sub3A_2754 = arith.subf %add3A_2752, %sub3A_2748 : vector<1x1xf32>
      %mul3A_2755 = arith.mulf %sub3A_2753, %sub3A_2754 : vector<1x1xf32>
      %min3A_2756 = vector.broadcast %add3A_2744 : vector<1x1xf32> to vector<8x1152xf32>
      %min3A_2757 = arith.minimumf %min3A_2756, %add3A_271 : vector<8x1152xf32>
      %max3A_2758 = vector.broadcast %sub3A_2740 : vector<1x1xf32> to vector<8x1152xf32>
      %max3A_2759 = arith.maximumf %max3A_2758, %sub3A_267 : vector<8x1152xf32>
      %sub3A_2760 = arith.subf %min3A_2757, %max3A_2759 : vector<8x1152xf32>
      %max3A_2761 = arith.constant 0.000000e+00 : f32
      %max3A_2762 = vector.broadcast %max3A_2761 : f32 to vector<8x1152xf32>
      %max3A_2763 = arith.maximumf %sub3A_2760, %max3A_2762 : vector<8x1152xf32>
      %min3A_2764 = vector.broadcast %add3A_2752 : vector<1x1xf32> to vector<8x1152xf32>
      %min3A_2765 = arith.minimumf %min3A_2764, %add3A_279 : vector<8x1152xf32>
      %max3A_2766 = vector.broadcast %sub3A_2748 : vector<1x1xf32> to vector<8x1152xf32>
      %max3A_2767 = arith.maximumf %max3A_2766, %sub3A_275 : vector<8x1152xf32>
      %sub3A_2768 = arith.subf %min3A_2765, %max3A_2767 : vector<8x1152xf32>
      %max3A_2769 = arith.constant 0.000000e+00 : f32
      %max3A_2770 = vector.broadcast %max3A_2769 : f32 to vector<8x1152xf32>
      %max3A_2771 = arith.maximumf %sub3A_2768, %max3A_2770 : vector<8x1152xf32>
      %mul3A_2772 = arith.mulf %max3A_2763, %max3A_2771 : vector<8x1152xf32>
      %add3A_2773 = vector.broadcast %mul3A_2755 : vector<1x1xf32> to vector<8x1152xf32>
      %add3A_2774 = arith.addf %add3A_2773, %mul3A_282 : vector<8x1152xf32>
      %sub3A_2775 = arith.subf %add3A_2774, %mul3A_2772 : vector<8x1152xf32>
      %max3A_2776 = arith.constant 9.99999997E-7 : f32
      %max3A_2777 = vector.broadcast %max3A_2776 : f32 to vector<8x1152xf32>
      %max3A_2778 = arith.maximumf %sub3A_2775, %max3A_2777 : vector<8x1152xf32>
      %div3A_2779 = arith.divf %mul3A_2772, %max3A_2778 : vector<8x1152xf32>
      %le3A_2780 = arith.constant 8.500000e-01 : f32
      %le3A_2781 = vector.broadcast %le3A_2780 : f32 to vector<8x1152xf32>
      %le3A_2782 = arith.cmpf ole, %div3A_2779, %le3A_2781 : vector<8x1152xf32>
      %ne3A_2783 = vector.broadcast %broadcast_in_dim3A_2698 : vector<1x1xi32> to vector<8x1152xi32>
      %ne3A_2784 = arith.cmpi ne, %add3A, %ne3A_2783 : vector<8x1152xi32>
      %and3A_2785 = arith.andi %le3A_2782, %ne3A_2784 : vector<8x1152xi1>
      %broadcast_in_dim3A_2786 = vector.broadcast %scan3A : i32 to vector<8x1152xi32>
      %select_n3A_2787 = arith.select %and3A_2785, %select_n3A_2145, %broadcast_in_dim3A_2786 : vector<8x1152xi1>, vector<8x1152xi32>
      %mul3A_2788 = vector.broadcast %broadcast_in_dim3A_2709 : vector<1x1xf32> to vector<1x8xf32>
      %mul3A_2789 = arith.mulf %mul3A_2788, %convert_element_type3A_6 : vector<1x8xf32>
      %jit3A_2790 = arith.constant 0.000000e+00 : f32
      %broadcast_in_dim3A_2791 = vector.broadcast %jit3A_2790 : f32 to vector<8x1152xf32>
      %select_n3A_2792 = arith.select %eq3A_2700, %get3A_233, %broadcast_in_dim3A_2791 : vector<8x1152xi1>, vector<8x1152xf32>
      %reduce_sum3A_2793 = vector.shape_cast %select_n3A_2792 : vector<8x1152xf32> to vector<1x8x1152xf32>
      %reduce_sum3A_2794 = arith.constant dense<0.000000e+00> : vector<1xf32>
      %reduce_sum3A_2795 = vector.multi_reduction <add>, %reduce_sum3A_2793, %reduce_sum3A_2794 [1, 2] : vector<1x8x1152xf32> to vector<1xf32>
      %reduce_sum3A_2796 = vector.shape_cast %reduce_sum3A_2795 : vector<1xf32> to vector<1x1x1xf32>
      %reduce_sum3A_2797 = vector.extract %reduce_sum3A_2796[0, 0, 0] : f32 from vector<1x1x1xf32>
      %broadcast_in_dim3A_2798 = vector.broadcast %reduce_sum3A_2797 : f32 to vector<1x1xf32>
      %mul3A_2799 = vector.broadcast %broadcast_in_dim3A_2798 : vector<1x1xf32> to vector<1x8xf32>
      %mul3A_2800 = arith.mulf %mul3A_2799, %convert_element_type3A_12 : vector<1x8xf32>
      %add3A_2801 = arith.addf %mul3A_2789, %mul3A_2800 : vector<1x8xf32>
      %mul3A_2802 = vector.broadcast %broadcast_in_dim3A_2718 : vector<1x1xf32> to vector<1x8xf32>
      %mul3A_2803 = arith.mulf %mul3A_2802, %convert_element_type3A_18 : vector<1x8xf32>
      %add3A_2804 = arith.addf %add3A_2801, %mul3A_2803 : vector<1x8xf32>
      %jit3A_2805 = arith.constant 0.000000e+00 : f32
      %broadcast_in_dim3A_2806 = vector.broadcast %jit3A_2805 : f32 to vector<8x1152xf32>
      %select_n3A_2807 = arith.select %eq3A_2700, %get3A_243, %broadcast_in_dim3A_2806 : vector<8x1152xi1>, vector<8x1152xf32>
      %reduce_sum3A_2808 = vector.shape_cast %select_n3A_2807 : vector<8x1152xf32> to vector<1x8x1152xf32>
      %reduce_sum3A_2809 = arith.constant dense<0.000000e+00> : vector<1xf32>
      %reduce_sum3A_2810 = vector.multi_reduction <add>, %reduce_sum3A_2808, %reduce_sum3A_2809 [1, 2] : vector<1x8x1152xf32> to vector<1xf32>
      %reduce_sum3A_2811 = vector.shape_cast %reduce_sum3A_2810 : vector<1xf32> to vector<1x1x1xf32>
      %reduce_sum3A_2812 = vector.extract %reduce_sum3A_2811[0, 0, 0] : f32 from vector<1x1x1xf32>
      %broadcast_in_dim3A_2813 = vector.broadcast %reduce_sum3A_2812 : f32 to vector<1x1xf32>
      %mul3A_2814 = vector.broadcast %broadcast_in_dim3A_2813 : vector<1x1xf32> to vector<1x8xf32>
      %mul3A_2815 = arith.mulf %mul3A_2814, %convert_element_type3A_24 : vector<1x8xf32>
      %add3A_2816 = arith.addf %add3A_2804, %mul3A_2815 : vector<1x8xf32>
      %mul3A_2817 = vector.broadcast %broadcast_in_dim3A_2727 : vector<1x1xf32> to vector<1x8xf32>
      %mul3A_2818 = arith.mulf %mul3A_2817, %convert_element_type3A_30 : vector<1x8xf32>
      %add3A_2819 = arith.addf %add3A_2816, %mul3A_2818 : vector<1x8xf32>
      %mul3A_2820 = vector.broadcast %broadcast_in_dim3A_2736 : vector<1x1xf32> to vector<1x8xf32>
      %mul3A_2821 = arith.mulf %mul3A_2820, %convert_element_type3A_36 : vector<1x8xf32>
      %add3A_2822 = arith.addf %add3A_2819, %mul3A_2821 : vector<1x8xf32>
      %jit3A_2823 = arith.constant 0.000000e+00 : f32
      %broadcast_in_dim3A_2824 = vector.broadcast %jit3A_2823 : f32 to vector<8x1152xf32>
      %select_n3A_2825 = arith.select %eq3A_2700, %get3A_258, %broadcast_in_dim3A_2824 : vector<8x1152xi1>, vector<8x1152xf32>
      %reduce_sum3A_2826 = vector.shape_cast %select_n3A_2825 : vector<8x1152xf32> to vector<1x8x1152xf32>
      %reduce_sum3A_2827 = arith.constant dense<0.000000e+00> : vector<1xf32>
      %reduce_sum3A_2828 = vector.multi_reduction <add>, %reduce_sum3A_2826, %reduce_sum3A_2827 [1, 2] : vector<1x8x1152xf32> to vector<1xf32>
      %reduce_sum3A_2829 = vector.shape_cast %reduce_sum3A_2828 : vector<1xf32> to vector<1x1x1xf32>
      %reduce_sum3A_2830 = vector.extract %reduce_sum3A_2829[0, 0, 0] : f32 from vector<1x1x1xf32>
      %broadcast_in_dim3A_2831 = vector.broadcast %reduce_sum3A_2830 : f32 to vector<1x1xf32>
      %mul3A_2832 = vector.broadcast %broadcast_in_dim3A_2831 : vector<1x1xf32> to vector<1x8xf32>
      %mul3A_2833 = arith.mulf %mul3A_2832, %convert_element_type3A_42 : vector<1x8xf32>
      %add3A_2834 = arith.addf %add3A_2822, %mul3A_2833 : vector<1x8xf32>
      %jit3A_2835 = arith.constant 0.000000e+00 : f32
      %broadcast_in_dim3A_2836 = vector.broadcast %jit3A_2835 : f32 to vector<8x1152xf32>
      %select_n3A_2837 = arith.select %eq3A_2700, %get3A_263, %broadcast_in_dim3A_2836 : vector<8x1152xi1>, vector<8x1152xf32>
      %reduce_sum3A_2838 = vector.shape_cast %select_n3A_2837 : vector<8x1152xf32> to vector<1x8x1152xf32>
      %reduce_sum3A_2839 = arith.constant dense<0.000000e+00> : vector<1xf32>
      %reduce_sum3A_2840 = vector.multi_reduction <add>, %reduce_sum3A_2838, %reduce_sum3A_2839 [1, 2] : vector<1x8x1152xf32> to vector<1xf32>
      %reduce_sum3A_2841 = vector.shape_cast %reduce_sum3A_2840 : vector<1xf32> to vector<1x1x1xf32>
      %reduce_sum3A_2842 = vector.extract %reduce_sum3A_2841[0, 0, 0] : f32 from vector<1x1x1xf32>
      %broadcast_in_dim3A_2843 = vector.broadcast %reduce_sum3A_2842 : f32 to vector<1x1xf32>
      %mul3A_2844 = vector.broadcast %broadcast_in_dim3A_2843 : vector<1x1xf32> to vector<1x8xf32>
      %mul3A_2845 = arith.mulf %mul3A_2844, %convert_element_type3A_48 : vector<1x8xf32>
      %add3A_2846 = arith.addf %add3A_2834, %mul3A_2845 : vector<1x8xf32>
      %swap3A_2847 = arith.constant 3 : index
      %swap3A_2848 = arith.index_cast %scan3A_2212 : i32 to index
      %swap3A_2849 = arith.constant 0 : index
      %swap3A_2850 = vector.load %arg1[%swap3A_2847, %swap3A_2848, %swap3A_2849] : memref<4x512x8xf32, #tpu.memory_space<vmem>>, vector<1x1x8xf32>
      %swap3A_2851 = vector.shape_cast %swap3A_2850 : vector<1x1x8xf32> to vector<1x8xf32>
      %swap3A_2852 = vector.shape_cast %add3A_2846 : vector<1x8xf32> to vector<1x1x8xf32>
      tpu.vector_store %arg1[%swap3A_2847, %swap3A_2848, %swap3A_2849], %swap3A_2852 {strides = array<i32>} : memref<4x512x8xf32, #tpu.memory_space<vmem>>, vector<1x1x8xf32>,
      %scan3A_2853 = arith.constant 4 : i32
      %scan3A_2854 = arith.addi %scan3A_291, %scan3A_2853 : i32
      %reduce_min3A_2855 = vector.shape_cast %select_n3A_2307 : vector<8x1152xi32> to vector<1x8x1152xi32>
      %reduce_min3A_2856 = arith.constant dense<2147483647> : vector<1xi32>
      %reduce_min3A_2857 = vector.multi_reduction <minsi>, %reduce_min3A_2855, %reduce_min3A_2856 [1, 2] : vector<1x8x1152xi32> to vector<1xi32>
      %reduce_min3A_2858 = vector.shape_cast %reduce_min3A_2857 : vector<1xi32> to vector<1x1x1xi32>
      %reduce_min3A_2859 = vector.extract %reduce_min3A_2858[0, 0, 0] : i32 from vector<1x1x1xi32>
      %broadcast_in_dim3A_2860 = vector.broadcast %reduce_min3A_2859 : i32 to vector<1x1xi32>
      %eq3A_2861 = vector.broadcast %broadcast_in_dim3A_2860 : vector<1x1xi32> to vector<8x1152xi32>
      %eq3A_2862 = arith.cmpi eq, %add3A, %eq3A_2861 : vector<8x1152xi32>
      %jit3A_2863 = arith.constant 0.000000e+00 : f32
      %broadcast_in_dim3A_2864 = vector.broadcast %jit3A_2863 : f32 to vector<8x1152xf32>
      %select_n3A_2865 = arith.select %eq3A_2862, %get3A_52, %broadcast_in_dim3A_2864 : vector<8x1152xi1>, vector<8x1152xf32>
      %reduce_sum3A_2866 = vector.shape_cast %select_n3A_2865 : vector<8x1152xf32> to vector<1x8x1152xf32>
      %reduce_sum3A_2867 = arith.constant dense<0.000000e+00> : vector<1xf32>
      %reduce_sum3A_2868 = vector.multi_reduction <add>, %reduce_sum3A_2866, %reduce_sum3A_2867 [1, 2] : vector<1x8x1152xf32> to vector<1xf32>
      %reduce_sum3A_2869 = vector.shape_cast %reduce_sum3A_2868 : vector<1xf32> to vector<1x1x1xf32>
      %reduce_sum3A_2870 = vector.extract %reduce_sum3A_2869[0, 0, 0] : f32 from vector<1x1x1xf32>
      %broadcast_in_dim3A_2871 = vector.broadcast %reduce_sum3A_2870 : f32 to vector<1x1xf32>
      %jit3A_2872 = arith.constant 0.000000e+00 : f32
      %broadcast_in_dim3A_2873 = vector.broadcast %jit3A_2872 : f32 to vector<8x1152xf32>
      %select_n3A_2874 = arith.select %eq3A_2862, %get3A_62, %broadcast_in_dim3A_2873 : vector<8x1152xi1>, vector<8x1152xf32>
      %reduce_sum3A_2875 = vector.shape_cast %select_n3A_2874 : vector<8x1152xf32> to vector<1x8x1152xf32>
      %reduce_sum3A_2876 = arith.constant dense<0.000000e+00> : vector<1xf32>
      %reduce_sum3A_2877 = vector.multi_reduction <add>, %reduce_sum3A_2875, %reduce_sum3A_2876 [1, 2] : vector<1x8x1152xf32> to vector<1xf32>
      %reduce_sum3A_2878 = vector.shape_cast %reduce_sum3A_2877 : vector<1xf32> to vector<1x1x1xf32>
      %reduce_sum3A_2879 = vector.extract %reduce_sum3A_2878[0, 0, 0] : f32 from vector<1x1x1xf32>
      %broadcast_in_dim3A_2880 = vector.broadcast %reduce_sum3A_2879 : f32 to vector<1x1xf32>
      %jit3A_2881 = arith.constant 0.000000e+00 : f32
      %broadcast_in_dim3A_2882 = vector.broadcast %jit3A_2881 : f32 to vector<8x1152xf32>
      %select_n3A_2883 = arith.select %eq3A_2862, %get3A_72, %broadcast_in_dim3A_2882 : vector<8x1152xi1>, vector<8x1152xf32>
      %reduce_sum3A_2884 = vector.shape_cast %select_n3A_2883 : vector<8x1152xf32> to vector<1x8x1152xf32>
      %reduce_sum3A_2885 = arith.constant dense<0.000000e+00> : vector<1xf32>
      %reduce_sum3A_2886 = vector.multi_reduction <add>, %reduce_sum3A_2884, %reduce_sum3A_2885 [1, 2] : vector<1x8x1152xf32> to vector<1xf32>
      %reduce_sum3A_2887 = vector.shape_cast %reduce_sum3A_2886 : vector<1xf32> to vector<1x1x1xf32>
      %reduce_sum3A_2888 = vector.extract %reduce_sum3A_2887[0, 0, 0] : f32 from vector<1x1x1xf32>
      %broadcast_in_dim3A_2889 = vector.broadcast %reduce_sum3A_2888 : f32 to vector<1x1xf32>
      %jit3A_2890 = arith.constant 0.000000e+00 : f32
      %broadcast_in_dim3A_2891 = vector.broadcast %jit3A_2890 : f32 to vector<8x1152xf32>
      %select_n3A_2892 = arith.select %eq3A_2862, %get3A_77, %broadcast_in_dim3A_2891 : vector<8x1152xi1>, vector<8x1152xf32>
      %reduce_sum3A_2893 = vector.shape_cast %select_n3A_2892 : vector<8x1152xf32> to vector<1x8x1152xf32>
      %reduce_sum3A_2894 = arith.constant dense<0.000000e+00> : vector<1xf32>
      %reduce_sum3A_2895 = vector.multi_reduction <add>, %reduce_sum3A_2893, %reduce_sum3A_2894 [1, 2] : vector<1x8x1152xf32> to vector<1xf32>
      %reduce_sum3A_2896 = vector.shape_cast %reduce_sum3A_2895 : vector<1xf32> to vector<1x1x1xf32>
      %reduce_sum3A_2897 = vector.extract %reduce_sum3A_2896[0, 0, 0] : f32 from vector<1x1x1xf32>
      %broadcast_in_dim3A_2898 = vector.broadcast %reduce_sum3A_2897 : f32 to vector<1x1xf32>
      %mul3A_2899 = arith.constant 5.000000e-01 : f32
      %mul3A_2900 = vector.broadcast %mul3A_2899 : f32 to vector<1x1xf32>
      %mul3A_2901 = arith.mulf %broadcast_in_dim3A_2898, %mul3A_2900 : vector<1x1xf32>
      %sub3A_2902 = arith.subf %broadcast_in_dim3A_2871, %mul3A_2901 : vector<1x1xf32>
      %mul3A_2903 = arith.constant 5.000000e-01 : f32
      %mul3A_2904 = vector.broadcast %mul3A_2903 : f32 to vector<1x1xf32>
      %mul3A_2905 = arith.mulf %broadcast_in_dim3A_2898, %mul3A_2904 : vector<1x1xf32>
      %add3A_2906 = arith.addf %broadcast_in_dim3A_2871, %mul3A_2905 : vector<1x1xf32>
      %mul3A_2907 = arith.constant 5.000000e-01 : f32
      %mul3A_2908 = vector.broadcast %mul3A_2907 : f32 to vector<1x1xf32>
      %mul3A_2909 = arith.mulf %broadcast_in_dim3A_2889, %mul3A_2908 : vector<1x1xf32>
      %sub3A_2910 = arith.subf %broadcast_in_dim3A_2880, %mul3A_2909 : vector<1x1xf32>
      %mul3A_2911 = arith.constant 5.000000e-01 : f32
      %mul3A_2912 = vector.broadcast %mul3A_2911 : f32 to vector<1x1xf32>
      %mul3A_2913 = arith.mulf %broadcast_in_dim3A_2889, %mul3A_2912 : vector<1x1xf32>
      %add3A_2914 = arith.addf %broadcast_in_dim3A_2880, %mul3A_2913 : vector<1x1xf32>
      %sub3A_2915 = arith.subf %add3A_2906, %sub3A_2902 : vector<1x1xf32>
      %sub3A_2916 = arith.subf %add3A_2914, %sub3A_2910 : vector<1x1xf32>
      %mul3A_2917 = arith.mulf %sub3A_2915, %sub3A_2916 : vector<1x1xf32>
      %min3A_2918 = vector.broadcast %add3A_2906 : vector<1x1xf32> to vector<8x1152xf32>
      %min3A_2919 = arith.minimumf %min3A_2918, %add3A_94 : vector<8x1152xf32>
      %max3A_2920 = vector.broadcast %sub3A_2902 : vector<1x1xf32> to vector<8x1152xf32>
      %max3A_2921 = arith.maximumf %max3A_2920, %sub3A : vector<8x1152xf32>
      %sub3A_2922 = arith.subf %min3A_2919, %max3A_2921 : vector<8x1152xf32>
      %max3A_2923 = arith.constant 0.000000e+00 : f32
      %max3A_2924 = vector.broadcast %max3A_2923 : f32 to vector<8x1152xf32>
      %max3A_2925 = arith.maximumf %sub3A_2922, %max3A_2924 : vector<8x1152xf32>
      %min3A_2926 = vector.broadcast %add3A_2914 : vector<1x1xf32> to vector<8x1152xf32>
      %min3A_2927 = arith.minimumf %min3A_2926, %add3A_102 : vector<8x1152xf32>
      %max3A_2928 = vector.broadcast %sub3A_2910 : vector<1x1xf32> to vector<8x1152xf32>
      %max3A_2929 = arith.maximumf %max3A_2928, %sub3A_98 : vector<8x1152xf32>
      %sub3A_2930 = arith.subf %min3A_2927, %max3A_2929 : vector<8x1152xf32>
      %max3A_2931 = arith.constant 0.000000e+00 : f32
      %max3A_2932 = vector.broadcast %max3A_2931 : f32 to vector<8x1152xf32>
      %max3A_2933 = arith.maximumf %sub3A_2930, %max3A_2932 : vector<8x1152xf32>
      %mul3A_2934 = arith.mulf %max3A_2925, %max3A_2933 : vector<8x1152xf32>
      %add3A_2935 = vector.broadcast %mul3A_2917 : vector<1x1xf32> to vector<8x1152xf32>
      %add3A_2936 = arith.addf %add3A_2935, %mul3A_105 : vector<8x1152xf32>
      %sub3A_2937 = arith.subf %add3A_2936, %mul3A_2934 : vector<8x1152xf32>
      %max3A_2938 = arith.constant 9.99999997E-7 : f32
      %max3A_2939 = vector.broadcast %max3A_2938 : f32 to vector<8x1152xf32>
      %max3A_2940 = arith.maximumf %sub3A_2937, %max3A_2939 : vector<8x1152xf32>
      %div3A_2941 = arith.divf %mul3A_2934, %max3A_2940 : vector<8x1152xf32>
      %le3A_2942 = arith.constant 8.500000e-01 : f32
      %le3A_2943 = vector.broadcast %le3A_2942 : f32 to vector<8x1152xf32>
      %le3A_2944 = arith.cmpf ole, %div3A_2941, %le3A_2943 : vector<8x1152xf32>
      %ne3A_2945 = vector.broadcast %broadcast_in_dim3A_2860 : vector<1x1xi32> to vector<8x1152xi32>
      %ne3A_2946 = arith.cmpi ne, %add3A, %ne3A_2945 : vector<8x1152xi32>
      %and3A_2947 = arith.andi %le3A_2944, %ne3A_2946 : vector<8x1152xi1>
      %broadcast_in_dim3A_2948 = vector.broadcast %scan3A : i32 to vector<8x1152xi32>
      %select_n3A_2949 = arith.select %and3A_2947, %select_n3A_2307, %broadcast_in_dim3A_2948 : vector<8x1152xi1>, vector<8x1152xi32>
      %mul3A_2950 = vector.broadcast %broadcast_in_dim3A_2871 : vector<1x1xf32> to vector<1x8xf32>
      %mul3A_2951 = arith.mulf %mul3A_2950, %convert_element_type3A_6 : vector<1x8xf32>
      %jit3A_2952 = arith.constant 0.000000e+00 : f32
      %broadcast_in_dim3A_2953 = vector.broadcast %jit3A_2952 : f32 to vector<8x1152xf32>
      %select_n3A_2954 = arith.select %eq3A_2862, %get3A_57, %broadcast_in_dim3A_2953 : vector<8x1152xi1>, vector<8x1152xf32>
      %reduce_sum3A_2955 = vector.shape_cast %select_n3A_2954 : vector<8x1152xf32> to vector<1x8x1152xf32>
      %reduce_sum3A_2956 = arith.constant dense<0.000000e+00> : vector<1xf32>
      %reduce_sum3A_2957 = vector.multi_reduction <add>, %reduce_sum3A_2955, %reduce_sum3A_2956 [1, 2] : vector<1x8x1152xf32> to vector<1xf32>
      %reduce_sum3A_2958 = vector.shape_cast %reduce_sum3A_2957 : vector<1xf32> to vector<1x1x1xf32>
      %reduce_sum3A_2959 = vector.extract %reduce_sum3A_2958[0, 0, 0] : f32 from vector<1x1x1xf32>
      %broadcast_in_dim3A_2960 = vector.broadcast %reduce_sum3A_2959 : f32 to vector<1x1xf32>
      %mul3A_2961 = vector.broadcast %broadcast_in_dim3A_2960 : vector<1x1xf32> to vector<1x8xf32>
      %mul3A_2962 = arith.mulf %mul3A_2961, %convert_element_type3A_12 : vector<1x8xf32>
      %add3A_2963 = arith.addf %mul3A_2951, %mul3A_2962 : vector<1x8xf32>
      %mul3A_2964 = vector.broadcast %broadcast_in_dim3A_2880 : vector<1x1xf32> to vector<1x8xf32>
      %mul3A_2965 = arith.mulf %mul3A_2964, %convert_element_type3A_18 : vector<1x8xf32>
      %add3A_2966 = arith.addf %add3A_2963, %mul3A_2965 : vector<1x8xf32>
      %jit3A_2967 = arith.constant 0.000000e+00 : f32
      %broadcast_in_dim3A_2968 = vector.broadcast %jit3A_2967 : f32 to vector<8x1152xf32>
      %select_n3A_2969 = arith.select %eq3A_2862, %get3A_67, %broadcast_in_dim3A_2968 : vector<8x1152xi1>, vector<8x1152xf32>
      %reduce_sum3A_2970 = vector.shape_cast %select_n3A_2969 : vector<8x1152xf32> to vector<1x8x1152xf32>
      %reduce_sum3A_2971 = arith.constant dense<0.000000e+00> : vector<1xf32>
      %reduce_sum3A_2972 = vector.multi_reduction <add>, %reduce_sum3A_2970, %reduce_sum3A_2971 [1, 2] : vector<1x8x1152xf32> to vector<1xf32>
      %reduce_sum3A_2973 = vector.shape_cast %reduce_sum3A_2972 : vector<1xf32> to vector<1x1x1xf32>
      %reduce_sum3A_2974 = vector.extract %reduce_sum3A_2973[0, 0, 0] : f32 from vector<1x1x1xf32>
      %broadcast_in_dim3A_2975 = vector.broadcast %reduce_sum3A_2974 : f32 to vector<1x1xf32>
      %mul3A_2976 = vector.broadcast %broadcast_in_dim3A_2975 : vector<1x1xf32> to vector<1x8xf32>
      %mul3A_2977 = arith.mulf %mul3A_2976, %convert_element_type3A_24 : vector<1x8xf32>
      %add3A_2978 = arith.addf %add3A_2966, %mul3A_2977 : vector<1x8xf32>
      %mul3A_2979 = vector.broadcast %broadcast_in_dim3A_2889 : vector<1x1xf32> to vector<1x8xf32>
      %mul3A_2980 = arith.mulf %mul3A_2979, %convert_element_type3A_30 : vector<1x8xf32>
      %add3A_2981 = arith.addf %add3A_2978, %mul3A_2980 : vector<1x8xf32>
      %mul3A_2982 = vector.broadcast %broadcast_in_dim3A_2898 : vector<1x1xf32> to vector<1x8xf32>
      %mul3A_2983 = arith.mulf %mul3A_2982, %convert_element_type3A_36 : vector<1x8xf32>
      %add3A_2984 = arith.addf %add3A_2981, %mul3A_2983 : vector<1x8xf32>
      %jit3A_2985 = arith.constant 0.000000e+00 : f32
      %broadcast_in_dim3A_2986 = vector.broadcast %jit3A_2985 : f32 to vector<8x1152xf32>
      %select_n3A_2987 = arith.select %eq3A_2862, %get3A_82, %broadcast_in_dim3A_2986 : vector<8x1152xi1>, vector<8x1152xf32>
      %reduce_sum3A_2988 = vector.shape_cast %select_n3A_2987 : vector<8x1152xf32> to vector<1x8x1152xf32>
      %reduce_sum3A_2989 = arith.constant dense<0.000000e+00> : vector<1xf32>
      %reduce_sum3A_2990 = vector.multi_reduction <add>, %reduce_sum3A_2988, %reduce_sum3A_2989 [1, 2] : vector<1x8x1152xf32> to vector<1xf32>
      %reduce_sum3A_2991 = vector.shape_cast %reduce_sum3A_2990 : vector<1xf32> to vector<1x1x1xf32>
      %reduce_sum3A_2992 = vector.extract %reduce_sum3A_2991[0, 0, 0] : f32 from vector<1x1x1xf32>
      %broadcast_in_dim3A_2993 = vector.broadcast %reduce_sum3A_2992 : f32 to vector<1x1xf32>
      %mul3A_2994 = vector.broadcast %broadcast_in_dim3A_2993 : vector<1x1xf32> to vector<1x8xf32>
      %mul3A_2995 = arith.mulf %mul3A_2994, %convert_element_type3A_42 : vector<1x8xf32>
      %add3A_2996 = arith.addf %add3A_2984, %mul3A_2995 : vector<1x8xf32>
      %jit3A_2997 = arith.constant 0.000000e+00 : f32
      %broadcast_in_dim3A_2998 = vector.broadcast %jit3A_2997 : f32 to vector<8x1152xf32>
      %select_n3A_2999 = arith.select %eq3A_2862, %get3A_87, %broadcast_in_dim3A_2998 : vector<8x1152xi1>, vector<8x1152xf32>
      %reduce_sum3A_3000 = vector.shape_cast %select_n3A_2999 : vector<8x1152xf32> to vector<1x8x1152xf32>
      %reduce_sum3A_3001 = arith.constant dense<0.000000e+00> : vector<1xf32>
      %reduce_sum3A_3002 = vector.multi_reduction <add>, %reduce_sum3A_3000, %reduce_sum3A_3001 [1, 2] : vector<1x8x1152xf32> to vector<1xf32>
      %reduce_sum3A_3003 = vector.shape_cast %reduce_sum3A_3002 : vector<1xf32> to vector<1x1x1xf32>
      %reduce_sum3A_3004 = vector.extract %reduce_sum3A_3003[0, 0, 0] : f32 from vector<1x1x1xf32>
      %broadcast_in_dim3A_3005 = vector.broadcast %reduce_sum3A_3004 : f32 to vector<1x1xf32>
      %mul3A_3006 = vector.broadcast %broadcast_in_dim3A_3005 : vector<1x1xf32> to vector<1x8xf32>
      %mul3A_3007 = arith.mulf %mul3A_3006, %convert_element_type3A_48 : vector<1x8xf32>
      %add3A_3008 = arith.addf %add3A_2996, %mul3A_3007 : vector<1x8xf32>
      %swap3A_3009 = arith.constant 0 : index
      %swap3A_3010 = arith.index_cast %scan3A_2854 : i32 to index
      %swap3A_3011 = arith.constant 0 : index
      %swap3A_3012 = vector.load %arg1[%swap3A_3009, %swap3A_3010, %swap3A_3011] : memref<4x512x8xf32, #tpu.memory_space<vmem>>, vector<1x1x8xf32>
      %swap3A_3013 = vector.shape_cast %swap3A_3012 : vector<1x1x8xf32> to vector<1x8xf32>
      %swap3A_3014 = vector.shape_cast %add3A_3008 : vector<1x8xf32> to vector<1x1x8xf32>
      tpu.vector_store %arg1[%swap3A_3009, %swap3A_3010, %swap3A_3011], %swap3A_3014 {strides = array<i32>} : memref<4x512x8xf32, #tpu.memory_space<vmem>>, vector<1x1x8xf32>,
      %reduce_min3A_3015 = vector.shape_cast %select_n3A_2467 : vector<8x1152xi32> to vector<1x8x1152xi32>
      %reduce_min3A_3016 = arith.constant dense<2147483647> : vector<1xi32>
      %reduce_min3A_3017 = vector.multi_reduction <minsi>, %reduce_min3A_3015, %reduce_min3A_3016 [1, 2] : vector<1x8x1152xi32> to vector<1xi32>
      %reduce_min3A_3018 = vector.shape_cast %reduce_min3A_3017 : vector<1xi32> to vector<1x1x1xi32>
      %reduce_min3A_3019 = vector.extract %reduce_min3A_3018[0, 0, 0] : i32 from vector<1x1x1xi32>
      %broadcast_in_dim3A_3020 = vector.broadcast %reduce_min3A_3019 : i32 to vector<1x1xi32>
      %eq3A_3021 = vector.broadcast %broadcast_in_dim3A_3020 : vector<1x1xi32> to vector<8x1152xi32>
      %eq3A_3022 = arith.cmpi eq, %add3A, %eq3A_3021 : vector<8x1152xi32>
      %jit3A_3023 = arith.constant 0.000000e+00 : f32
      %broadcast_in_dim3A_3024 = vector.broadcast %jit3A_3023 : f32 to vector<8x1152xf32>
      %select_n3A_3025 = arith.select %eq3A_3022, %get3A_110, %broadcast_in_dim3A_3024 : vector<8x1152xi1>, vector<8x1152xf32>
      %reduce_sum3A_3026 = vector.shape_cast %select_n3A_3025 : vector<8x1152xf32> to vector<1x8x1152xf32>
      %reduce_sum3A_3027 = arith.constant dense<0.000000e+00> : vector<1xf32>
      %reduce_sum3A_3028 = vector.multi_reduction <add>, %reduce_sum3A_3026, %reduce_sum3A_3027 [1, 2] : vector<1x8x1152xf32> to vector<1xf32>
      %reduce_sum3A_3029 = vector.shape_cast %reduce_sum3A_3028 : vector<1xf32> to vector<1x1x1xf32>
      %reduce_sum3A_3030 = vector.extract %reduce_sum3A_3029[0, 0, 0] : f32 from vector<1x1x1xf32>
      %broadcast_in_dim3A_3031 = vector.broadcast %reduce_sum3A_3030 : f32 to vector<1x1xf32>
      %jit3A_3032 = arith.constant 0.000000e+00 : f32
      %broadcast_in_dim3A_3033 = vector.broadcast %jit3A_3032 : f32 to vector<8x1152xf32>
      %select_n3A_3034 = arith.select %eq3A_3022, %get3A_120, %broadcast_in_dim3A_3033 : vector<8x1152xi1>, vector<8x1152xf32>
      %reduce_sum3A_3035 = vector.shape_cast %select_n3A_3034 : vector<8x1152xf32> to vector<1x8x1152xf32>
      %reduce_sum3A_3036 = arith.constant dense<0.000000e+00> : vector<1xf32>
      %reduce_sum3A_3037 = vector.multi_reduction <add>, %reduce_sum3A_3035, %reduce_sum3A_3036 [1, 2] : vector<1x8x1152xf32> to vector<1xf32>
      %reduce_sum3A_3038 = vector.shape_cast %reduce_sum3A_3037 : vector<1xf32> to vector<1x1x1xf32>
      %reduce_sum3A_3039 = vector.extract %reduce_sum3A_3038[0, 0, 0] : f32 from vector<1x1x1xf32>
      %broadcast_in_dim3A_3040 = vector.broadcast %reduce_sum3A_3039 : f32 to vector<1x1xf32>
      %jit3A_3041 = arith.constant 0.000000e+00 : f32
      %broadcast_in_dim3A_3042 = vector.broadcast %jit3A_3041 : f32 to vector<8x1152xf32>
      %select_n3A_3043 = arith.select %eq3A_3022, %get3A_130, %broadcast_in_dim3A_3042 : vector<8x1152xi1>, vector<8x1152xf32>
      %reduce_sum3A_3044 = vector.shape_cast %select_n3A_3043 : vector<8x1152xf32> to vector<1x8x1152xf32>
      %reduce_sum3A_3045 = arith.constant dense<0.000000e+00> : vector<1xf32>
      %reduce_sum3A_3046 = vector.multi_reduction <add>, %reduce_sum3A_3044, %reduce_sum3A_3045 [1, 2] : vector<1x8x1152xf32> to vector<1xf32>
      %reduce_sum3A_3047 = vector.shape_cast %reduce_sum3A_3046 : vector<1xf32> to vector<1x1x1xf32>
      %reduce_sum3A_3048 = vector.extract %reduce_sum3A_3047[0, 0, 0] : f32 from vector<1x1x1xf32>
      %broadcast_in_dim3A_3049 = vector.broadcast %reduce_sum3A_3048 : f32 to vector<1x1xf32>
      %jit3A_3050 = arith.constant 0.000000e+00 : f32
      %broadcast_in_dim3A_3051 = vector.broadcast %jit3A_3050 : f32 to vector<8x1152xf32>
      %select_n3A_3052 = arith.select %eq3A_3022, %get3A_135, %broadcast_in_dim3A_3051 : vector<8x1152xi1>, vector<8x1152xf32>
      %reduce_sum3A_3053 = vector.shape_cast %select_n3A_3052 : vector<8x1152xf32> to vector<1x8x1152xf32>
      %reduce_sum3A_3054 = arith.constant dense<0.000000e+00> : vector<1xf32>
      %reduce_sum3A_3055 = vector.multi_reduction <add>, %reduce_sum3A_3053, %reduce_sum3A_3054 [1, 2] : vector<1x8x1152xf32> to vector<1xf32>
      %reduce_sum3A_3056 = vector.shape_cast %reduce_sum3A_3055 : vector<1xf32> to vector<1x1x1xf32>
      %reduce_sum3A_3057 = vector.extract %reduce_sum3A_3056[0, 0, 0] : f32 from vector<1x1x1xf32>
      %broadcast_in_dim3A_3058 = vector.broadcast %reduce_sum3A_3057 : f32 to vector<1x1xf32>
      %mul3A_3059 = arith.constant 5.000000e-01 : f32
      %mul3A_3060 = vector.broadcast %mul3A_3059 : f32 to vector<1x1xf32>
      %mul3A_3061 = arith.mulf %broadcast_in_dim3A_3058, %mul3A_3060 : vector<1x1xf32>
      %sub3A_3062 = arith.subf %broadcast_in_dim3A_3031, %mul3A_3061 : vector<1x1xf32>
      %mul3A_3063 = arith.constant 5.000000e-01 : f32
      %mul3A_3064 = vector.broadcast %mul3A_3063 : f32 to vector<1x1xf32>
      %mul3A_3065 = arith.mulf %broadcast_in_dim3A_3058, %mul3A_3064 : vector<1x1xf32>
      %add3A_3066 = arith.addf %broadcast_in_dim3A_3031, %mul3A_3065 : vector<1x1xf32>
      %mul3A_3067 = arith.constant 5.000000e-01 : f32
      %mul3A_3068 = vector.broadcast %mul3A_3067 : f32 to vector<1x1xf32>
      %mul3A_3069 = arith.mulf %broadcast_in_dim3A_3049, %mul3A_3068 : vector<1x1xf32>
      %sub3A_3070 = arith.subf %broadcast_in_dim3A_3040, %mul3A_3069 : vector<1x1xf32>
      %mul3A_3071 = arith.constant 5.000000e-01 : f32
      %mul3A_3072 = vector.broadcast %mul3A_3071 : f32 to vector<1x1xf32>
      %mul3A_3073 = arith.mulf %broadcast_in_dim3A_3049, %mul3A_3072 : vector<1x1xf32>
      %add3A_3074 = arith.addf %broadcast_in_dim3A_3040, %mul3A_3073 : vector<1x1xf32>
      %sub3A_3075 = arith.subf %add3A_3066, %sub3A_3062 : vector<1x1xf32>
      %sub3A_3076 = arith.subf %add3A_3074, %sub3A_3070 : vector<1x1xf32>
      %mul3A_3077 = arith.mulf %sub3A_3075, %sub3A_3076 : vector<1x1xf32>
      %min3A_3078 = vector.broadcast %add3A_3066 : vector<1x1xf32> to vector<8x1152xf32>
      %min3A_3079 = arith.minimumf %min3A_3078, %add3A_153 : vector<8x1152xf32>
      %max3A_3080 = vector.broadcast %sub3A_3062 : vector<1x1xf32> to vector<8x1152xf32>
      %max3A_3081 = arith.maximumf %max3A_3080, %sub3A_149 : vector<8x1152xf32>
      %sub3A_3082 = arith.subf %min3A_3079, %max3A_3081 : vector<8x1152xf32>
      %max3A_3083 = arith.constant 0.000000e+00 : f32
      %max3A_3084 = vector.broadcast %max3A_3083 : f32 to vector<8x1152xf32>
      %max3A_3085 = arith.maximumf %sub3A_3082, %max3A_3084 : vector<8x1152xf32>
      %min3A_3086 = vector.broadcast %add3A_3074 : vector<1x1xf32> to vector<8x1152xf32>
      %min3A_3087 = arith.minimumf %min3A_3086, %add3A_161 : vector<8x1152xf32>
      %max3A_3088 = vector.broadcast %sub3A_3070 : vector<1x1xf32> to vector<8x1152xf32>
      %max3A_3089 = arith.maximumf %max3A_3088, %sub3A_157 : vector<8x1152xf32>
      %sub3A_3090 = arith.subf %min3A_3087, %max3A_3089 : vector<8x1152xf32>
      %max3A_3091 = arith.constant 0.000000e+00 : f32
      %max3A_3092 = vector.broadcast %max3A_3091 : f32 to vector<8x1152xf32>
      %max3A_3093 = arith.maximumf %sub3A_3090, %max3A_3092 : vector<8x1152xf32>
      %mul3A_3094 = arith.mulf %max3A_3085, %max3A_3093 : vector<8x1152xf32>
      %add3A_3095 = vector.broadcast %mul3A_3077 : vector<1x1xf32> to vector<8x1152xf32>
      %add3A_3096 = arith.addf %add3A_3095, %mul3A_164 : vector<8x1152xf32>
      %sub3A_3097 = arith.subf %add3A_3096, %mul3A_3094 : vector<8x1152xf32>
      %max3A_3098 = arith.constant 9.99999997E-7 : f32
      %max3A_3099 = vector.broadcast %max3A_3098 : f32 to vector<8x1152xf32>
      %max3A_3100 = arith.maximumf %sub3A_3097, %max3A_3099 : vector<8x1152xf32>
      %div3A_3101 = arith.divf %mul3A_3094, %max3A_3100 : vector<8x1152xf32>
      %le3A_3102 = arith.constant 8.500000e-01 : f32
      %le3A_3103 = vector.broadcast %le3A_3102 : f32 to vector<8x1152xf32>
      %le3A_3104 = arith.cmpf ole, %div3A_3101, %le3A_3103 : vector<8x1152xf32>
      %ne3A_3105 = vector.broadcast %broadcast_in_dim3A_3020 : vector<1x1xi32> to vector<8x1152xi32>
      %ne3A_3106 = arith.cmpi ne, %add3A, %ne3A_3105 : vector<8x1152xi32>
      %and3A_3107 = arith.andi %le3A_3104, %ne3A_3106 : vector<8x1152xi1>
      %broadcast_in_dim3A_3108 = vector.broadcast %scan3A : i32 to vector<8x1152xi32>
      %select_n3A_3109 = arith.select %and3A_3107, %select_n3A_2467, %broadcast_in_dim3A_3108 : vector<8x1152xi1>, vector<8x1152xi32>
      %mul3A_3110 = vector.broadcast %broadcast_in_dim3A_3031 : vector<1x1xf32> to vector<1x8xf32>
      %mul3A_3111 = arith.mulf %mul3A_3110, %convert_element_type3A_6 : vector<1x8xf32>
      %jit3A_3112 = arith.constant 0.000000e+00 : f32
      %broadcast_in_dim3A_3113 = vector.broadcast %jit3A_3112 : f32 to vector<8x1152xf32>
      %select_n3A_3114 = arith.select %eq3A_3022, %get3A_115, %broadcast_in_dim3A_3113 : vector<8x1152xi1>, vector<8x1152xf32>
      %reduce_sum3A_3115 = vector.shape_cast %select_n3A_3114 : vector<8x1152xf32> to vector<1x8x1152xf32>
      %reduce_sum3A_3116 = arith.constant dense<0.000000e+00> : vector<1xf32>
      %reduce_sum3A_3117 = vector.multi_reduction <add>, %reduce_sum3A_3115, %reduce_sum3A_3116 [1, 2] : vector<1x8x1152xf32> to vector<1xf32>
      %reduce_sum3A_3118 = vector.shape_cast %reduce_sum3A_3117 : vector<1xf32> to vector<1x1x1xf32>
      %reduce_sum3A_3119 = vector.extract %reduce_sum3A_3118[0, 0, 0] : f32 from vector<1x1x1xf32>
      %broadcast_in_dim3A_3120 = vector.broadcast %reduce_sum3A_3119 : f32 to vector<1x1xf32>
      %mul3A_3121 = vector.broadcast %broadcast_in_dim3A_3120 : vector<1x1xf32> to vector<1x8xf32>
      %mul3A_3122 = arith.mulf %mul3A_3121, %convert_element_type3A_12 : vector<1x8xf32>
      %add3A_3123 = arith.addf %mul3A_3111, %mul3A_3122 : vector<1x8xf32>
      %mul3A_3124 = vector.broadcast %broadcast_in_dim3A_3040 : vector<1x1xf32> to vector<1x8xf32>
      %mul3A_3125 = arith.mulf %mul3A_3124, %convert_element_type3A_18 : vector<1x8xf32>
      %add3A_3126 = arith.addf %add3A_3123, %mul3A_3125 : vector<1x8xf32>
      %jit3A_3127 = arith.constant 0.000000e+00 : f32
      %broadcast_in_dim3A_3128 = vector.broadcast %jit3A_3127 : f32 to vector<8x1152xf32>
      %select_n3A_3129 = arith.select %eq3A_3022, %get3A_125, %broadcast_in_dim3A_3128 : vector<8x1152xi1>, vector<8x1152xf32>
      %reduce_sum3A_3130 = vector.shape_cast %select_n3A_3129 : vector<8x1152xf32> to vector<1x8x1152xf32>
      %reduce_sum3A_3131 = arith.constant dense<0.000000e+00> : vector<1xf32>
      %reduce_sum3A_3132 = vector.multi_reduction <add>, %reduce_sum3A_3130, %reduce_sum3A_3131 [1, 2] : vector<1x8x1152xf32> to vector<1xf32>
      %reduce_sum3A_3133 = vector.shape_cast %reduce_sum3A_3132 : vector<1xf32> to vector<1x1x1xf32>
      %reduce_sum3A_3134 = vector.extract %reduce_sum3A_3133[0, 0, 0] : f32 from vector<1x1x1xf32>
      %broadcast_in_dim3A_3135 = vector.broadcast %reduce_sum3A_3134 : f32 to vector<1x1xf32>
      %mul3A_3136 = vector.broadcast %broadcast_in_dim3A_3135 : vector<1x1xf32> to vector<1x8xf32>
      %mul3A_3137 = arith.mulf %mul3A_3136, %convert_element_type3A_24 : vector<1x8xf32>
      %add3A_3138 = arith.addf %add3A_3126, %mul3A_3137 : vector<1x8xf32>
      %mul3A_3139 = vector.broadcast %broadcast_in_dim3A_3049 : vector<1x1xf32> to vector<1x8xf32>
      %mul3A_3140 = arith.mulf %mul3A_3139, %convert_element_type3A_30 : vector<1x8xf32>
      %add3A_3141 = arith.addf %add3A_3138, %mul3A_3140 : vector<1x8xf32>
      %mul3A_3142 = vector.broadcast %broadcast_in_dim3A_3058 : vector<1x1xf32> to vector<1x8xf32>
      %mul3A_3143 = arith.mulf %mul3A_3142, %convert_element_type3A_36 : vector<1x8xf32>
      %add3A_3144 = arith.addf %add3A_3141, %mul3A_3143 : vector<1x8xf32>
      %jit3A_3145 = arith.constant 0.000000e+00 : f32
      %broadcast_in_dim3A_3146 = vector.broadcast %jit3A_3145 : f32 to vector<8x1152xf32>
      %select_n3A_3147 = arith.select %eq3A_3022, %get3A_140, %broadcast_in_dim3A_3146 : vector<8x1152xi1>, vector<8x1152xf32>
      %reduce_sum3A_3148 = vector.shape_cast %select_n3A_3147 : vector<8x1152xf32> to vector<1x8x1152xf32>
      %reduce_sum3A_3149 = arith.constant dense<0.000000e+00> : vector<1xf32>
      %reduce_sum3A_3150 = vector.multi_reduction <add>, %reduce_sum3A_3148, %reduce_sum3A_3149 [1, 2] : vector<1x8x1152xf32> to vector<1xf32>
      %reduce_sum3A_3151 = vector.shape_cast %reduce_sum3A_3150 : vector<1xf32> to vector<1x1x1xf32>
      %reduce_sum3A_3152 = vector.extract %reduce_sum3A_3151[0, 0, 0] : f32 from vector<1x1x1xf32>
      %broadcast_in_dim3A_3153 = vector.broadcast %reduce_sum3A_3152 : f32 to vector<1x1xf32>
      %mul3A_3154 = vector.broadcast %broadcast_in_dim3A_3153 : vector<1x1xf32> to vector<1x8xf32>
      %mul3A_3155 = arith.mulf %mul3A_3154, %convert_element_type3A_42 : vector<1x8xf32>
      %add3A_3156 = arith.addf %add3A_3144, %mul3A_3155 : vector<1x8xf32>
      %jit3A_3157 = arith.constant 0.000000e+00 : f32
      %broadcast_in_dim3A_3158 = vector.broadcast %jit3A_3157 : f32 to vector<8x1152xf32>
      %select_n3A_3159 = arith.select %eq3A_3022, %get3A_145, %broadcast_in_dim3A_3158 : vector<8x1152xi1>, vector<8x1152xf32>
      %reduce_sum3A_3160 = vector.shape_cast %select_n3A_3159 : vector<8x1152xf32> to vector<1x8x1152xf32>
      %reduce_sum3A_3161 = arith.constant dense<0.000000e+00> : vector<1xf32>
      %reduce_sum3A_3162 = vector.multi_reduction <add>, %reduce_sum3A_3160, %reduce_sum3A_3161 [1, 2] : vector<1x8x1152xf32> to vector<1xf32>
      %reduce_sum3A_3163 = vector.shape_cast %reduce_sum3A_3162 : vector<1xf32> to vector<1x1x1xf32>
      %reduce_sum3A_3164 = vector.extract %reduce_sum3A_3163[0, 0, 0] : f32 from vector<1x1x1xf32>
      %broadcast_in_dim3A_3165 = vector.broadcast %reduce_sum3A_3164 : f32 to vector<1x1xf32>
      %mul3A_3166 = vector.broadcast %broadcast_in_dim3A_3165 : vector<1x1xf32> to vector<1x8xf32>
      %mul3A_3167 = arith.mulf %mul3A_3166, %convert_element_type3A_48 : vector<1x8xf32>
      %add3A_3168 = arith.addf %add3A_3156, %mul3A_3167 : vector<1x8xf32>
      %swap3A_3169 = arith.constant 1 : index
      %swap3A_3170 = arith.index_cast %scan3A_2854 : i32 to index
      %swap3A_3171 = arith.constant 0 : index
      %swap3A_3172 = vector.load %arg1[%swap3A_3169, %swap3A_3170, %swap3A_3171] : memref<4x512x8xf32, #tpu.memory_space<vmem>>, vector<1x1x8xf32>
      %swap3A_3173 = vector.shape_cast %swap3A_3172 : vector<1x1x8xf32> to vector<1x8xf32>
      %swap3A_3174 = vector.shape_cast %add3A_3168 : vector<1x8xf32> to vector<1x1x8xf32>
      tpu.vector_store %arg1[%swap3A_3169, %swap3A_3170, %swap3A_3171], %swap3A_3174 {strides = array<i32>} : memref<4x512x8xf32, #tpu.memory_space<vmem>>, vector<1x1x8xf32>,
      %reduce_min3A_3175 = vector.shape_cast %select_n3A_2627 : vector<8x1152xi32> to vector<1x8x1152xi32>
      %reduce_min3A_3176 = arith.constant dense<2147483647> : vector<1xi32>
      %reduce_min3A_3177 = vector.multi_reduction <minsi>, %reduce_min3A_3175, %reduce_min3A_3176 [1, 2] : vector<1x8x1152xi32> to vector<1xi32>
      %reduce_min3A_3178 = vector.shape_cast %reduce_min3A_3177 : vector<1xi32> to vector<1x1x1xi32>
      %reduce_min3A_3179 = vector.extract %reduce_min3A_3178[0, 0, 0] : i32 from vector<1x1x1xi32>
      %broadcast_in_dim3A_3180 = vector.broadcast %reduce_min3A_3179 : i32 to vector<1x1xi32>
      %eq3A_3181 = vector.broadcast %broadcast_in_dim3A_3180 : vector<1x1xi32> to vector<8x1152xi32>
      %eq3A_3182 = arith.cmpi eq, %add3A, %eq3A_3181 : vector<8x1152xi32>
      %jit3A_3183 = arith.constant 0.000000e+00 : f32
      %broadcast_in_dim3A_3184 = vector.broadcast %jit3A_3183 : f32 to vector<8x1152xf32>
      %select_n3A_3185 = arith.select %eq3A_3182, %get3A_169, %broadcast_in_dim3A_3184 : vector<8x1152xi1>, vector<8x1152xf32>
      %reduce_sum3A_3186 = vector.shape_cast %select_n3A_3185 : vector<8x1152xf32> to vector<1x8x1152xf32>
      %reduce_sum3A_3187 = arith.constant dense<0.000000e+00> : vector<1xf32>
      %reduce_sum3A_3188 = vector.multi_reduction <add>, %reduce_sum3A_3186, %reduce_sum3A_3187 [1, 2] : vector<1x8x1152xf32> to vector<1xf32>
      %reduce_sum3A_3189 = vector.shape_cast %reduce_sum3A_3188 : vector<1xf32> to vector<1x1x1xf32>
      %reduce_sum3A_3190 = vector.extract %reduce_sum3A_3189[0, 0, 0] : f32 from vector<1x1x1xf32>
      %broadcast_in_dim3A_3191 = vector.broadcast %reduce_sum3A_3190 : f32 to vector<1x1xf32>
      %jit3A_3192 = arith.constant 0.000000e+00 : f32
      %broadcast_in_dim3A_3193 = vector.broadcast %jit3A_3192 : f32 to vector<8x1152xf32>
      %select_n3A_3194 = arith.select %eq3A_3182, %get3A_179, %broadcast_in_dim3A_3193 : vector<8x1152xi1>, vector<8x1152xf32>
      %reduce_sum3A_3195 = vector.shape_cast %select_n3A_3194 : vector<8x1152xf32> to vector<1x8x1152xf32>
      %reduce_sum3A_3196 = arith.constant dense<0.000000e+00> : vector<1xf32>
      %reduce_sum3A_3197 = vector.multi_reduction <add>, %reduce_sum3A_3195, %reduce_sum3A_3196 [1, 2] : vector<1x8x1152xf32> to vector<1xf32>
      %reduce_sum3A_3198 = vector.shape_cast %reduce_sum3A_3197 : vector<1xf32> to vector<1x1x1xf32>
      %reduce_sum3A_3199 = vector.extract %reduce_sum3A_3198[0, 0, 0] : f32 from vector<1x1x1xf32>
      %broadcast_in_dim3A_3200 = vector.broadcast %reduce_sum3A_3199 : f32 to vector<1x1xf32>
      %jit3A_3201 = arith.constant 0.000000e+00 : f32
      %broadcast_in_dim3A_3202 = vector.broadcast %jit3A_3201 : f32 to vector<8x1152xf32>
      %select_n3A_3203 = arith.select %eq3A_3182, %get3A_189, %broadcast_in_dim3A_3202 : vector<8x1152xi1>, vector<8x1152xf32>
      %reduce_sum3A_3204 = vector.shape_cast %select_n3A_3203 : vector<8x1152xf32> to vector<1x8x1152xf32>
      %reduce_sum3A_3205 = arith.constant dense<0.000000e+00> : vector<1xf32>
      %reduce_sum3A_3206 = vector.multi_reduction <add>, %reduce_sum3A_3204, %reduce_sum3A_3205 [1, 2] : vector<1x8x1152xf32> to vector<1xf32>
      %reduce_sum3A_3207 = vector.shape_cast %reduce_sum3A_3206 : vector<1xf32> to vector<1x1x1xf32>
      %reduce_sum3A_3208 = vector.extract %reduce_sum3A_3207[0, 0, 0] : f32 from vector<1x1x1xf32>
      %broadcast_in_dim3A_3209 = vector.broadcast %reduce_sum3A_3208 : f32 to vector<1x1xf32>
      %jit3A_3210 = arith.constant 0.000000e+00 : f32
      %broadcast_in_dim3A_3211 = vector.broadcast %jit3A_3210 : f32 to vector<8x1152xf32>
      %select_n3A_3212 = arith.select %eq3A_3182, %get3A_194, %broadcast_in_dim3A_3211 : vector<8x1152xi1>, vector<8x1152xf32>
      %reduce_sum3A_3213 = vector.shape_cast %select_n3A_3212 : vector<8x1152xf32> to vector<1x8x1152xf32>
      %reduce_sum3A_3214 = arith.constant dense<0.000000e+00> : vector<1xf32>
      %reduce_sum3A_3215 = vector.multi_reduction <add>, %reduce_sum3A_3213, %reduce_sum3A_3214 [1, 2] : vector<1x8x1152xf32> to vector<1xf32>
      %reduce_sum3A_3216 = vector.shape_cast %reduce_sum3A_3215 : vector<1xf32> to vector<1x1x1xf32>
      %reduce_sum3A_3217 = vector.extract %reduce_sum3A_3216[0, 0, 0] : f32 from vector<1x1x1xf32>
      %broadcast_in_dim3A_3218 = vector.broadcast %reduce_sum3A_3217 : f32 to vector<1x1xf32>
      %mul3A_3219 = arith.constant 5.000000e-01 : f32
      %mul3A_3220 = vector.broadcast %mul3A_3219 : f32 to vector<1x1xf32>
      %mul3A_3221 = arith.mulf %broadcast_in_dim3A_3218, %mul3A_3220 : vector<1x1xf32>
      %sub3A_3222 = arith.subf %broadcast_in_dim3A_3191, %mul3A_3221 : vector<1x1xf32>
      %mul3A_3223 = arith.constant 5.000000e-01 : f32
      %mul3A_3224 = vector.broadcast %mul3A_3223 : f32 to vector<1x1xf32>
      %mul3A_3225 = arith.mulf %broadcast_in_dim3A_3218, %mul3A_3224 : vector<1x1xf32>
      %add3A_3226 = arith.addf %broadcast_in_dim3A_3191, %mul3A_3225 : vector<1x1xf32>
      %mul3A_3227 = arith.constant 5.000000e-01 : f32
      %mul3A_3228 = vector.broadcast %mul3A_3227 : f32 to vector<1x1xf32>
      %mul3A_3229 = arith.mulf %broadcast_in_dim3A_3209, %mul3A_3228 : vector<1x1xf32>
      %sub3A_3230 = arith.subf %broadcast_in_dim3A_3200, %mul3A_3229 : vector<1x1xf32>
      %mul3A_3231 = arith.constant 5.000000e-01 : f32
      %mul3A_3232 = vector.broadcast %mul3A_3231 : f32 to vector<1x1xf32>
      %mul3A_3233 = arith.mulf %broadcast_in_dim3A_3209, %mul3A_3232 : vector<1x1xf32>
      %add3A_3234 = arith.addf %broadcast_in_dim3A_3200, %mul3A_3233 : vector<1x1xf32>
      %sub3A_3235 = arith.subf %add3A_3226, %sub3A_3222 : vector<1x1xf32>
      %sub3A_3236 = arith.subf %add3A_3234, %sub3A_3230 : vector<1x1xf32>
      %mul3A_3237 = arith.mulf %sub3A_3235, %sub3A_3236 : vector<1x1xf32>
      %min3A_3238 = vector.broadcast %add3A_3226 : vector<1x1xf32> to vector<8x1152xf32>
      %min3A_3239 = arith.minimumf %min3A_3238, %add3A_212 : vector<8x1152xf32>
      %max3A_3240 = vector.broadcast %sub3A_3222 : vector<1x1xf32> to vector<8x1152xf32>
      %max3A_3241 = arith.maximumf %max3A_3240, %sub3A_208 : vector<8x1152xf32>
      %sub3A_3242 = arith.subf %min3A_3239, %max3A_3241 : vector<8x1152xf32>
      %max3A_3243 = arith.constant 0.000000e+00 : f32
      %max3A_3244 = vector.broadcast %max3A_3243 : f32 to vector<8x1152xf32>
      %max3A_3245 = arith.maximumf %sub3A_3242, %max3A_3244 : vector<8x1152xf32>
      %min3A_3246 = vector.broadcast %add3A_3234 : vector<1x1xf32> to vector<8x1152xf32>
      %min3A_3247 = arith.minimumf %min3A_3246, %add3A_220 : vector<8x1152xf32>
      %max3A_3248 = vector.broadcast %sub3A_3230 : vector<1x1xf32> to vector<8x1152xf32>
      %max3A_3249 = arith.maximumf %max3A_3248, %sub3A_216 : vector<8x1152xf32>
      %sub3A_3250 = arith.subf %min3A_3247, %max3A_3249 : vector<8x1152xf32>
      %max3A_3251 = arith.constant 0.000000e+00 : f32
      %max3A_3252 = vector.broadcast %max3A_3251 : f32 to vector<8x1152xf32>
      %max3A_3253 = arith.maximumf %sub3A_3250, %max3A_3252 : vector<8x1152xf32>
      %mul3A_3254 = arith.mulf %max3A_3245, %max3A_3253 : vector<8x1152xf32>
      %add3A_3255 = vector.broadcast %mul3A_3237 : vector<1x1xf32> to vector<8x1152xf32>
      %add3A_3256 = arith.addf %add3A_3255, %mul3A_223 : vector<8x1152xf32>
      %sub3A_3257 = arith.subf %add3A_3256, %mul3A_3254 : vector<8x1152xf32>
      %max3A_3258 = arith.constant 9.99999997E-7 : f32
      %max3A_3259 = vector.broadcast %max3A_3258 : f32 to vector<8x1152xf32>
      %max3A_3260 = arith.maximumf %sub3A_3257, %max3A_3259 : vector<8x1152xf32>
      %div3A_3261 = arith.divf %mul3A_3254, %max3A_3260 : vector<8x1152xf32>
      %le3A_3262 = arith.constant 8.500000e-01 : f32
      %le3A_3263 = vector.broadcast %le3A_3262 : f32 to vector<8x1152xf32>
      %le3A_3264 = arith.cmpf ole, %div3A_3261, %le3A_3263 : vector<8x1152xf32>
      %ne3A_3265 = vector.broadcast %broadcast_in_dim3A_3180 : vector<1x1xi32> to vector<8x1152xi32>
      %ne3A_3266 = arith.cmpi ne, %add3A, %ne3A_3265 : vector<8x1152xi32>
      %and3A_3267 = arith.andi %le3A_3264, %ne3A_3266 : vector<8x1152xi1>
      %broadcast_in_dim3A_3268 = vector.broadcast %scan3A : i32 to vector<8x1152xi32>
      %select_n3A_3269 = arith.select %and3A_3267, %select_n3A_2627, %broadcast_in_dim3A_3268 : vector<8x1152xi1>, vector<8x1152xi32>
      %mul3A_3270 = vector.broadcast %broadcast_in_dim3A_3191 : vector<1x1xf32> to vector<1x8xf32>
      %mul3A_3271 = arith.mulf %mul3A_3270, %convert_element_type3A_6 : vector<1x8xf32>
      %jit3A_3272 = arith.constant 0.000000e+00 : f32
      %broadcast_in_dim3A_3273 = vector.broadcast %jit3A_3272 : f32 to vector<8x1152xf32>
      %select_n3A_3274 = arith.select %eq3A_3182, %get3A_174, %broadcast_in_dim3A_3273 : vector<8x1152xi1>, vector<8x1152xf32>
      %reduce_sum3A_3275 = vector.shape_cast %select_n3A_3274 : vector<8x1152xf32> to vector<1x8x1152xf32>
      %reduce_sum3A_3276 = arith.constant dense<0.000000e+00> : vector<1xf32>
      %reduce_sum3A_3277 = vector.multi_reduction <add>, %reduce_sum3A_3275, %reduce_sum3A_3276 [1, 2] : vector<1x8x1152xf32> to vector<1xf32>
      %reduce_sum3A_3278 = vector.shape_cast %reduce_sum3A_3277 : vector<1xf32> to vector<1x1x1xf32>
      %reduce_sum3A_3279 = vector.extract %reduce_sum3A_3278[0, 0, 0] : f32 from vector<1x1x1xf32>
      %broadcast_in_dim3A_3280 = vector.broadcast %reduce_sum3A_3279 : f32 to vector<1x1xf32>
      %mul3A_3281 = vector.broadcast %broadcast_in_dim3A_3280 : vector<1x1xf32> to vector<1x8xf32>
      %mul3A_3282 = arith.mulf %mul3A_3281, %convert_element_type3A_12 : vector<1x8xf32>
      %add3A_3283 = arith.addf %mul3A_3271, %mul3A_3282 : vector<1x8xf32>
      %mul3A_3284 = vector.broadcast %broadcast_in_dim3A_3200 : vector<1x1xf32> to vector<1x8xf32>
      %mul3A_3285 = arith.mulf %mul3A_3284, %convert_element_type3A_18 : vector<1x8xf32>
      %add3A_3286 = arith.addf %add3A_3283, %mul3A_3285 : vector<1x8xf32>
      %jit3A_3287 = arith.constant 0.000000e+00 : f32
      %broadcast_in_dim3A_3288 = vector.broadcast %jit3A_3287 : f32 to vector<8x1152xf32>
      %select_n3A_3289 = arith.select %eq3A_3182, %get3A_184, %broadcast_in_dim3A_3288 : vector<8x1152xi1>, vector<8x1152xf32>
      %reduce_sum3A_3290 = vector.shape_cast %select_n3A_3289 : vector<8x1152xf32> to vector<1x8x1152xf32>
      %reduce_sum3A_3291 = arith.constant dense<0.000000e+00> : vector<1xf32>
      %reduce_sum3A_3292 = vector.multi_reduction <add>, %reduce_sum3A_3290, %reduce_sum3A_3291 [1, 2] : vector<1x8x1152xf32> to vector<1xf32>
      %reduce_sum3A_3293 = vector.shape_cast %reduce_sum3A_3292 : vector<1xf32> to vector<1x1x1xf32>
      %reduce_sum3A_3294 = vector.extract %reduce_sum3A_3293[0, 0, 0] : f32 from vector<1x1x1xf32>
      %broadcast_in_dim3A_3295 = vector.broadcast %reduce_sum3A_3294 : f32 to vector<1x1xf32>
      %mul3A_3296 = vector.broadcast %broadcast_in_dim3A_3295 : vector<1x1xf32> to vector<1x8xf32>
      %mul3A_3297 = arith.mulf %mul3A_3296, %convert_element_type3A_24 : vector<1x8xf32>
      %add3A_3298 = arith.addf %add3A_3286, %mul3A_3297 : vector<1x8xf32>
      %mul3A_3299 = vector.broadcast %broadcast_in_dim3A_3209 : vector<1x1xf32> to vector<1x8xf32>
      %mul3A_3300 = arith.mulf %mul3A_3299, %convert_element_type3A_30 : vector<1x8xf32>
      %add3A_3301 = arith.addf %add3A_3298, %mul3A_3300 : vector<1x8xf32>
      %mul3A_3302 = vector.broadcast %broadcast_in_dim3A_3218 : vector<1x1xf32> to vector<1x8xf32>
      %mul3A_3303 = arith.mulf %mul3A_3302, %convert_element_type3A_36 : vector<1x8xf32>
      %add3A_3304 = arith.addf %add3A_3301, %mul3A_3303 : vector<1x8xf32>
      %jit3A_3305 = arith.constant 0.000000e+00 : f32
      %broadcast_in_dim3A_3306 = vector.broadcast %jit3A_3305 : f32 to vector<8x1152xf32>
      %select_n3A_3307 = arith.select %eq3A_3182, %get3A_199, %broadcast_in_dim3A_3306 : vector<8x1152xi1>, vector<8x1152xf32>
      %reduce_sum3A_3308 = vector.shape_cast %select_n3A_3307 : vector<8x1152xf32> to vector<1x8x1152xf32>
      %reduce_sum3A_3309 = arith.constant dense<0.000000e+00> : vector<1xf32>
      %reduce_sum3A_3310 = vector.multi_reduction <add>, %reduce_sum3A_3308, %reduce_sum3A_3309 [1, 2] : vector<1x8x1152xf32> to vector<1xf32>
      %reduce_sum3A_3311 = vector.shape_cast %reduce_sum3A_3310 : vector<1xf32> to vector<1x1x1xf32>
      %reduce_sum3A_3312 = vector.extract %reduce_sum3A_3311[0, 0, 0] : f32 from vector<1x1x1xf32>
      %broadcast_in_dim3A_3313 = vector.broadcast %reduce_sum3A_3312 : f32 to vector<1x1xf32>
      %mul3A_3314 = vector.broadcast %broadcast_in_dim3A_3313 : vector<1x1xf32> to vector<1x8xf32>
      %mul3A_3315 = arith.mulf %mul3A_3314, %convert_element_type3A_42 : vector<1x8xf32>
      %add3A_3316 = arith.addf %add3A_3304, %mul3A_3315 : vector<1x8xf32>
      %jit3A_3317 = arith.constant 0.000000e+00 : f32
      %broadcast_in_dim3A_3318 = vector.broadcast %jit3A_3317 : f32 to vector<8x1152xf32>
      %select_n3A_3319 = arith.select %eq3A_3182, %get3A_204, %broadcast_in_dim3A_3318 : vector<8x1152xi1>, vector<8x1152xf32>
      %reduce_sum3A_3320 = vector.shape_cast %select_n3A_3319 : vector<8x1152xf32> to vector<1x8x1152xf32>
      %reduce_sum3A_3321 = arith.constant dense<0.000000e+00> : vector<1xf32>
      %reduce_sum3A_3322 = vector.multi_reduction <add>, %reduce_sum3A_3320, %reduce_sum3A_3321 [1, 2] : vector<1x8x1152xf32> to vector<1xf32>
      %reduce_sum3A_3323 = vector.shape_cast %reduce_sum3A_3322 : vector<1xf32> to vector<1x1x1xf32>
      %reduce_sum3A_3324 = vector.extract %reduce_sum3A_3323[0, 0, 0] : f32 from vector<1x1x1xf32>
      %broadcast_in_dim3A_3325 = vector.broadcast %reduce_sum3A_3324 : f32 to vector<1x1xf32>
      %mul3A_3326 = vector.broadcast %broadcast_in_dim3A_3325 : vector<1x1xf32> to vector<1x8xf32>
      %mul3A_3327 = arith.mulf %mul3A_3326, %convert_element_type3A_48 : vector<1x8xf32>
      %add3A_3328 = arith.addf %add3A_3316, %mul3A_3327 : vector<1x8xf32>
      %swap3A_3329 = arith.constant 2 : index
      %swap3A_3330 = arith.index_cast %scan3A_2854 : i32 to index
      %swap3A_3331 = arith.constant 0 : index
      %swap3A_3332 = vector.load %arg1[%swap3A_3329, %swap3A_3330, %swap3A_3331] : memref<4x512x8xf32, #tpu.memory_space<vmem>>, vector<1x1x8xf32>
      %swap3A_3333 = vector.shape_cast %swap3A_3332 : vector<1x1x8xf32> to vector<1x8xf32>
      %swap3A_3334 = vector.shape_cast %add3A_3328 : vector<1x8xf32> to vector<1x1x8xf32>
      tpu.vector_store %arg1[%swap3A_3329, %swap3A_3330, %swap3A_3331], %swap3A_3334 {strides = array<i32>} : memref<4x512x8xf32, #tpu.memory_space<vmem>>, vector<1x1x8xf32>,
      %reduce_min3A_3335 = vector.shape_cast %select_n3A_2787 : vector<8x1152xi32> to vector<1x8x1152xi32>
      %reduce_min3A_3336 = arith.constant dense<2147483647> : vector<1xi32>
      %reduce_min3A_3337 = vector.multi_reduction <minsi>, %reduce_min3A_3335, %reduce_min3A_3336 [1, 2] : vector<1x8x1152xi32> to vector<1xi32>
      %reduce_min3A_3338 = vector.shape_cast %reduce_min3A_3337 : vector<1xi32> to vector<1x1x1xi32>
      %reduce_min3A_3339 = vector.extract %reduce_min3A_3338[0, 0, 0] : i32 from vector<1x1x1xi32>
      %broadcast_in_dim3A_3340 = vector.broadcast %reduce_min3A_3339 : i32 to vector<1x1xi32>
      %eq3A_3341 = vector.broadcast %broadcast_in_dim3A_3340 : vector<1x1xi32> to vector<8x1152xi32>
      %eq3A_3342 = arith.cmpi eq, %add3A, %eq3A_3341 : vector<8x1152xi32>
      %jit3A_3343 = arith.constant 0.000000e+00 : f32
      %broadcast_in_dim3A_3344 = vector.broadcast %jit3A_3343 : f32 to vector<8x1152xf32>
      %select_n3A_3345 = arith.select %eq3A_3342, %get3A_228, %broadcast_in_dim3A_3344 : vector<8x1152xi1>, vector<8x1152xf32>
      %reduce_sum3A_3346 = vector.shape_cast %select_n3A_3345 : vector<8x1152xf32> to vector<1x8x1152xf32>
      %reduce_sum3A_3347 = arith.constant dense<0.000000e+00> : vector<1xf32>
      %reduce_sum3A_3348 = vector.multi_reduction <add>, %reduce_sum3A_3346, %reduce_sum3A_3347 [1, 2] : vector<1x8x1152xf32> to vector<1xf32>
      %reduce_sum3A_3349 = vector.shape_cast %reduce_sum3A_3348 : vector<1xf32> to vector<1x1x1xf32>
      %reduce_sum3A_3350 = vector.extract %reduce_sum3A_3349[0, 0, 0] : f32 from vector<1x1x1xf32>
      %broadcast_in_dim3A_3351 = vector.broadcast %reduce_sum3A_3350 : f32 to vector<1x1xf32>
      %jit3A_3352 = arith.constant 0.000000e+00 : f32
      %broadcast_in_dim3A_3353 = vector.broadcast %jit3A_3352 : f32 to vector<8x1152xf32>
      %select_n3A_3354 = arith.select %eq3A_3342, %get3A_238, %broadcast_in_dim3A_3353 : vector<8x1152xi1>, vector<8x1152xf32>
      %reduce_sum3A_3355 = vector.shape_cast %select_n3A_3354 : vector<8x1152xf32> to vector<1x8x1152xf32>
      %reduce_sum3A_3356 = arith.constant dense<0.000000e+00> : vector<1xf32>
      %reduce_sum3A_3357 = vector.multi_reduction <add>, %reduce_sum3A_3355, %reduce_sum3A_3356 [1, 2] : vector<1x8x1152xf32> to vector<1xf32>
      %reduce_sum3A_3358 = vector.shape_cast %reduce_sum3A_3357 : vector<1xf32> to vector<1x1x1xf32>
      %reduce_sum3A_3359 = vector.extract %reduce_sum3A_3358[0, 0, 0] : f32 from vector<1x1x1xf32>
      %broadcast_in_dim3A_3360 = vector.broadcast %reduce_sum3A_3359 : f32 to vector<1x1xf32>
      %jit3A_3361 = arith.constant 0.000000e+00 : f32
      %broadcast_in_dim3A_3362 = vector.broadcast %jit3A_3361 : f32 to vector<8x1152xf32>
      %select_n3A_3363 = arith.select %eq3A_3342, %get3A_248, %broadcast_in_dim3A_3362 : vector<8x1152xi1>, vector<8x1152xf32>
      %reduce_sum3A_3364 = vector.shape_cast %select_n3A_3363 : vector<8x1152xf32> to vector<1x8x1152xf32>
      %reduce_sum3A_3365 = arith.constant dense<0.000000e+00> : vector<1xf32>
      %reduce_sum3A_3366 = vector.multi_reduction <add>, %reduce_sum3A_3364, %reduce_sum3A_3365 [1, 2] : vector<1x8x1152xf32> to vector<1xf32>
      %reduce_sum3A_3367 = vector.shape_cast %reduce_sum3A_3366 : vector<1xf32> to vector<1x1x1xf32>
      %reduce_sum3A_3368 = vector.extract %reduce_sum3A_3367[0, 0, 0] : f32 from vector<1x1x1xf32>
      %broadcast_in_dim3A_3369 = vector.broadcast %reduce_sum3A_3368 : f32 to vector<1x1xf32>
      %jit3A_3370 = arith.constant 0.000000e+00 : f32
      %broadcast_in_dim3A_3371 = vector.broadcast %jit3A_3370 : f32 to vector<8x1152xf32>
      %select_n3A_3372 = arith.select %eq3A_3342, %get3A_253, %broadcast_in_dim3A_3371 : vector<8x1152xi1>, vector<8x1152xf32>
      %reduce_sum3A_3373 = vector.shape_cast %select_n3A_3372 : vector<8x1152xf32> to vector<1x8x1152xf32>
      %reduce_sum3A_3374 = arith.constant dense<0.000000e+00> : vector<1xf32>
      %reduce_sum3A_3375 = vector.multi_reduction <add>, %reduce_sum3A_3373, %reduce_sum3A_3374 [1, 2] : vector<1x8x1152xf32> to vector<1xf32>
      %reduce_sum3A_3376 = vector.shape_cast %reduce_sum3A_3375 : vector<1xf32> to vector<1x1x1xf32>
      %reduce_sum3A_3377 = vector.extract %reduce_sum3A_3376[0, 0, 0] : f32 from vector<1x1x1xf32>
      %broadcast_in_dim3A_3378 = vector.broadcast %reduce_sum3A_3377 : f32 to vector<1x1xf32>
      %mul3A_3379 = arith.constant 5.000000e-01 : f32
      %mul3A_3380 = vector.broadcast %mul3A_3379 : f32 to vector<1x1xf32>
      %mul3A_3381 = arith.mulf %broadcast_in_dim3A_3378, %mul3A_3380 : vector<1x1xf32>
      %sub3A_3382 = arith.subf %broadcast_in_dim3A_3351, %mul3A_3381 : vector<1x1xf32>
      %mul3A_3383 = arith.constant 5.000000e-01 : f32
      %mul3A_3384 = vector.broadcast %mul3A_3383 : f32 to vector<1x1xf32>
      %mul3A_3385 = arith.mulf %broadcast_in_dim3A_3378, %mul3A_3384 : vector<1x1xf32>
      %add3A_3386 = arith.addf %broadcast_in_dim3A_3351, %mul3A_3385 : vector<1x1xf32>
      %mul3A_3387 = arith.constant 5.000000e-01 : f32
      %mul3A_3388 = vector.broadcast %mul3A_3387 : f32 to vector<1x1xf32>
      %mul3A_3389 = arith.mulf %broadcast_in_dim3A_3369, %mul3A_3388 : vector<1x1xf32>
      %sub3A_3390 = arith.subf %broadcast_in_dim3A_3360, %mul3A_3389 : vector<1x1xf32>
      %mul3A_3391 = arith.constant 5.000000e-01 : f32
      %mul3A_3392 = vector.broadcast %mul3A_3391 : f32 to vector<1x1xf32>
      %mul3A_3393 = arith.mulf %broadcast_in_dim3A_3369, %mul3A_3392 : vector<1x1xf32>
      %add3A_3394 = arith.addf %broadcast_in_dim3A_3360, %mul3A_3393 : vector<1x1xf32>
      %sub3A_3395 = arith.subf %add3A_3386, %sub3A_3382 : vector<1x1xf32>
      %sub3A_3396 = arith.subf %add3A_3394, %sub3A_3390 : vector<1x1xf32>
      %mul3A_3397 = arith.mulf %sub3A_3395, %sub3A_3396 : vector<1x1xf32>
      %min3A_3398 = vector.broadcast %add3A_3386 : vector<1x1xf32> to vector<8x1152xf32>
      %min3A_3399 = arith.minimumf %min3A_3398, %add3A_271 : vector<8x1152xf32>
      %max3A_3400 = vector.broadcast %sub3A_3382 : vector<1x1xf32> to vector<8x1152xf32>
      %max3A_3401 = arith.maximumf %max3A_3400, %sub3A_267 : vector<8x1152xf32>
      %sub3A_3402 = arith.subf %min3A_3399, %max3A_3401 : vector<8x1152xf32>
      %max3A_3403 = arith.constant 0.000000e+00 : f32
      %max3A_3404 = vector.broadcast %max3A_3403 : f32 to vector<8x1152xf32>
      %max3A_3405 = arith.maximumf %sub3A_3402, %max3A_3404 : vector<8x1152xf32>
      %min3A_3406 = vector.broadcast %add3A_3394 : vector<1x1xf32> to vector<8x1152xf32>
      %min3A_3407 = arith.minimumf %min3A_3406, %add3A_279 : vector<8x1152xf32>
      %max3A_3408 = vector.broadcast %sub3A_3390 : vector<1x1xf32> to vector<8x1152xf32>
      %max3A_3409 = arith.maximumf %max3A_3408, %sub3A_275 : vector<8x1152xf32>
      %sub3A_3410 = arith.subf %min3A_3407, %max3A_3409 : vector<8x1152xf32>
      %max3A_3411 = arith.constant 0.000000e+00 : f32
      %max3A_3412 = vector.broadcast %max3A_3411 : f32 to vector<8x1152xf32>
      %max3A_3413 = arith.maximumf %sub3A_3410, %max3A_3412 : vector<8x1152xf32>
      %mul3A_3414 = arith.mulf %max3A_3405, %max3A_3413 : vector<8x1152xf32>
      %add3A_3415 = vector.broadcast %mul3A_3397 : vector<1x1xf32> to vector<8x1152xf32>
      %add3A_3416 = arith.addf %add3A_3415, %mul3A_282 : vector<8x1152xf32>
      %sub3A_3417 = arith.subf %add3A_3416, %mul3A_3414 : vector<8x1152xf32>
      %max3A_3418 = arith.constant 9.99999997E-7 : f32
      %max3A_3419 = vector.broadcast %max3A_3418 : f32 to vector<8x1152xf32>
      %max3A_3420 = arith.maximumf %sub3A_3417, %max3A_3419 : vector<8x1152xf32>
      %div3A_3421 = arith.divf %mul3A_3414, %max3A_3420 : vector<8x1152xf32>
      %le3A_3422 = arith.constant 8.500000e-01 : f32
      %le3A_3423 = vector.broadcast %le3A_3422 : f32 to vector<8x1152xf32>
      %le3A_3424 = arith.cmpf ole, %div3A_3421, %le3A_3423 : vector<8x1152xf32>
      %ne3A_3425 = vector.broadcast %broadcast_in_dim3A_3340 : vector<1x1xi32> to vector<8x1152xi32>
      %ne3A_3426 = arith.cmpi ne, %add3A, %ne3A_3425 : vector<8x1152xi32>
      %and3A_3427 = arith.andi %le3A_3424, %ne3A_3426 : vector<8x1152xi1>
      %broadcast_in_dim3A_3428 = vector.broadcast %scan3A : i32 to vector<8x1152xi32>
      %select_n3A_3429 = arith.select %and3A_3427, %select_n3A_2787, %broadcast_in_dim3A_3428 : vector<8x1152xi1>, vector<8x1152xi32>
      %mul3A_3430 = vector.broadcast %broadcast_in_dim3A_3351 : vector<1x1xf32> to vector<1x8xf32>
      %mul3A_3431 = arith.mulf %mul3A_3430, %convert_element_type3A_6 : vector<1x8xf32>
      %jit3A_3432 = arith.constant 0.000000e+00 : f32
      %broadcast_in_dim3A_3433 = vector.broadcast %jit3A_3432 : f32 to vector<8x1152xf32>
      %select_n3A_3434 = arith.select %eq3A_3342, %get3A_233, %broadcast_in_dim3A_3433 : vector<8x1152xi1>, vector<8x1152xf32>
      %reduce_sum3A_3435 = vector.shape_cast %select_n3A_3434 : vector<8x1152xf32> to vector<1x8x1152xf32>
      %reduce_sum3A_3436 = arith.constant dense<0.000000e+00> : vector<1xf32>
      %reduce_sum3A_3437 = vector.multi_reduction <add>, %reduce_sum3A_3435, %reduce_sum3A_3436 [1, 2] : vector<1x8x1152xf32> to vector<1xf32>
      %reduce_sum3A_3438 = vector.shape_cast %reduce_sum3A_3437 : vector<1xf32> to vector<1x1x1xf32>
      %reduce_sum3A_3439 = vector.extract %reduce_sum3A_3438[0, 0, 0] : f32 from vector<1x1x1xf32>
      %broadcast_in_dim3A_3440 = vector.broadcast %reduce_sum3A_3439 : f32 to vector<1x1xf32>
      %mul3A_3441 = vector.broadcast %broadcast_in_dim3A_3440 : vector<1x1xf32> to vector<1x8xf32>
      %mul3A_3442 = arith.mulf %mul3A_3441, %convert_element_type3A_12 : vector<1x8xf32>
      %add3A_3443 = arith.addf %mul3A_3431, %mul3A_3442 : vector<1x8xf32>
      %mul3A_3444 = vector.broadcast %broadcast_in_dim3A_3360 : vector<1x1xf32> to vector<1x8xf32>
      %mul3A_3445 = arith.mulf %mul3A_3444, %convert_element_type3A_18 : vector<1x8xf32>
      %add3A_3446 = arith.addf %add3A_3443, %mul3A_3445 : vector<1x8xf32>
      %jit3A_3447 = arith.constant 0.000000e+00 : f32
      %broadcast_in_dim3A_3448 = vector.broadcast %jit3A_3447 : f32 to vector<8x1152xf32>
      %select_n3A_3449 = arith.select %eq3A_3342, %get3A_243, %broadcast_in_dim3A_3448 : vector<8x1152xi1>, vector<8x1152xf32>
      %reduce_sum3A_3450 = vector.shape_cast %select_n3A_3449 : vector<8x1152xf32> to vector<1x8x1152xf32>
      %reduce_sum3A_3451 = arith.constant dense<0.000000e+00> : vector<1xf32>
      %reduce_sum3A_3452 = vector.multi_reduction <add>, %reduce_sum3A_3450, %reduce_sum3A_3451 [1, 2] : vector<1x8x1152xf32> to vector<1xf32>
      %reduce_sum3A_3453 = vector.shape_cast %reduce_sum3A_3452 : vector<1xf32> to vector<1x1x1xf32>
      %reduce_sum3A_3454 = vector.extract %reduce_sum3A_3453[0, 0, 0] : f32 from vector<1x1x1xf32>
      %broadcast_in_dim3A_3455 = vector.broadcast %reduce_sum3A_3454 : f32 to vector<1x1xf32>
      %mul3A_3456 = vector.broadcast %broadcast_in_dim3A_3455 : vector<1x1xf32> to vector<1x8xf32>
      %mul3A_3457 = arith.mulf %mul3A_3456, %convert_element_type3A_24 : vector<1x8xf32>
      %add3A_3458 = arith.addf %add3A_3446, %mul3A_3457 : vector<1x8xf32>
      %mul3A_3459 = vector.broadcast %broadcast_in_dim3A_3369 : vector<1x1xf32> to vector<1x8xf32>
      %mul3A_3460 = arith.mulf %mul3A_3459, %convert_element_type3A_30 : vector<1x8xf32>
      %add3A_3461 = arith.addf %add3A_3458, %mul3A_3460 : vector<1x8xf32>
      %mul3A_3462 = vector.broadcast %broadcast_in_dim3A_3378 : vector<1x1xf32> to vector<1x8xf32>
      %mul3A_3463 = arith.mulf %mul3A_3462, %convert_element_type3A_36 : vector<1x8xf32>
      %add3A_3464 = arith.addf %add3A_3461, %mul3A_3463 : vector<1x8xf32>
      %jit3A_3465 = arith.constant 0.000000e+00 : f32
      %broadcast_in_dim3A_3466 = vector.broadcast %jit3A_3465 : f32 to vector<8x1152xf32>
      %select_n3A_3467 = arith.select %eq3A_3342, %get3A_258, %broadcast_in_dim3A_3466 : vector<8x1152xi1>, vector<8x1152xf32>
      %reduce_sum3A_3468 = vector.shape_cast %select_n3A_3467 : vector<8x1152xf32> to vector<1x8x1152xf32>
      %reduce_sum3A_3469 = arith.constant dense<0.000000e+00> : vector<1xf32>
      %reduce_sum3A_3470 = vector.multi_reduction <add>, %reduce_sum3A_3468, %reduce_sum3A_3469 [1, 2] : vector<1x8x1152xf32> to vector<1xf32>
      %reduce_sum3A_3471 = vector.shape_cast %reduce_sum3A_3470 : vector<1xf32> to vector<1x1x1xf32>
      %reduce_sum3A_3472 = vector.extract %reduce_sum3A_3471[0, 0, 0] : f32 from vector<1x1x1xf32>
      %broadcast_in_dim3A_3473 = vector.broadcast %reduce_sum3A_3472 : f32 to vector<1x1xf32>
      %mul3A_3474 = vector.broadcast %broadcast_in_dim3A_3473 : vector<1x1xf32> to vector<1x8xf32>
      %mul3A_3475 = arith.mulf %mul3A_3474, %convert_element_type3A_42 : vector<1x8xf32>
      %add3A_3476 = arith.addf %add3A_3464, %mul3A_3475 : vector<1x8xf32>
      %jit3A_3477 = arith.constant 0.000000e+00 : f32
      %broadcast_in_dim3A_3478 = vector.broadcast %jit3A_3477 : f32 to vector<8x1152xf32>
      %select_n3A_3479 = arith.select %eq3A_3342, %get3A_263, %broadcast_in_dim3A_3478 : vector<8x1152xi1>, vector<8x1152xf32>
      %reduce_sum3A_3480 = vector.shape_cast %select_n3A_3479 : vector<8x1152xf32> to vector<1x8x1152xf32>
      %reduce_sum3A_3481 = arith.constant dense<0.000000e+00> : vector<1xf32>
      %reduce_sum3A_3482 = vector.multi_reduction <add>, %reduce_sum3A_3480, %reduce_sum3A_3481 [1, 2] : vector<1x8x1152xf32> to vector<1xf32>
      %reduce_sum3A_3483 = vector.shape_cast %reduce_sum3A_3482 : vector<1xf32> to vector<1x1x1xf32>
      %reduce_sum3A_3484 = vector.extract %reduce_sum3A_3483[0, 0, 0] : f32 from vector<1x1x1xf32>
      %broadcast_in_dim3A_3485 = vector.broadcast %reduce_sum3A_3484 : f32 to vector<1x1xf32>
      %mul3A_3486 = vector.broadcast %broadcast_in_dim3A_3485 : vector<1x1xf32> to vector<1x8xf32>
      %mul3A_3487 = arith.mulf %mul3A_3486, %convert_element_type3A_48 : vector<1x8xf32>
      %add3A_3488 = arith.addf %add3A_3476, %mul3A_3487 : vector<1x8xf32>
      %swap3A_3489 = arith.constant 3 : index
      %swap3A_3490 = arith.index_cast %scan3A_2854 : i32 to index
      %swap3A_3491 = arith.constant 0 : index
      %swap3A_3492 = vector.load %arg1[%swap3A_3489, %swap3A_3490, %swap3A_3491] : memref<4x512x8xf32, #tpu.memory_space<vmem>>, vector<1x1x8xf32>
      %swap3A_3493 = vector.shape_cast %swap3A_3492 : vector<1x1x8xf32> to vector<1x8xf32>
      %swap3A_3494 = vector.shape_cast %add3A_3488 : vector<1x8xf32> to vector<1x1x8xf32>
      tpu.vector_store %arg1[%swap3A_3489, %swap3A_3490, %swap3A_3491], %swap3A_3494 {strides = array<i32>} : memref<4x512x8xf32, #tpu.memory_space<vmem>>, vector<1x1x8xf32>,
      %scan3A_3495 = arith.constant 5 : i32
      %scan3A_3496 = arith.addi %scan3A_291, %scan3A_3495 : i32
      %reduce_min3A_3497 = vector.shape_cast %select_n3A_2949 : vector<8x1152xi32> to vector<1x8x1152xi32>
      %reduce_min3A_3498 = arith.constant dense<2147483647> : vector<1xi32>
      %reduce_min3A_3499 = vector.multi_reduction <minsi>, %reduce_min3A_3497, %reduce_min3A_3498 [1, 2] : vector<1x8x1152xi32> to vector<1xi32>
      %reduce_min3A_3500 = vector.shape_cast %reduce_min3A_3499 : vector<1xi32> to vector<1x1x1xi32>
      %reduce_min3A_3501 = vector.extract %reduce_min3A_3500[0, 0, 0] : i32 from vector<1x1x1xi32>
      %broadcast_in_dim3A_3502 = vector.broadcast %reduce_min3A_3501 : i32 to vector<1x1xi32>
      %eq3A_3503 = vector.broadcast %broadcast_in_dim3A_3502 : vector<1x1xi32> to vector<8x1152xi32>
      %eq3A_3504 = arith.cmpi eq, %add3A, %eq3A_3503 : vector<8x1152xi32>
      %jit3A_3505 = arith.constant 0.000000e+00 : f32
      %broadcast_in_dim3A_3506 = vector.broadcast %jit3A_3505 : f32 to vector<8x1152xf32>
      %select_n3A_3507 = arith.select %eq3A_3504, %get3A_52, %broadcast_in_dim3A_3506 : vector<8x1152xi1>, vector<8x1152xf32>
      %reduce_sum3A_3508 = vector.shape_cast %select_n3A_3507 : vector<8x1152xf32> to vector<1x8x1152xf32>
      %reduce_sum3A_3509 = arith.constant dense<0.000000e+00> : vector<1xf32>
      %reduce_sum3A_3510 = vector.multi_reduction <add>, %reduce_sum3A_3508, %reduce_sum3A_3509 [1, 2] : vector<1x8x1152xf32> to vector<1xf32>
      %reduce_sum3A_3511 = vector.shape_cast %reduce_sum3A_3510 : vector<1xf32> to vector<1x1x1xf32>
      %reduce_sum3A_3512 = vector.extract %reduce_sum3A_3511[0, 0, 0] : f32 from vector<1x1x1xf32>
      %broadcast_in_dim3A_3513 = vector.broadcast %reduce_sum3A_3512 : f32 to vector<1x1xf32>
      %jit3A_3514 = arith.constant 0.000000e+00 : f32
      %broadcast_in_dim3A_3515 = vector.broadcast %jit3A_3514 : f32 to vector<8x1152xf32>
      %select_n3A_3516 = arith.select %eq3A_3504, %get3A_62, %broadcast_in_dim3A_3515 : vector<8x1152xi1>, vector<8x1152xf32>
      %reduce_sum3A_3517 = vector.shape_cast %select_n3A_3516 : vector<8x1152xf32> to vector<1x8x1152xf32>
      %reduce_sum3A_3518 = arith.constant dense<0.000000e+00> : vector<1xf32>
      %reduce_sum3A_3519 = vector.multi_reduction <add>, %reduce_sum3A_3517, %reduce_sum3A_3518 [1, 2] : vector<1x8x1152xf32> to vector<1xf32>
      %reduce_sum3A_3520 = vector.shape_cast %reduce_sum3A_3519 : vector<1xf32> to vector<1x1x1xf32>
      %reduce_sum3A_3521 = vector.extract %reduce_sum3A_3520[0, 0, 0] : f32 from vector<1x1x1xf32>
      %broadcast_in_dim3A_3522 = vector.broadcast %reduce_sum3A_3521 : f32 to vector<1x1xf32>
      %jit3A_3523 = arith.constant 0.000000e+00 : f32
      %broadcast_in_dim3A_3524 = vector.broadcast %jit3A_3523 : f32 to vector<8x1152xf32>
      %select_n3A_3525 = arith.select %eq3A_3504, %get3A_72, %broadcast_in_dim3A_3524 : vector<8x1152xi1>, vector<8x1152xf32>
      %reduce_sum3A_3526 = vector.shape_cast %select_n3A_3525 : vector<8x1152xf32> to vector<1x8x1152xf32>
      %reduce_sum3A_3527 = arith.constant dense<0.000000e+00> : vector<1xf32>
      %reduce_sum3A_3528 = vector.multi_reduction <add>, %reduce_sum3A_3526, %reduce_sum3A_3527 [1, 2] : vector<1x8x1152xf32> to vector<1xf32>
      %reduce_sum3A_3529 = vector.shape_cast %reduce_sum3A_3528 : vector<1xf32> to vector<1x1x1xf32>
      %reduce_sum3A_3530 = vector.extract %reduce_sum3A_3529[0, 0, 0] : f32 from vector<1x1x1xf32>
      %broadcast_in_dim3A_3531 = vector.broadcast %reduce_sum3A_3530 : f32 to vector<1x1xf32>
      %jit3A_3532 = arith.constant 0.000000e+00 : f32
      %broadcast_in_dim3A_3533 = vector.broadcast %jit3A_3532 : f32 to vector<8x1152xf32>
      %select_n3A_3534 = arith.select %eq3A_3504, %get3A_77, %broadcast_in_dim3A_3533 : vector<8x1152xi1>, vector<8x1152xf32>
      %reduce_sum3A_3535 = vector.shape_cast %select_n3A_3534 : vector<8x1152xf32> to vector<1x8x1152xf32>
      %reduce_sum3A_3536 = arith.constant dense<0.000000e+00> : vector<1xf32>
      %reduce_sum3A_3537 = vector.multi_reduction <add>, %reduce_sum3A_3535, %reduce_sum3A_3536 [1, 2] : vector<1x8x1152xf32> to vector<1xf32>
      %reduce_sum3A_3538 = vector.shape_cast %reduce_sum3A_3537 : vector<1xf32> to vector<1x1x1xf32>
      %reduce_sum3A_3539 = vector.extract %reduce_sum3A_3538[0, 0, 0] : f32 from vector<1x1x1xf32>
      %broadcast_in_dim3A_3540 = vector.broadcast %reduce_sum3A_3539 : f32 to vector<1x1xf32>
      %mul3A_3541 = arith.constant 5.000000e-01 : f32
      %mul3A_3542 = vector.broadcast %mul3A_3541 : f32 to vector<1x1xf32>
      %mul3A_3543 = arith.mulf %broadcast_in_dim3A_3540, %mul3A_3542 : vector<1x1xf32>
      %sub3A_3544 = arith.subf %broadcast_in_dim3A_3513, %mul3A_3543 : vector<1x1xf32>
      %mul3A_3545 = arith.constant 5.000000e-01 : f32
      %mul3A_3546 = vector.broadcast %mul3A_3545 : f32 to vector<1x1xf32>
      %mul3A_3547 = arith.mulf %broadcast_in_dim3A_3540, %mul3A_3546 : vector<1x1xf32>
      %add3A_3548 = arith.addf %broadcast_in_dim3A_3513, %mul3A_3547 : vector<1x1xf32>
      %mul3A_3549 = arith.constant 5.000000e-01 : f32
      %mul3A_3550 = vector.broadcast %mul3A_3549 : f32 to vector<1x1xf32>
      %mul3A_3551 = arith.mulf %broadcast_in_dim3A_3531, %mul3A_3550 : vector<1x1xf32>
      %sub3A_3552 = arith.subf %broadcast_in_dim3A_3522, %mul3A_3551 : vector<1x1xf32>
      %mul3A_3553 = arith.constant 5.000000e-01 : f32
      %mul3A_3554 = vector.broadcast %mul3A_3553 : f32 to vector<1x1xf32>
      %mul3A_3555 = arith.mulf %broadcast_in_dim3A_3531, %mul3A_3554 : vector<1x1xf32>
      %add3A_3556 = arith.addf %broadcast_in_dim3A_3522, %mul3A_3555 : vector<1x1xf32>
      %sub3A_3557 = arith.subf %add3A_3548, %sub3A_3544 : vector<1x1xf32>
      %sub3A_3558 = arith.subf %add3A_3556, %sub3A_3552 : vector<1x1xf32>
      %mul3A_3559 = arith.mulf %sub3A_3557, %sub3A_3558 : vector<1x1xf32>
      %min3A_3560 = vector.broadcast %add3A_3548 : vector<1x1xf32> to vector<8x1152xf32>
      %min3A_3561 = arith.minimumf %min3A_3560, %add3A_94 : vector<8x1152xf32>
      %max3A_3562 = vector.broadcast %sub3A_3544 : vector<1x1xf32> to vector<8x1152xf32>
      %max3A_3563 = arith.maximumf %max3A_3562, %sub3A : vector<8x1152xf32>
      %sub3A_3564 = arith.subf %min3A_3561, %max3A_3563 : vector<8x1152xf32>
      %max3A_3565 = arith.constant 0.000000e+00 : f32
      %max3A_3566 = vector.broadcast %max3A_3565 : f32 to vector<8x1152xf32>
      %max3A_3567 = arith.maximumf %sub3A_3564, %max3A_3566 : vector<8x1152xf32>
      %min3A_3568 = vector.broadcast %add3A_3556 : vector<1x1xf32> to vector<8x1152xf32>
      %min3A_3569 = arith.minimumf %min3A_3568, %add3A_102 : vector<8x1152xf32>
      %max3A_3570 = vector.broadcast %sub3A_3552 : vector<1x1xf32> to vector<8x1152xf32>
      %max3A_3571 = arith.maximumf %max3A_3570, %sub3A_98 : vector<8x1152xf32>
      %sub3A_3572 = arith.subf %min3A_3569, %max3A_3571 : vector<8x1152xf32>
      %max3A_3573 = arith.constant 0.000000e+00 : f32
      %max3A_3574 = vector.broadcast %max3A_3573 : f32 to vector<8x1152xf32>
      %max3A_3575 = arith.maximumf %sub3A_3572, %max3A_3574 : vector<8x1152xf32>
      %mul3A_3576 = arith.mulf %max3A_3567, %max3A_3575 : vector<8x1152xf32>
      %add3A_3577 = vector.broadcast %mul3A_3559 : vector<1x1xf32> to vector<8x1152xf32>
      %add3A_3578 = arith.addf %add3A_3577, %mul3A_105 : vector<8x1152xf32>
      %sub3A_3579 = arith.subf %add3A_3578, %mul3A_3576 : vector<8x1152xf32>
      %max3A_3580 = arith.constant 9.99999997E-7 : f32
      %max3A_3581 = vector.broadcast %max3A_3580 : f32 to vector<8x1152xf32>
      %max3A_3582 = arith.maximumf %sub3A_3579, %max3A_3581 : vector<8x1152xf32>
      %div3A_3583 = arith.divf %mul3A_3576, %max3A_3582 : vector<8x1152xf32>
      %le3A_3584 = arith.constant 8.500000e-01 : f32
      %le3A_3585 = vector.broadcast %le3A_3584 : f32 to vector<8x1152xf32>
      %le3A_3586 = arith.cmpf ole, %div3A_3583, %le3A_3585 : vector<8x1152xf32>
      %ne3A_3587 = vector.broadcast %broadcast_in_dim3A_3502 : vector<1x1xi32> to vector<8x1152xi32>
      %ne3A_3588 = arith.cmpi ne, %add3A, %ne3A_3587 : vector<8x1152xi32>
      %and3A_3589 = arith.andi %le3A_3586, %ne3A_3588 : vector<8x1152xi1>
      %broadcast_in_dim3A_3590 = vector.broadcast %scan3A : i32 to vector<8x1152xi32>
      %select_n3A_3591 = arith.select %and3A_3589, %select_n3A_2949, %broadcast_in_dim3A_3590 : vector<8x1152xi1>, vector<8x1152xi32>
      %mul3A_3592 = vector.broadcast %broadcast_in_dim3A_3513 : vector<1x1xf32> to vector<1x8xf32>
      %mul3A_3593 = arith.mulf %mul3A_3592, %convert_element_type3A_6 : vector<1x8xf32>
      %jit3A_3594 = arith.constant 0.000000e+00 : f32
      %broadcast_in_dim3A_3595 = vector.broadcast %jit3A_3594 : f32 to vector<8x1152xf32>
      %select_n3A_3596 = arith.select %eq3A_3504, %get3A_57, %broadcast_in_dim3A_3595 : vector<8x1152xi1>, vector<8x1152xf32>
      %reduce_sum3A_3597 = vector.shape_cast %select_n3A_3596 : vector<8x1152xf32> to vector<1x8x1152xf32>
      %reduce_sum3A_3598 = arith.constant dense<0.000000e+00> : vector<1xf32>
      %reduce_sum3A_3599 = vector.multi_reduction <add>, %reduce_sum3A_3597, %reduce_sum3A_3598 [1, 2] : vector<1x8x1152xf32> to vector<1xf32>
      %reduce_sum3A_3600 = vector.shape_cast %reduce_sum3A_3599 : vector<1xf32> to vector<1x1x1xf32>
      %reduce_sum3A_3601 = vector.extract %reduce_sum3A_3600[0, 0, 0] : f32 from vector<1x1x1xf32>
      %broadcast_in_dim3A_3602 = vector.broadcast %reduce_sum3A_3601 : f32 to vector<1x1xf32>
      %mul3A_3603 = vector.broadcast %broadcast_in_dim3A_3602 : vector<1x1xf32> to vector<1x8xf32>
      %mul3A_3604 = arith.mulf %mul3A_3603, %convert_element_type3A_12 : vector<1x8xf32>
      %add3A_3605 = arith.addf %mul3A_3593, %mul3A_3604 : vector<1x8xf32>
      %mul3A_3606 = vector.broadcast %broadcast_in_dim3A_3522 : vector<1x1xf32> to vector<1x8xf32>
      %mul3A_3607 = arith.mulf %mul3A_3606, %convert_element_type3A_18 : vector<1x8xf32>
      %add3A_3608 = arith.addf %add3A_3605, %mul3A_3607 : vector<1x8xf32>
      %jit3A_3609 = arith.constant 0.000000e+00 : f32
      %broadcast_in_dim3A_3610 = vector.broadcast %jit3A_3609 : f32 to vector<8x1152xf32>
      %select_n3A_3611 = arith.select %eq3A_3504, %get3A_67, %broadcast_in_dim3A_3610 : vector<8x1152xi1>, vector<8x1152xf32>
      %reduce_sum3A_3612 = vector.shape_cast %select_n3A_3611 : vector<8x1152xf32> to vector<1x8x1152xf32>
      %reduce_sum3A_3613 = arith.constant dense<0.000000e+00> : vector<1xf32>
      %reduce_sum3A_3614 = vector.multi_reduction <add>, %reduce_sum3A_3612, %reduce_sum3A_3613 [1, 2] : vector<1x8x1152xf32> to vector<1xf32>
      %reduce_sum3A_3615 = vector.shape_cast %reduce_sum3A_3614 : vector<1xf32> to vector<1x1x1xf32>
      %reduce_sum3A_3616 = vector.extract %reduce_sum3A_3615[0, 0, 0] : f32 from vector<1x1x1xf32>
      %broadcast_in_dim3A_3617 = vector.broadcast %reduce_sum3A_3616 : f32 to vector<1x1xf32>
      %mul3A_3618 = vector.broadcast %broadcast_in_dim3A_3617 : vector<1x1xf32> to vector<1x8xf32>
      %mul3A_3619 = arith.mulf %mul3A_3618, %convert_element_type3A_24 : vector<1x8xf32>
      %add3A_3620 = arith.addf %add3A_3608, %mul3A_3619 : vector<1x8xf32>
      %mul3A_3621 = vector.broadcast %broadcast_in_dim3A_3531 : vector<1x1xf32> to vector<1x8xf32>
      %mul3A_3622 = arith.mulf %mul3A_3621, %convert_element_type3A_30 : vector<1x8xf32>
      %add3A_3623 = arith.addf %add3A_3620, %mul3A_3622 : vector<1x8xf32>
      %mul3A_3624 = vector.broadcast %broadcast_in_dim3A_3540 : vector<1x1xf32> to vector<1x8xf32>
      %mul3A_3625 = arith.mulf %mul3A_3624, %convert_element_type3A_36 : vector<1x8xf32>
      %add3A_3626 = arith.addf %add3A_3623, %mul3A_3625 : vector<1x8xf32>
      %jit3A_3627 = arith.constant 0.000000e+00 : f32
      %broadcast_in_dim3A_3628 = vector.broadcast %jit3A_3627 : f32 to vector<8x1152xf32>
      %select_n3A_3629 = arith.select %eq3A_3504, %get3A_82, %broadcast_in_dim3A_3628 : vector<8x1152xi1>, vector<8x1152xf32>
      %reduce_sum3A_3630 = vector.shape_cast %select_n3A_3629 : vector<8x1152xf32> to vector<1x8x1152xf32>
      %reduce_sum3A_3631 = arith.constant dense<0.000000e+00> : vector<1xf32>
      %reduce_sum3A_3632 = vector.multi_reduction <add>, %reduce_sum3A_3630, %reduce_sum3A_3631 [1, 2] : vector<1x8x1152xf32> to vector<1xf32>
      %reduce_sum3A_3633 = vector.shape_cast %reduce_sum3A_3632 : vector<1xf32> to vector<1x1x1xf32>
      %reduce_sum3A_3634 = vector.extract %reduce_sum3A_3633[0, 0, 0] : f32 from vector<1x1x1xf32>
      %broadcast_in_dim3A_3635 = vector.broadcast %reduce_sum3A_3634 : f32 to vector<1x1xf32>
      %mul3A_3636 = vector.broadcast %broadcast_in_dim3A_3635 : vector<1x1xf32> to vector<1x8xf32>
      %mul3A_3637 = arith.mulf %mul3A_3636, %convert_element_type3A_42 : vector<1x8xf32>
      %add3A_3638 = arith.addf %add3A_3626, %mul3A_3637 : vector<1x8xf32>
      %jit3A_3639 = arith.constant 0.000000e+00 : f32
      %broadcast_in_dim3A_3640 = vector.broadcast %jit3A_3639 : f32 to vector<8x1152xf32>
      %select_n3A_3641 = arith.select %eq3A_3504, %get3A_87, %broadcast_in_dim3A_3640 : vector<8x1152xi1>, vector<8x1152xf32>
      %reduce_sum3A_3642 = vector.shape_cast %select_n3A_3641 : vector<8x1152xf32> to vector<1x8x1152xf32>
      %reduce_sum3A_3643 = arith.constant dense<0.000000e+00> : vector<1xf32>
      %reduce_sum3A_3644 = vector.multi_reduction <add>, %reduce_sum3A_3642, %reduce_sum3A_3643 [1, 2] : vector<1x8x1152xf32> to vector<1xf32>
      %reduce_sum3A_3645 = vector.shape_cast %reduce_sum3A_3644 : vector<1xf32> to vector<1x1x1xf32>
      %reduce_sum3A_3646 = vector.extract %reduce_sum3A_3645[0, 0, 0] : f32 from vector<1x1x1xf32>
      %broadcast_in_dim3A_3647 = vector.broadcast %reduce_sum3A_3646 : f32 to vector<1x1xf32>
      %mul3A_3648 = vector.broadcast %broadcast_in_dim3A_3647 : vector<1x1xf32> to vector<1x8xf32>
      %mul3A_3649 = arith.mulf %mul3A_3648, %convert_element_type3A_48 : vector<1x8xf32>
      %add3A_3650 = arith.addf %add3A_3638, %mul3A_3649 : vector<1x8xf32>
      %swap3A_3651 = arith.constant 0 : index
      %swap3A_3652 = arith.index_cast %scan3A_3496 : i32 to index
      %swap3A_3653 = arith.constant 0 : index
      %swap3A_3654 = vector.load %arg1[%swap3A_3651, %swap3A_3652, %swap3A_3653] : memref<4x512x8xf32, #tpu.memory_space<vmem>>, vector<1x1x8xf32>
      %swap3A_3655 = vector.shape_cast %swap3A_3654 : vector<1x1x8xf32> to vector<1x8xf32>
      %swap3A_3656 = vector.shape_cast %add3A_3650 : vector<1x8xf32> to vector<1x1x8xf32>
      tpu.vector_store %arg1[%swap3A_3651, %swap3A_3652, %swap3A_3653], %swap3A_3656 {strides = array<i32>} : memref<4x512x8xf32, #tpu.memory_space<vmem>>, vector<1x1x8xf32>,
      %reduce_min3A_3657 = vector.shape_cast %select_n3A_3109 : vector<8x1152xi32> to vector<1x8x1152xi32>
      %reduce_min3A_3658 = arith.constant dense<2147483647> : vector<1xi32>
      %reduce_min3A_3659 = vector.multi_reduction <minsi>, %reduce_min3A_3657, %reduce_min3A_3658 [1, 2] : vector<1x8x1152xi32> to vector<1xi32>
      %reduce_min3A_3660 = vector.shape_cast %reduce_min3A_3659 : vector<1xi32> to vector<1x1x1xi32>
      %reduce_min3A_3661 = vector.extract %reduce_min3A_3660[0, 0, 0] : i32 from vector<1x1x1xi32>
      %broadcast_in_dim3A_3662 = vector.broadcast %reduce_min3A_3661 : i32 to vector<1x1xi32>
      %eq3A_3663 = vector.broadcast %broadcast_in_dim3A_3662 : vector<1x1xi32> to vector<8x1152xi32>
      %eq3A_3664 = arith.cmpi eq, %add3A, %eq3A_3663 : vector<8x1152xi32>
      %jit3A_3665 = arith.constant 0.000000e+00 : f32
      %broadcast_in_dim3A_3666 = vector.broadcast %jit3A_3665 : f32 to vector<8x1152xf32>
      %select_n3A_3667 = arith.select %eq3A_3664, %get3A_110, %broadcast_in_dim3A_3666 : vector<8x1152xi1>, vector<8x1152xf32>
      %reduce_sum3A_3668 = vector.shape_cast %select_n3A_3667 : vector<8x1152xf32> to vector<1x8x1152xf32>
      %reduce_sum3A_3669 = arith.constant dense<0.000000e+00> : vector<1xf32>
      %reduce_sum3A_3670 = vector.multi_reduction <add>, %reduce_sum3A_3668, %reduce_sum3A_3669 [1, 2] : vector<1x8x1152xf32> to vector<1xf32>
      %reduce_sum3A_3671 = vector.shape_cast %reduce_sum3A_3670 : vector<1xf32> to vector<1x1x1xf32>
      %reduce_sum3A_3672 = vector.extract %reduce_sum3A_3671[0, 0, 0] : f32 from vector<1x1x1xf32>
      %broadcast_in_dim3A_3673 = vector.broadcast %reduce_sum3A_3672 : f32 to vector<1x1xf32>
      %jit3A_3674 = arith.constant 0.000000e+00 : f32
      %broadcast_in_dim3A_3675 = vector.broadcast %jit3A_3674 : f32 to vector<8x1152xf32>
      %select_n3A_3676 = arith.select %eq3A_3664, %get3A_120, %broadcast_in_dim3A_3675 : vector<8x1152xi1>, vector<8x1152xf32>
      %reduce_sum3A_3677 = vector.shape_cast %select_n3A_3676 : vector<8x1152xf32> to vector<1x8x1152xf32>
      %reduce_sum3A_3678 = arith.constant dense<0.000000e+00> : vector<1xf32>
      %reduce_sum3A_3679 = vector.multi_reduction <add>, %reduce_sum3A_3677, %reduce_sum3A_3678 [1, 2] : vector<1x8x1152xf32> to vector<1xf32>
      %reduce_sum3A_3680 = vector.shape_cast %reduce_sum3A_3679 : vector<1xf32> to vector<1x1x1xf32>
      %reduce_sum3A_3681 = vector.extract %reduce_sum3A_3680[0, 0, 0] : f32 from vector<1x1x1xf32>
      %broadcast_in_dim3A_3682 = vector.broadcast %reduce_sum3A_3681 : f32 to vector<1x1xf32>
      %jit3A_3683 = arith.constant 0.000000e+00 : f32
      %broadcast_in_dim3A_3684 = vector.broadcast %jit3A_3683 : f32 to vector<8x1152xf32>
      %select_n3A_3685 = arith.select %eq3A_3664, %get3A_130, %broadcast_in_dim3A_3684 : vector<8x1152xi1>, vector<8x1152xf32>
      %reduce_sum3A_3686 = vector.shape_cast %select_n3A_3685 : vector<8x1152xf32> to vector<1x8x1152xf32>
      %reduce_sum3A_3687 = arith.constant dense<0.000000e+00> : vector<1xf32>
      %reduce_sum3A_3688 = vector.multi_reduction <add>, %reduce_sum3A_3686, %reduce_sum3A_3687 [1, 2] : vector<1x8x1152xf32> to vector<1xf32>
      %reduce_sum3A_3689 = vector.shape_cast %reduce_sum3A_3688 : vector<1xf32> to vector<1x1x1xf32>
      %reduce_sum3A_3690 = vector.extract %reduce_sum3A_3689[0, 0, 0] : f32 from vector<1x1x1xf32>
      %broadcast_in_dim3A_3691 = vector.broadcast %reduce_sum3A_3690 : f32 to vector<1x1xf32>
      %jit3A_3692 = arith.constant 0.000000e+00 : f32
      %broadcast_in_dim3A_3693 = vector.broadcast %jit3A_3692 : f32 to vector<8x1152xf32>
      %select_n3A_3694 = arith.select %eq3A_3664, %get3A_135, %broadcast_in_dim3A_3693 : vector<8x1152xi1>, vector<8x1152xf32>
      %reduce_sum3A_3695 = vector.shape_cast %select_n3A_3694 : vector<8x1152xf32> to vector<1x8x1152xf32>
      %reduce_sum3A_3696 = arith.constant dense<0.000000e+00> : vector<1xf32>
      %reduce_sum3A_3697 = vector.multi_reduction <add>, %reduce_sum3A_3695, %reduce_sum3A_3696 [1, 2] : vector<1x8x1152xf32> to vector<1xf32>
      %reduce_sum3A_3698 = vector.shape_cast %reduce_sum3A_3697 : vector<1xf32> to vector<1x1x1xf32>
      %reduce_sum3A_3699 = vector.extract %reduce_sum3A_3698[0, 0, 0] : f32 from vector<1x1x1xf32>
      %broadcast_in_dim3A_3700 = vector.broadcast %reduce_sum3A_3699 : f32 to vector<1x1xf32>
      %mul3A_3701 = arith.constant 5.000000e-01 : f32
      %mul3A_3702 = vector.broadcast %mul3A_3701 : f32 to vector<1x1xf32>
      %mul3A_3703 = arith.mulf %broadcast_in_dim3A_3700, %mul3A_3702 : vector<1x1xf32>
      %sub3A_3704 = arith.subf %broadcast_in_dim3A_3673, %mul3A_3703 : vector<1x1xf32>
      %mul3A_3705 = arith.constant 5.000000e-01 : f32
      %mul3A_3706 = vector.broadcast %mul3A_3705 : f32 to vector<1x1xf32>
      %mul3A_3707 = arith.mulf %broadcast_in_dim3A_3700, %mul3A_3706 : vector<1x1xf32>
      %add3A_3708 = arith.addf %broadcast_in_dim3A_3673, %mul3A_3707 : vector<1x1xf32>
      %mul3A_3709 = arith.constant 5.000000e-01 : f32
      %mul3A_3710 = vector.broadcast %mul3A_3709 : f32 to vector<1x1xf32>
      %mul3A_3711 = arith.mulf %broadcast_in_dim3A_3691, %mul3A_3710 : vector<1x1xf32>
      %sub3A_3712 = arith.subf %broadcast_in_dim3A_3682, %mul3A_3711 : vector<1x1xf32>
      %mul3A_3713 = arith.constant 5.000000e-01 : f32
      %mul3A_3714 = vector.broadcast %mul3A_3713 : f32 to vector<1x1xf32>
      %mul3A_3715 = arith.mulf %broadcast_in_dim3A_3691, %mul3A_3714 : vector<1x1xf32>
      %add3A_3716 = arith.addf %broadcast_in_dim3A_3682, %mul3A_3715 : vector<1x1xf32>
      %sub3A_3717 = arith.subf %add3A_3708, %sub3A_3704 : vector<1x1xf32>
      %sub3A_3718 = arith.subf %add3A_3716, %sub3A_3712 : vector<1x1xf32>
      %mul3A_3719 = arith.mulf %sub3A_3717, %sub3A_3718 : vector<1x1xf32>
      %min3A_3720 = vector.broadcast %add3A_3708 : vector<1x1xf32> to vector<8x1152xf32>
      %min3A_3721 = arith.minimumf %min3A_3720, %add3A_153 : vector<8x1152xf32>
      %max3A_3722 = vector.broadcast %sub3A_3704 : vector<1x1xf32> to vector<8x1152xf32>
      %max3A_3723 = arith.maximumf %max3A_3722, %sub3A_149 : vector<8x1152xf32>
      %sub3A_3724 = arith.subf %min3A_3721, %max3A_3723 : vector<8x1152xf32>
      %max3A_3725 = arith.constant 0.000000e+00 : f32
      %max3A_3726 = vector.broadcast %max3A_3725 : f32 to vector<8x1152xf32>
      %max3A_3727 = arith.maximumf %sub3A_3724, %max3A_3726 : vector<8x1152xf32>
      %min3A_3728 = vector.broadcast %add3A_3716 : vector<1x1xf32> to vector<8x1152xf32>
      %min3A_3729 = arith.minimumf %min3A_3728, %add3A_161 : vector<8x1152xf32>
      %max3A_3730 = vector.broadcast %sub3A_3712 : vector<1x1xf32> to vector<8x1152xf32>
      %max3A_3731 = arith.maximumf %max3A_3730, %sub3A_157 : vector<8x1152xf32>
      %sub3A_3732 = arith.subf %min3A_3729, %max3A_3731 : vector<8x1152xf32>
      %max3A_3733 = arith.constant 0.000000e+00 : f32
      %max3A_3734 = vector.broadcast %max3A_3733 : f32 to vector<8x1152xf32>
      %max3A_3735 = arith.maximumf %sub3A_3732, %max3A_3734 : vector<8x1152xf32>
      %mul3A_3736 = arith.mulf %max3A_3727, %max3A_3735 : vector<8x1152xf32>
      %add3A_3737 = vector.broadcast %mul3A_3719 : vector<1x1xf32> to vector<8x1152xf32>
      %add3A_3738 = arith.addf %add3A_3737, %mul3A_164 : vector<8x1152xf32>
      %sub3A_3739 = arith.subf %add3A_3738, %mul3A_3736 : vector<8x1152xf32>
      %max3A_3740 = arith.constant 9.99999997E-7 : f32
      %max3A_3741 = vector.broadcast %max3A_3740 : f32 to vector<8x1152xf32>
      %max3A_3742 = arith.maximumf %sub3A_3739, %max3A_3741 : vector<8x1152xf32>
      %div3A_3743 = arith.divf %mul3A_3736, %max3A_3742 : vector<8x1152xf32>
      %le3A_3744 = arith.constant 8.500000e-01 : f32
      %le3A_3745 = vector.broadcast %le3A_3744 : f32 to vector<8x1152xf32>
      %le3A_3746 = arith.cmpf ole, %div3A_3743, %le3A_3745 : vector<8x1152xf32>
      %ne3A_3747 = vector.broadcast %broadcast_in_dim3A_3662 : vector<1x1xi32> to vector<8x1152xi32>
      %ne3A_3748 = arith.cmpi ne, %add3A, %ne3A_3747 : vector<8x1152xi32>
      %and3A_3749 = arith.andi %le3A_3746, %ne3A_3748 : vector<8x1152xi1>
      %broadcast_in_dim3A_3750 = vector.broadcast %scan3A : i32 to vector<8x1152xi32>
      %select_n3A_3751 = arith.select %and3A_3749, %select_n3A_3109, %broadcast_in_dim3A_3750 : vector<8x1152xi1>, vector<8x1152xi32>
      %mul3A_3752 = vector.broadcast %broadcast_in_dim3A_3673 : vector<1x1xf32> to vector<1x8xf32>
      %mul3A_3753 = arith.mulf %mul3A_3752, %convert_element_type3A_6 : vector<1x8xf32>
      %jit3A_3754 = arith.constant 0.000000e+00 : f32
      %broadcast_in_dim3A_3755 = vector.broadcast %jit3A_3754 : f32 to vector<8x1152xf32>
      %select_n3A_3756 = arith.select %eq3A_3664, %get3A_115, %broadcast_in_dim3A_3755 : vector<8x1152xi1>, vector<8x1152xf32>
      %reduce_sum3A_3757 = vector.shape_cast %select_n3A_3756 : vector<8x1152xf32> to vector<1x8x1152xf32>
      %reduce_sum3A_3758 = arith.constant dense<0.000000e+00> : vector<1xf32>
      %reduce_sum3A_3759 = vector.multi_reduction <add>, %reduce_sum3A_3757, %reduce_sum3A_3758 [1, 2] : vector<1x8x1152xf32> to vector<1xf32>
      %reduce_sum3A_3760 = vector.shape_cast %reduce_sum3A_3759 : vector<1xf32> to vector<1x1x1xf32>
      %reduce_sum3A_3761 = vector.extract %reduce_sum3A_3760[0, 0, 0] : f32 from vector<1x1x1xf32>
      %broadcast_in_dim3A_3762 = vector.broadcast %reduce_sum3A_3761 : f32 to vector<1x1xf32>
      %mul3A_3763 = vector.broadcast %broadcast_in_dim3A_3762 : vector<1x1xf32> to vector<1x8xf32>
      %mul3A_3764 = arith.mulf %mul3A_3763, %convert_element_type3A_12 : vector<1x8xf32>
      %add3A_3765 = arith.addf %mul3A_3753, %mul3A_3764 : vector<1x8xf32>
      %mul3A_3766 = vector.broadcast %broadcast_in_dim3A_3682 : vector<1x1xf32> to vector<1x8xf32>
      %mul3A_3767 = arith.mulf %mul3A_3766, %convert_element_type3A_18 : vector<1x8xf32>
      %add3A_3768 = arith.addf %add3A_3765, %mul3A_3767 : vector<1x8xf32>
      %jit3A_3769 = arith.constant 0.000000e+00 : f32
      %broadcast_in_dim3A_3770 = vector.broadcast %jit3A_3769 : f32 to vector<8x1152xf32>
      %select_n3A_3771 = arith.select %eq3A_3664, %get3A_125, %broadcast_in_dim3A_3770 : vector<8x1152xi1>, vector<8x1152xf32>
      %reduce_sum3A_3772 = vector.shape_cast %select_n3A_3771 : vector<8x1152xf32> to vector<1x8x1152xf32>
      %reduce_sum3A_3773 = arith.constant dense<0.000000e+00> : vector<1xf32>
      %reduce_sum3A_3774 = vector.multi_reduction <add>, %reduce_sum3A_3772, %reduce_sum3A_3773 [1, 2] : vector<1x8x1152xf32> to vector<1xf32>
      %reduce_sum3A_3775 = vector.shape_cast %reduce_sum3A_3774 : vector<1xf32> to vector<1x1x1xf32>
      %reduce_sum3A_3776 = vector.extract %reduce_sum3A_3775[0, 0, 0] : f32 from vector<1x1x1xf32>
      %broadcast_in_dim3A_3777 = vector.broadcast %reduce_sum3A_3776 : f32 to vector<1x1xf32>
      %mul3A_3778 = vector.broadcast %broadcast_in_dim3A_3777 : vector<1x1xf32> to vector<1x8xf32>
      %mul3A_3779 = arith.mulf %mul3A_3778, %convert_element_type3A_24 : vector<1x8xf32>
      %add3A_3780 = arith.addf %add3A_3768, %mul3A_3779 : vector<1x8xf32>
      %mul3A_3781 = vector.broadcast %broadcast_in_dim3A_3691 : vector<1x1xf32> to vector<1x8xf32>
      %mul3A_3782 = arith.mulf %mul3A_3781, %convert_element_type3A_30 : vector<1x8xf32>
      %add3A_3783 = arith.addf %add3A_3780, %mul3A_3782 : vector<1x8xf32>
      %mul3A_3784 = vector.broadcast %broadcast_in_dim3A_3700 : vector<1x1xf32> to vector<1x8xf32>
      %mul3A_3785 = arith.mulf %mul3A_3784, %convert_element_type3A_36 : vector<1x8xf32>
      %add3A_3786 = arith.addf %add3A_3783, %mul3A_3785 : vector<1x8xf32>
      %jit3A_3787 = arith.constant 0.000000e+00 : f32
      %broadcast_in_dim3A_3788 = vector.broadcast %jit3A_3787 : f32 to vector<8x1152xf32>
      %select_n3A_3789 = arith.select %eq3A_3664, %get3A_140, %broadcast_in_dim3A_3788 : vector<8x1152xi1>, vector<8x1152xf32>
      %reduce_sum3A_3790 = vector.shape_cast %select_n3A_3789 : vector<8x1152xf32> to vector<1x8x1152xf32>
      %reduce_sum3A_3791 = arith.constant dense<0.000000e+00> : vector<1xf32>
      %reduce_sum3A_3792 = vector.multi_reduction <add>, %reduce_sum3A_3790, %reduce_sum3A_3791 [1, 2] : vector<1x8x1152xf32> to vector<1xf32>
      %reduce_sum3A_3793 = vector.shape_cast %reduce_sum3A_3792 : vector<1xf32> to vector<1x1x1xf32>
      %reduce_sum3A_3794 = vector.extract %reduce_sum3A_3793[0, 0, 0] : f32 from vector<1x1x1xf32>
      %broadcast_in_dim3A_3795 = vector.broadcast %reduce_sum3A_3794 : f32 to vector<1x1xf32>
      %mul3A_3796 = vector.broadcast %broadcast_in_dim3A_3795 : vector<1x1xf32> to vector<1x8xf32>
      %mul3A_3797 = arith.mulf %mul3A_3796, %convert_element_type3A_42 : vector<1x8xf32>
      %add3A_3798 = arith.addf %add3A_3786, %mul3A_3797 : vector<1x8xf32>
      %jit3A_3799 = arith.constant 0.000000e+00 : f32
      %broadcast_in_dim3A_3800 = vector.broadcast %jit3A_3799 : f32 to vector<8x1152xf32>
      %select_n3A_3801 = arith.select %eq3A_3664, %get3A_145, %broadcast_in_dim3A_3800 : vector<8x1152xi1>, vector<8x1152xf32>
      %reduce_sum3A_3802 = vector.shape_cast %select_n3A_3801 : vector<8x1152xf32> to vector<1x8x1152xf32>
      %reduce_sum3A_3803 = arith.constant dense<0.000000e+00> : vector<1xf32>
      %reduce_sum3A_3804 = vector.multi_reduction <add>, %reduce_sum3A_3802, %reduce_sum3A_3803 [1, 2] : vector<1x8x1152xf32> to vector<1xf32>
      %reduce_sum3A_3805 = vector.shape_cast %reduce_sum3A_3804 : vector<1xf32> to vector<1x1x1xf32>
      %reduce_sum3A_3806 = vector.extract %reduce_sum3A_3805[0, 0, 0] : f32 from vector<1x1x1xf32>
      %broadcast_in_dim3A_3807 = vector.broadcast %reduce_sum3A_3806 : f32 to vector<1x1xf32>
      %mul3A_3808 = vector.broadcast %broadcast_in_dim3A_3807 : vector<1x1xf32> to vector<1x8xf32>
      %mul3A_3809 = arith.mulf %mul3A_3808, %convert_element_type3A_48 : vector<1x8xf32>
      %add3A_3810 = arith.addf %add3A_3798, %mul3A_3809 : vector<1x8xf32>
      %swap3A_3811 = arith.constant 1 : index
      %swap3A_3812 = arith.index_cast %scan3A_3496 : i32 to index
      %swap3A_3813 = arith.constant 0 : index
      %swap3A_3814 = vector.load %arg1[%swap3A_3811, %swap3A_3812, %swap3A_3813] : memref<4x512x8xf32, #tpu.memory_space<vmem>>, vector<1x1x8xf32>
      %swap3A_3815 = vector.shape_cast %swap3A_3814 : vector<1x1x8xf32> to vector<1x8xf32>
      %swap3A_3816 = vector.shape_cast %add3A_3810 : vector<1x8xf32> to vector<1x1x8xf32>
      tpu.vector_store %arg1[%swap3A_3811, %swap3A_3812, %swap3A_3813], %swap3A_3816 {strides = array<i32>} : memref<4x512x8xf32, #tpu.memory_space<vmem>>, vector<1x1x8xf32>,
      %reduce_min3A_3817 = vector.shape_cast %select_n3A_3269 : vector<8x1152xi32> to vector<1x8x1152xi32>
      %reduce_min3A_3818 = arith.constant dense<2147483647> : vector<1xi32>
      %reduce_min3A_3819 = vector.multi_reduction <minsi>, %reduce_min3A_3817, %reduce_min3A_3818 [1, 2] : vector<1x8x1152xi32> to vector<1xi32>
      %reduce_min3A_3820 = vector.shape_cast %reduce_min3A_3819 : vector<1xi32> to vector<1x1x1xi32>
      %reduce_min3A_3821 = vector.extract %reduce_min3A_3820[0, 0, 0] : i32 from vector<1x1x1xi32>
      %broadcast_in_dim3A_3822 = vector.broadcast %reduce_min3A_3821 : i32 to vector<1x1xi32>
      %eq3A_3823 = vector.broadcast %broadcast_in_dim3A_3822 : vector<1x1xi32> to vector<8x1152xi32>
      %eq3A_3824 = arith.cmpi eq, %add3A, %eq3A_3823 : vector<8x1152xi32>
      %jit3A_3825 = arith.constant 0.000000e+00 : f32
      %broadcast_in_dim3A_3826 = vector.broadcast %jit3A_3825 : f32 to vector<8x1152xf32>
      %select_n3A_3827 = arith.select %eq3A_3824, %get3A_169, %broadcast_in_dim3A_3826 : vector<8x1152xi1>, vector<8x1152xf32>
      %reduce_sum3A_3828 = vector.shape_cast %select_n3A_3827 : vector<8x1152xf32> to vector<1x8x1152xf32>
      %reduce_sum3A_3829 = arith.constant dense<0.000000e+00> : vector<1xf32>
      %reduce_sum3A_3830 = vector.multi_reduction <add>, %reduce_sum3A_3828, %reduce_sum3A_3829 [1, 2] : vector<1x8x1152xf32> to vector<1xf32>
      %reduce_sum3A_3831 = vector.shape_cast %reduce_sum3A_3830 : vector<1xf32> to vector<1x1x1xf32>
      %reduce_sum3A_3832 = vector.extract %reduce_sum3A_3831[0, 0, 0] : f32 from vector<1x1x1xf32>
      %broadcast_in_dim3A_3833 = vector.broadcast %reduce_sum3A_3832 : f32 to vector<1x1xf32>
      %jit3A_3834 = arith.constant 0.000000e+00 : f32
      %broadcast_in_dim3A_3835 = vector.broadcast %jit3A_3834 : f32 to vector<8x1152xf32>
      %select_n3A_3836 = arith.select %eq3A_3824, %get3A_179, %broadcast_in_dim3A_3835 : vector<8x1152xi1>, vector<8x1152xf32>
      %reduce_sum3A_3837 = vector.shape_cast %select_n3A_3836 : vector<8x1152xf32> to vector<1x8x1152xf32>
      %reduce_sum3A_3838 = arith.constant dense<0.000000e+00> : vector<1xf32>
      %reduce_sum3A_3839 = vector.multi_reduction <add>, %reduce_sum3A_3837, %reduce_sum3A_3838 [1, 2] : vector<1x8x1152xf32> to vector<1xf32>
      %reduce_sum3A_3840 = vector.shape_cast %reduce_sum3A_3839 : vector<1xf32> to vector<1x1x1xf32>
      %reduce_sum3A_3841 = vector.extract %reduce_sum3A_3840[0, 0, 0] : f32 from vector<1x1x1xf32>
      %broadcast_in_dim3A_3842 = vector.broadcast %reduce_sum3A_3841 : f32 to vector<1x1xf32>
      %jit3A_3843 = arith.constant 0.000000e+00 : f32
      %broadcast_in_dim3A_3844 = vector.broadcast %jit3A_3843 : f32 to vector<8x1152xf32>
      %select_n3A_3845 = arith.select %eq3A_3824, %get3A_189, %broadcast_in_dim3A_3844 : vector<8x1152xi1>, vector<8x1152xf32>
      %reduce_sum3A_3846 = vector.shape_cast %select_n3A_3845 : vector<8x1152xf32> to vector<1x8x1152xf32>
      %reduce_sum3A_3847 = arith.constant dense<0.000000e+00> : vector<1xf32>
      %reduce_sum3A_3848 = vector.multi_reduction <add>, %reduce_sum3A_3846, %reduce_sum3A_3847 [1, 2] : vector<1x8x1152xf32> to vector<1xf32>
      %reduce_sum3A_3849 = vector.shape_cast %reduce_sum3A_3848 : vector<1xf32> to vector<1x1x1xf32>
      %reduce_sum3A_3850 = vector.extract %reduce_sum3A_3849[0, 0, 0] : f32 from vector<1x1x1xf32>
      %broadcast_in_dim3A_3851 = vector.broadcast %reduce_sum3A_3850 : f32 to vector<1x1xf32>
      %jit3A_3852 = arith.constant 0.000000e+00 : f32
      %broadcast_in_dim3A_3853 = vector.broadcast %jit3A_3852 : f32 to vector<8x1152xf32>
      %select_n3A_3854 = arith.select %eq3A_3824, %get3A_194, %broadcast_in_dim3A_3853 : vector<8x1152xi1>, vector<8x1152xf32>
      %reduce_sum3A_3855 = vector.shape_cast %select_n3A_3854 : vector<8x1152xf32> to vector<1x8x1152xf32>
      %reduce_sum3A_3856 = arith.constant dense<0.000000e+00> : vector<1xf32>
      %reduce_sum3A_3857 = vector.multi_reduction <add>, %reduce_sum3A_3855, %reduce_sum3A_3856 [1, 2] : vector<1x8x1152xf32> to vector<1xf32>
      %reduce_sum3A_3858 = vector.shape_cast %reduce_sum3A_3857 : vector<1xf32> to vector<1x1x1xf32>
      %reduce_sum3A_3859 = vector.extract %reduce_sum3A_3858[0, 0, 0] : f32 from vector<1x1x1xf32>
      %broadcast_in_dim3A_3860 = vector.broadcast %reduce_sum3A_3859 : f32 to vector<1x1xf32>
      %mul3A_3861 = arith.constant 5.000000e-01 : f32
      %mul3A_3862 = vector.broadcast %mul3A_3861 : f32 to vector<1x1xf32>
      %mul3A_3863 = arith.mulf %broadcast_in_dim3A_3860, %mul3A_3862 : vector<1x1xf32>
      %sub3A_3864 = arith.subf %broadcast_in_dim3A_3833, %mul3A_3863 : vector<1x1xf32>
      %mul3A_3865 = arith.constant 5.000000e-01 : f32
      %mul3A_3866 = vector.broadcast %mul3A_3865 : f32 to vector<1x1xf32>
      %mul3A_3867 = arith.mulf %broadcast_in_dim3A_3860, %mul3A_3866 : vector<1x1xf32>
      %add3A_3868 = arith.addf %broadcast_in_dim3A_3833, %mul3A_3867 : vector<1x1xf32>
      %mul3A_3869 = arith.constant 5.000000e-01 : f32
      %mul3A_3870 = vector.broadcast %mul3A_3869 : f32 to vector<1x1xf32>
      %mul3A_3871 = arith.mulf %broadcast_in_dim3A_3851, %mul3A_3870 : vector<1x1xf32>
      %sub3A_3872 = arith.subf %broadcast_in_dim3A_3842, %mul3A_3871 : vector<1x1xf32>
      %mul3A_3873 = arith.constant 5.000000e-01 : f32
      %mul3A_3874 = vector.broadcast %mul3A_3873 : f32 to vector<1x1xf32>
      %mul3A_3875 = arith.mulf %broadcast_in_dim3A_3851, %mul3A_3874 : vector<1x1xf32>
      %add3A_3876 = arith.addf %broadcast_in_dim3A_3842, %mul3A_3875 : vector<1x1xf32>
      %sub3A_3877 = arith.subf %add3A_3868, %sub3A_3864 : vector<1x1xf32>
      %sub3A_3878 = arith.subf %add3A_3876, %sub3A_3872 : vector<1x1xf32>
      %mul3A_3879 = arith.mulf %sub3A_3877, %sub3A_3878 : vector<1x1xf32>
      %min3A_3880 = vector.broadcast %add3A_3868 : vector<1x1xf32> to vector<8x1152xf32>
      %min3A_3881 = arith.minimumf %min3A_3880, %add3A_212 : vector<8x1152xf32>
      %max3A_3882 = vector.broadcast %sub3A_3864 : vector<1x1xf32> to vector<8x1152xf32>
      %max3A_3883 = arith.maximumf %max3A_3882, %sub3A_208 : vector<8x1152xf32>
      %sub3A_3884 = arith.subf %min3A_3881, %max3A_3883 : vector<8x1152xf32>
      %max3A_3885 = arith.constant 0.000000e+00 : f32
      %max3A_3886 = vector.broadcast %max3A_3885 : f32 to vector<8x1152xf32>
      %max3A_3887 = arith.maximumf %sub3A_3884, %max3A_3886 : vector<8x1152xf32>
      %min3A_3888 = vector.broadcast %add3A_3876 : vector<1x1xf32> to vector<8x1152xf32>
      %min3A_3889 = arith.minimumf %min3A_3888, %add3A_220 : vector<8x1152xf32>
      %max3A_3890 = vector.broadcast %sub3A_3872 : vector<1x1xf32> to vector<8x1152xf32>
      %max3A_3891 = arith.maximumf %max3A_3890, %sub3A_216 : vector<8x1152xf32>
      %sub3A_3892 = arith.subf %min3A_3889, %max3A_3891 : vector<8x1152xf32>
      %max3A_3893 = arith.constant 0.000000e+00 : f32
      %max3A_3894 = vector.broadcast %max3A_3893 : f32 to vector<8x1152xf32>
      %max3A_3895 = arith.maximumf %sub3A_3892, %max3A_3894 : vector<8x1152xf32>
      %mul3A_3896 = arith.mulf %max3A_3887, %max3A_3895 : vector<8x1152xf32>
      %add3A_3897 = vector.broadcast %mul3A_3879 : vector<1x1xf32> to vector<8x1152xf32>
      %add3A_3898 = arith.addf %add3A_3897, %mul3A_223 : vector<8x1152xf32>
      %sub3A_3899 = arith.subf %add3A_3898, %mul3A_3896 : vector<8x1152xf32>
      %max3A_3900 = arith.constant 9.99999997E-7 : f32
      %max3A_3901 = vector.broadcast %max3A_3900 : f32 to vector<8x1152xf32>
      %max3A_3902 = arith.maximumf %sub3A_3899, %max3A_3901 : vector<8x1152xf32>
      %div3A_3903 = arith.divf %mul3A_3896, %max3A_3902 : vector<8x1152xf32>
      %le3A_3904 = arith.constant 8.500000e-01 : f32
      %le3A_3905 = vector.broadcast %le3A_3904 : f32 to vector<8x1152xf32>
      %le3A_3906 = arith.cmpf ole, %div3A_3903, %le3A_3905 : vector<8x1152xf32>
      %ne3A_3907 = vector.broadcast %broadcast_in_dim3A_3822 : vector<1x1xi32> to vector<8x1152xi32>
      %ne3A_3908 = arith.cmpi ne, %add3A, %ne3A_3907 : vector<8x1152xi32>
      %and3A_3909 = arith.andi %le3A_3906, %ne3A_3908 : vector<8x1152xi1>
      %broadcast_in_dim3A_3910 = vector.broadcast %scan3A : i32 to vector<8x1152xi32>
      %select_n3A_3911 = arith.select %and3A_3909, %select_n3A_3269, %broadcast_in_dim3A_3910 : vector<8x1152xi1>, vector<8x1152xi32>
      %mul3A_3912 = vector.broadcast %broadcast_in_dim3A_3833 : vector<1x1xf32> to vector<1x8xf32>
      %mul3A_3913 = arith.mulf %mul3A_3912, %convert_element_type3A_6 : vector<1x8xf32>
      %jit3A_3914 = arith.constant 0.000000e+00 : f32
      %broadcast_in_dim3A_3915 = vector.broadcast %jit3A_3914 : f32 to vector<8x1152xf32>
      %select_n3A_3916 = arith.select %eq3A_3824, %get3A_174, %broadcast_in_dim3A_3915 : vector<8x1152xi1>, vector<8x1152xf32>
      %reduce_sum3A_3917 = vector.shape_cast %select_n3A_3916 : vector<8x1152xf32> to vector<1x8x1152xf32>
      %reduce_sum3A_3918 = arith.constant dense<0.000000e+00> : vector<1xf32>
      %reduce_sum3A_3919 = vector.multi_reduction <add>, %reduce_sum3A_3917, %reduce_sum3A_3918 [1, 2] : vector<1x8x1152xf32> to vector<1xf32>
      %reduce_sum3A_3920 = vector.shape_cast %reduce_sum3A_3919 : vector<1xf32> to vector<1x1x1xf32>
      %reduce_sum3A_3921 = vector.extract %reduce_sum3A_3920[0, 0, 0] : f32 from vector<1x1x1xf32>
      %broadcast_in_dim3A_3922 = vector.broadcast %reduce_sum3A_3921 : f32 to vector<1x1xf32>
      %mul3A_3923 = vector.broadcast %broadcast_in_dim3A_3922 : vector<1x1xf32> to vector<1x8xf32>
      %mul3A_3924 = arith.mulf %mul3A_3923, %convert_element_type3A_12 : vector<1x8xf32>
      %add3A_3925 = arith.addf %mul3A_3913, %mul3A_3924 : vector<1x8xf32>
      %mul3A_3926 = vector.broadcast %broadcast_in_dim3A_3842 : vector<1x1xf32> to vector<1x8xf32>
      %mul3A_3927 = arith.mulf %mul3A_3926, %convert_element_type3A_18 : vector<1x8xf32>
      %add3A_3928 = arith.addf %add3A_3925, %mul3A_3927 : vector<1x8xf32>
      %jit3A_3929 = arith.constant 0.000000e+00 : f32
      %broadcast_in_dim3A_3930 = vector.broadcast %jit3A_3929 : f32 to vector<8x1152xf32>
      %select_n3A_3931 = arith.select %eq3A_3824, %get3A_184, %broadcast_in_dim3A_3930 : vector<8x1152xi1>, vector<8x1152xf32>
      %reduce_sum3A_3932 = vector.shape_cast %select_n3A_3931 : vector<8x1152xf32> to vector<1x8x1152xf32>
      %reduce_sum3A_3933 = arith.constant dense<0.000000e+00> : vector<1xf32>
      %reduce_sum3A_3934 = vector.multi_reduction <add>, %reduce_sum3A_3932, %reduce_sum3A_3933 [1, 2] : vector<1x8x1152xf32> to vector<1xf32>
      %reduce_sum3A_3935 = vector.shape_cast %reduce_sum3A_3934 : vector<1xf32> to vector<1x1x1xf32>
      %reduce_sum3A_3936 = vector.extract %reduce_sum3A_3935[0, 0, 0] : f32 from vector<1x1x1xf32>
      %broadcast_in_dim3A_3937 = vector.broadcast %reduce_sum3A_3936 : f32 to vector<1x1xf32>
      %mul3A_3938 = vector.broadcast %broadcast_in_dim3A_3937 : vector<1x1xf32> to vector<1x8xf32>
      %mul3A_3939 = arith.mulf %mul3A_3938, %convert_element_type3A_24 : vector<1x8xf32>
      %add3A_3940 = arith.addf %add3A_3928, %mul3A_3939 : vector<1x8xf32>
      %mul3A_3941 = vector.broadcast %broadcast_in_dim3A_3851 : vector<1x1xf32> to vector<1x8xf32>
      %mul3A_3942 = arith.mulf %mul3A_3941, %convert_element_type3A_30 : vector<1x8xf32>
      %add3A_3943 = arith.addf %add3A_3940, %mul3A_3942 : vector<1x8xf32>
      %mul3A_3944 = vector.broadcast %broadcast_in_dim3A_3860 : vector<1x1xf32> to vector<1x8xf32>
      %mul3A_3945 = arith.mulf %mul3A_3944, %convert_element_type3A_36 : vector<1x8xf32>
      %add3A_3946 = arith.addf %add3A_3943, %mul3A_3945 : vector<1x8xf32>
      %jit3A_3947 = arith.constant 0.000000e+00 : f32
      %broadcast_in_dim3A_3948 = vector.broadcast %jit3A_3947 : f32 to vector<8x1152xf32>
      %select_n3A_3949 = arith.select %eq3A_3824, %get3A_199, %broadcast_in_dim3A_3948 : vector<8x1152xi1>, vector<8x1152xf32>
      %reduce_sum3A_3950 = vector.shape_cast %select_n3A_3949 : vector<8x1152xf32> to vector<1x8x1152xf32>
      %reduce_sum3A_3951 = arith.constant dense<0.000000e+00> : vector<1xf32>
      %reduce_sum3A_3952 = vector.multi_reduction <add>, %reduce_sum3A_3950, %reduce_sum3A_3951 [1, 2] : vector<1x8x1152xf32> to vector<1xf32>
      %reduce_sum3A_3953 = vector.shape_cast %reduce_sum3A_3952 : vector<1xf32> to vector<1x1x1xf32>
      %reduce_sum3A_3954 = vector.extract %reduce_sum3A_3953[0, 0, 0] : f32 from vector<1x1x1xf32>
      %broadcast_in_dim3A_3955 = vector.broadcast %reduce_sum3A_3954 : f32 to vector<1x1xf32>
      %mul3A_3956 = vector.broadcast %broadcast_in_dim3A_3955 : vector<1x1xf32> to vector<1x8xf32>
      %mul3A_3957 = arith.mulf %mul3A_3956, %convert_element_type3A_42 : vector<1x8xf32>
      %add3A_3958 = arith.addf %add3A_3946, %mul3A_3957 : vector<1x8xf32>
      %jit3A_3959 = arith.constant 0.000000e+00 : f32
      %broadcast_in_dim3A_3960 = vector.broadcast %jit3A_3959 : f32 to vector<8x1152xf32>
      %select_n3A_3961 = arith.select %eq3A_3824, %get3A_204, %broadcast_in_dim3A_3960 : vector<8x1152xi1>, vector<8x1152xf32>
      %reduce_sum3A_3962 = vector.shape_cast %select_n3A_3961 : vector<8x1152xf32> to vector<1x8x1152xf32>
      %reduce_sum3A_3963 = arith.constant dense<0.000000e+00> : vector<1xf32>
      %reduce_sum3A_3964 = vector.multi_reduction <add>, %reduce_sum3A_3962, %reduce_sum3A_3963 [1, 2] : vector<1x8x1152xf32> to vector<1xf32>
      %reduce_sum3A_3965 = vector.shape_cast %reduce_sum3A_3964 : vector<1xf32> to vector<1x1x1xf32>
      %reduce_sum3A_3966 = vector.extract %reduce_sum3A_3965[0, 0, 0] : f32 from vector<1x1x1xf32>
      %broadcast_in_dim3A_3967 = vector.broadcast %reduce_sum3A_3966 : f32 to vector<1x1xf32>
      %mul3A_3968 = vector.broadcast %broadcast_in_dim3A_3967 : vector<1x1xf32> to vector<1x8xf32>
      %mul3A_3969 = arith.mulf %mul3A_3968, %convert_element_type3A_48 : vector<1x8xf32>
      %add3A_3970 = arith.addf %add3A_3958, %mul3A_3969 : vector<1x8xf32>
      %swap3A_3971 = arith.constant 2 : index
      %swap3A_3972 = arith.index_cast %scan3A_3496 : i32 to index
      %swap3A_3973 = arith.constant 0 : index
      %swap3A_3974 = vector.load %arg1[%swap3A_3971, %swap3A_3972, %swap3A_3973] : memref<4x512x8xf32, #tpu.memory_space<vmem>>, vector<1x1x8xf32>
      %swap3A_3975 = vector.shape_cast %swap3A_3974 : vector<1x1x8xf32> to vector<1x8xf32>
      %swap3A_3976 = vector.shape_cast %add3A_3970 : vector<1x8xf32> to vector<1x1x8xf32>
      tpu.vector_store %arg1[%swap3A_3971, %swap3A_3972, %swap3A_3973], %swap3A_3976 {strides = array<i32>} : memref<4x512x8xf32, #tpu.memory_space<vmem>>, vector<1x1x8xf32>,
      %reduce_min3A_3977 = vector.shape_cast %select_n3A_3429 : vector<8x1152xi32> to vector<1x8x1152xi32>
      %reduce_min3A_3978 = arith.constant dense<2147483647> : vector<1xi32>
      %reduce_min3A_3979 = vector.multi_reduction <minsi>, %reduce_min3A_3977, %reduce_min3A_3978 [1, 2] : vector<1x8x1152xi32> to vector<1xi32>
      %reduce_min3A_3980 = vector.shape_cast %reduce_min3A_3979 : vector<1xi32> to vector<1x1x1xi32>
      %reduce_min3A_3981 = vector.extract %reduce_min3A_3980[0, 0, 0] : i32 from vector<1x1x1xi32>
      %broadcast_in_dim3A_3982 = vector.broadcast %reduce_min3A_3981 : i32 to vector<1x1xi32>
      %eq3A_3983 = vector.broadcast %broadcast_in_dim3A_3982 : vector<1x1xi32> to vector<8x1152xi32>
      %eq3A_3984 = arith.cmpi eq, %add3A, %eq3A_3983 : vector<8x1152xi32>
      %jit3A_3985 = arith.constant 0.000000e+00 : f32
      %broadcast_in_dim3A_3986 = vector.broadcast %jit3A_3985 : f32 to vector<8x1152xf32>
      %select_n3A_3987 = arith.select %eq3A_3984, %get3A_228, %broadcast_in_dim3A_3986 : vector<8x1152xi1>, vector<8x1152xf32>
      %reduce_sum3A_3988 = vector.shape_cast %select_n3A_3987 : vector<8x1152xf32> to vector<1x8x1152xf32>
      %reduce_sum3A_3989 = arith.constant dense<0.000000e+00> : vector<1xf32>
      %reduce_sum3A_3990 = vector.multi_reduction <add>, %reduce_sum3A_3988, %reduce_sum3A_3989 [1, 2] : vector<1x8x1152xf32> to vector<1xf32>
      %reduce_sum3A_3991 = vector.shape_cast %reduce_sum3A_3990 : vector<1xf32> to vector<1x1x1xf32>
      %reduce_sum3A_3992 = vector.extract %reduce_sum3A_3991[0, 0, 0] : f32 from vector<1x1x1xf32>
      %broadcast_in_dim3A_3993 = vector.broadcast %reduce_sum3A_3992 : f32 to vector<1x1xf32>
      %jit3A_3994 = arith.constant 0.000000e+00 : f32
      %broadcast_in_dim3A_3995 = vector.broadcast %jit3A_3994 : f32 to vector<8x1152xf32>
      %select_n3A_3996 = arith.select %eq3A_3984, %get3A_238, %broadcast_in_dim3A_3995 : vector<8x1152xi1>, vector<8x1152xf32>
      %reduce_sum3A_3997 = vector.shape_cast %select_n3A_3996 : vector<8x1152xf32> to vector<1x8x1152xf32>
      %reduce_sum3A_3998 = arith.constant dense<0.000000e+00> : vector<1xf32>
      %reduce_sum3A_3999 = vector.multi_reduction <add>, %reduce_sum3A_3997, %reduce_sum3A_3998 [1, 2] : vector<1x8x1152xf32> to vector<1xf32>
      %reduce_sum3A_4000 = vector.shape_cast %reduce_sum3A_3999 : vector<1xf32> to vector<1x1x1xf32>
      %reduce_sum3A_4001 = vector.extract %reduce_sum3A_4000[0, 0, 0] : f32 from vector<1x1x1xf32>
      %broadcast_in_dim3A_4002 = vector.broadcast %reduce_sum3A_4001 : f32 to vector<1x1xf32>
      %jit3A_4003 = arith.constant 0.000000e+00 : f32
      %broadcast_in_dim3A_4004 = vector.broadcast %jit3A_4003 : f32 to vector<8x1152xf32>
      %select_n3A_4005 = arith.select %eq3A_3984, %get3A_248, %broadcast_in_dim3A_4004 : vector<8x1152xi1>, vector<8x1152xf32>
      %reduce_sum3A_4006 = vector.shape_cast %select_n3A_4005 : vector<8x1152xf32> to vector<1x8x1152xf32>
      %reduce_sum3A_4007 = arith.constant dense<0.000000e+00> : vector<1xf32>
      %reduce_sum3A_4008 = vector.multi_reduction <add>, %reduce_sum3A_4006, %reduce_sum3A_4007 [1, 2] : vector<1x8x1152xf32> to vector<1xf32>
      %reduce_sum3A_4009 = vector.shape_cast %reduce_sum3A_4008 : vector<1xf32> to vector<1x1x1xf32>
      %reduce_sum3A_4010 = vector.extract %reduce_sum3A_4009[0, 0, 0] : f32 from vector<1x1x1xf32>
      %broadcast_in_dim3A_4011 = vector.broadcast %reduce_sum3A_4010 : f32 to vector<1x1xf32>
      %jit3A_4012 = arith.constant 0.000000e+00 : f32
      %broadcast_in_dim3A_4013 = vector.broadcast %jit3A_4012 : f32 to vector<8x1152xf32>
      %select_n3A_4014 = arith.select %eq3A_3984, %get3A_253, %broadcast_in_dim3A_4013 : vector<8x1152xi1>, vector<8x1152xf32>
      %reduce_sum3A_4015 = vector.shape_cast %select_n3A_4014 : vector<8x1152xf32> to vector<1x8x1152xf32>
      %reduce_sum3A_4016 = arith.constant dense<0.000000e+00> : vector<1xf32>
      %reduce_sum3A_4017 = vector.multi_reduction <add>, %reduce_sum3A_4015, %reduce_sum3A_4016 [1, 2] : vector<1x8x1152xf32> to vector<1xf32>
      %reduce_sum3A_4018 = vector.shape_cast %reduce_sum3A_4017 : vector<1xf32> to vector<1x1x1xf32>
      %reduce_sum3A_4019 = vector.extract %reduce_sum3A_4018[0, 0, 0] : f32 from vector<1x1x1xf32>
      %broadcast_in_dim3A_4020 = vector.broadcast %reduce_sum3A_4019 : f32 to vector<1x1xf32>
      %mul3A_4021 = arith.constant 5.000000e-01 : f32
      %mul3A_4022 = vector.broadcast %mul3A_4021 : f32 to vector<1x1xf32>
      %mul3A_4023 = arith.mulf %broadcast_in_dim3A_4020, %mul3A_4022 : vector<1x1xf32>
      %sub3A_4024 = arith.subf %broadcast_in_dim3A_3993, %mul3A_4023 : vector<1x1xf32>
      %mul3A_4025 = arith.constant 5.000000e-01 : f32
      %mul3A_4026 = vector.broadcast %mul3A_4025 : f32 to vector<1x1xf32>
      %mul3A_4027 = arith.mulf %broadcast_in_dim3A_4020, %mul3A_4026 : vector<1x1xf32>
      %add3A_4028 = arith.addf %broadcast_in_dim3A_3993, %mul3A_4027 : vector<1x1xf32>
      %mul3A_4029 = arith.constant 5.000000e-01 : f32
      %mul3A_4030 = vector.broadcast %mul3A_4029 : f32 to vector<1x1xf32>
      %mul3A_4031 = arith.mulf %broadcast_in_dim3A_4011, %mul3A_4030 : vector<1x1xf32>
      %sub3A_4032 = arith.subf %broadcast_in_dim3A_4002, %mul3A_4031 : vector<1x1xf32>
      %mul3A_4033 = arith.constant 5.000000e-01 : f32
      %mul3A_4034 = vector.broadcast %mul3A_4033 : f32 to vector<1x1xf32>
      %mul3A_4035 = arith.mulf %broadcast_in_dim3A_4011, %mul3A_4034 : vector<1x1xf32>
      %add3A_4036 = arith.addf %broadcast_in_dim3A_4002, %mul3A_4035 : vector<1x1xf32>
      %sub3A_4037 = arith.subf %add3A_4028, %sub3A_4024 : vector<1x1xf32>
      %sub3A_4038 = arith.subf %add3A_4036, %sub3A_4032 : vector<1x1xf32>
      %mul3A_4039 = arith.mulf %sub3A_4037, %sub3A_4038 : vector<1x1xf32>
      %min3A_4040 = vector.broadcast %add3A_4028 : vector<1x1xf32> to vector<8x1152xf32>
      %min3A_4041 = arith.minimumf %min3A_4040, %add3A_271 : vector<8x1152xf32>
      %max3A_4042 = vector.broadcast %sub3A_4024 : vector<1x1xf32> to vector<8x1152xf32>
      %max3A_4043 = arith.maximumf %max3A_4042, %sub3A_267 : vector<8x1152xf32>
      %sub3A_4044 = arith.subf %min3A_4041, %max3A_4043 : vector<8x1152xf32>
      %max3A_4045 = arith.constant 0.000000e+00 : f32
      %max3A_4046 = vector.broadcast %max3A_4045 : f32 to vector<8x1152xf32>
      %max3A_4047 = arith.maximumf %sub3A_4044, %max3A_4046 : vector<8x1152xf32>
      %min3A_4048 = vector.broadcast %add3A_4036 : vector<1x1xf32> to vector<8x1152xf32>
      %min3A_4049 = arith.minimumf %min3A_4048, %add3A_279 : vector<8x1152xf32>
      %max3A_4050 = vector.broadcast %sub3A_4032 : vector<1x1xf32> to vector<8x1152xf32>
      %max3A_4051 = arith.maximumf %max3A_4050, %sub3A_275 : vector<8x1152xf32>
      %sub3A_4052 = arith.subf %min3A_4049, %max3A_4051 : vector<8x1152xf32>
      %max3A_4053 = arith.constant 0.000000e+00 : f32
      %max3A_4054 = vector.broadcast %max3A_4053 : f32 to vector<8x1152xf32>
      %max3A_4055 = arith.maximumf %sub3A_4052, %max3A_4054 : vector<8x1152xf32>
      %mul3A_4056 = arith.mulf %max3A_4047, %max3A_4055 : vector<8x1152xf32>
      %add3A_4057 = vector.broadcast %mul3A_4039 : vector<1x1xf32> to vector<8x1152xf32>
      %add3A_4058 = arith.addf %add3A_4057, %mul3A_282 : vector<8x1152xf32>
      %sub3A_4059 = arith.subf %add3A_4058, %mul3A_4056 : vector<8x1152xf32>
      %max3A_4060 = arith.constant 9.99999997E-7 : f32
      %max3A_4061 = vector.broadcast %max3A_4060 : f32 to vector<8x1152xf32>
      %max3A_4062 = arith.maximumf %sub3A_4059, %max3A_4061 : vector<8x1152xf32>
      %div3A_4063 = arith.divf %mul3A_4056, %max3A_4062 : vector<8x1152xf32>
      %le3A_4064 = arith.constant 8.500000e-01 : f32
      %le3A_4065 = vector.broadcast %le3A_4064 : f32 to vector<8x1152xf32>
      %le3A_4066 = arith.cmpf ole, %div3A_4063, %le3A_4065 : vector<8x1152xf32>
      %ne3A_4067 = vector.broadcast %broadcast_in_dim3A_3982 : vector<1x1xi32> to vector<8x1152xi32>
      %ne3A_4068 = arith.cmpi ne, %add3A, %ne3A_4067 : vector<8x1152xi32>
      %and3A_4069 = arith.andi %le3A_4066, %ne3A_4068 : vector<8x1152xi1>
      %broadcast_in_dim3A_4070 = vector.broadcast %scan3A : i32 to vector<8x1152xi32>
      %select_n3A_4071 = arith.select %and3A_4069, %select_n3A_3429, %broadcast_in_dim3A_4070 : vector<8x1152xi1>, vector<8x1152xi32>
      %mul3A_4072 = vector.broadcast %broadcast_in_dim3A_3993 : vector<1x1xf32> to vector<1x8xf32>
      %mul3A_4073 = arith.mulf %mul3A_4072, %convert_element_type3A_6 : vector<1x8xf32>
      %jit3A_4074 = arith.constant 0.000000e+00 : f32
      %broadcast_in_dim3A_4075 = vector.broadcast %jit3A_4074 : f32 to vector<8x1152xf32>
      %select_n3A_4076 = arith.select %eq3A_3984, %get3A_233, %broadcast_in_dim3A_4075 : vector<8x1152xi1>, vector<8x1152xf32>
      %reduce_sum3A_4077 = vector.shape_cast %select_n3A_4076 : vector<8x1152xf32> to vector<1x8x1152xf32>
      %reduce_sum3A_4078 = arith.constant dense<0.000000e+00> : vector<1xf32>
      %reduce_sum3A_4079 = vector.multi_reduction <add>, %reduce_sum3A_4077, %reduce_sum3A_4078 [1, 2] : vector<1x8x1152xf32> to vector<1xf32>
      %reduce_sum3A_4080 = vector.shape_cast %reduce_sum3A_4079 : vector<1xf32> to vector<1x1x1xf32>
      %reduce_sum3A_4081 = vector.extract %reduce_sum3A_4080[0, 0, 0] : f32 from vector<1x1x1xf32>
      %broadcast_in_dim3A_4082 = vector.broadcast %reduce_sum3A_4081 : f32 to vector<1x1xf32>
      %mul3A_4083 = vector.broadcast %broadcast_in_dim3A_4082 : vector<1x1xf32> to vector<1x8xf32>
      %mul3A_4084 = arith.mulf %mul3A_4083, %convert_element_type3A_12 : vector<1x8xf32>
      %add3A_4085 = arith.addf %mul3A_4073, %mul3A_4084 : vector<1x8xf32>
      %mul3A_4086 = vector.broadcast %broadcast_in_dim3A_4002 : vector<1x1xf32> to vector<1x8xf32>
      %mul3A_4087 = arith.mulf %mul3A_4086, %convert_element_type3A_18 : vector<1x8xf32>
      %add3A_4088 = arith.addf %add3A_4085, %mul3A_4087 : vector<1x8xf32>
      %jit3A_4089 = arith.constant 0.000000e+00 : f32
      %broadcast_in_dim3A_4090 = vector.broadcast %jit3A_4089 : f32 to vector<8x1152xf32>
      %select_n3A_4091 = arith.select %eq3A_3984, %get3A_243, %broadcast_in_dim3A_4090 : vector<8x1152xi1>, vector<8x1152xf32>
      %reduce_sum3A_4092 = vector.shape_cast %select_n3A_4091 : vector<8x1152xf32> to vector<1x8x1152xf32>
      %reduce_sum3A_4093 = arith.constant dense<0.000000e+00> : vector<1xf32>
      %reduce_sum3A_4094 = vector.multi_reduction <add>, %reduce_sum3A_4092, %reduce_sum3A_4093 [1, 2] : vector<1x8x1152xf32> to vector<1xf32>
      %reduce_sum3A_4095 = vector.shape_cast %reduce_sum3A_4094 : vector<1xf32> to vector<1x1x1xf32>
      %reduce_sum3A_4096 = vector.extract %reduce_sum3A_4095[0, 0, 0] : f32 from vector<1x1x1xf32>
      %broadcast_in_dim3A_4097 = vector.broadcast %reduce_sum3A_4096 : f32 to vector<1x1xf32>
      %mul3A_4098 = vector.broadcast %broadcast_in_dim3A_4097 : vector<1x1xf32> to vector<1x8xf32>
      %mul3A_4099 = arith.mulf %mul3A_4098, %convert_element_type3A_24 : vector<1x8xf32>
      %add3A_4100 = arith.addf %add3A_4088, %mul3A_4099 : vector<1x8xf32>
      %mul3A_4101 = vector.broadcast %broadcast_in_dim3A_4011 : vector<1x1xf32> to vector<1x8xf32>
      %mul3A_4102 = arith.mulf %mul3A_4101, %convert_element_type3A_30 : vector<1x8xf32>
      %add3A_4103 = arith.addf %add3A_4100, %mul3A_4102 : vector<1x8xf32>
      %mul3A_4104 = vector.broadcast %broadcast_in_dim3A_4020 : vector<1x1xf32> to vector<1x8xf32>
      %mul3A_4105 = arith.mulf %mul3A_4104, %convert_element_type3A_36 : vector<1x8xf32>
      %add3A_4106 = arith.addf %add3A_4103, %mul3A_4105 : vector<1x8xf32>
      %jit3A_4107 = arith.constant 0.000000e+00 : f32
      %broadcast_in_dim3A_4108 = vector.broadcast %jit3A_4107 : f32 to vector<8x1152xf32>
      %select_n3A_4109 = arith.select %eq3A_3984, %get3A_258, %broadcast_in_dim3A_4108 : vector<8x1152xi1>, vector<8x1152xf32>
      %reduce_sum3A_4110 = vector.shape_cast %select_n3A_4109 : vector<8x1152xf32> to vector<1x8x1152xf32>
      %reduce_sum3A_4111 = arith.constant dense<0.000000e+00> : vector<1xf32>
      %reduce_sum3A_4112 = vector.multi_reduction <add>, %reduce_sum3A_4110, %reduce_sum3A_4111 [1, 2] : vector<1x8x1152xf32> to vector<1xf32>
      %reduce_sum3A_4113 = vector.shape_cast %reduce_sum3A_4112 : vector<1xf32> to vector<1x1x1xf32>
      %reduce_sum3A_4114 = vector.extract %reduce_sum3A_4113[0, 0, 0] : f32 from vector<1x1x1xf32>
      %broadcast_in_dim3A_4115 = vector.broadcast %reduce_sum3A_4114 : f32 to vector<1x1xf32>
      %mul3A_4116 = vector.broadcast %broadcast_in_dim3A_4115 : vector<1x1xf32> to vector<1x8xf32>
      %mul3A_4117 = arith.mulf %mul3A_4116, %convert_element_type3A_42 : vector<1x8xf32>
      %add3A_4118 = arith.addf %add3A_4106, %mul3A_4117 : vector<1x8xf32>
      %jit3A_4119 = arith.constant 0.000000e+00 : f32
      %broadcast_in_dim3A_4120 = vector.broadcast %jit3A_4119 : f32 to vector<8x1152xf32>
      %select_n3A_4121 = arith.select %eq3A_3984, %get3A_263, %broadcast_in_dim3A_4120 : vector<8x1152xi1>, vector<8x1152xf32>
      %reduce_sum3A_4122 = vector.shape_cast %select_n3A_4121 : vector<8x1152xf32> to vector<1x8x1152xf32>
      %reduce_sum3A_4123 = arith.constant dense<0.000000e+00> : vector<1xf32>
      %reduce_sum3A_4124 = vector.multi_reduction <add>, %reduce_sum3A_4122, %reduce_sum3A_4123 [1, 2] : vector<1x8x1152xf32> to vector<1xf32>
      %reduce_sum3A_4125 = vector.shape_cast %reduce_sum3A_4124 : vector<1xf32> to vector<1x1x1xf32>
      %reduce_sum3A_4126 = vector.extract %reduce_sum3A_4125[0, 0, 0] : f32 from vector<1x1x1xf32>
      %broadcast_in_dim3A_4127 = vector.broadcast %reduce_sum3A_4126 : f32 to vector<1x1xf32>
      %mul3A_4128 = vector.broadcast %broadcast_in_dim3A_4127 : vector<1x1xf32> to vector<1x8xf32>
      %mul3A_4129 = arith.mulf %mul3A_4128, %convert_element_type3A_48 : vector<1x8xf32>
      %add3A_4130 = arith.addf %add3A_4118, %mul3A_4129 : vector<1x8xf32>
      %swap3A_4131 = arith.constant 3 : index
      %swap3A_4132 = arith.index_cast %scan3A_3496 : i32 to index
      %swap3A_4133 = arith.constant 0 : index
      %swap3A_4134 = vector.load %arg1[%swap3A_4131, %swap3A_4132, %swap3A_4133] : memref<4x512x8xf32, #tpu.memory_space<vmem>>, vector<1x1x8xf32>
      %swap3A_4135 = vector.shape_cast %swap3A_4134 : vector<1x1x8xf32> to vector<1x8xf32>
      %swap3A_4136 = vector.shape_cast %add3A_4130 : vector<1x8xf32> to vector<1x1x8xf32>
      tpu.vector_store %arg1[%swap3A_4131, %swap3A_4132, %swap3A_4133], %swap3A_4136 {strides = array<i32>} : memref<4x512x8xf32, #tpu.memory_space<vmem>>, vector<1x1x8xf32>,
      %scan3A_4137 = arith.constant 6 : i32
      %scan3A_4138 = arith.addi %scan3A_291, %scan3A_4137 : i32
      %reduce_min3A_4139 = vector.shape_cast %select_n3A_3591 : vector<8x1152xi32> to vector<1x8x1152xi32>
      %reduce_min3A_4140 = arith.constant dense<2147483647> : vector<1xi32>
      %reduce_min3A_4141 = vector.multi_reduction <minsi>, %reduce_min3A_4139, %reduce_min3A_4140 [1, 2] : vector<1x8x1152xi32> to vector<1xi32>
      %reduce_min3A_4142 = vector.shape_cast %reduce_min3A_4141 : vector<1xi32> to vector<1x1x1xi32>
      %reduce_min3A_4143 = vector.extract %reduce_min3A_4142[0, 0, 0] : i32 from vector<1x1x1xi32>
      %broadcast_in_dim3A_4144 = vector.broadcast %reduce_min3A_4143 : i32 to vector<1x1xi32>
      %eq3A_4145 = vector.broadcast %broadcast_in_dim3A_4144 : vector<1x1xi32> to vector<8x1152xi32>
      %eq3A_4146 = arith.cmpi eq, %add3A, %eq3A_4145 : vector<8x1152xi32>
      %jit3A_4147 = arith.constant 0.000000e+00 : f32
      %broadcast_in_dim3A_4148 = vector.broadcast %jit3A_4147 : f32 to vector<8x1152xf32>
      %select_n3A_4149 = arith.select %eq3A_4146, %get3A_52, %broadcast_in_dim3A_4148 : vector<8x1152xi1>, vector<8x1152xf32>
      %reduce_sum3A_4150 = vector.shape_cast %select_n3A_4149 : vector<8x1152xf32> to vector<1x8x1152xf32>
      %reduce_sum3A_4151 = arith.constant dense<0.000000e+00> : vector<1xf32>
      %reduce_sum3A_4152 = vector.multi_reduction <add>, %reduce_sum3A_4150, %reduce_sum3A_4151 [1, 2] : vector<1x8x1152xf32> to vector<1xf32>
      %reduce_sum3A_4153 = vector.shape_cast %reduce_sum3A_4152 : vector<1xf32> to vector<1x1x1xf32>
      %reduce_sum3A_4154 = vector.extract %reduce_sum3A_4153[0, 0, 0] : f32 from vector<1x1x1xf32>
      %broadcast_in_dim3A_4155 = vector.broadcast %reduce_sum3A_4154 : f32 to vector<1x1xf32>
      %jit3A_4156 = arith.constant 0.000000e+00 : f32
      %broadcast_in_dim3A_4157 = vector.broadcast %jit3A_4156 : f32 to vector<8x1152xf32>
      %select_n3A_4158 = arith.select %eq3A_4146, %get3A_62, %broadcast_in_dim3A_4157 : vector<8x1152xi1>, vector<8x1152xf32>
      %reduce_sum3A_4159 = vector.shape_cast %select_n3A_4158 : vector<8x1152xf32> to vector<1x8x1152xf32>
      %reduce_sum3A_4160 = arith.constant dense<0.000000e+00> : vector<1xf32>
      %reduce_sum3A_4161 = vector.multi_reduction <add>, %reduce_sum3A_4159, %reduce_sum3A_4160 [1, 2] : vector<1x8x1152xf32> to vector<1xf32>
      %reduce_sum3A_4162 = vector.shape_cast %reduce_sum3A_4161 : vector<1xf32> to vector<1x1x1xf32>
      %reduce_sum3A_4163 = vector.extract %reduce_sum3A_4162[0, 0, 0] : f32 from vector<1x1x1xf32>
      %broadcast_in_dim3A_4164 = vector.broadcast %reduce_sum3A_4163 : f32 to vector<1x1xf32>
      %jit3A_4165 = arith.constant 0.000000e+00 : f32
      %broadcast_in_dim3A_4166 = vector.broadcast %jit3A_4165 : f32 to vector<8x1152xf32>
      %select_n3A_4167 = arith.select %eq3A_4146, %get3A_72, %broadcast_in_dim3A_4166 : vector<8x1152xi1>, vector<8x1152xf32>
      %reduce_sum3A_4168 = vector.shape_cast %select_n3A_4167 : vector<8x1152xf32> to vector<1x8x1152xf32>
      %reduce_sum3A_4169 = arith.constant dense<0.000000e+00> : vector<1xf32>
      %reduce_sum3A_4170 = vector.multi_reduction <add>, %reduce_sum3A_4168, %reduce_sum3A_4169 [1, 2] : vector<1x8x1152xf32> to vector<1xf32>
      %reduce_sum3A_4171 = vector.shape_cast %reduce_sum3A_4170 : vector<1xf32> to vector<1x1x1xf32>
      %reduce_sum3A_4172 = vector.extract %reduce_sum3A_4171[0, 0, 0] : f32 from vector<1x1x1xf32>
      %broadcast_in_dim3A_4173 = vector.broadcast %reduce_sum3A_4172 : f32 to vector<1x1xf32>
      %jit3A_4174 = arith.constant 0.000000e+00 : f32
      %broadcast_in_dim3A_4175 = vector.broadcast %jit3A_4174 : f32 to vector<8x1152xf32>
      %select_n3A_4176 = arith.select %eq3A_4146, %get3A_77, %broadcast_in_dim3A_4175 : vector<8x1152xi1>, vector<8x1152xf32>
      %reduce_sum3A_4177 = vector.shape_cast %select_n3A_4176 : vector<8x1152xf32> to vector<1x8x1152xf32>
      %reduce_sum3A_4178 = arith.constant dense<0.000000e+00> : vector<1xf32>
      %reduce_sum3A_4179 = vector.multi_reduction <add>, %reduce_sum3A_4177, %reduce_sum3A_4178 [1, 2] : vector<1x8x1152xf32> to vector<1xf32>
      %reduce_sum3A_4180 = vector.shape_cast %reduce_sum3A_4179 : vector<1xf32> to vector<1x1x1xf32>
      %reduce_sum3A_4181 = vector.extract %reduce_sum3A_4180[0, 0, 0] : f32 from vector<1x1x1xf32>
      %broadcast_in_dim3A_4182 = vector.broadcast %reduce_sum3A_4181 : f32 to vector<1x1xf32>
      %mul3A_4183 = arith.constant 5.000000e-01 : f32
      %mul3A_4184 = vector.broadcast %mul3A_4183 : f32 to vector<1x1xf32>
      %mul3A_4185 = arith.mulf %broadcast_in_dim3A_4182, %mul3A_4184 : vector<1x1xf32>
      %sub3A_4186 = arith.subf %broadcast_in_dim3A_4155, %mul3A_4185 : vector<1x1xf32>
      %mul3A_4187 = arith.constant 5.000000e-01 : f32
      %mul3A_4188 = vector.broadcast %mul3A_4187 : f32 to vector<1x1xf32>
      %mul3A_4189 = arith.mulf %broadcast_in_dim3A_4182, %mul3A_4188 : vector<1x1xf32>
      %add3A_4190 = arith.addf %broadcast_in_dim3A_4155, %mul3A_4189 : vector<1x1xf32>
      %mul3A_4191 = arith.constant 5.000000e-01 : f32
      %mul3A_4192 = vector.broadcast %mul3A_4191 : f32 to vector<1x1xf32>
      %mul3A_4193 = arith.mulf %broadcast_in_dim3A_4173, %mul3A_4192 : vector<1x1xf32>
      %sub3A_4194 = arith.subf %broadcast_in_dim3A_4164, %mul3A_4193 : vector<1x1xf32>
      %mul3A_4195 = arith.constant 5.000000e-01 : f32
      %mul3A_4196 = vector.broadcast %mul3A_4195 : f32 to vector<1x1xf32>
      %mul3A_4197 = arith.mulf %broadcast_in_dim3A_4173, %mul3A_4196 : vector<1x1xf32>
      %add3A_4198 = arith.addf %broadcast_in_dim3A_4164, %mul3A_4197 : vector<1x1xf32>
      %sub3A_4199 = arith.subf %add3A_4190, %sub3A_4186 : vector<1x1xf32>
      %sub3A_4200 = arith.subf %add3A_4198, %sub3A_4194 : vector<1x1xf32>
      %mul3A_4201 = arith.mulf %sub3A_4199, %sub3A_4200 : vector<1x1xf32>
      %min3A_4202 = vector.broadcast %add3A_4190 : vector<1x1xf32> to vector<8x1152xf32>
      %min3A_4203 = arith.minimumf %min3A_4202, %add3A_94 : vector<8x1152xf32>
      %max3A_4204 = vector.broadcast %sub3A_4186 : vector<1x1xf32> to vector<8x1152xf32>
      %max3A_4205 = arith.maximumf %max3A_4204, %sub3A : vector<8x1152xf32>
      %sub3A_4206 = arith.subf %min3A_4203, %max3A_4205 : vector<8x1152xf32>
      %max3A_4207 = arith.constant 0.000000e+00 : f32
      %max3A_4208 = vector.broadcast %max3A_4207 : f32 to vector<8x1152xf32>
      %max3A_4209 = arith.maximumf %sub3A_4206, %max3A_4208 : vector<8x1152xf32>
      %min3A_4210 = vector.broadcast %add3A_4198 : vector<1x1xf32> to vector<8x1152xf32>
      %min3A_4211 = arith.minimumf %min3A_4210, %add3A_102 : vector<8x1152xf32>
      %max3A_4212 = vector.broadcast %sub3A_4194 : vector<1x1xf32> to vector<8x1152xf32>
      %max3A_4213 = arith.maximumf %max3A_4212, %sub3A_98 : vector<8x1152xf32>
      %sub3A_4214 = arith.subf %min3A_4211, %max3A_4213 : vector<8x1152xf32>
      %max3A_4215 = arith.constant 0.000000e+00 : f32
      %max3A_4216 = vector.broadcast %max3A_4215 : f32 to vector<8x1152xf32>
      %max3A_4217 = arith.maximumf %sub3A_4214, %max3A_4216 : vector<8x1152xf32>
      %mul3A_4218 = arith.mulf %max3A_4209, %max3A_4217 : vector<8x1152xf32>
      %add3A_4219 = vector.broadcast %mul3A_4201 : vector<1x1xf32> to vector<8x1152xf32>
      %add3A_4220 = arith.addf %add3A_4219, %mul3A_105 : vector<8x1152xf32>
      %sub3A_4221 = arith.subf %add3A_4220, %mul3A_4218 : vector<8x1152xf32>
      %max3A_4222 = arith.constant 9.99999997E-7 : f32
      %max3A_4223 = vector.broadcast %max3A_4222 : f32 to vector<8x1152xf32>
      %max3A_4224 = arith.maximumf %sub3A_4221, %max3A_4223 : vector<8x1152xf32>
      %div3A_4225 = arith.divf %mul3A_4218, %max3A_4224 : vector<8x1152xf32>
      %le3A_4226 = arith.constant 8.500000e-01 : f32
      %le3A_4227 = vector.broadcast %le3A_4226 : f32 to vector<8x1152xf32>
      %le3A_4228 = arith.cmpf ole, %div3A_4225, %le3A_4227 : vector<8x1152xf32>
      %ne3A_4229 = vector.broadcast %broadcast_in_dim3A_4144 : vector<1x1xi32> to vector<8x1152xi32>
      %ne3A_4230 = arith.cmpi ne, %add3A, %ne3A_4229 : vector<8x1152xi32>
      %and3A_4231 = arith.andi %le3A_4228, %ne3A_4230 : vector<8x1152xi1>
      %broadcast_in_dim3A_4232 = vector.broadcast %scan3A : i32 to vector<8x1152xi32>
      %select_n3A_4233 = arith.select %and3A_4231, %select_n3A_3591, %broadcast_in_dim3A_4232 : vector<8x1152xi1>, vector<8x1152xi32>
      %mul3A_4234 = vector.broadcast %broadcast_in_dim3A_4155 : vector<1x1xf32> to vector<1x8xf32>
      %mul3A_4235 = arith.mulf %mul3A_4234, %convert_element_type3A_6 : vector<1x8xf32>
      %jit3A_4236 = arith.constant 0.000000e+00 : f32
      %broadcast_in_dim3A_4237 = vector.broadcast %jit3A_4236 : f32 to vector<8x1152xf32>
      %select_n3A_4238 = arith.select %eq3A_4146, %get3A_57, %broadcast_in_dim3A_4237 : vector<8x1152xi1>, vector<8x1152xf32>
      %reduce_sum3A_4239 = vector.shape_cast %select_n3A_4238 : vector<8x1152xf32> to vector<1x8x1152xf32>
      %reduce_sum3A_4240 = arith.constant dense<0.000000e+00> : vector<1xf32>
      %reduce_sum3A_4241 = vector.multi_reduction <add>, %reduce_sum3A_4239, %reduce_sum3A_4240 [1, 2] : vector<1x8x1152xf32> to vector<1xf32>
      %reduce_sum3A_4242 = vector.shape_cast %reduce_sum3A_4241 : vector<1xf32> to vector<1x1x1xf32>
      %reduce_sum3A_4243 = vector.extract %reduce_sum3A_4242[0, 0, 0] : f32 from vector<1x1x1xf32>
      %broadcast_in_dim3A_4244 = vector.broadcast %reduce_sum3A_4243 : f32 to vector<1x1xf32>
      %mul3A_4245 = vector.broadcast %broadcast_in_dim3A_4244 : vector<1x1xf32> to vector<1x8xf32>
      %mul3A_4246 = arith.mulf %mul3A_4245, %convert_element_type3A_12 : vector<1x8xf32>
      %add3A_4247 = arith.addf %mul3A_4235, %mul3A_4246 : vector<1x8xf32>
      %mul3A_4248 = vector.broadcast %broadcast_in_dim3A_4164 : vector<1x1xf32> to vector<1x8xf32>
      %mul3A_4249 = arith.mulf %mul3A_4248, %convert_element_type3A_18 : vector<1x8xf32>
      %add3A_4250 = arith.addf %add3A_4247, %mul3A_4249 : vector<1x8xf32>
      %jit3A_4251 = arith.constant 0.000000e+00 : f32
      %broadcast_in_dim3A_4252 = vector.broadcast %jit3A_4251 : f32 to vector<8x1152xf32>
      %select_n3A_4253 = arith.select %eq3A_4146, %get3A_67, %broadcast_in_dim3A_4252 : vector<8x1152xi1>, vector<8x1152xf32>
      %reduce_sum3A_4254 = vector.shape_cast %select_n3A_4253 : vector<8x1152xf32> to vector<1x8x1152xf32>
      %reduce_sum3A_4255 = arith.constant dense<0.000000e+00> : vector<1xf32>
      %reduce_sum3A_4256 = vector.multi_reduction <add>, %reduce_sum3A_4254, %reduce_sum3A_4255 [1, 2] : vector<1x8x1152xf32> to vector<1xf32>
      %reduce_sum3A_4257 = vector.shape_cast %reduce_sum3A_4256 : vector<1xf32> to vector<1x1x1xf32>
      %reduce_sum3A_4258 = vector.extract %reduce_sum3A_4257[0, 0, 0] : f32 from vector<1x1x1xf32>
      %broadcast_in_dim3A_4259 = vector.broadcast %reduce_sum3A_4258 : f32 to vector<1x1xf32>
      %mul3A_4260 = vector.broadcast %broadcast_in_dim3A_4259 : vector<1x1xf32> to vector<1x8xf32>
      %mul3A_4261 = arith.mulf %mul3A_4260, %convert_element_type3A_24 : vector<1x8xf32>
      %add3A_4262 = arith.addf %add3A_4250, %mul3A_4261 : vector<1x8xf32>
      %mul3A_4263 = vector.broadcast %broadcast_in_dim3A_4173 : vector<1x1xf32> to vector<1x8xf32>
      %mul3A_4264 = arith.mulf %mul3A_4263, %convert_element_type3A_30 : vector<1x8xf32>
      %add3A_4265 = arith.addf %add3A_4262, %mul3A_4264 : vector<1x8xf32>
      %mul3A_4266 = vector.broadcast %broadcast_in_dim3A_4182 : vector<1x1xf32> to vector<1x8xf32>
      %mul3A_4267 = arith.mulf %mul3A_4266, %convert_element_type3A_36 : vector<1x8xf32>
      %add3A_4268 = arith.addf %add3A_4265, %mul3A_4267 : vector<1x8xf32>
      %jit3A_4269 = arith.constant 0.000000e+00 : f32
      %broadcast_in_dim3A_4270 = vector.broadcast %jit3A_4269 : f32 to vector<8x1152xf32>
      %select_n3A_4271 = arith.select %eq3A_4146, %get3A_82, %broadcast_in_dim3A_4270 : vector<8x1152xi1>, vector<8x1152xf32>
      %reduce_sum3A_4272 = vector.shape_cast %select_n3A_4271 : vector<8x1152xf32> to vector<1x8x1152xf32>
      %reduce_sum3A_4273 = arith.constant dense<0.000000e+00> : vector<1xf32>
      %reduce_sum3A_4274 = vector.multi_reduction <add>, %reduce_sum3A_4272, %reduce_sum3A_4273 [1, 2] : vector<1x8x1152xf32> to vector<1xf32>
      %reduce_sum3A_4275 = vector.shape_cast %reduce_sum3A_4274 : vector<1xf32> to vector<1x1x1xf32>
      %reduce_sum3A_4276 = vector.extract %reduce_sum3A_4275[0, 0, 0] : f32 from vector<1x1x1xf32>
      %broadcast_in_dim3A_4277 = vector.broadcast %reduce_sum3A_4276 : f32 to vector<1x1xf32>
      %mul3A_4278 = vector.broadcast %broadcast_in_dim3A_4277 : vector<1x1xf32> to vector<1x8xf32>
      %mul3A_4279 = arith.mulf %mul3A_4278, %convert_element_type3A_42 : vector<1x8xf32>
      %add3A_4280 = arith.addf %add3A_4268, %mul3A_4279 : vector<1x8xf32>
      %jit3A_4281 = arith.constant 0.000000e+00 : f32
      %broadcast_in_dim3A_4282 = vector.broadcast %jit3A_4281 : f32 to vector<8x1152xf32>
      %select_n3A_4283 = arith.select %eq3A_4146, %get3A_87, %broadcast_in_dim3A_4282 : vector<8x1152xi1>, vector<8x1152xf32>
      %reduce_sum3A_4284 = vector.shape_cast %select_n3A_4283 : vector<8x1152xf32> to vector<1x8x1152xf32>
      %reduce_sum3A_4285 = arith.constant dense<0.000000e+00> : vector<1xf32>
      %reduce_sum3A_4286 = vector.multi_reduction <add>, %reduce_sum3A_4284, %reduce_sum3A_4285 [1, 2] : vector<1x8x1152xf32> to vector<1xf32>
      %reduce_sum3A_4287 = vector.shape_cast %reduce_sum3A_4286 : vector<1xf32> to vector<1x1x1xf32>
      %reduce_sum3A_4288 = vector.extract %reduce_sum3A_4287[0, 0, 0] : f32 from vector<1x1x1xf32>
      %broadcast_in_dim3A_4289 = vector.broadcast %reduce_sum3A_4288 : f32 to vector<1x1xf32>
      %mul3A_4290 = vector.broadcast %broadcast_in_dim3A_4289 : vector<1x1xf32> to vector<1x8xf32>
      %mul3A_4291 = arith.mulf %mul3A_4290, %convert_element_type3A_48 : vector<1x8xf32>
      %add3A_4292 = arith.addf %add3A_4280, %mul3A_4291 : vector<1x8xf32>
      %swap3A_4293 = arith.constant 0 : index
      %swap3A_4294 = arith.index_cast %scan3A_4138 : i32 to index
      %swap3A_4295 = arith.constant 0 : index
      %swap3A_4296 = vector.load %arg1[%swap3A_4293, %swap3A_4294, %swap3A_4295] : memref<4x512x8xf32, #tpu.memory_space<vmem>>, vector<1x1x8xf32>
      %swap3A_4297 = vector.shape_cast %swap3A_4296 : vector<1x1x8xf32> to vector<1x8xf32>
      %swap3A_4298 = vector.shape_cast %add3A_4292 : vector<1x8xf32> to vector<1x1x8xf32>
      tpu.vector_store %arg1[%swap3A_4293, %swap3A_4294, %swap3A_4295], %swap3A_4298 {strides = array<i32>} : memref<4x512x8xf32, #tpu.memory_space<vmem>>, vector<1x1x8xf32>,
      %reduce_min3A_4299 = vector.shape_cast %select_n3A_3751 : vector<8x1152xi32> to vector<1x8x1152xi32>
      %reduce_min3A_4300 = arith.constant dense<2147483647> : vector<1xi32>
      %reduce_min3A_4301 = vector.multi_reduction <minsi>, %reduce_min3A_4299, %reduce_min3A_4300 [1, 2] : vector<1x8x1152xi32> to vector<1xi32>
      %reduce_min3A_4302 = vector.shape_cast %reduce_min3A_4301 : vector<1xi32> to vector<1x1x1xi32>
      %reduce_min3A_4303 = vector.extract %reduce_min3A_4302[0, 0, 0] : i32 from vector<1x1x1xi32>
      %broadcast_in_dim3A_4304 = vector.broadcast %reduce_min3A_4303 : i32 to vector<1x1xi32>
      %eq3A_4305 = vector.broadcast %broadcast_in_dim3A_4304 : vector<1x1xi32> to vector<8x1152xi32>
      %eq3A_4306 = arith.cmpi eq, %add3A, %eq3A_4305 : vector<8x1152xi32>
      %jit3A_4307 = arith.constant 0.000000e+00 : f32
      %broadcast_in_dim3A_4308 = vector.broadcast %jit3A_4307 : f32 to vector<8x1152xf32>
      %select_n3A_4309 = arith.select %eq3A_4306, %get3A_110, %broadcast_in_dim3A_4308 : vector<8x1152xi1>, vector<8x1152xf32>
      %reduce_sum3A_4310 = vector.shape_cast %select_n3A_4309 : vector<8x1152xf32> to vector<1x8x1152xf32>
      %reduce_sum3A_4311 = arith.constant dense<0.000000e+00> : vector<1xf32>
      %reduce_sum3A_4312 = vector.multi_reduction <add>, %reduce_sum3A_4310, %reduce_sum3A_4311 [1, 2] : vector<1x8x1152xf32> to vector<1xf32>
      %reduce_sum3A_4313 = vector.shape_cast %reduce_sum3A_4312 : vector<1xf32> to vector<1x1x1xf32>
      %reduce_sum3A_4314 = vector.extract %reduce_sum3A_4313[0, 0, 0] : f32 from vector<1x1x1xf32>
      %broadcast_in_dim3A_4315 = vector.broadcast %reduce_sum3A_4314 : f32 to vector<1x1xf32>
      %jit3A_4316 = arith.constant 0.000000e+00 : f32
      %broadcast_in_dim3A_4317 = vector.broadcast %jit3A_4316 : f32 to vector<8x1152xf32>
      %select_n3A_4318 = arith.select %eq3A_4306, %get3A_120, %broadcast_in_dim3A_4317 : vector<8x1152xi1>, vector<8x1152xf32>
      %reduce_sum3A_4319 = vector.shape_cast %select_n3A_4318 : vector<8x1152xf32> to vector<1x8x1152xf32>
      %reduce_sum3A_4320 = arith.constant dense<0.000000e+00> : vector<1xf32>
      %reduce_sum3A_4321 = vector.multi_reduction <add>, %reduce_sum3A_4319, %reduce_sum3A_4320 [1, 2] : vector<1x8x1152xf32> to vector<1xf32>
      %reduce_sum3A_4322 = vector.shape_cast %reduce_sum3A_4321 : vector<1xf32> to vector<1x1x1xf32>
      %reduce_sum3A_4323 = vector.extract %reduce_sum3A_4322[0, 0, 0] : f32 from vector<1x1x1xf32>
      %broadcast_in_dim3A_4324 = vector.broadcast %reduce_sum3A_4323 : f32 to vector<1x1xf32>
      %jit3A_4325 = arith.constant 0.000000e+00 : f32
      %broadcast_in_dim3A_4326 = vector.broadcast %jit3A_4325 : f32 to vector<8x1152xf32>
      %select_n3A_4327 = arith.select %eq3A_4306, %get3A_130, %broadcast_in_dim3A_4326 : vector<8x1152xi1>, vector<8x1152xf32>
      %reduce_sum3A_4328 = vector.shape_cast %select_n3A_4327 : vector<8x1152xf32> to vector<1x8x1152xf32>
      %reduce_sum3A_4329 = arith.constant dense<0.000000e+00> : vector<1xf32>
      %reduce_sum3A_4330 = vector.multi_reduction <add>, %reduce_sum3A_4328, %reduce_sum3A_4329 [1, 2] : vector<1x8x1152xf32> to vector<1xf32>
      %reduce_sum3A_4331 = vector.shape_cast %reduce_sum3A_4330 : vector<1xf32> to vector<1x1x1xf32>
      %reduce_sum3A_4332 = vector.extract %reduce_sum3A_4331[0, 0, 0] : f32 from vector<1x1x1xf32>
      %broadcast_in_dim3A_4333 = vector.broadcast %reduce_sum3A_4332 : f32 to vector<1x1xf32>
      %jit3A_4334 = arith.constant 0.000000e+00 : f32
      %broadcast_in_dim3A_4335 = vector.broadcast %jit3A_4334 : f32 to vector<8x1152xf32>
      %select_n3A_4336 = arith.select %eq3A_4306, %get3A_135, %broadcast_in_dim3A_4335 : vector<8x1152xi1>, vector<8x1152xf32>
      %reduce_sum3A_4337 = vector.shape_cast %select_n3A_4336 : vector<8x1152xf32> to vector<1x8x1152xf32>
      %reduce_sum3A_4338 = arith.constant dense<0.000000e+00> : vector<1xf32>
      %reduce_sum3A_4339 = vector.multi_reduction <add>, %reduce_sum3A_4337, %reduce_sum3A_4338 [1, 2] : vector<1x8x1152xf32> to vector<1xf32>
      %reduce_sum3A_4340 = vector.shape_cast %reduce_sum3A_4339 : vector<1xf32> to vector<1x1x1xf32>
      %reduce_sum3A_4341 = vector.extract %reduce_sum3A_4340[0, 0, 0] : f32 from vector<1x1x1xf32>
      %broadcast_in_dim3A_4342 = vector.broadcast %reduce_sum3A_4341 : f32 to vector<1x1xf32>
      %mul3A_4343 = arith.constant 5.000000e-01 : f32
      %mul3A_4344 = vector.broadcast %mul3A_4343 : f32 to vector<1x1xf32>
      %mul3A_4345 = arith.mulf %broadcast_in_dim3A_4342, %mul3A_4344 : vector<1x1xf32>
      %sub3A_4346 = arith.subf %broadcast_in_dim3A_4315, %mul3A_4345 : vector<1x1xf32>
      %mul3A_4347 = arith.constant 5.000000e-01 : f32
      %mul3A_4348 = vector.broadcast %mul3A_4347 : f32 to vector<1x1xf32>
      %mul3A_4349 = arith.mulf %broadcast_in_dim3A_4342, %mul3A_4348 : vector<1x1xf32>
      %add3A_4350 = arith.addf %broadcast_in_dim3A_4315, %mul3A_4349 : vector<1x1xf32>
      %mul3A_4351 = arith.constant 5.000000e-01 : f32
      %mul3A_4352 = vector.broadcast %mul3A_4351 : f32 to vector<1x1xf32>
      %mul3A_4353 = arith.mulf %broadcast_in_dim3A_4333, %mul3A_4352 : vector<1x1xf32>
      %sub3A_4354 = arith.subf %broadcast_in_dim3A_4324, %mul3A_4353 : vector<1x1xf32>
      %mul3A_4355 = arith.constant 5.000000e-01 : f32
      %mul3A_4356 = vector.broadcast %mul3A_4355 : f32 to vector<1x1xf32>
      %mul3A_4357 = arith.mulf %broadcast_in_dim3A_4333, %mul3A_4356 : vector<1x1xf32>
      %add3A_4358 = arith.addf %broadcast_in_dim3A_4324, %mul3A_4357 : vector<1x1xf32>
      %sub3A_4359 = arith.subf %add3A_4350, %sub3A_4346 : vector<1x1xf32>
      %sub3A_4360 = arith.subf %add3A_4358, %sub3A_4354 : vector<1x1xf32>
      %mul3A_4361 = arith.mulf %sub3A_4359, %sub3A_4360 : vector<1x1xf32>
      %min3A_4362 = vector.broadcast %add3A_4350 : vector<1x1xf32> to vector<8x1152xf32>
      %min3A_4363 = arith.minimumf %min3A_4362, %add3A_153 : vector<8x1152xf32>
      %max3A_4364 = vector.broadcast %sub3A_4346 : vector<1x1xf32> to vector<8x1152xf32>
      %max3A_4365 = arith.maximumf %max3A_4364, %sub3A_149 : vector<8x1152xf32>
      %sub3A_4366 = arith.subf %min3A_4363, %max3A_4365 : vector<8x1152xf32>
      %max3A_4367 = arith.constant 0.000000e+00 : f32
      %max3A_4368 = vector.broadcast %max3A_4367 : f32 to vector<8x1152xf32>
      %max3A_4369 = arith.maximumf %sub3A_4366, %max3A_4368 : vector<8x1152xf32>
      %min3A_4370 = vector.broadcast %add3A_4358 : vector<1x1xf32> to vector<8x1152xf32>
      %min3A_4371 = arith.minimumf %min3A_4370, %add3A_161 : vector<8x1152xf32>
      %max3A_4372 = vector.broadcast %sub3A_4354 : vector<1x1xf32> to vector<8x1152xf32>
      %max3A_4373 = arith.maximumf %max3A_4372, %sub3A_157 : vector<8x1152xf32>
      %sub3A_4374 = arith.subf %min3A_4371, %max3A_4373 : vector<8x1152xf32>
      %max3A_4375 = arith.constant 0.000000e+00 : f32
      %max3A_4376 = vector.broadcast %max3A_4375 : f32 to vector<8x1152xf32>
      %max3A_4377 = arith.maximumf %sub3A_4374, %max3A_4376 : vector<8x1152xf32>
      %mul3A_4378 = arith.mulf %max3A_4369, %max3A_4377 : vector<8x1152xf32>
      %add3A_4379 = vector.broadcast %mul3A_4361 : vector<1x1xf32> to vector<8x1152xf32>
      %add3A_4380 = arith.addf %add3A_4379, %mul3A_164 : vector<8x1152xf32>
      %sub3A_4381 = arith.subf %add3A_4380, %mul3A_4378 : vector<8x1152xf32>
      %max3A_4382 = arith.constant 9.99999997E-7 : f32
      %max3A_4383 = vector.broadcast %max3A_4382 : f32 to vector<8x1152xf32>
      %max3A_4384 = arith.maximumf %sub3A_4381, %max3A_4383 : vector<8x1152xf32>
      %div3A_4385 = arith.divf %mul3A_4378, %max3A_4384 : vector<8x1152xf32>
      %le3A_4386 = arith.constant 8.500000e-01 : f32
      %le3A_4387 = vector.broadcast %le3A_4386 : f32 to vector<8x1152xf32>
      %le3A_4388 = arith.cmpf ole, %div3A_4385, %le3A_4387 : vector<8x1152xf32>
      %ne3A_4389 = vector.broadcast %broadcast_in_dim3A_4304 : vector<1x1xi32> to vector<8x1152xi32>
      %ne3A_4390 = arith.cmpi ne, %add3A, %ne3A_4389 : vector<8x1152xi32>
      %and3A_4391 = arith.andi %le3A_4388, %ne3A_4390 : vector<8x1152xi1>
      %broadcast_in_dim3A_4392 = vector.broadcast %scan3A : i32 to vector<8x1152xi32>
      %select_n3A_4393 = arith.select %and3A_4391, %select_n3A_3751, %broadcast_in_dim3A_4392 : vector<8x1152xi1>, vector<8x1152xi32>
      %mul3A_4394 = vector.broadcast %broadcast_in_dim3A_4315 : vector<1x1xf32> to vector<1x8xf32>
      %mul3A_4395 = arith.mulf %mul3A_4394, %convert_element_type3A_6 : vector<1x8xf32>
      %jit3A_4396 = arith.constant 0.000000e+00 : f32
      %broadcast_in_dim3A_4397 = vector.broadcast %jit3A_4396 : f32 to vector<8x1152xf32>
      %select_n3A_4398 = arith.select %eq3A_4306, %get3A_115, %broadcast_in_dim3A_4397 : vector<8x1152xi1>, vector<8x1152xf32>
      %reduce_sum3A_4399 = vector.shape_cast %select_n3A_4398 : vector<8x1152xf32> to vector<1x8x1152xf32>
      %reduce_sum3A_4400 = arith.constant dense<0.000000e+00> : vector<1xf32>
      %reduce_sum3A_4401 = vector.multi_reduction <add>, %reduce_sum3A_4399, %reduce_sum3A_4400 [1, 2] : vector<1x8x1152xf32> to vector<1xf32>
      %reduce_sum3A_4402 = vector.shape_cast %reduce_sum3A_4401 : vector<1xf32> to vector<1x1x1xf32>
      %reduce_sum3A_4403 = vector.extract %reduce_sum3A_4402[0, 0, 0] : f32 from vector<1x1x1xf32>
      %broadcast_in_dim3A_4404 = vector.broadcast %reduce_sum3A_4403 : f32 to vector<1x1xf32>
      %mul3A_4405 = vector.broadcast %broadcast_in_dim3A_4404 : vector<1x1xf32> to vector<1x8xf32>
      %mul3A_4406 = arith.mulf %mul3A_4405, %convert_element_type3A_12 : vector<1x8xf32>
      %add3A_4407 = arith.addf %mul3A_4395, %mul3A_4406 : vector<1x8xf32>
      %mul3A_4408 = vector.broadcast %broadcast_in_dim3A_4324 : vector<1x1xf32> to vector<1x8xf32>
      %mul3A_4409 = arith.mulf %mul3A_4408, %convert_element_type3A_18 : vector<1x8xf32>
      %add3A_4410 = arith.addf %add3A_4407, %mul3A_4409 : vector<1x8xf32>
      %jit3A_4411 = arith.constant 0.000000e+00 : f32
      %broadcast_in_dim3A_4412 = vector.broadcast %jit3A_4411 : f32 to vector<8x1152xf32>
      %select_n3A_4413 = arith.select %eq3A_4306, %get3A_125, %broadcast_in_dim3A_4412 : vector<8x1152xi1>, vector<8x1152xf32>
      %reduce_sum3A_4414 = vector.shape_cast %select_n3A_4413 : vector<8x1152xf32> to vector<1x8x1152xf32>
      %reduce_sum3A_4415 = arith.constant dense<0.000000e+00> : vector<1xf32>
      %reduce_sum3A_4416 = vector.multi_reduction <add>, %reduce_sum3A_4414, %reduce_sum3A_4415 [1, 2] : vector<1x8x1152xf32> to vector<1xf32>
      %reduce_sum3A_4417 = vector.shape_cast %reduce_sum3A_4416 : vector<1xf32> to vector<1x1x1xf32>
      %reduce_sum3A_4418 = vector.extract %reduce_sum3A_4417[0, 0, 0] : f32 from vector<1x1x1xf32>
      %broadcast_in_dim3A_4419 = vector.broadcast %reduce_sum3A_4418 : f32 to vector<1x1xf32>
      %mul3A_4420 = vector.broadcast %broadcast_in_dim3A_4419 : vector<1x1xf32> to vector<1x8xf32>
      %mul3A_4421 = arith.mulf %mul3A_4420, %convert_element_type3A_24 : vector<1x8xf32>
      %add3A_4422 = arith.addf %add3A_4410, %mul3A_4421 : vector<1x8xf32>
      %mul3A_4423 = vector.broadcast %broadcast_in_dim3A_4333 : vector<1x1xf32> to vector<1x8xf32>
      %mul3A_4424 = arith.mulf %mul3A_4423, %convert_element_type3A_30 : vector<1x8xf32>
      %add3A_4425 = arith.addf %add3A_4422, %mul3A_4424 : vector<1x8xf32>
      %mul3A_4426 = vector.broadcast %broadcast_in_dim3A_4342 : vector<1x1xf32> to vector<1x8xf32>
      %mul3A_4427 = arith.mulf %mul3A_4426, %convert_element_type3A_36 : vector<1x8xf32>
      %add3A_4428 = arith.addf %add3A_4425, %mul3A_4427 : vector<1x8xf32>
      %jit3A_4429 = arith.constant 0.000000e+00 : f32
      %broadcast_in_dim3A_4430 = vector.broadcast %jit3A_4429 : f32 to vector<8x1152xf32>
      %select_n3A_4431 = arith.select %eq3A_4306, %get3A_140, %broadcast_in_dim3A_4430 : vector<8x1152xi1>, vector<8x1152xf32>
      %reduce_sum3A_4432 = vector.shape_cast %select_n3A_4431 : vector<8x1152xf32> to vector<1x8x1152xf32>
      %reduce_sum3A_4433 = arith.constant dense<0.000000e+00> : vector<1xf32>
      %reduce_sum3A_4434 = vector.multi_reduction <add>, %reduce_sum3A_4432, %reduce_sum3A_4433 [1, 2] : vector<1x8x1152xf32> to vector<1xf32>
      %reduce_sum3A_4435 = vector.shape_cast %reduce_sum3A_4434 : vector<1xf32> to vector<1x1x1xf32>
      %reduce_sum3A_4436 = vector.extract %reduce_sum3A_4435[0, 0, 0] : f32 from vector<1x1x1xf32>
      %broadcast_in_dim3A_4437 = vector.broadcast %reduce_sum3A_4436 : f32 to vector<1x1xf32>
      %mul3A_4438 = vector.broadcast %broadcast_in_dim3A_4437 : vector<1x1xf32> to vector<1x8xf32>
      %mul3A_4439 = arith.mulf %mul3A_4438, %convert_element_type3A_42 : vector<1x8xf32>
      %add3A_4440 = arith.addf %add3A_4428, %mul3A_4439 : vector<1x8xf32>
      %jit3A_4441 = arith.constant 0.000000e+00 : f32
      %broadcast_in_dim3A_4442 = vector.broadcast %jit3A_4441 : f32 to vector<8x1152xf32>
      %select_n3A_4443 = arith.select %eq3A_4306, %get3A_145, %broadcast_in_dim3A_4442 : vector<8x1152xi1>, vector<8x1152xf32>
      %reduce_sum3A_4444 = vector.shape_cast %select_n3A_4443 : vector<8x1152xf32> to vector<1x8x1152xf32>
      %reduce_sum3A_4445 = arith.constant dense<0.000000e+00> : vector<1xf32>
      %reduce_sum3A_4446 = vector.multi_reduction <add>, %reduce_sum3A_4444, %reduce_sum3A_4445 [1, 2] : vector<1x8x1152xf32> to vector<1xf32>
      %reduce_sum3A_4447 = vector.shape_cast %reduce_sum3A_4446 : vector<1xf32> to vector<1x1x1xf32>
      %reduce_sum3A_4448 = vector.extract %reduce_sum3A_4447[0, 0, 0] : f32 from vector<1x1x1xf32>
      %broadcast_in_dim3A_4449 = vector.broadcast %reduce_sum3A_4448 : f32 to vector<1x1xf32>
      %mul3A_4450 = vector.broadcast %broadcast_in_dim3A_4449 : vector<1x1xf32> to vector<1x8xf32>
      %mul3A_4451 = arith.mulf %mul3A_4450, %convert_element_type3A_48 : vector<1x8xf32>
      %add3A_4452 = arith.addf %add3A_4440, %mul3A_4451 : vector<1x8xf32>
      %swap3A_4453 = arith.constant 1 : index
      %swap3A_4454 = arith.index_cast %scan3A_4138 : i32 to index
      %swap3A_4455 = arith.constant 0 : index
      %swap3A_4456 = vector.load %arg1[%swap3A_4453, %swap3A_4454, %swap3A_4455] : memref<4x512x8xf32, #tpu.memory_space<vmem>>, vector<1x1x8xf32>
      %swap3A_4457 = vector.shape_cast %swap3A_4456 : vector<1x1x8xf32> to vector<1x8xf32>
      %swap3A_4458 = vector.shape_cast %add3A_4452 : vector<1x8xf32> to vector<1x1x8xf32>
      tpu.vector_store %arg1[%swap3A_4453, %swap3A_4454, %swap3A_4455], %swap3A_4458 {strides = array<i32>} : memref<4x512x8xf32, #tpu.memory_space<vmem>>, vector<1x1x8xf32>,
      %reduce_min3A_4459 = vector.shape_cast %select_n3A_3911 : vector<8x1152xi32> to vector<1x8x1152xi32>
      %reduce_min3A_4460 = arith.constant dense<2147483647> : vector<1xi32>
      %reduce_min3A_4461 = vector.multi_reduction <minsi>, %reduce_min3A_4459, %reduce_min3A_4460 [1, 2] : vector<1x8x1152xi32> to vector<1xi32>
      %reduce_min3A_4462 = vector.shape_cast %reduce_min3A_4461 : vector<1xi32> to vector<1x1x1xi32>
      %reduce_min3A_4463 = vector.extract %reduce_min3A_4462[0, 0, 0] : i32 from vector<1x1x1xi32>
      %broadcast_in_dim3A_4464 = vector.broadcast %reduce_min3A_4463 : i32 to vector<1x1xi32>
      %eq3A_4465 = vector.broadcast %broadcast_in_dim3A_4464 : vector<1x1xi32> to vector<8x1152xi32>
      %eq3A_4466 = arith.cmpi eq, %add3A, %eq3A_4465 : vector<8x1152xi32>
      %jit3A_4467 = arith.constant 0.000000e+00 : f32
      %broadcast_in_dim3A_4468 = vector.broadcast %jit3A_4467 : f32 to vector<8x1152xf32>
      %select_n3A_4469 = arith.select %eq3A_4466, %get3A_169, %broadcast_in_dim3A_4468 : vector<8x1152xi1>, vector<8x1152xf32>
      %reduce_sum3A_4470 = vector.shape_cast %select_n3A_4469 : vector<8x1152xf32> to vector<1x8x1152xf32>
      %reduce_sum3A_4471 = arith.constant dense<0.000000e+00> : vector<1xf32>
      %reduce_sum3A_4472 = vector.multi_reduction <add>, %reduce_sum3A_4470, %reduce_sum3A_4471 [1, 2] : vector<1x8x1152xf32> to vector<1xf32>
      %reduce_sum3A_4473 = vector.shape_cast %reduce_sum3A_4472 : vector<1xf32> to vector<1x1x1xf32>
      %reduce_sum3A_4474 = vector.extract %reduce_sum3A_4473[0, 0, 0] : f32 from vector<1x1x1xf32>
      %broadcast_in_dim3A_4475 = vector.broadcast %reduce_sum3A_4474 : f32 to vector<1x1xf32>
      %jit3A_4476 = arith.constant 0.000000e+00 : f32
      %broadcast_in_dim3A_4477 = vector.broadcast %jit3A_4476 : f32 to vector<8x1152xf32>
      %select_n3A_4478 = arith.select %eq3A_4466, %get3A_179, %broadcast_in_dim3A_4477 : vector<8x1152xi1>, vector<8x1152xf32>
      %reduce_sum3A_4479 = vector.shape_cast %select_n3A_4478 : vector<8x1152xf32> to vector<1x8x1152xf32>
      %reduce_sum3A_4480 = arith.constant dense<0.000000e+00> : vector<1xf32>
      %reduce_sum3A_4481 = vector.multi_reduction <add>, %reduce_sum3A_4479, %reduce_sum3A_4480 [1, 2] : vector<1x8x1152xf32> to vector<1xf32>
      %reduce_sum3A_4482 = vector.shape_cast %reduce_sum3A_4481 : vector<1xf32> to vector<1x1x1xf32>
      %reduce_sum3A_4483 = vector.extract %reduce_sum3A_4482[0, 0, 0] : f32 from vector<1x1x1xf32>
      %broadcast_in_dim3A_4484 = vector.broadcast %reduce_sum3A_4483 : f32 to vector<1x1xf32>
      %jit3A_4485 = arith.constant 0.000000e+00 : f32
      %broadcast_in_dim3A_4486 = vector.broadcast %jit3A_4485 : f32 to vector<8x1152xf32>
      %select_n3A_4487 = arith.select %eq3A_4466, %get3A_189, %broadcast_in_dim3A_4486 : vector<8x1152xi1>, vector<8x1152xf32>
      %reduce_sum3A_4488 = vector.shape_cast %select_n3A_4487 : vector<8x1152xf32> to vector<1x8x1152xf32>
      %reduce_sum3A_4489 = arith.constant dense<0.000000e+00> : vector<1xf32>
      %reduce_sum3A_4490 = vector.multi_reduction <add>, %reduce_sum3A_4488, %reduce_sum3A_4489 [1, 2] : vector<1x8x1152xf32> to vector<1xf32>
      %reduce_sum3A_4491 = vector.shape_cast %reduce_sum3A_4490 : vector<1xf32> to vector<1x1x1xf32>
      %reduce_sum3A_4492 = vector.extract %reduce_sum3A_4491[0, 0, 0] : f32 from vector<1x1x1xf32>
      %broadcast_in_dim3A_4493 = vector.broadcast %reduce_sum3A_4492 : f32 to vector<1x1xf32>
      %jit3A_4494 = arith.constant 0.000000e+00 : f32
      %broadcast_in_dim3A_4495 = vector.broadcast %jit3A_4494 : f32 to vector<8x1152xf32>
      %select_n3A_4496 = arith.select %eq3A_4466, %get3A_194, %broadcast_in_dim3A_4495 : vector<8x1152xi1>, vector<8x1152xf32>
      %reduce_sum3A_4497 = vector.shape_cast %select_n3A_4496 : vector<8x1152xf32> to vector<1x8x1152xf32>
      %reduce_sum3A_4498 = arith.constant dense<0.000000e+00> : vector<1xf32>
      %reduce_sum3A_4499 = vector.multi_reduction <add>, %reduce_sum3A_4497, %reduce_sum3A_4498 [1, 2] : vector<1x8x1152xf32> to vector<1xf32>
      %reduce_sum3A_4500 = vector.shape_cast %reduce_sum3A_4499 : vector<1xf32> to vector<1x1x1xf32>
      %reduce_sum3A_4501 = vector.extract %reduce_sum3A_4500[0, 0, 0] : f32 from vector<1x1x1xf32>
      %broadcast_in_dim3A_4502 = vector.broadcast %reduce_sum3A_4501 : f32 to vector<1x1xf32>
      %mul3A_4503 = arith.constant 5.000000e-01 : f32
      %mul3A_4504 = vector.broadcast %mul3A_4503 : f32 to vector<1x1xf32>
      %mul3A_4505 = arith.mulf %broadcast_in_dim3A_4502, %mul3A_4504 : vector<1x1xf32>
      %sub3A_4506 = arith.subf %broadcast_in_dim3A_4475, %mul3A_4505 : vector<1x1xf32>
      %mul3A_4507 = arith.constant 5.000000e-01 : f32
      %mul3A_4508 = vector.broadcast %mul3A_4507 : f32 to vector<1x1xf32>
      %mul3A_4509 = arith.mulf %broadcast_in_dim3A_4502, %mul3A_4508 : vector<1x1xf32>
      %add3A_4510 = arith.addf %broadcast_in_dim3A_4475, %mul3A_4509 : vector<1x1xf32>
      %mul3A_4511 = arith.constant 5.000000e-01 : f32
      %mul3A_4512 = vector.broadcast %mul3A_4511 : f32 to vector<1x1xf32>
      %mul3A_4513 = arith.mulf %broadcast_in_dim3A_4493, %mul3A_4512 : vector<1x1xf32>
      %sub3A_4514 = arith.subf %broadcast_in_dim3A_4484, %mul3A_4513 : vector<1x1xf32>
      %mul3A_4515 = arith.constant 5.000000e-01 : f32
      %mul3A_4516 = vector.broadcast %mul3A_4515 : f32 to vector<1x1xf32>
      %mul3A_4517 = arith.mulf %broadcast_in_dim3A_4493, %mul3A_4516 : vector<1x1xf32>
      %add3A_4518 = arith.addf %broadcast_in_dim3A_4484, %mul3A_4517 : vector<1x1xf32>
      %sub3A_4519 = arith.subf %add3A_4510, %sub3A_4506 : vector<1x1xf32>
      %sub3A_4520 = arith.subf %add3A_4518, %sub3A_4514 : vector<1x1xf32>
      %mul3A_4521 = arith.mulf %sub3A_4519, %sub3A_4520 : vector<1x1xf32>
      %min3A_4522 = vector.broadcast %add3A_4510 : vector<1x1xf32> to vector<8x1152xf32>
      %min3A_4523 = arith.minimumf %min3A_4522, %add3A_212 : vector<8x1152xf32>
      %max3A_4524 = vector.broadcast %sub3A_4506 : vector<1x1xf32> to vector<8x1152xf32>
      %max3A_4525 = arith.maximumf %max3A_4524, %sub3A_208 : vector<8x1152xf32>
      %sub3A_4526 = arith.subf %min3A_4523, %max3A_4525 : vector<8x1152xf32>
      %max3A_4527 = arith.constant 0.000000e+00 : f32
      %max3A_4528 = vector.broadcast %max3A_4527 : f32 to vector<8x1152xf32>
      %max3A_4529 = arith.maximumf %sub3A_4526, %max3A_4528 : vector<8x1152xf32>
      %min3A_4530 = vector.broadcast %add3A_4518 : vector<1x1xf32> to vector<8x1152xf32>
      %min3A_4531 = arith.minimumf %min3A_4530, %add3A_220 : vector<8x1152xf32>
      %max3A_4532 = vector.broadcast %sub3A_4514 : vector<1x1xf32> to vector<8x1152xf32>
      %max3A_4533 = arith.maximumf %max3A_4532, %sub3A_216 : vector<8x1152xf32>
      %sub3A_4534 = arith.subf %min3A_4531, %max3A_4533 : vector<8x1152xf32>
      %max3A_4535 = arith.constant 0.000000e+00 : f32
      %max3A_4536 = vector.broadcast %max3A_4535 : f32 to vector<8x1152xf32>
      %max3A_4537 = arith.maximumf %sub3A_4534, %max3A_4536 : vector<8x1152xf32>
      %mul3A_4538 = arith.mulf %max3A_4529, %max3A_4537 : vector<8x1152xf32>
      %add3A_4539 = vector.broadcast %mul3A_4521 : vector<1x1xf32> to vector<8x1152xf32>
      %add3A_4540 = arith.addf %add3A_4539, %mul3A_223 : vector<8x1152xf32>
      %sub3A_4541 = arith.subf %add3A_4540, %mul3A_4538 : vector<8x1152xf32>
      %max3A_4542 = arith.constant 9.99999997E-7 : f32
      %max3A_4543 = vector.broadcast %max3A_4542 : f32 to vector<8x1152xf32>
      %max3A_4544 = arith.maximumf %sub3A_4541, %max3A_4543 : vector<8x1152xf32>
      %div3A_4545 = arith.divf %mul3A_4538, %max3A_4544 : vector<8x1152xf32>
      %le3A_4546 = arith.constant 8.500000e-01 : f32
      %le3A_4547 = vector.broadcast %le3A_4546 : f32 to vector<8x1152xf32>
      %le3A_4548 = arith.cmpf ole, %div3A_4545, %le3A_4547 : vector<8x1152xf32>
      %ne3A_4549 = vector.broadcast %broadcast_in_dim3A_4464 : vector<1x1xi32> to vector<8x1152xi32>
      %ne3A_4550 = arith.cmpi ne, %add3A, %ne3A_4549 : vector<8x1152xi32>
      %and3A_4551 = arith.andi %le3A_4548, %ne3A_4550 : vector<8x1152xi1>
      %broadcast_in_dim3A_4552 = vector.broadcast %scan3A : i32 to vector<8x1152xi32>
      %select_n3A_4553 = arith.select %and3A_4551, %select_n3A_3911, %broadcast_in_dim3A_4552 : vector<8x1152xi1>, vector<8x1152xi32>
      %mul3A_4554 = vector.broadcast %broadcast_in_dim3A_4475 : vector<1x1xf32> to vector<1x8xf32>
      %mul3A_4555 = arith.mulf %mul3A_4554, %convert_element_type3A_6 : vector<1x8xf32>
      %jit3A_4556 = arith.constant 0.000000e+00 : f32
      %broadcast_in_dim3A_4557 = vector.broadcast %jit3A_4556 : f32 to vector<8x1152xf32>
      %select_n3A_4558 = arith.select %eq3A_4466, %get3A_174, %broadcast_in_dim3A_4557 : vector<8x1152xi1>, vector<8x1152xf32>
      %reduce_sum3A_4559 = vector.shape_cast %select_n3A_4558 : vector<8x1152xf32> to vector<1x8x1152xf32>
      %reduce_sum3A_4560 = arith.constant dense<0.000000e+00> : vector<1xf32>
      %reduce_sum3A_4561 = vector.multi_reduction <add>, %reduce_sum3A_4559, %reduce_sum3A_4560 [1, 2] : vector<1x8x1152xf32> to vector<1xf32>
      %reduce_sum3A_4562 = vector.shape_cast %reduce_sum3A_4561 : vector<1xf32> to vector<1x1x1xf32>
      %reduce_sum3A_4563 = vector.extract %reduce_sum3A_4562[0, 0, 0] : f32 from vector<1x1x1xf32>
      %broadcast_in_dim3A_4564 = vector.broadcast %reduce_sum3A_4563 : f32 to vector<1x1xf32>
      %mul3A_4565 = vector.broadcast %broadcast_in_dim3A_4564 : vector<1x1xf32> to vector<1x8xf32>
      %mul3A_4566 = arith.mulf %mul3A_4565, %convert_element_type3A_12 : vector<1x8xf32>
      %add3A_4567 = arith.addf %mul3A_4555, %mul3A_4566 : vector<1x8xf32>
      %mul3A_4568 = vector.broadcast %broadcast_in_dim3A_4484 : vector<1x1xf32> to vector<1x8xf32>
      %mul3A_4569 = arith.mulf %mul3A_4568, %convert_element_type3A_18 : vector<1x8xf32>
      %add3A_4570 = arith.addf %add3A_4567, %mul3A_4569 : vector<1x8xf32>
      %jit3A_4571 = arith.constant 0.000000e+00 : f32
      %broadcast_in_dim3A_4572 = vector.broadcast %jit3A_4571 : f32 to vector<8x1152xf32>
      %select_n3A_4573 = arith.select %eq3A_4466, %get3A_184, %broadcast_in_dim3A_4572 : vector<8x1152xi1>, vector<8x1152xf32>
      %reduce_sum3A_4574 = vector.shape_cast %select_n3A_4573 : vector<8x1152xf32> to vector<1x8x1152xf32>
      %reduce_sum3A_4575 = arith.constant dense<0.000000e+00> : vector<1xf32>
      %reduce_sum3A_4576 = vector.multi_reduction <add>, %reduce_sum3A_4574, %reduce_sum3A_4575 [1, 2] : vector<1x8x1152xf32> to vector<1xf32>
      %reduce_sum3A_4577 = vector.shape_cast %reduce_sum3A_4576 : vector<1xf32> to vector<1x1x1xf32>
      %reduce_sum3A_4578 = vector.extract %reduce_sum3A_4577[0, 0, 0] : f32 from vector<1x1x1xf32>
      %broadcast_in_dim3A_4579 = vector.broadcast %reduce_sum3A_4578 : f32 to vector<1x1xf32>
      %mul3A_4580 = vector.broadcast %broadcast_in_dim3A_4579 : vector<1x1xf32> to vector<1x8xf32>
      %mul3A_4581 = arith.mulf %mul3A_4580, %convert_element_type3A_24 : vector<1x8xf32>
      %add3A_4582 = arith.addf %add3A_4570, %mul3A_4581 : vector<1x8xf32>
      %mul3A_4583 = vector.broadcast %broadcast_in_dim3A_4493 : vector<1x1xf32> to vector<1x8xf32>
      %mul3A_4584 = arith.mulf %mul3A_4583, %convert_element_type3A_30 : vector<1x8xf32>
      %add3A_4585 = arith.addf %add3A_4582, %mul3A_4584 : vector<1x8xf32>
      %mul3A_4586 = vector.broadcast %broadcast_in_dim3A_4502 : vector<1x1xf32> to vector<1x8xf32>
      %mul3A_4587 = arith.mulf %mul3A_4586, %convert_element_type3A_36 : vector<1x8xf32>
      %add3A_4588 = arith.addf %add3A_4585, %mul3A_4587 : vector<1x8xf32>
      %jit3A_4589 = arith.constant 0.000000e+00 : f32
      %broadcast_in_dim3A_4590 = vector.broadcast %jit3A_4589 : f32 to vector<8x1152xf32>
      %select_n3A_4591 = arith.select %eq3A_4466, %get3A_199, %broadcast_in_dim3A_4590 : vector<8x1152xi1>, vector<8x1152xf32>
      %reduce_sum3A_4592 = vector.shape_cast %select_n3A_4591 : vector<8x1152xf32> to vector<1x8x1152xf32>
      %reduce_sum3A_4593 = arith.constant dense<0.000000e+00> : vector<1xf32>
      %reduce_sum3A_4594 = vector.multi_reduction <add>, %reduce_sum3A_4592, %reduce_sum3A_4593 [1, 2] : vector<1x8x1152xf32> to vector<1xf32>
      %reduce_sum3A_4595 = vector.shape_cast %reduce_sum3A_4594 : vector<1xf32> to vector<1x1x1xf32>
      %reduce_sum3A_4596 = vector.extract %reduce_sum3A_4595[0, 0, 0] : f32 from vector<1x1x1xf32>
      %broadcast_in_dim3A_4597 = vector.broadcast %reduce_sum3A_4596 : f32 to vector<1x1xf32>
      %mul3A_4598 = vector.broadcast %broadcast_in_dim3A_4597 : vector<1x1xf32> to vector<1x8xf32>
      %mul3A_4599 = arith.mulf %mul3A_4598, %convert_element_type3A_42 : vector<1x8xf32>
      %add3A_4600 = arith.addf %add3A_4588, %mul3A_4599 : vector<1x8xf32>
      %jit3A_4601 = arith.constant 0.000000e+00 : f32
      %broadcast_in_dim3A_4602 = vector.broadcast %jit3A_4601 : f32 to vector<8x1152xf32>
      %select_n3A_4603 = arith.select %eq3A_4466, %get3A_204, %broadcast_in_dim3A_4602 : vector<8x1152xi1>, vector<8x1152xf32>
      %reduce_sum3A_4604 = vector.shape_cast %select_n3A_4603 : vector<8x1152xf32> to vector<1x8x1152xf32>
      %reduce_sum3A_4605 = arith.constant dense<0.000000e+00> : vector<1xf32>
      %reduce_sum3A_4606 = vector.multi_reduction <add>, %reduce_sum3A_4604, %reduce_sum3A_4605 [1, 2] : vector<1x8x1152xf32> to vector<1xf32>
      %reduce_sum3A_4607 = vector.shape_cast %reduce_sum3A_4606 : vector<1xf32> to vector<1x1x1xf32>
      %reduce_sum3A_4608 = vector.extract %reduce_sum3A_4607[0, 0, 0] : f32 from vector<1x1x1xf32>
      %broadcast_in_dim3A_4609 = vector.broadcast %reduce_sum3A_4608 : f32 to vector<1x1xf32>
      %mul3A_4610 = vector.broadcast %broadcast_in_dim3A_4609 : vector<1x1xf32> to vector<1x8xf32>
      %mul3A_4611 = arith.mulf %mul3A_4610, %convert_element_type3A_48 : vector<1x8xf32>
      %add3A_4612 = arith.addf %add3A_4600, %mul3A_4611 : vector<1x8xf32>
      %swap3A_4613 = arith.constant 2 : index
      %swap3A_4614 = arith.index_cast %scan3A_4138 : i32 to index
      %swap3A_4615 = arith.constant 0 : index
      %swap3A_4616 = vector.load %arg1[%swap3A_4613, %swap3A_4614, %swap3A_4615] : memref<4x512x8xf32, #tpu.memory_space<vmem>>, vector<1x1x8xf32>
      %swap3A_4617 = vector.shape_cast %swap3A_4616 : vector<1x1x8xf32> to vector<1x8xf32>
      %swap3A_4618 = vector.shape_cast %add3A_4612 : vector<1x8xf32> to vector<1x1x8xf32>
      tpu.vector_store %arg1[%swap3A_4613, %swap3A_4614, %swap3A_4615], %swap3A_4618 {strides = array<i32>} : memref<4x512x8xf32, #tpu.memory_space<vmem>>, vector<1x1x8xf32>,
      %reduce_min3A_4619 = vector.shape_cast %select_n3A_4071 : vector<8x1152xi32> to vector<1x8x1152xi32>
      %reduce_min3A_4620 = arith.constant dense<2147483647> : vector<1xi32>
      %reduce_min3A_4621 = vector.multi_reduction <minsi>, %reduce_min3A_4619, %reduce_min3A_4620 [1, 2] : vector<1x8x1152xi32> to vector<1xi32>
      %reduce_min3A_4622 = vector.shape_cast %reduce_min3A_4621 : vector<1xi32> to vector<1x1x1xi32>
      %reduce_min3A_4623 = vector.extract %reduce_min3A_4622[0, 0, 0] : i32 from vector<1x1x1xi32>
      %broadcast_in_dim3A_4624 = vector.broadcast %reduce_min3A_4623 : i32 to vector<1x1xi32>
      %eq3A_4625 = vector.broadcast %broadcast_in_dim3A_4624 : vector<1x1xi32> to vector<8x1152xi32>
      %eq3A_4626 = arith.cmpi eq, %add3A, %eq3A_4625 : vector<8x1152xi32>
      %jit3A_4627 = arith.constant 0.000000e+00 : f32
      %broadcast_in_dim3A_4628 = vector.broadcast %jit3A_4627 : f32 to vector<8x1152xf32>
      %select_n3A_4629 = arith.select %eq3A_4626, %get3A_228, %broadcast_in_dim3A_4628 : vector<8x1152xi1>, vector<8x1152xf32>
      %reduce_sum3A_4630 = vector.shape_cast %select_n3A_4629 : vector<8x1152xf32> to vector<1x8x1152xf32>
      %reduce_sum3A_4631 = arith.constant dense<0.000000e+00> : vector<1xf32>
      %reduce_sum3A_4632 = vector.multi_reduction <add>, %reduce_sum3A_4630, %reduce_sum3A_4631 [1, 2] : vector<1x8x1152xf32> to vector<1xf32>
      %reduce_sum3A_4633 = vector.shape_cast %reduce_sum3A_4632 : vector<1xf32> to vector<1x1x1xf32>
      %reduce_sum3A_4634 = vector.extract %reduce_sum3A_4633[0, 0, 0] : f32 from vector<1x1x1xf32>
      %broadcast_in_dim3A_4635 = vector.broadcast %reduce_sum3A_4634 : f32 to vector<1x1xf32>
      %jit3A_4636 = arith.constant 0.000000e+00 : f32
      %broadcast_in_dim3A_4637 = vector.broadcast %jit3A_4636 : f32 to vector<8x1152xf32>
      %select_n3A_4638 = arith.select %eq3A_4626, %get3A_238, %broadcast_in_dim3A_4637 : vector<8x1152xi1>, vector<8x1152xf32>
      %reduce_sum3A_4639 = vector.shape_cast %select_n3A_4638 : vector<8x1152xf32> to vector<1x8x1152xf32>
      %reduce_sum3A_4640 = arith.constant dense<0.000000e+00> : vector<1xf32>
      %reduce_sum3A_4641 = vector.multi_reduction <add>, %reduce_sum3A_4639, %reduce_sum3A_4640 [1, 2] : vector<1x8x1152xf32> to vector<1xf32>
      %reduce_sum3A_4642 = vector.shape_cast %reduce_sum3A_4641 : vector<1xf32> to vector<1x1x1xf32>
      %reduce_sum3A_4643 = vector.extract %reduce_sum3A_4642[0, 0, 0] : f32 from vector<1x1x1xf32>
      %broadcast_in_dim3A_4644 = vector.broadcast %reduce_sum3A_4643 : f32 to vector<1x1xf32>
      %jit3A_4645 = arith.constant 0.000000e+00 : f32
      %broadcast_in_dim3A_4646 = vector.broadcast %jit3A_4645 : f32 to vector<8x1152xf32>
      %select_n3A_4647 = arith.select %eq3A_4626, %get3A_248, %broadcast_in_dim3A_4646 : vector<8x1152xi1>, vector<8x1152xf32>
      %reduce_sum3A_4648 = vector.shape_cast %select_n3A_4647 : vector<8x1152xf32> to vector<1x8x1152xf32>
      %reduce_sum3A_4649 = arith.constant dense<0.000000e+00> : vector<1xf32>
      %reduce_sum3A_4650 = vector.multi_reduction <add>, %reduce_sum3A_4648, %reduce_sum3A_4649 [1, 2] : vector<1x8x1152xf32> to vector<1xf32>
      %reduce_sum3A_4651 = vector.shape_cast %reduce_sum3A_4650 : vector<1xf32> to vector<1x1x1xf32>
      %reduce_sum3A_4652 = vector.extract %reduce_sum3A_4651[0, 0, 0] : f32 from vector<1x1x1xf32>
      %broadcast_in_dim3A_4653 = vector.broadcast %reduce_sum3A_4652 : f32 to vector<1x1xf32>
      %jit3A_4654 = arith.constant 0.000000e+00 : f32
      %broadcast_in_dim3A_4655 = vector.broadcast %jit3A_4654 : f32 to vector<8x1152xf32>
      %select_n3A_4656 = arith.select %eq3A_4626, %get3A_253, %broadcast_in_dim3A_4655 : vector<8x1152xi1>, vector<8x1152xf32>
      %reduce_sum3A_4657 = vector.shape_cast %select_n3A_4656 : vector<8x1152xf32> to vector<1x8x1152xf32>
      %reduce_sum3A_4658 = arith.constant dense<0.000000e+00> : vector<1xf32>
      %reduce_sum3A_4659 = vector.multi_reduction <add>, %reduce_sum3A_4657, %reduce_sum3A_4658 [1, 2] : vector<1x8x1152xf32> to vector<1xf32>
      %reduce_sum3A_4660 = vector.shape_cast %reduce_sum3A_4659 : vector<1xf32> to vector<1x1x1xf32>
      %reduce_sum3A_4661 = vector.extract %reduce_sum3A_4660[0, 0, 0] : f32 from vector<1x1x1xf32>
      %broadcast_in_dim3A_4662 = vector.broadcast %reduce_sum3A_4661 : f32 to vector<1x1xf32>
      %mul3A_4663 = arith.constant 5.000000e-01 : f32
      %mul3A_4664 = vector.broadcast %mul3A_4663 : f32 to vector<1x1xf32>
      %mul3A_4665 = arith.mulf %broadcast_in_dim3A_4662, %mul3A_4664 : vector<1x1xf32>
      %sub3A_4666 = arith.subf %broadcast_in_dim3A_4635, %mul3A_4665 : vector<1x1xf32>
      %mul3A_4667 = arith.constant 5.000000e-01 : f32
      %mul3A_4668 = vector.broadcast %mul3A_4667 : f32 to vector<1x1xf32>
      %mul3A_4669 = arith.mulf %broadcast_in_dim3A_4662, %mul3A_4668 : vector<1x1xf32>
      %add3A_4670 = arith.addf %broadcast_in_dim3A_4635, %mul3A_4669 : vector<1x1xf32>
      %mul3A_4671 = arith.constant 5.000000e-01 : f32
      %mul3A_4672 = vector.broadcast %mul3A_4671 : f32 to vector<1x1xf32>
      %mul3A_4673 = arith.mulf %broadcast_in_dim3A_4653, %mul3A_4672 : vector<1x1xf32>
      %sub3A_4674 = arith.subf %broadcast_in_dim3A_4644, %mul3A_4673 : vector<1x1xf32>
      %mul3A_4675 = arith.constant 5.000000e-01 : f32
      %mul3A_4676 = vector.broadcast %mul3A_4675 : f32 to vector<1x1xf32>
      %mul3A_4677 = arith.mulf %broadcast_in_dim3A_4653, %mul3A_4676 : vector<1x1xf32>
      %add3A_4678 = arith.addf %broadcast_in_dim3A_4644, %mul3A_4677 : vector<1x1xf32>
      %sub3A_4679 = arith.subf %add3A_4670, %sub3A_4666 : vector<1x1xf32>
      %sub3A_4680 = arith.subf %add3A_4678, %sub3A_4674 : vector<1x1xf32>
      %mul3A_4681 = arith.mulf %sub3A_4679, %sub3A_4680 : vector<1x1xf32>
      %min3A_4682 = vector.broadcast %add3A_4670 : vector<1x1xf32> to vector<8x1152xf32>
      %min3A_4683 = arith.minimumf %min3A_4682, %add3A_271 : vector<8x1152xf32>
      %max3A_4684 = vector.broadcast %sub3A_4666 : vector<1x1xf32> to vector<8x1152xf32>
      %max3A_4685 = arith.maximumf %max3A_4684, %sub3A_267 : vector<8x1152xf32>
      %sub3A_4686 = arith.subf %min3A_4683, %max3A_4685 : vector<8x1152xf32>
      %max3A_4687 = arith.constant 0.000000e+00 : f32
      %max3A_4688 = vector.broadcast %max3A_4687 : f32 to vector<8x1152xf32>
      %max3A_4689 = arith.maximumf %sub3A_4686, %max3A_4688 : vector<8x1152xf32>
      %min3A_4690 = vector.broadcast %add3A_4678 : vector<1x1xf32> to vector<8x1152xf32>
      %min3A_4691 = arith.minimumf %min3A_4690, %add3A_279 : vector<8x1152xf32>
      %max3A_4692 = vector.broadcast %sub3A_4674 : vector<1x1xf32> to vector<8x1152xf32>
      %max3A_4693 = arith.maximumf %max3A_4692, %sub3A_275 : vector<8x1152xf32>
      %sub3A_4694 = arith.subf %min3A_4691, %max3A_4693 : vector<8x1152xf32>
      %max3A_4695 = arith.constant 0.000000e+00 : f32
      %max3A_4696 = vector.broadcast %max3A_4695 : f32 to vector<8x1152xf32>
      %max3A_4697 = arith.maximumf %sub3A_4694, %max3A_4696 : vector<8x1152xf32>
      %mul3A_4698 = arith.mulf %max3A_4689, %max3A_4697 : vector<8x1152xf32>
      %add3A_4699 = vector.broadcast %mul3A_4681 : vector<1x1xf32> to vector<8x1152xf32>
      %add3A_4700 = arith.addf %add3A_4699, %mul3A_282 : vector<8x1152xf32>
      %sub3A_4701 = arith.subf %add3A_4700, %mul3A_4698 : vector<8x1152xf32>
      %max3A_4702 = arith.constant 9.99999997E-7 : f32
      %max3A_4703 = vector.broadcast %max3A_4702 : f32 to vector<8x1152xf32>
      %max3A_4704 = arith.maximumf %sub3A_4701, %max3A_4703 : vector<8x1152xf32>
      %div3A_4705 = arith.divf %mul3A_4698, %max3A_4704 : vector<8x1152xf32>
      %le3A_4706 = arith.constant 8.500000e-01 : f32
      %le3A_4707 = vector.broadcast %le3A_4706 : f32 to vector<8x1152xf32>
      %le3A_4708 = arith.cmpf ole, %div3A_4705, %le3A_4707 : vector<8x1152xf32>
      %ne3A_4709 = vector.broadcast %broadcast_in_dim3A_4624 : vector<1x1xi32> to vector<8x1152xi32>
      %ne3A_4710 = arith.cmpi ne, %add3A, %ne3A_4709 : vector<8x1152xi32>
      %and3A_4711 = arith.andi %le3A_4708, %ne3A_4710 : vector<8x1152xi1>
      %broadcast_in_dim3A_4712 = vector.broadcast %scan3A : i32 to vector<8x1152xi32>
      %select_n3A_4713 = arith.select %and3A_4711, %select_n3A_4071, %broadcast_in_dim3A_4712 : vector<8x1152xi1>, vector<8x1152xi32>
      %mul3A_4714 = vector.broadcast %broadcast_in_dim3A_4635 : vector<1x1xf32> to vector<1x8xf32>
      %mul3A_4715 = arith.mulf %mul3A_4714, %convert_element_type3A_6 : vector<1x8xf32>
      %jit3A_4716 = arith.constant 0.000000e+00 : f32
      %broadcast_in_dim3A_4717 = vector.broadcast %jit3A_4716 : f32 to vector<8x1152xf32>
      %select_n3A_4718 = arith.select %eq3A_4626, %get3A_233, %broadcast_in_dim3A_4717 : vector<8x1152xi1>, vector<8x1152xf32>
      %reduce_sum3A_4719 = vector.shape_cast %select_n3A_4718 : vector<8x1152xf32> to vector<1x8x1152xf32>
      %reduce_sum3A_4720 = arith.constant dense<0.000000e+00> : vector<1xf32>
      %reduce_sum3A_4721 = vector.multi_reduction <add>, %reduce_sum3A_4719, %reduce_sum3A_4720 [1, 2] : vector<1x8x1152xf32> to vector<1xf32>
      %reduce_sum3A_4722 = vector.shape_cast %reduce_sum3A_4721 : vector<1xf32> to vector<1x1x1xf32>
      %reduce_sum3A_4723 = vector.extract %reduce_sum3A_4722[0, 0, 0] : f32 from vector<1x1x1xf32>
      %broadcast_in_dim3A_4724 = vector.broadcast %reduce_sum3A_4723 : f32 to vector<1x1xf32>
      %mul3A_4725 = vector.broadcast %broadcast_in_dim3A_4724 : vector<1x1xf32> to vector<1x8xf32>
      %mul3A_4726 = arith.mulf %mul3A_4725, %convert_element_type3A_12 : vector<1x8xf32>
      %add3A_4727 = arith.addf %mul3A_4715, %mul3A_4726 : vector<1x8xf32>
      %mul3A_4728 = vector.broadcast %broadcast_in_dim3A_4644 : vector<1x1xf32> to vector<1x8xf32>
      %mul3A_4729 = arith.mulf %mul3A_4728, %convert_element_type3A_18 : vector<1x8xf32>
      %add3A_4730 = arith.addf %add3A_4727, %mul3A_4729 : vector<1x8xf32>
      %jit3A_4731 = arith.constant 0.000000e+00 : f32
      %broadcast_in_dim3A_4732 = vector.broadcast %jit3A_4731 : f32 to vector<8x1152xf32>
      %select_n3A_4733 = arith.select %eq3A_4626, %get3A_243, %broadcast_in_dim3A_4732 : vector<8x1152xi1>, vector<8x1152xf32>
      %reduce_sum3A_4734 = vector.shape_cast %select_n3A_4733 : vector<8x1152xf32> to vector<1x8x1152xf32>
      %reduce_sum3A_4735 = arith.constant dense<0.000000e+00> : vector<1xf32>
      %reduce_sum3A_4736 = vector.multi_reduction <add>, %reduce_sum3A_4734, %reduce_sum3A_4735 [1, 2] : vector<1x8x1152xf32> to vector<1xf32>
      %reduce_sum3A_4737 = vector.shape_cast %reduce_sum3A_4736 : vector<1xf32> to vector<1x1x1xf32>
      %reduce_sum3A_4738 = vector.extract %reduce_sum3A_4737[0, 0, 0] : f32 from vector<1x1x1xf32>
      %broadcast_in_dim3A_4739 = vector.broadcast %reduce_sum3A_4738 : f32 to vector<1x1xf32>
      %mul3A_4740 = vector.broadcast %broadcast_in_dim3A_4739 : vector<1x1xf32> to vector<1x8xf32>
      %mul3A_4741 = arith.mulf %mul3A_4740, %convert_element_type3A_24 : vector<1x8xf32>
      %add3A_4742 = arith.addf %add3A_4730, %mul3A_4741 : vector<1x8xf32>
      %mul3A_4743 = vector.broadcast %broadcast_in_dim3A_4653 : vector<1x1xf32> to vector<1x8xf32>
      %mul3A_4744 = arith.mulf %mul3A_4743, %convert_element_type3A_30 : vector<1x8xf32>
      %add3A_4745 = arith.addf %add3A_4742, %mul3A_4744 : vector<1x8xf32>
      %mul3A_4746 = vector.broadcast %broadcast_in_dim3A_4662 : vector<1x1xf32> to vector<1x8xf32>
      %mul3A_4747 = arith.mulf %mul3A_4746, %convert_element_type3A_36 : vector<1x8xf32>
      %add3A_4748 = arith.addf %add3A_4745, %mul3A_4747 : vector<1x8xf32>
      %jit3A_4749 = arith.constant 0.000000e+00 : f32
      %broadcast_in_dim3A_4750 = vector.broadcast %jit3A_4749 : f32 to vector<8x1152xf32>
      %select_n3A_4751 = arith.select %eq3A_4626, %get3A_258, %broadcast_in_dim3A_4750 : vector<8x1152xi1>, vector<8x1152xf32>
      %reduce_sum3A_4752 = vector.shape_cast %select_n3A_4751 : vector<8x1152xf32> to vector<1x8x1152xf32>
      %reduce_sum3A_4753 = arith.constant dense<0.000000e+00> : vector<1xf32>
      %reduce_sum3A_4754 = vector.multi_reduction <add>, %reduce_sum3A_4752, %reduce_sum3A_4753 [1, 2] : vector<1x8x1152xf32> to vector<1xf32>
      %reduce_sum3A_4755 = vector.shape_cast %reduce_sum3A_4754 : vector<1xf32> to vector<1x1x1xf32>
      %reduce_sum3A_4756 = vector.extract %reduce_sum3A_4755[0, 0, 0] : f32 from vector<1x1x1xf32>
      %broadcast_in_dim3A_4757 = vector.broadcast %reduce_sum3A_4756 : f32 to vector<1x1xf32>
      %mul3A_4758 = vector.broadcast %broadcast_in_dim3A_4757 : vector<1x1xf32> to vector<1x8xf32>
      %mul3A_4759 = arith.mulf %mul3A_4758, %convert_element_type3A_42 : vector<1x8xf32>
      %add3A_4760 = arith.addf %add3A_4748, %mul3A_4759 : vector<1x8xf32>
      %jit3A_4761 = arith.constant 0.000000e+00 : f32
      %broadcast_in_dim3A_4762 = vector.broadcast %jit3A_4761 : f32 to vector<8x1152xf32>
      %select_n3A_4763 = arith.select %eq3A_4626, %get3A_263, %broadcast_in_dim3A_4762 : vector<8x1152xi1>, vector<8x1152xf32>
      %reduce_sum3A_4764 = vector.shape_cast %select_n3A_4763 : vector<8x1152xf32> to vector<1x8x1152xf32>
      %reduce_sum3A_4765 = arith.constant dense<0.000000e+00> : vector<1xf32>
      %reduce_sum3A_4766 = vector.multi_reduction <add>, %reduce_sum3A_4764, %reduce_sum3A_4765 [1, 2] : vector<1x8x1152xf32> to vector<1xf32>
      %reduce_sum3A_4767 = vector.shape_cast %reduce_sum3A_4766 : vector<1xf32> to vector<1x1x1xf32>
      %reduce_sum3A_4768 = vector.extract %reduce_sum3A_4767[0, 0, 0] : f32 from vector<1x1x1xf32>
      %broadcast_in_dim3A_4769 = vector.broadcast %reduce_sum3A_4768 : f32 to vector<1x1xf32>
      %mul3A_4770 = vector.broadcast %broadcast_in_dim3A_4769 : vector<1x1xf32> to vector<1x8xf32>
      %mul3A_4771 = arith.mulf %mul3A_4770, %convert_element_type3A_48 : vector<1x8xf32>
      %add3A_4772 = arith.addf %add3A_4760, %mul3A_4771 : vector<1x8xf32>
      %swap3A_4773 = arith.constant 3 : index
      %swap3A_4774 = arith.index_cast %scan3A_4138 : i32 to index
      %swap3A_4775 = arith.constant 0 : index
      %swap3A_4776 = vector.load %arg1[%swap3A_4773, %swap3A_4774, %swap3A_4775] : memref<4x512x8xf32, #tpu.memory_space<vmem>>, vector<1x1x8xf32>
      %swap3A_4777 = vector.shape_cast %swap3A_4776 : vector<1x1x8xf32> to vector<1x8xf32>
      %swap3A_4778 = vector.shape_cast %add3A_4772 : vector<1x8xf32> to vector<1x1x8xf32>
      tpu.vector_store %arg1[%swap3A_4773, %swap3A_4774, %swap3A_4775], %swap3A_4778 {strides = array<i32>} : memref<4x512x8xf32, #tpu.memory_space<vmem>>, vector<1x1x8xf32>,
      %scan3A_4779 = arith.constant 7 : i32
      %scan3A_4780 = arith.addi %scan3A_291, %scan3A_4779 : i32
      %reduce_min3A_4781 = vector.shape_cast %select_n3A_4233 : vector<8x1152xi32> to vector<1x8x1152xi32>
      %reduce_min3A_4782 = arith.constant dense<2147483647> : vector<1xi32>
      %reduce_min3A_4783 = vector.multi_reduction <minsi>, %reduce_min3A_4781, %reduce_min3A_4782 [1, 2] : vector<1x8x1152xi32> to vector<1xi32>
      %reduce_min3A_4784 = vector.shape_cast %reduce_min3A_4783 : vector<1xi32> to vector<1x1x1xi32>
      %reduce_min3A_4785 = vector.extract %reduce_min3A_4784[0, 0, 0] : i32 from vector<1x1x1xi32>
      %broadcast_in_dim3A_4786 = vector.broadcast %reduce_min3A_4785 : i32 to vector<1x1xi32>
      %eq3A_4787 = vector.broadcast %broadcast_in_dim3A_4786 : vector<1x1xi32> to vector<8x1152xi32>
      %eq3A_4788 = arith.cmpi eq, %add3A, %eq3A_4787 : vector<8x1152xi32>
      %jit3A_4789 = arith.constant 0.000000e+00 : f32
      %broadcast_in_dim3A_4790 = vector.broadcast %jit3A_4789 : f32 to vector<8x1152xf32>
      %select_n3A_4791 = arith.select %eq3A_4788, %get3A_52, %broadcast_in_dim3A_4790 : vector<8x1152xi1>, vector<8x1152xf32>
      %reduce_sum3A_4792 = vector.shape_cast %select_n3A_4791 : vector<8x1152xf32> to vector<1x8x1152xf32>
      %reduce_sum3A_4793 = arith.constant dense<0.000000e+00> : vector<1xf32>
      %reduce_sum3A_4794 = vector.multi_reduction <add>, %reduce_sum3A_4792, %reduce_sum3A_4793 [1, 2] : vector<1x8x1152xf32> to vector<1xf32>
      %reduce_sum3A_4795 = vector.shape_cast %reduce_sum3A_4794 : vector<1xf32> to vector<1x1x1xf32>
      %reduce_sum3A_4796 = vector.extract %reduce_sum3A_4795[0, 0, 0] : f32 from vector<1x1x1xf32>
      %broadcast_in_dim3A_4797 = vector.broadcast %reduce_sum3A_4796 : f32 to vector<1x1xf32>
      %jit3A_4798 = arith.constant 0.000000e+00 : f32
      %broadcast_in_dim3A_4799 = vector.broadcast %jit3A_4798 : f32 to vector<8x1152xf32>
      %select_n3A_4800 = arith.select %eq3A_4788, %get3A_62, %broadcast_in_dim3A_4799 : vector<8x1152xi1>, vector<8x1152xf32>
      %reduce_sum3A_4801 = vector.shape_cast %select_n3A_4800 : vector<8x1152xf32> to vector<1x8x1152xf32>
      %reduce_sum3A_4802 = arith.constant dense<0.000000e+00> : vector<1xf32>
      %reduce_sum3A_4803 = vector.multi_reduction <add>, %reduce_sum3A_4801, %reduce_sum3A_4802 [1, 2] : vector<1x8x1152xf32> to vector<1xf32>
      %reduce_sum3A_4804 = vector.shape_cast %reduce_sum3A_4803 : vector<1xf32> to vector<1x1x1xf32>
      %reduce_sum3A_4805 = vector.extract %reduce_sum3A_4804[0, 0, 0] : f32 from vector<1x1x1xf32>
      %broadcast_in_dim3A_4806 = vector.broadcast %reduce_sum3A_4805 : f32 to vector<1x1xf32>
      %jit3A_4807 = arith.constant 0.000000e+00 : f32
      %broadcast_in_dim3A_4808 = vector.broadcast %jit3A_4807 : f32 to vector<8x1152xf32>
      %select_n3A_4809 = arith.select %eq3A_4788, %get3A_72, %broadcast_in_dim3A_4808 : vector<8x1152xi1>, vector<8x1152xf32>
      %reduce_sum3A_4810 = vector.shape_cast %select_n3A_4809 : vector<8x1152xf32> to vector<1x8x1152xf32>
      %reduce_sum3A_4811 = arith.constant dense<0.000000e+00> : vector<1xf32>
      %reduce_sum3A_4812 = vector.multi_reduction <add>, %reduce_sum3A_4810, %reduce_sum3A_4811 [1, 2] : vector<1x8x1152xf32> to vector<1xf32>
      %reduce_sum3A_4813 = vector.shape_cast %reduce_sum3A_4812 : vector<1xf32> to vector<1x1x1xf32>
      %reduce_sum3A_4814 = vector.extract %reduce_sum3A_4813[0, 0, 0] : f32 from vector<1x1x1xf32>
      %broadcast_in_dim3A_4815 = vector.broadcast %reduce_sum3A_4814 : f32 to vector<1x1xf32>
      %jit3A_4816 = arith.constant 0.000000e+00 : f32
      %broadcast_in_dim3A_4817 = vector.broadcast %jit3A_4816 : f32 to vector<8x1152xf32>
      %select_n3A_4818 = arith.select %eq3A_4788, %get3A_77, %broadcast_in_dim3A_4817 : vector<8x1152xi1>, vector<8x1152xf32>
      %reduce_sum3A_4819 = vector.shape_cast %select_n3A_4818 : vector<8x1152xf32> to vector<1x8x1152xf32>
      %reduce_sum3A_4820 = arith.constant dense<0.000000e+00> : vector<1xf32>
      %reduce_sum3A_4821 = vector.multi_reduction <add>, %reduce_sum3A_4819, %reduce_sum3A_4820 [1, 2] : vector<1x8x1152xf32> to vector<1xf32>
      %reduce_sum3A_4822 = vector.shape_cast %reduce_sum3A_4821 : vector<1xf32> to vector<1x1x1xf32>
      %reduce_sum3A_4823 = vector.extract %reduce_sum3A_4822[0, 0, 0] : f32 from vector<1x1x1xf32>
      %broadcast_in_dim3A_4824 = vector.broadcast %reduce_sum3A_4823 : f32 to vector<1x1xf32>
      %mul3A_4825 = arith.constant 5.000000e-01 : f32
      %mul3A_4826 = vector.broadcast %mul3A_4825 : f32 to vector<1x1xf32>
      %mul3A_4827 = arith.mulf %broadcast_in_dim3A_4824, %mul3A_4826 : vector<1x1xf32>
      %sub3A_4828 = arith.subf %broadcast_in_dim3A_4797, %mul3A_4827 : vector<1x1xf32>
      %mul3A_4829 = arith.constant 5.000000e-01 : f32
      %mul3A_4830 = vector.broadcast %mul3A_4829 : f32 to vector<1x1xf32>
      %mul3A_4831 = arith.mulf %broadcast_in_dim3A_4824, %mul3A_4830 : vector<1x1xf32>
      %add3A_4832 = arith.addf %broadcast_in_dim3A_4797, %mul3A_4831 : vector<1x1xf32>
      %mul3A_4833 = arith.constant 5.000000e-01 : f32
      %mul3A_4834 = vector.broadcast %mul3A_4833 : f32 to vector<1x1xf32>
      %mul3A_4835 = arith.mulf %broadcast_in_dim3A_4815, %mul3A_4834 : vector<1x1xf32>
      %sub3A_4836 = arith.subf %broadcast_in_dim3A_4806, %mul3A_4835 : vector<1x1xf32>
      %mul3A_4837 = arith.constant 5.000000e-01 : f32
      %mul3A_4838 = vector.broadcast %mul3A_4837 : f32 to vector<1x1xf32>
      %mul3A_4839 = arith.mulf %broadcast_in_dim3A_4815, %mul3A_4838 : vector<1x1xf32>
      %add3A_4840 = arith.addf %broadcast_in_dim3A_4806, %mul3A_4839 : vector<1x1xf32>
      %sub3A_4841 = arith.subf %add3A_4832, %sub3A_4828 : vector<1x1xf32>
      %sub3A_4842 = arith.subf %add3A_4840, %sub3A_4836 : vector<1x1xf32>
      %mul3A_4843 = arith.mulf %sub3A_4841, %sub3A_4842 : vector<1x1xf32>
      %min3A_4844 = vector.broadcast %add3A_4832 : vector<1x1xf32> to vector<8x1152xf32>
      %min3A_4845 = arith.minimumf %min3A_4844, %add3A_94 : vector<8x1152xf32>
      %max3A_4846 = vector.broadcast %sub3A_4828 : vector<1x1xf32> to vector<8x1152xf32>
      %max3A_4847 = arith.maximumf %max3A_4846, %sub3A : vector<8x1152xf32>
      %sub3A_4848 = arith.subf %min3A_4845, %max3A_4847 : vector<8x1152xf32>
      %max3A_4849 = arith.constant 0.000000e+00 : f32
      %max3A_4850 = vector.broadcast %max3A_4849 : f32 to vector<8x1152xf32>
      %max3A_4851 = arith.maximumf %sub3A_4848, %max3A_4850 : vector<8x1152xf32>
      %min3A_4852 = vector.broadcast %add3A_4840 : vector<1x1xf32> to vector<8x1152xf32>
      %min3A_4853 = arith.minimumf %min3A_4852, %add3A_102 : vector<8x1152xf32>
      %max3A_4854 = vector.broadcast %sub3A_4836 : vector<1x1xf32> to vector<8x1152xf32>
      %max3A_4855 = arith.maximumf %max3A_4854, %sub3A_98 : vector<8x1152xf32>
      %sub3A_4856 = arith.subf %min3A_4853, %max3A_4855 : vector<8x1152xf32>
      %max3A_4857 = arith.constant 0.000000e+00 : f32
      %max3A_4858 = vector.broadcast %max3A_4857 : f32 to vector<8x1152xf32>
      %max3A_4859 = arith.maximumf %sub3A_4856, %max3A_4858 : vector<8x1152xf32>
      %mul3A_4860 = arith.mulf %max3A_4851, %max3A_4859 : vector<8x1152xf32>
      %add3A_4861 = vector.broadcast %mul3A_4843 : vector<1x1xf32> to vector<8x1152xf32>
      %add3A_4862 = arith.addf %add3A_4861, %mul3A_105 : vector<8x1152xf32>
      %sub3A_4863 = arith.subf %add3A_4862, %mul3A_4860 : vector<8x1152xf32>
      %max3A_4864 = arith.constant 9.99999997E-7 : f32
      %max3A_4865 = vector.broadcast %max3A_4864 : f32 to vector<8x1152xf32>
      %max3A_4866 = arith.maximumf %sub3A_4863, %max3A_4865 : vector<8x1152xf32>
      %div3A_4867 = arith.divf %mul3A_4860, %max3A_4866 : vector<8x1152xf32>
      %le3A_4868 = arith.constant 8.500000e-01 : f32
      %le3A_4869 = vector.broadcast %le3A_4868 : f32 to vector<8x1152xf32>
      %le3A_4870 = arith.cmpf ole, %div3A_4867, %le3A_4869 : vector<8x1152xf32>
      %ne3A_4871 = vector.broadcast %broadcast_in_dim3A_4786 : vector<1x1xi32> to vector<8x1152xi32>
      %ne3A_4872 = arith.cmpi ne, %add3A, %ne3A_4871 : vector<8x1152xi32>
      %and3A_4873 = arith.andi %le3A_4870, %ne3A_4872 : vector<8x1152xi1>
      %broadcast_in_dim3A_4874 = vector.broadcast %scan3A : i32 to vector<8x1152xi32>
      %select_n3A_4875 = arith.select %and3A_4873, %select_n3A_4233, %broadcast_in_dim3A_4874 : vector<8x1152xi1>, vector<8x1152xi32>
      %mul3A_4876 = vector.broadcast %broadcast_in_dim3A_4797 : vector<1x1xf32> to vector<1x8xf32>
      %mul3A_4877 = arith.mulf %mul3A_4876, %convert_element_type3A_6 : vector<1x8xf32>
      %jit3A_4878 = arith.constant 0.000000e+00 : f32
      %broadcast_in_dim3A_4879 = vector.broadcast %jit3A_4878 : f32 to vector<8x1152xf32>
      %select_n3A_4880 = arith.select %eq3A_4788, %get3A_57, %broadcast_in_dim3A_4879 : vector<8x1152xi1>, vector<8x1152xf32>
      %reduce_sum3A_4881 = vector.shape_cast %select_n3A_4880 : vector<8x1152xf32> to vector<1x8x1152xf32>
      %reduce_sum3A_4882 = arith.constant dense<0.000000e+00> : vector<1xf32>
      %reduce_sum3A_4883 = vector.multi_reduction <add>, %reduce_sum3A_4881, %reduce_sum3A_4882 [1, 2] : vector<1x8x1152xf32> to vector<1xf32>
      %reduce_sum3A_4884 = vector.shape_cast %reduce_sum3A_4883 : vector<1xf32> to vector<1x1x1xf32>
      %reduce_sum3A_4885 = vector.extract %reduce_sum3A_4884[0, 0, 0] : f32 from vector<1x1x1xf32>
      %broadcast_in_dim3A_4886 = vector.broadcast %reduce_sum3A_4885 : f32 to vector<1x1xf32>
      %mul3A_4887 = vector.broadcast %broadcast_in_dim3A_4886 : vector<1x1xf32> to vector<1x8xf32>
      %mul3A_4888 = arith.mulf %mul3A_4887, %convert_element_type3A_12 : vector<1x8xf32>
      %add3A_4889 = arith.addf %mul3A_4877, %mul3A_4888 : vector<1x8xf32>
      %mul3A_4890 = vector.broadcast %broadcast_in_dim3A_4806 : vector<1x1xf32> to vector<1x8xf32>
      %mul3A_4891 = arith.mulf %mul3A_4890, %convert_element_type3A_18 : vector<1x8xf32>
      %add3A_4892 = arith.addf %add3A_4889, %mul3A_4891 : vector<1x8xf32>
      %jit3A_4893 = arith.constant 0.000000e+00 : f32
      %broadcast_in_dim3A_4894 = vector.broadcast %jit3A_4893 : f32 to vector<8x1152xf32>
      %select_n3A_4895 = arith.select %eq3A_4788, %get3A_67, %broadcast_in_dim3A_4894 : vector<8x1152xi1>, vector<8x1152xf32>
      %reduce_sum3A_4896 = vector.shape_cast %select_n3A_4895 : vector<8x1152xf32> to vector<1x8x1152xf32>
      %reduce_sum3A_4897 = arith.constant dense<0.000000e+00> : vector<1xf32>
      %reduce_sum3A_4898 = vector.multi_reduction <add>, %reduce_sum3A_4896, %reduce_sum3A_4897 [1, 2] : vector<1x8x1152xf32> to vector<1xf32>
      %reduce_sum3A_4899 = vector.shape_cast %reduce_sum3A_4898 : vector<1xf32> to vector<1x1x1xf32>
      %reduce_sum3A_4900 = vector.extract %reduce_sum3A_4899[0, 0, 0] : f32 from vector<1x1x1xf32>
      %broadcast_in_dim3A_4901 = vector.broadcast %reduce_sum3A_4900 : f32 to vector<1x1xf32>
      %mul3A_4902 = vector.broadcast %broadcast_in_dim3A_4901 : vector<1x1xf32> to vector<1x8xf32>
      %mul3A_4903 = arith.mulf %mul3A_4902, %convert_element_type3A_24 : vector<1x8xf32>
      %add3A_4904 = arith.addf %add3A_4892, %mul3A_4903 : vector<1x8xf32>
      %mul3A_4905 = vector.broadcast %broadcast_in_dim3A_4815 : vector<1x1xf32> to vector<1x8xf32>
      %mul3A_4906 = arith.mulf %mul3A_4905, %convert_element_type3A_30 : vector<1x8xf32>
      %add3A_4907 = arith.addf %add3A_4904, %mul3A_4906 : vector<1x8xf32>
      %mul3A_4908 = vector.broadcast %broadcast_in_dim3A_4824 : vector<1x1xf32> to vector<1x8xf32>
      %mul3A_4909 = arith.mulf %mul3A_4908, %convert_element_type3A_36 : vector<1x8xf32>
      %add3A_4910 = arith.addf %add3A_4907, %mul3A_4909 : vector<1x8xf32>
      %jit3A_4911 = arith.constant 0.000000e+00 : f32
      %broadcast_in_dim3A_4912 = vector.broadcast %jit3A_4911 : f32 to vector<8x1152xf32>
      %select_n3A_4913 = arith.select %eq3A_4788, %get3A_82, %broadcast_in_dim3A_4912 : vector<8x1152xi1>, vector<8x1152xf32>
      %reduce_sum3A_4914 = vector.shape_cast %select_n3A_4913 : vector<8x1152xf32> to vector<1x8x1152xf32>
      %reduce_sum3A_4915 = arith.constant dense<0.000000e+00> : vector<1xf32>
      %reduce_sum3A_4916 = vector.multi_reduction <add>, %reduce_sum3A_4914, %reduce_sum3A_4915 [1, 2] : vector<1x8x1152xf32> to vector<1xf32>
      %reduce_sum3A_4917 = vector.shape_cast %reduce_sum3A_4916 : vector<1xf32> to vector<1x1x1xf32>
      %reduce_sum3A_4918 = vector.extract %reduce_sum3A_4917[0, 0, 0] : f32 from vector<1x1x1xf32>
      %broadcast_in_dim3A_4919 = vector.broadcast %reduce_sum3A_4918 : f32 to vector<1x1xf32>
      %mul3A_4920 = vector.broadcast %broadcast_in_dim3A_4919 : vector<1x1xf32> to vector<1x8xf32>
      %mul3A_4921 = arith.mulf %mul3A_4920, %convert_element_type3A_42 : vector<1x8xf32>
      %add3A_4922 = arith.addf %add3A_4910, %mul3A_4921 : vector<1x8xf32>
      %jit3A_4923 = arith.constant 0.000000e+00 : f32
      %broadcast_in_dim3A_4924 = vector.broadcast %jit3A_4923 : f32 to vector<8x1152xf32>
      %select_n3A_4925 = arith.select %eq3A_4788, %get3A_87, %broadcast_in_dim3A_4924 : vector<8x1152xi1>, vector<8x1152xf32>
      %reduce_sum3A_4926 = vector.shape_cast %select_n3A_4925 : vector<8x1152xf32> to vector<1x8x1152xf32>
      %reduce_sum3A_4927 = arith.constant dense<0.000000e+00> : vector<1xf32>
      %reduce_sum3A_4928 = vector.multi_reduction <add>, %reduce_sum3A_4926, %reduce_sum3A_4927 [1, 2] : vector<1x8x1152xf32> to vector<1xf32>
      %reduce_sum3A_4929 = vector.shape_cast %reduce_sum3A_4928 : vector<1xf32> to vector<1x1x1xf32>
      %reduce_sum3A_4930 = vector.extract %reduce_sum3A_4929[0, 0, 0] : f32 from vector<1x1x1xf32>
      %broadcast_in_dim3A_4931 = vector.broadcast %reduce_sum3A_4930 : f32 to vector<1x1xf32>
      %mul3A_4932 = vector.broadcast %broadcast_in_dim3A_4931 : vector<1x1xf32> to vector<1x8xf32>
      %mul3A_4933 = arith.mulf %mul3A_4932, %convert_element_type3A_48 : vector<1x8xf32>
      %add3A_4934 = arith.addf %add3A_4922, %mul3A_4933 : vector<1x8xf32>
      %swap3A_4935 = arith.constant 0 : index
      %swap3A_4936 = arith.index_cast %scan3A_4780 : i32 to index
      %swap3A_4937 = arith.constant 0 : index
      %swap3A_4938 = vector.load %arg1[%swap3A_4935, %swap3A_4936, %swap3A_4937] : memref<4x512x8xf32, #tpu.memory_space<vmem>>, vector<1x1x8xf32>
      %swap3A_4939 = vector.shape_cast %swap3A_4938 : vector<1x1x8xf32> to vector<1x8xf32>
      %swap3A_4940 = vector.shape_cast %add3A_4934 : vector<1x8xf32> to vector<1x1x8xf32>
      tpu.vector_store %arg1[%swap3A_4935, %swap3A_4936, %swap3A_4937], %swap3A_4940 {strides = array<i32>} : memref<4x512x8xf32, #tpu.memory_space<vmem>>, vector<1x1x8xf32>,
      %reduce_min3A_4941 = vector.shape_cast %select_n3A_4393 : vector<8x1152xi32> to vector<1x8x1152xi32>
      %reduce_min3A_4942 = arith.constant dense<2147483647> : vector<1xi32>
      %reduce_min3A_4943 = vector.multi_reduction <minsi>, %reduce_min3A_4941, %reduce_min3A_4942 [1, 2] : vector<1x8x1152xi32> to vector<1xi32>
      %reduce_min3A_4944 = vector.shape_cast %reduce_min3A_4943 : vector<1xi32> to vector<1x1x1xi32>
      %reduce_min3A_4945 = vector.extract %reduce_min3A_4944[0, 0, 0] : i32 from vector<1x1x1xi32>
      %broadcast_in_dim3A_4946 = vector.broadcast %reduce_min3A_4945 : i32 to vector<1x1xi32>
      %eq3A_4947 = vector.broadcast %broadcast_in_dim3A_4946 : vector<1x1xi32> to vector<8x1152xi32>
      %eq3A_4948 = arith.cmpi eq, %add3A, %eq3A_4947 : vector<8x1152xi32>
      %jit3A_4949 = arith.constant 0.000000e+00 : f32
      %broadcast_in_dim3A_4950 = vector.broadcast %jit3A_4949 : f32 to vector<8x1152xf32>
      %select_n3A_4951 = arith.select %eq3A_4948, %get3A_110, %broadcast_in_dim3A_4950 : vector<8x1152xi1>, vector<8x1152xf32>
      %reduce_sum3A_4952 = vector.shape_cast %select_n3A_4951 : vector<8x1152xf32> to vector<1x8x1152xf32>
      %reduce_sum3A_4953 = arith.constant dense<0.000000e+00> : vector<1xf32>
      %reduce_sum3A_4954 = vector.multi_reduction <add>, %reduce_sum3A_4952, %reduce_sum3A_4953 [1, 2] : vector<1x8x1152xf32> to vector<1xf32>
      %reduce_sum3A_4955 = vector.shape_cast %reduce_sum3A_4954 : vector<1xf32> to vector<1x1x1xf32>
      %reduce_sum3A_4956 = vector.extract %reduce_sum3A_4955[0, 0, 0] : f32 from vector<1x1x1xf32>
      %broadcast_in_dim3A_4957 = vector.broadcast %reduce_sum3A_4956 : f32 to vector<1x1xf32>
      %jit3A_4958 = arith.constant 0.000000e+00 : f32
      %broadcast_in_dim3A_4959 = vector.broadcast %jit3A_4958 : f32 to vector<8x1152xf32>
      %select_n3A_4960 = arith.select %eq3A_4948, %get3A_120, %broadcast_in_dim3A_4959 : vector<8x1152xi1>, vector<8x1152xf32>
      %reduce_sum3A_4961 = vector.shape_cast %select_n3A_4960 : vector<8x1152xf32> to vector<1x8x1152xf32>
      %reduce_sum3A_4962 = arith.constant dense<0.000000e+00> : vector<1xf32>
      %reduce_sum3A_4963 = vector.multi_reduction <add>, %reduce_sum3A_4961, %reduce_sum3A_4962 [1, 2] : vector<1x8x1152xf32> to vector<1xf32>
      %reduce_sum3A_4964 = vector.shape_cast %reduce_sum3A_4963 : vector<1xf32> to vector<1x1x1xf32>
      %reduce_sum3A_4965 = vector.extract %reduce_sum3A_4964[0, 0, 0] : f32 from vector<1x1x1xf32>
      %broadcast_in_dim3A_4966 = vector.broadcast %reduce_sum3A_4965 : f32 to vector<1x1xf32>
      %jit3A_4967 = arith.constant 0.000000e+00 : f32
      %broadcast_in_dim3A_4968 = vector.broadcast %jit3A_4967 : f32 to vector<8x1152xf32>
      %select_n3A_4969 = arith.select %eq3A_4948, %get3A_130, %broadcast_in_dim3A_4968 : vector<8x1152xi1>, vector<8x1152xf32>
      %reduce_sum3A_4970 = vector.shape_cast %select_n3A_4969 : vector<8x1152xf32> to vector<1x8x1152xf32>
      %reduce_sum3A_4971 = arith.constant dense<0.000000e+00> : vector<1xf32>
      %reduce_sum3A_4972 = vector.multi_reduction <add>, %reduce_sum3A_4970, %reduce_sum3A_4971 [1, 2] : vector<1x8x1152xf32> to vector<1xf32>
      %reduce_sum3A_4973 = vector.shape_cast %reduce_sum3A_4972 : vector<1xf32> to vector<1x1x1xf32>
      %reduce_sum3A_4974 = vector.extract %reduce_sum3A_4973[0, 0, 0] : f32 from vector<1x1x1xf32>
      %broadcast_in_dim3A_4975 = vector.broadcast %reduce_sum3A_4974 : f32 to vector<1x1xf32>
      %jit3A_4976 = arith.constant 0.000000e+00 : f32
      %broadcast_in_dim3A_4977 = vector.broadcast %jit3A_4976 : f32 to vector<8x1152xf32>
      %select_n3A_4978 = arith.select %eq3A_4948, %get3A_135, %broadcast_in_dim3A_4977 : vector<8x1152xi1>, vector<8x1152xf32>
      %reduce_sum3A_4979 = vector.shape_cast %select_n3A_4978 : vector<8x1152xf32> to vector<1x8x1152xf32>
      %reduce_sum3A_4980 = arith.constant dense<0.000000e+00> : vector<1xf32>
      %reduce_sum3A_4981 = vector.multi_reduction <add>, %reduce_sum3A_4979, %reduce_sum3A_4980 [1, 2] : vector<1x8x1152xf32> to vector<1xf32>
      %reduce_sum3A_4982 = vector.shape_cast %reduce_sum3A_4981 : vector<1xf32> to vector<1x1x1xf32>
      %reduce_sum3A_4983 = vector.extract %reduce_sum3A_4982[0, 0, 0] : f32 from vector<1x1x1xf32>
      %broadcast_in_dim3A_4984 = vector.broadcast %reduce_sum3A_4983 : f32 to vector<1x1xf32>
      %mul3A_4985 = arith.constant 5.000000e-01 : f32
      %mul3A_4986 = vector.broadcast %mul3A_4985 : f32 to vector<1x1xf32>
      %mul3A_4987 = arith.mulf %broadcast_in_dim3A_4984, %mul3A_4986 : vector<1x1xf32>
      %sub3A_4988 = arith.subf %broadcast_in_dim3A_4957, %mul3A_4987 : vector<1x1xf32>
      %mul3A_4989 = arith.constant 5.000000e-01 : f32
      %mul3A_4990 = vector.broadcast %mul3A_4989 : f32 to vector<1x1xf32>
      %mul3A_4991 = arith.mulf %broadcast_in_dim3A_4984, %mul3A_4990 : vector<1x1xf32>
      %add3A_4992 = arith.addf %broadcast_in_dim3A_4957, %mul3A_4991 : vector<1x1xf32>
      %mul3A_4993 = arith.constant 5.000000e-01 : f32
      %mul3A_4994 = vector.broadcast %mul3A_4993 : f32 to vector<1x1xf32>
      %mul3A_4995 = arith.mulf %broadcast_in_dim3A_4975, %mul3A_4994 : vector<1x1xf32>
      %sub3A_4996 = arith.subf %broadcast_in_dim3A_4966, %mul3A_4995 : vector<1x1xf32>
      %mul3A_4997 = arith.constant 5.000000e-01 : f32
      %mul3A_4998 = vector.broadcast %mul3A_4997 : f32 to vector<1x1xf32>
      %mul3A_4999 = arith.mulf %broadcast_in_dim3A_4975, %mul3A_4998 : vector<1x1xf32>
      %add3A_5000 = arith.addf %broadcast_in_dim3A_4966, %mul3A_4999 : vector<1x1xf32>
      %sub3A_5001 = arith.subf %add3A_4992, %sub3A_4988 : vector<1x1xf32>
      %sub3A_5002 = arith.subf %add3A_5000, %sub3A_4996 : vector<1x1xf32>
      %mul3A_5003 = arith.mulf %sub3A_5001, %sub3A_5002 : vector<1x1xf32>
      %min3A_5004 = vector.broadcast %add3A_4992 : vector<1x1xf32> to vector<8x1152xf32>
      %min3A_5005 = arith.minimumf %min3A_5004, %add3A_153 : vector<8x1152xf32>
      %max3A_5006 = vector.broadcast %sub3A_4988 : vector<1x1xf32> to vector<8x1152xf32>
      %max3A_5007 = arith.maximumf %max3A_5006, %sub3A_149 : vector<8x1152xf32>
      %sub3A_5008 = arith.subf %min3A_5005, %max3A_5007 : vector<8x1152xf32>
      %max3A_5009 = arith.constant 0.000000e+00 : f32
      %max3A_5010 = vector.broadcast %max3A_5009 : f32 to vector<8x1152xf32>
      %max3A_5011 = arith.maximumf %sub3A_5008, %max3A_5010 : vector<8x1152xf32>
      %min3A_5012 = vector.broadcast %add3A_5000 : vector<1x1xf32> to vector<8x1152xf32>
      %min3A_5013 = arith.minimumf %min3A_5012, %add3A_161 : vector<8x1152xf32>
      %max3A_5014 = vector.broadcast %sub3A_4996 : vector<1x1xf32> to vector<8x1152xf32>
      %max3A_5015 = arith.maximumf %max3A_5014, %sub3A_157 : vector<8x1152xf32>
      %sub3A_5016 = arith.subf %min3A_5013, %max3A_5015 : vector<8x1152xf32>
      %max3A_5017 = arith.constant 0.000000e+00 : f32
      %max3A_5018 = vector.broadcast %max3A_5017 : f32 to vector<8x1152xf32>
      %max3A_5019 = arith.maximumf %sub3A_5016, %max3A_5018 : vector<8x1152xf32>
      %mul3A_5020 = arith.mulf %max3A_5011, %max3A_5019 : vector<8x1152xf32>
      %add3A_5021 = vector.broadcast %mul3A_5003 : vector<1x1xf32> to vector<8x1152xf32>
      %add3A_5022 = arith.addf %add3A_5021, %mul3A_164 : vector<8x1152xf32>
      %sub3A_5023 = arith.subf %add3A_5022, %mul3A_5020 : vector<8x1152xf32>
      %max3A_5024 = arith.constant 9.99999997E-7 : f32
      %max3A_5025 = vector.broadcast %max3A_5024 : f32 to vector<8x1152xf32>
      %max3A_5026 = arith.maximumf %sub3A_5023, %max3A_5025 : vector<8x1152xf32>
      %div3A_5027 = arith.divf %mul3A_5020, %max3A_5026 : vector<8x1152xf32>
      %le3A_5028 = arith.constant 8.500000e-01 : f32
      %le3A_5029 = vector.broadcast %le3A_5028 : f32 to vector<8x1152xf32>
      %le3A_5030 = arith.cmpf ole, %div3A_5027, %le3A_5029 : vector<8x1152xf32>
      %ne3A_5031 = vector.broadcast %broadcast_in_dim3A_4946 : vector<1x1xi32> to vector<8x1152xi32>
      %ne3A_5032 = arith.cmpi ne, %add3A, %ne3A_5031 : vector<8x1152xi32>
      %and3A_5033 = arith.andi %le3A_5030, %ne3A_5032 : vector<8x1152xi1>
      %broadcast_in_dim3A_5034 = vector.broadcast %scan3A : i32 to vector<8x1152xi32>
      %select_n3A_5035 = arith.select %and3A_5033, %select_n3A_4393, %broadcast_in_dim3A_5034 : vector<8x1152xi1>, vector<8x1152xi32>
      %mul3A_5036 = vector.broadcast %broadcast_in_dim3A_4957 : vector<1x1xf32> to vector<1x8xf32>
      %mul3A_5037 = arith.mulf %mul3A_5036, %convert_element_type3A_6 : vector<1x8xf32>
      %jit3A_5038 = arith.constant 0.000000e+00 : f32
      %broadcast_in_dim3A_5039 = vector.broadcast %jit3A_5038 : f32 to vector<8x1152xf32>
      %select_n3A_5040 = arith.select %eq3A_4948, %get3A_115, %broadcast_in_dim3A_5039 : vector<8x1152xi1>, vector<8x1152xf32>
      %reduce_sum3A_5041 = vector.shape_cast %select_n3A_5040 : vector<8x1152xf32> to vector<1x8x1152xf32>
      %reduce_sum3A_5042 = arith.constant dense<0.000000e+00> : vector<1xf32>
      %reduce_sum3A_5043 = vector.multi_reduction <add>, %reduce_sum3A_5041, %reduce_sum3A_5042 [1, 2] : vector<1x8x1152xf32> to vector<1xf32>
      %reduce_sum3A_5044 = vector.shape_cast %reduce_sum3A_5043 : vector<1xf32> to vector<1x1x1xf32>
      %reduce_sum3A_5045 = vector.extract %reduce_sum3A_5044[0, 0, 0] : f32 from vector<1x1x1xf32>
      %broadcast_in_dim3A_5046 = vector.broadcast %reduce_sum3A_5045 : f32 to vector<1x1xf32>
      %mul3A_5047 = vector.broadcast %broadcast_in_dim3A_5046 : vector<1x1xf32> to vector<1x8xf32>
      %mul3A_5048 = arith.mulf %mul3A_5047, %convert_element_type3A_12 : vector<1x8xf32>
      %add3A_5049 = arith.addf %mul3A_5037, %mul3A_5048 : vector<1x8xf32>
      %mul3A_5050 = vector.broadcast %broadcast_in_dim3A_4966 : vector<1x1xf32> to vector<1x8xf32>
      %mul3A_5051 = arith.mulf %mul3A_5050, %convert_element_type3A_18 : vector<1x8xf32>
      %add3A_5052 = arith.addf %add3A_5049, %mul3A_5051 : vector<1x8xf32>
      %jit3A_5053 = arith.constant 0.000000e+00 : f32
      %broadcast_in_dim3A_5054 = vector.broadcast %jit3A_5053 : f32 to vector<8x1152xf32>
      %select_n3A_5055 = arith.select %eq3A_4948, %get3A_125, %broadcast_in_dim3A_5054 : vector<8x1152xi1>, vector<8x1152xf32>
      %reduce_sum3A_5056 = vector.shape_cast %select_n3A_5055 : vector<8x1152xf32> to vector<1x8x1152xf32>
      %reduce_sum3A_5057 = arith.constant dense<0.000000e+00> : vector<1xf32>
      %reduce_sum3A_5058 = vector.multi_reduction <add>, %reduce_sum3A_5056, %reduce_sum3A_5057 [1, 2] : vector<1x8x1152xf32> to vector<1xf32>
      %reduce_sum3A_5059 = vector.shape_cast %reduce_sum3A_5058 : vector<1xf32> to vector<1x1x1xf32>
      %reduce_sum3A_5060 = vector.extract %reduce_sum3A_5059[0, 0, 0] : f32 from vector<1x1x1xf32>
      %broadcast_in_dim3A_5061 = vector.broadcast %reduce_sum3A_5060 : f32 to vector<1x1xf32>
      %mul3A_5062 = vector.broadcast %broadcast_in_dim3A_5061 : vector<1x1xf32> to vector<1x8xf32>
      %mul3A_5063 = arith.mulf %mul3A_5062, %convert_element_type3A_24 : vector<1x8xf32>
      %add3A_5064 = arith.addf %add3A_5052, %mul3A_5063 : vector<1x8xf32>
      %mul3A_5065 = vector.broadcast %broadcast_in_dim3A_4975 : vector<1x1xf32> to vector<1x8xf32>
      %mul3A_5066 = arith.mulf %mul3A_5065, %convert_element_type3A_30 : vector<1x8xf32>
      %add3A_5067 = arith.addf %add3A_5064, %mul3A_5066 : vector<1x8xf32>
      %mul3A_5068 = vector.broadcast %broadcast_in_dim3A_4984 : vector<1x1xf32> to vector<1x8xf32>
      %mul3A_5069 = arith.mulf %mul3A_5068, %convert_element_type3A_36 : vector<1x8xf32>
      %add3A_5070 = arith.addf %add3A_5067, %mul3A_5069 : vector<1x8xf32>
      %jit3A_5071 = arith.constant 0.000000e+00 : f32
      %broadcast_in_dim3A_5072 = vector.broadcast %jit3A_5071 : f32 to vector<8x1152xf32>
      %select_n3A_5073 = arith.select %eq3A_4948, %get3A_140, %broadcast_in_dim3A_5072 : vector<8x1152xi1>, vector<8x1152xf32>
      %reduce_sum3A_5074 = vector.shape_cast %select_n3A_5073 : vector<8x1152xf32> to vector<1x8x1152xf32>
      %reduce_sum3A_5075 = arith.constant dense<0.000000e+00> : vector<1xf32>
      %reduce_sum3A_5076 = vector.multi_reduction <add>, %reduce_sum3A_5074, %reduce_sum3A_5075 [1, 2] : vector<1x8x1152xf32> to vector<1xf32>
      %reduce_sum3A_5077 = vector.shape_cast %reduce_sum3A_5076 : vector<1xf32> to vector<1x1x1xf32>
      %reduce_sum3A_5078 = vector.extract %reduce_sum3A_5077[0, 0, 0] : f32 from vector<1x1x1xf32>
      %broadcast_in_dim3A_5079 = vector.broadcast %reduce_sum3A_5078 : f32 to vector<1x1xf32>
      %mul3A_5080 = vector.broadcast %broadcast_in_dim3A_5079 : vector<1x1xf32> to vector<1x8xf32>
      %mul3A_5081 = arith.mulf %mul3A_5080, %convert_element_type3A_42 : vector<1x8xf32>
      %add3A_5082 = arith.addf %add3A_5070, %mul3A_5081 : vector<1x8xf32>
      %jit3A_5083 = arith.constant 0.000000e+00 : f32
      %broadcast_in_dim3A_5084 = vector.broadcast %jit3A_5083 : f32 to vector<8x1152xf32>
      %select_n3A_5085 = arith.select %eq3A_4948, %get3A_145, %broadcast_in_dim3A_5084 : vector<8x1152xi1>, vector<8x1152xf32>
      %reduce_sum3A_5086 = vector.shape_cast %select_n3A_5085 : vector<8x1152xf32> to vector<1x8x1152xf32>
      %reduce_sum3A_5087 = arith.constant dense<0.000000e+00> : vector<1xf32>
      %reduce_sum3A_5088 = vector.multi_reduction <add>, %reduce_sum3A_5086, %reduce_sum3A_5087 [1, 2] : vector<1x8x1152xf32> to vector<1xf32>
      %reduce_sum3A_5089 = vector.shape_cast %reduce_sum3A_5088 : vector<1xf32> to vector<1x1x1xf32>
      %reduce_sum3A_5090 = vector.extract %reduce_sum3A_5089[0, 0, 0] : f32 from vector<1x1x1xf32>
      %broadcast_in_dim3A_5091 = vector.broadcast %reduce_sum3A_5090 : f32 to vector<1x1xf32>
      %mul3A_5092 = vector.broadcast %broadcast_in_dim3A_5091 : vector<1x1xf32> to vector<1x8xf32>
      %mul3A_5093 = arith.mulf %mul3A_5092, %convert_element_type3A_48 : vector<1x8xf32>
      %add3A_5094 = arith.addf %add3A_5082, %mul3A_5093 : vector<1x8xf32>
      %swap3A_5095 = arith.constant 1 : index
      %swap3A_5096 = arith.index_cast %scan3A_4780 : i32 to index
      %swap3A_5097 = arith.constant 0 : index
      %swap3A_5098 = vector.load %arg1[%swap3A_5095, %swap3A_5096, %swap3A_5097] : memref<4x512x8xf32, #tpu.memory_space<vmem>>, vector<1x1x8xf32>
      %swap3A_5099 = vector.shape_cast %swap3A_5098 : vector<1x1x8xf32> to vector<1x8xf32>
      %swap3A_5100 = vector.shape_cast %add3A_5094 : vector<1x8xf32> to vector<1x1x8xf32>
      tpu.vector_store %arg1[%swap3A_5095, %swap3A_5096, %swap3A_5097], %swap3A_5100 {strides = array<i32>} : memref<4x512x8xf32, #tpu.memory_space<vmem>>, vector<1x1x8xf32>,
      %reduce_min3A_5101 = vector.shape_cast %select_n3A_4553 : vector<8x1152xi32> to vector<1x8x1152xi32>
      %reduce_min3A_5102 = arith.constant dense<2147483647> : vector<1xi32>
      %reduce_min3A_5103 = vector.multi_reduction <minsi>, %reduce_min3A_5101, %reduce_min3A_5102 [1, 2] : vector<1x8x1152xi32> to vector<1xi32>
      %reduce_min3A_5104 = vector.shape_cast %reduce_min3A_5103 : vector<1xi32> to vector<1x1x1xi32>
      %reduce_min3A_5105 = vector.extract %reduce_min3A_5104[0, 0, 0] : i32 from vector<1x1x1xi32>
      %broadcast_in_dim3A_5106 = vector.broadcast %reduce_min3A_5105 : i32 to vector<1x1xi32>
      %eq3A_5107 = vector.broadcast %broadcast_in_dim3A_5106 : vector<1x1xi32> to vector<8x1152xi32>
      %eq3A_5108 = arith.cmpi eq, %add3A, %eq3A_5107 : vector<8x1152xi32>
      %jit3A_5109 = arith.constant 0.000000e+00 : f32
      %broadcast_in_dim3A_5110 = vector.broadcast %jit3A_5109 : f32 to vector<8x1152xf32>
      %select_n3A_5111 = arith.select %eq3A_5108, %get3A_169, %broadcast_in_dim3A_5110 : vector<8x1152xi1>, vector<8x1152xf32>
      %reduce_sum3A_5112 = vector.shape_cast %select_n3A_5111 : vector<8x1152xf32> to vector<1x8x1152xf32>
      %reduce_sum3A_5113 = arith.constant dense<0.000000e+00> : vector<1xf32>
      %reduce_sum3A_5114 = vector.multi_reduction <add>, %reduce_sum3A_5112, %reduce_sum3A_5113 [1, 2] : vector<1x8x1152xf32> to vector<1xf32>
      %reduce_sum3A_5115 = vector.shape_cast %reduce_sum3A_5114 : vector<1xf32> to vector<1x1x1xf32>
      %reduce_sum3A_5116 = vector.extract %reduce_sum3A_5115[0, 0, 0] : f32 from vector<1x1x1xf32>
      %broadcast_in_dim3A_5117 = vector.broadcast %reduce_sum3A_5116 : f32 to vector<1x1xf32>
      %jit3A_5118 = arith.constant 0.000000e+00 : f32
      %broadcast_in_dim3A_5119 = vector.broadcast %jit3A_5118 : f32 to vector<8x1152xf32>
      %select_n3A_5120 = arith.select %eq3A_5108, %get3A_179, %broadcast_in_dim3A_5119 : vector<8x1152xi1>, vector<8x1152xf32>
      %reduce_sum3A_5121 = vector.shape_cast %select_n3A_5120 : vector<8x1152xf32> to vector<1x8x1152xf32>
      %reduce_sum3A_5122 = arith.constant dense<0.000000e+00> : vector<1xf32>
      %reduce_sum3A_5123 = vector.multi_reduction <add>, %reduce_sum3A_5121, %reduce_sum3A_5122 [1, 2] : vector<1x8x1152xf32> to vector<1xf32>
      %reduce_sum3A_5124 = vector.shape_cast %reduce_sum3A_5123 : vector<1xf32> to vector<1x1x1xf32>
      %reduce_sum3A_5125 = vector.extract %reduce_sum3A_5124[0, 0, 0] : f32 from vector<1x1x1xf32>
      %broadcast_in_dim3A_5126 = vector.broadcast %reduce_sum3A_5125 : f32 to vector<1x1xf32>
      %jit3A_5127 = arith.constant 0.000000e+00 : f32
      %broadcast_in_dim3A_5128 = vector.broadcast %jit3A_5127 : f32 to vector<8x1152xf32>
      %select_n3A_5129 = arith.select %eq3A_5108, %get3A_189, %broadcast_in_dim3A_5128 : vector<8x1152xi1>, vector<8x1152xf32>
      %reduce_sum3A_5130 = vector.shape_cast %select_n3A_5129 : vector<8x1152xf32> to vector<1x8x1152xf32>
      %reduce_sum3A_5131 = arith.constant dense<0.000000e+00> : vector<1xf32>
      %reduce_sum3A_5132 = vector.multi_reduction <add>, %reduce_sum3A_5130, %reduce_sum3A_5131 [1, 2] : vector<1x8x1152xf32> to vector<1xf32>
      %reduce_sum3A_5133 = vector.shape_cast %reduce_sum3A_5132 : vector<1xf32> to vector<1x1x1xf32>
      %reduce_sum3A_5134 = vector.extract %reduce_sum3A_5133[0, 0, 0] : f32 from vector<1x1x1xf32>
      %broadcast_in_dim3A_5135 = vector.broadcast %reduce_sum3A_5134 : f32 to vector<1x1xf32>
      %jit3A_5136 = arith.constant 0.000000e+00 : f32
      %broadcast_in_dim3A_5137 = vector.broadcast %jit3A_5136 : f32 to vector<8x1152xf32>
      %select_n3A_5138 = arith.select %eq3A_5108, %get3A_194, %broadcast_in_dim3A_5137 : vector<8x1152xi1>, vector<8x1152xf32>
      %reduce_sum3A_5139 = vector.shape_cast %select_n3A_5138 : vector<8x1152xf32> to vector<1x8x1152xf32>
      %reduce_sum3A_5140 = arith.constant dense<0.000000e+00> : vector<1xf32>
      %reduce_sum3A_5141 = vector.multi_reduction <add>, %reduce_sum3A_5139, %reduce_sum3A_5140 [1, 2] : vector<1x8x1152xf32> to vector<1xf32>
      %reduce_sum3A_5142 = vector.shape_cast %reduce_sum3A_5141 : vector<1xf32> to vector<1x1x1xf32>
      %reduce_sum3A_5143 = vector.extract %reduce_sum3A_5142[0, 0, 0] : f32 from vector<1x1x1xf32>
      %broadcast_in_dim3A_5144 = vector.broadcast %reduce_sum3A_5143 : f32 to vector<1x1xf32>
      %mul3A_5145 = arith.constant 5.000000e-01 : f32
      %mul3A_5146 = vector.broadcast %mul3A_5145 : f32 to vector<1x1xf32>
      %mul3A_5147 = arith.mulf %broadcast_in_dim3A_5144, %mul3A_5146 : vector<1x1xf32>
      %sub3A_5148 = arith.subf %broadcast_in_dim3A_5117, %mul3A_5147 : vector<1x1xf32>
      %mul3A_5149 = arith.constant 5.000000e-01 : f32
      %mul3A_5150 = vector.broadcast %mul3A_5149 : f32 to vector<1x1xf32>
      %mul3A_5151 = arith.mulf %broadcast_in_dim3A_5144, %mul3A_5150 : vector<1x1xf32>
      %add3A_5152 = arith.addf %broadcast_in_dim3A_5117, %mul3A_5151 : vector<1x1xf32>
      %mul3A_5153 = arith.constant 5.000000e-01 : f32
      %mul3A_5154 = vector.broadcast %mul3A_5153 : f32 to vector<1x1xf32>
      %mul3A_5155 = arith.mulf %broadcast_in_dim3A_5135, %mul3A_5154 : vector<1x1xf32>
      %sub3A_5156 = arith.subf %broadcast_in_dim3A_5126, %mul3A_5155 : vector<1x1xf32>
      %mul3A_5157 = arith.constant 5.000000e-01 : f32
      %mul3A_5158 = vector.broadcast %mul3A_5157 : f32 to vector<1x1xf32>
      %mul3A_5159 = arith.mulf %broadcast_in_dim3A_5135, %mul3A_5158 : vector<1x1xf32>
      %add3A_5160 = arith.addf %broadcast_in_dim3A_5126, %mul3A_5159 : vector<1x1xf32>
      %sub3A_5161 = arith.subf %add3A_5152, %sub3A_5148 : vector<1x1xf32>
      %sub3A_5162 = arith.subf %add3A_5160, %sub3A_5156 : vector<1x1xf32>
      %mul3A_5163 = arith.mulf %sub3A_5161, %sub3A_5162 : vector<1x1xf32>
      %min3A_5164 = vector.broadcast %add3A_5152 : vector<1x1xf32> to vector<8x1152xf32>
      %min3A_5165 = arith.minimumf %min3A_5164, %add3A_212 : vector<8x1152xf32>
      %max3A_5166 = vector.broadcast %sub3A_5148 : vector<1x1xf32> to vector<8x1152xf32>
      %max3A_5167 = arith.maximumf %max3A_5166, %sub3A_208 : vector<8x1152xf32>
      %sub3A_5168 = arith.subf %min3A_5165, %max3A_5167 : vector<8x1152xf32>
      %max3A_5169 = arith.constant 0.000000e+00 : f32
      %max3A_5170 = vector.broadcast %max3A_5169 : f32 to vector<8x1152xf32>
      %max3A_5171 = arith.maximumf %sub3A_5168, %max3A_5170 : vector<8x1152xf32>
      %min3A_5172 = vector.broadcast %add3A_5160 : vector<1x1xf32> to vector<8x1152xf32>
      %min3A_5173 = arith.minimumf %min3A_5172, %add3A_220 : vector<8x1152xf32>
      %max3A_5174 = vector.broadcast %sub3A_5156 : vector<1x1xf32> to vector<8x1152xf32>
      %max3A_5175 = arith.maximumf %max3A_5174, %sub3A_216 : vector<8x1152xf32>
      %sub3A_5176 = arith.subf %min3A_5173, %max3A_5175 : vector<8x1152xf32>
      %max3A_5177 = arith.constant 0.000000e+00 : f32
      %max3A_5178 = vector.broadcast %max3A_5177 : f32 to vector<8x1152xf32>
      %max3A_5179 = arith.maximumf %sub3A_5176, %max3A_5178 : vector<8x1152xf32>
      %mul3A_5180 = arith.mulf %max3A_5171, %max3A_5179 : vector<8x1152xf32>
      %add3A_5181 = vector.broadcast %mul3A_5163 : vector<1x1xf32> to vector<8x1152xf32>
      %add3A_5182 = arith.addf %add3A_5181, %mul3A_223 : vector<8x1152xf32>
      %sub3A_5183 = arith.subf %add3A_5182, %mul3A_5180 : vector<8x1152xf32>
      %max3A_5184 = arith.constant 9.99999997E-7 : f32
      %max3A_5185 = vector.broadcast %max3A_5184 : f32 to vector<8x1152xf32>
      %max3A_5186 = arith.maximumf %sub3A_5183, %max3A_5185 : vector<8x1152xf32>
      %div3A_5187 = arith.divf %mul3A_5180, %max3A_5186 : vector<8x1152xf32>
      %le3A_5188 = arith.constant 8.500000e-01 : f32
      %le3A_5189 = vector.broadcast %le3A_5188 : f32 to vector<8x1152xf32>
      %le3A_5190 = arith.cmpf ole, %div3A_5187, %le3A_5189 : vector<8x1152xf32>
      %ne3A_5191 = vector.broadcast %broadcast_in_dim3A_5106 : vector<1x1xi32> to vector<8x1152xi32>
      %ne3A_5192 = arith.cmpi ne, %add3A, %ne3A_5191 : vector<8x1152xi32>
      %and3A_5193 = arith.andi %le3A_5190, %ne3A_5192 : vector<8x1152xi1>
      %broadcast_in_dim3A_5194 = vector.broadcast %scan3A : i32 to vector<8x1152xi32>
      %select_n3A_5195 = arith.select %and3A_5193, %select_n3A_4553, %broadcast_in_dim3A_5194 : vector<8x1152xi1>, vector<8x1152xi32>
      %mul3A_5196 = vector.broadcast %broadcast_in_dim3A_5117 : vector<1x1xf32> to vector<1x8xf32>
      %mul3A_5197 = arith.mulf %mul3A_5196, %convert_element_type3A_6 : vector<1x8xf32>
      %jit3A_5198 = arith.constant 0.000000e+00 : f32
      %broadcast_in_dim3A_5199 = vector.broadcast %jit3A_5198 : f32 to vector<8x1152xf32>
      %select_n3A_5200 = arith.select %eq3A_5108, %get3A_174, %broadcast_in_dim3A_5199 : vector<8x1152xi1>, vector<8x1152xf32>
      %reduce_sum3A_5201 = vector.shape_cast %select_n3A_5200 : vector<8x1152xf32> to vector<1x8x1152xf32>
      %reduce_sum3A_5202 = arith.constant dense<0.000000e+00> : vector<1xf32>
      %reduce_sum3A_5203 = vector.multi_reduction <add>, %reduce_sum3A_5201, %reduce_sum3A_5202 [1, 2] : vector<1x8x1152xf32> to vector<1xf32>
      %reduce_sum3A_5204 = vector.shape_cast %reduce_sum3A_5203 : vector<1xf32> to vector<1x1x1xf32>
      %reduce_sum3A_5205 = vector.extract %reduce_sum3A_5204[0, 0, 0] : f32 from vector<1x1x1xf32>
      %broadcast_in_dim3A_5206 = vector.broadcast %reduce_sum3A_5205 : f32 to vector<1x1xf32>
      %mul3A_5207 = vector.broadcast %broadcast_in_dim3A_5206 : vector<1x1xf32> to vector<1x8xf32>
      %mul3A_5208 = arith.mulf %mul3A_5207, %convert_element_type3A_12 : vector<1x8xf32>
      %add3A_5209 = arith.addf %mul3A_5197, %mul3A_5208 : vector<1x8xf32>
      %mul3A_5210 = vector.broadcast %broadcast_in_dim3A_5126 : vector<1x1xf32> to vector<1x8xf32>
      %mul3A_5211 = arith.mulf %mul3A_5210, %convert_element_type3A_18 : vector<1x8xf32>
      %add3A_5212 = arith.addf %add3A_5209, %mul3A_5211 : vector<1x8xf32>
      %jit3A_5213 = arith.constant 0.000000e+00 : f32
      %broadcast_in_dim3A_5214 = vector.broadcast %jit3A_5213 : f32 to vector<8x1152xf32>
      %select_n3A_5215 = arith.select %eq3A_5108, %get3A_184, %broadcast_in_dim3A_5214 : vector<8x1152xi1>, vector<8x1152xf32>
      %reduce_sum3A_5216 = vector.shape_cast %select_n3A_5215 : vector<8x1152xf32> to vector<1x8x1152xf32>
      %reduce_sum3A_5217 = arith.constant dense<0.000000e+00> : vector<1xf32>
      %reduce_sum3A_5218 = vector.multi_reduction <add>, %reduce_sum3A_5216, %reduce_sum3A_5217 [1, 2] : vector<1x8x1152xf32> to vector<1xf32>
      %reduce_sum3A_5219 = vector.shape_cast %reduce_sum3A_5218 : vector<1xf32> to vector<1x1x1xf32>
      %reduce_sum3A_5220 = vector.extract %reduce_sum3A_5219[0, 0, 0] : f32 from vector<1x1x1xf32>
      %broadcast_in_dim3A_5221 = vector.broadcast %reduce_sum3A_5220 : f32 to vector<1x1xf32>
      %mul3A_5222 = vector.broadcast %broadcast_in_dim3A_5221 : vector<1x1xf32> to vector<1x8xf32>
      %mul3A_5223 = arith.mulf %mul3A_5222, %convert_element_type3A_24 : vector<1x8xf32>
      %add3A_5224 = arith.addf %add3A_5212, %mul3A_5223 : vector<1x8xf32>
      %mul3A_5225 = vector.broadcast %broadcast_in_dim3A_5135 : vector<1x1xf32> to vector<1x8xf32>
      %mul3A_5226 = arith.mulf %mul3A_5225, %convert_element_type3A_30 : vector<1x8xf32>
      %add3A_5227 = arith.addf %add3A_5224, %mul3A_5226 : vector<1x8xf32>
      %mul3A_5228 = vector.broadcast %broadcast_in_dim3A_5144 : vector<1x1xf32> to vector<1x8xf32>
      %mul3A_5229 = arith.mulf %mul3A_5228, %convert_element_type3A_36 : vector<1x8xf32>
      %add3A_5230 = arith.addf %add3A_5227, %mul3A_5229 : vector<1x8xf32>
      %jit3A_5231 = arith.constant 0.000000e+00 : f32
      %broadcast_in_dim3A_5232 = vector.broadcast %jit3A_5231 : f32 to vector<8x1152xf32>
      %select_n3A_5233 = arith.select %eq3A_5108, %get3A_199, %broadcast_in_dim3A_5232 : vector<8x1152xi1>, vector<8x1152xf32>
      %reduce_sum3A_5234 = vector.shape_cast %select_n3A_5233 : vector<8x1152xf32> to vector<1x8x1152xf32>
      %reduce_sum3A_5235 = arith.constant dense<0.000000e+00> : vector<1xf32>
      %reduce_sum3A_5236 = vector.multi_reduction <add>, %reduce_sum3A_5234, %reduce_sum3A_5235 [1, 2] : vector<1x8x1152xf32> to vector<1xf32>
      %reduce_sum3A_5237 = vector.shape_cast %reduce_sum3A_5236 : vector<1xf32> to vector<1x1x1xf32>
      %reduce_sum3A_5238 = vector.extract %reduce_sum3A_5237[0, 0, 0] : f32 from vector<1x1x1xf32>
      %broadcast_in_dim3A_5239 = vector.broadcast %reduce_sum3A_5238 : f32 to vector<1x1xf32>
      %mul3A_5240 = vector.broadcast %broadcast_in_dim3A_5239 : vector<1x1xf32> to vector<1x8xf32>
      %mul3A_5241 = arith.mulf %mul3A_5240, %convert_element_type3A_42 : vector<1x8xf32>
      %add3A_5242 = arith.addf %add3A_5230, %mul3A_5241 : vector<1x8xf32>
      %jit3A_5243 = arith.constant 0.000000e+00 : f32
      %broadcast_in_dim3A_5244 = vector.broadcast %jit3A_5243 : f32 to vector<8x1152xf32>
      %select_n3A_5245 = arith.select %eq3A_5108, %get3A_204, %broadcast_in_dim3A_5244 : vector<8x1152xi1>, vector<8x1152xf32>
      %reduce_sum3A_5246 = vector.shape_cast %select_n3A_5245 : vector<8x1152xf32> to vector<1x8x1152xf32>
      %reduce_sum3A_5247 = arith.constant dense<0.000000e+00> : vector<1xf32>
      %reduce_sum3A_5248 = vector.multi_reduction <add>, %reduce_sum3A_5246, %reduce_sum3A_5247 [1, 2] : vector<1x8x1152xf32> to vector<1xf32>
      %reduce_sum3A_5249 = vector.shape_cast %reduce_sum3A_5248 : vector<1xf32> to vector<1x1x1xf32>
      %reduce_sum3A_5250 = vector.extract %reduce_sum3A_5249[0, 0, 0] : f32 from vector<1x1x1xf32>
      %broadcast_in_dim3A_5251 = vector.broadcast %reduce_sum3A_5250 : f32 to vector<1x1xf32>
      %mul3A_5252 = vector.broadcast %broadcast_in_dim3A_5251 : vector<1x1xf32> to vector<1x8xf32>
      %mul3A_5253 = arith.mulf %mul3A_5252, %convert_element_type3A_48 : vector<1x8xf32>
      %add3A_5254 = arith.addf %add3A_5242, %mul3A_5253 : vector<1x8xf32>
      %swap3A_5255 = arith.constant 2 : index
      %swap3A_5256 = arith.index_cast %scan3A_4780 : i32 to index
      %swap3A_5257 = arith.constant 0 : index
      %swap3A_5258 = vector.load %arg1[%swap3A_5255, %swap3A_5256, %swap3A_5257] : memref<4x512x8xf32, #tpu.memory_space<vmem>>, vector<1x1x8xf32>
      %swap3A_5259 = vector.shape_cast %swap3A_5258 : vector<1x1x8xf32> to vector<1x8xf32>
      %swap3A_5260 = vector.shape_cast %add3A_5254 : vector<1x8xf32> to vector<1x1x8xf32>
      tpu.vector_store %arg1[%swap3A_5255, %swap3A_5256, %swap3A_5257], %swap3A_5260 {strides = array<i32>} : memref<4x512x8xf32, #tpu.memory_space<vmem>>, vector<1x1x8xf32>,
      %reduce_min3A_5261 = vector.shape_cast %select_n3A_4713 : vector<8x1152xi32> to vector<1x8x1152xi32>
      %reduce_min3A_5262 = arith.constant dense<2147483647> : vector<1xi32>
      %reduce_min3A_5263 = vector.multi_reduction <minsi>, %reduce_min3A_5261, %reduce_min3A_5262 [1, 2] : vector<1x8x1152xi32> to vector<1xi32>
      %reduce_min3A_5264 = vector.shape_cast %reduce_min3A_5263 : vector<1xi32> to vector<1x1x1xi32>
      %reduce_min3A_5265 = vector.extract %reduce_min3A_5264[0, 0, 0] : i32 from vector<1x1x1xi32>
      %broadcast_in_dim3A_5266 = vector.broadcast %reduce_min3A_5265 : i32 to vector<1x1xi32>
      %eq3A_5267 = vector.broadcast %broadcast_in_dim3A_5266 : vector<1x1xi32> to vector<8x1152xi32>
      %eq3A_5268 = arith.cmpi eq, %add3A, %eq3A_5267 : vector<8x1152xi32>
      %jit3A_5269 = arith.constant 0.000000e+00 : f32
      %broadcast_in_dim3A_5270 = vector.broadcast %jit3A_5269 : f32 to vector<8x1152xf32>
      %select_n3A_5271 = arith.select %eq3A_5268, %get3A_228, %broadcast_in_dim3A_5270 : vector<8x1152xi1>, vector<8x1152xf32>
      %reduce_sum3A_5272 = vector.shape_cast %select_n3A_5271 : vector<8x1152xf32> to vector<1x8x1152xf32>
      %reduce_sum3A_5273 = arith.constant dense<0.000000e+00> : vector<1xf32>
      %reduce_sum3A_5274 = vector.multi_reduction <add>, %reduce_sum3A_5272, %reduce_sum3A_5273 [1, 2] : vector<1x8x1152xf32> to vector<1xf32>
      %reduce_sum3A_5275 = vector.shape_cast %reduce_sum3A_5274 : vector<1xf32> to vector<1x1x1xf32>
      %reduce_sum3A_5276 = vector.extract %reduce_sum3A_5275[0, 0, 0] : f32 from vector<1x1x1xf32>
      %broadcast_in_dim3A_5277 = vector.broadcast %reduce_sum3A_5276 : f32 to vector<1x1xf32>
      %jit3A_5278 = arith.constant 0.000000e+00 : f32
      %broadcast_in_dim3A_5279 = vector.broadcast %jit3A_5278 : f32 to vector<8x1152xf32>
      %select_n3A_5280 = arith.select %eq3A_5268, %get3A_238, %broadcast_in_dim3A_5279 : vector<8x1152xi1>, vector<8x1152xf32>
      %reduce_sum3A_5281 = vector.shape_cast %select_n3A_5280 : vector<8x1152xf32> to vector<1x8x1152xf32>
      %reduce_sum3A_5282 = arith.constant dense<0.000000e+00> : vector<1xf32>
      %reduce_sum3A_5283 = vector.multi_reduction <add>, %reduce_sum3A_5281, %reduce_sum3A_5282 [1, 2] : vector<1x8x1152xf32> to vector<1xf32>
      %reduce_sum3A_5284 = vector.shape_cast %reduce_sum3A_5283 : vector<1xf32> to vector<1x1x1xf32>
      %reduce_sum3A_5285 = vector.extract %reduce_sum3A_5284[0, 0, 0] : f32 from vector<1x1x1xf32>
      %broadcast_in_dim3A_5286 = vector.broadcast %reduce_sum3A_5285 : f32 to vector<1x1xf32>
      %jit3A_5287 = arith.constant 0.000000e+00 : f32
      %broadcast_in_dim3A_5288 = vector.broadcast %jit3A_5287 : f32 to vector<8x1152xf32>
      %select_n3A_5289 = arith.select %eq3A_5268, %get3A_248, %broadcast_in_dim3A_5288 : vector<8x1152xi1>, vector<8x1152xf32>
      %reduce_sum3A_5290 = vector.shape_cast %select_n3A_5289 : vector<8x1152xf32> to vector<1x8x1152xf32>
      %reduce_sum3A_5291 = arith.constant dense<0.000000e+00> : vector<1xf32>
      %reduce_sum3A_5292 = vector.multi_reduction <add>, %reduce_sum3A_5290, %reduce_sum3A_5291 [1, 2] : vector<1x8x1152xf32> to vector<1xf32>
      %reduce_sum3A_5293 = vector.shape_cast %reduce_sum3A_5292 : vector<1xf32> to vector<1x1x1xf32>
      %reduce_sum3A_5294 = vector.extract %reduce_sum3A_5293[0, 0, 0] : f32 from vector<1x1x1xf32>
      %broadcast_in_dim3A_5295 = vector.broadcast %reduce_sum3A_5294 : f32 to vector<1x1xf32>
      %jit3A_5296 = arith.constant 0.000000e+00 : f32
      %broadcast_in_dim3A_5297 = vector.broadcast %jit3A_5296 : f32 to vector<8x1152xf32>
      %select_n3A_5298 = arith.select %eq3A_5268, %get3A_253, %broadcast_in_dim3A_5297 : vector<8x1152xi1>, vector<8x1152xf32>
      %reduce_sum3A_5299 = vector.shape_cast %select_n3A_5298 : vector<8x1152xf32> to vector<1x8x1152xf32>
      %reduce_sum3A_5300 = arith.constant dense<0.000000e+00> : vector<1xf32>
      %reduce_sum3A_5301 = vector.multi_reduction <add>, %reduce_sum3A_5299, %reduce_sum3A_5300 [1, 2] : vector<1x8x1152xf32> to vector<1xf32>
      %reduce_sum3A_5302 = vector.shape_cast %reduce_sum3A_5301 : vector<1xf32> to vector<1x1x1xf32>
      %reduce_sum3A_5303 = vector.extract %reduce_sum3A_5302[0, 0, 0] : f32 from vector<1x1x1xf32>
      %broadcast_in_dim3A_5304 = vector.broadcast %reduce_sum3A_5303 : f32 to vector<1x1xf32>
      %mul3A_5305 = arith.constant 5.000000e-01 : f32
      %mul3A_5306 = vector.broadcast %mul3A_5305 : f32 to vector<1x1xf32>
      %mul3A_5307 = arith.mulf %broadcast_in_dim3A_5304, %mul3A_5306 : vector<1x1xf32>
      %sub3A_5308 = arith.subf %broadcast_in_dim3A_5277, %mul3A_5307 : vector<1x1xf32>
      %mul3A_5309 = arith.constant 5.000000e-01 : f32
      %mul3A_5310 = vector.broadcast %mul3A_5309 : f32 to vector<1x1xf32>
      %mul3A_5311 = arith.mulf %broadcast_in_dim3A_5304, %mul3A_5310 : vector<1x1xf32>
      %add3A_5312 = arith.addf %broadcast_in_dim3A_5277, %mul3A_5311 : vector<1x1xf32>
      %mul3A_5313 = arith.constant 5.000000e-01 : f32
      %mul3A_5314 = vector.broadcast %mul3A_5313 : f32 to vector<1x1xf32>
      %mul3A_5315 = arith.mulf %broadcast_in_dim3A_5295, %mul3A_5314 : vector<1x1xf32>
      %sub3A_5316 = arith.subf %broadcast_in_dim3A_5286, %mul3A_5315 : vector<1x1xf32>
      %mul3A_5317 = arith.constant 5.000000e-01 : f32
      %mul3A_5318 = vector.broadcast %mul3A_5317 : f32 to vector<1x1xf32>
      %mul3A_5319 = arith.mulf %broadcast_in_dim3A_5295, %mul3A_5318 : vector<1x1xf32>
      %add3A_5320 = arith.addf %broadcast_in_dim3A_5286, %mul3A_5319 : vector<1x1xf32>
      %sub3A_5321 = arith.subf %add3A_5312, %sub3A_5308 : vector<1x1xf32>
      %sub3A_5322 = arith.subf %add3A_5320, %sub3A_5316 : vector<1x1xf32>
      %mul3A_5323 = arith.mulf %sub3A_5321, %sub3A_5322 : vector<1x1xf32>
      %min3A_5324 = vector.broadcast %add3A_5312 : vector<1x1xf32> to vector<8x1152xf32>
      %min3A_5325 = arith.minimumf %min3A_5324, %add3A_271 : vector<8x1152xf32>
      %max3A_5326 = vector.broadcast %sub3A_5308 : vector<1x1xf32> to vector<8x1152xf32>
      %max3A_5327 = arith.maximumf %max3A_5326, %sub3A_267 : vector<8x1152xf32>
      %sub3A_5328 = arith.subf %min3A_5325, %max3A_5327 : vector<8x1152xf32>
      %max3A_5329 = arith.constant 0.000000e+00 : f32
      %max3A_5330 = vector.broadcast %max3A_5329 : f32 to vector<8x1152xf32>
      %max3A_5331 = arith.maximumf %sub3A_5328, %max3A_5330 : vector<8x1152xf32>
      %min3A_5332 = vector.broadcast %add3A_5320 : vector<1x1xf32> to vector<8x1152xf32>
      %min3A_5333 = arith.minimumf %min3A_5332, %add3A_279 : vector<8x1152xf32>
      %max3A_5334 = vector.broadcast %sub3A_5316 : vector<1x1xf32> to vector<8x1152xf32>
      %max3A_5335 = arith.maximumf %max3A_5334, %sub3A_275 : vector<8x1152xf32>
      %sub3A_5336 = arith.subf %min3A_5333, %max3A_5335 : vector<8x1152xf32>
      %max3A_5337 = arith.constant 0.000000e+00 : f32
      %max3A_5338 = vector.broadcast %max3A_5337 : f32 to vector<8x1152xf32>
      %max3A_5339 = arith.maximumf %sub3A_5336, %max3A_5338 : vector<8x1152xf32>
      %mul3A_5340 = arith.mulf %max3A_5331, %max3A_5339 : vector<8x1152xf32>
      %add3A_5341 = vector.broadcast %mul3A_5323 : vector<1x1xf32> to vector<8x1152xf32>
      %add3A_5342 = arith.addf %add3A_5341, %mul3A_282 : vector<8x1152xf32>
      %sub3A_5343 = arith.subf %add3A_5342, %mul3A_5340 : vector<8x1152xf32>
      %max3A_5344 = arith.constant 9.99999997E-7 : f32
      %max3A_5345 = vector.broadcast %max3A_5344 : f32 to vector<8x1152xf32>
      %max3A_5346 = arith.maximumf %sub3A_5343, %max3A_5345 : vector<8x1152xf32>
      %div3A_5347 = arith.divf %mul3A_5340, %max3A_5346 : vector<8x1152xf32>
      %le3A_5348 = arith.constant 8.500000e-01 : f32
      %le3A_5349 = vector.broadcast %le3A_5348 : f32 to vector<8x1152xf32>
      %le3A_5350 = arith.cmpf ole, %div3A_5347, %le3A_5349 : vector<8x1152xf32>
      %ne3A_5351 = vector.broadcast %broadcast_in_dim3A_5266 : vector<1x1xi32> to vector<8x1152xi32>
      %ne3A_5352 = arith.cmpi ne, %add3A, %ne3A_5351 : vector<8x1152xi32>
      %and3A_5353 = arith.andi %le3A_5350, %ne3A_5352 : vector<8x1152xi1>
      %broadcast_in_dim3A_5354 = vector.broadcast %scan3A : i32 to vector<8x1152xi32>
      %select_n3A_5355 = arith.select %and3A_5353, %select_n3A_4713, %broadcast_in_dim3A_5354 : vector<8x1152xi1>, vector<8x1152xi32>
      %mul3A_5356 = vector.broadcast %broadcast_in_dim3A_5277 : vector<1x1xf32> to vector<1x8xf32>
      %mul3A_5357 = arith.mulf %mul3A_5356, %convert_element_type3A_6 : vector<1x8xf32>
      %jit3A_5358 = arith.constant 0.000000e+00 : f32
      %broadcast_in_dim3A_5359 = vector.broadcast %jit3A_5358 : f32 to vector<8x1152xf32>
      %select_n3A_5360 = arith.select %eq3A_5268, %get3A_233, %broadcast_in_dim3A_5359 : vector<8x1152xi1>, vector<8x1152xf32>
      %reduce_sum3A_5361 = vector.shape_cast %select_n3A_5360 : vector<8x1152xf32> to vector<1x8x1152xf32>
      %reduce_sum3A_5362 = arith.constant dense<0.000000e+00> : vector<1xf32>
      %reduce_sum3A_5363 = vector.multi_reduction <add>, %reduce_sum3A_5361, %reduce_sum3A_5362 [1, 2] : vector<1x8x1152xf32> to vector<1xf32>
      %reduce_sum3A_5364 = vector.shape_cast %reduce_sum3A_5363 : vector<1xf32> to vector<1x1x1xf32>
      %reduce_sum3A_5365 = vector.extract %reduce_sum3A_5364[0, 0, 0] : f32 from vector<1x1x1xf32>
      %broadcast_in_dim3A_5366 = vector.broadcast %reduce_sum3A_5365 : f32 to vector<1x1xf32>
      %mul3A_5367 = vector.broadcast %broadcast_in_dim3A_5366 : vector<1x1xf32> to vector<1x8xf32>
      %mul3A_5368 = arith.mulf %mul3A_5367, %convert_element_type3A_12 : vector<1x8xf32>
      %add3A_5369 = arith.addf %mul3A_5357, %mul3A_5368 : vector<1x8xf32>
      %mul3A_5370 = vector.broadcast %broadcast_in_dim3A_5286 : vector<1x1xf32> to vector<1x8xf32>
      %mul3A_5371 = arith.mulf %mul3A_5370, %convert_element_type3A_18 : vector<1x8xf32>
      %add3A_5372 = arith.addf %add3A_5369, %mul3A_5371 : vector<1x8xf32>
      %jit3A_5373 = arith.constant 0.000000e+00 : f32
      %broadcast_in_dim3A_5374 = vector.broadcast %jit3A_5373 : f32 to vector<8x1152xf32>
      %select_n3A_5375 = arith.select %eq3A_5268, %get3A_243, %broadcast_in_dim3A_5374 : vector<8x1152xi1>, vector<8x1152xf32>
      %reduce_sum3A_5376 = vector.shape_cast %select_n3A_5375 : vector<8x1152xf32> to vector<1x8x1152xf32>
      %reduce_sum3A_5377 = arith.constant dense<0.000000e+00> : vector<1xf32>
      %reduce_sum3A_5378 = vector.multi_reduction <add>, %reduce_sum3A_5376, %reduce_sum3A_5377 [1, 2] : vector<1x8x1152xf32> to vector<1xf32>
      %reduce_sum3A_5379 = vector.shape_cast %reduce_sum3A_5378 : vector<1xf32> to vector<1x1x1xf32>
      %reduce_sum3A_5380 = vector.extract %reduce_sum3A_5379[0, 0, 0] : f32 from vector<1x1x1xf32>
      %broadcast_in_dim3A_5381 = vector.broadcast %reduce_sum3A_5380 : f32 to vector<1x1xf32>
      %mul3A_5382 = vector.broadcast %broadcast_in_dim3A_5381 : vector<1x1xf32> to vector<1x8xf32>
      %mul3A_5383 = arith.mulf %mul3A_5382, %convert_element_type3A_24 : vector<1x8xf32>
      %add3A_5384 = arith.addf %add3A_5372, %mul3A_5383 : vector<1x8xf32>
      %mul3A_5385 = vector.broadcast %broadcast_in_dim3A_5295 : vector<1x1xf32> to vector<1x8xf32>
      %mul3A_5386 = arith.mulf %mul3A_5385, %convert_element_type3A_30 : vector<1x8xf32>
      %add3A_5387 = arith.addf %add3A_5384, %mul3A_5386 : vector<1x8xf32>
      %mul3A_5388 = vector.broadcast %broadcast_in_dim3A_5304 : vector<1x1xf32> to vector<1x8xf32>
      %mul3A_5389 = arith.mulf %mul3A_5388, %convert_element_type3A_36 : vector<1x8xf32>
      %add3A_5390 = arith.addf %add3A_5387, %mul3A_5389 : vector<1x8xf32>
      %jit3A_5391 = arith.constant 0.000000e+00 : f32
      %broadcast_in_dim3A_5392 = vector.broadcast %jit3A_5391 : f32 to vector<8x1152xf32>
      %select_n3A_5393 = arith.select %eq3A_5268, %get3A_258, %broadcast_in_dim3A_5392 : vector<8x1152xi1>, vector<8x1152xf32>
      %reduce_sum3A_5394 = vector.shape_cast %select_n3A_5393 : vector<8x1152xf32> to vector<1x8x1152xf32>
      %reduce_sum3A_5395 = arith.constant dense<0.000000e+00> : vector<1xf32>
      %reduce_sum3A_5396 = vector.multi_reduction <add>, %reduce_sum3A_5394, %reduce_sum3A_5395 [1, 2] : vector<1x8x1152xf32> to vector<1xf32>
      %reduce_sum3A_5397 = vector.shape_cast %reduce_sum3A_5396 : vector<1xf32> to vector<1x1x1xf32>
      %reduce_sum3A_5398 = vector.extract %reduce_sum3A_5397[0, 0, 0] : f32 from vector<1x1x1xf32>
      %broadcast_in_dim3A_5399 = vector.broadcast %reduce_sum3A_5398 : f32 to vector<1x1xf32>
      %mul3A_5400 = vector.broadcast %broadcast_in_dim3A_5399 : vector<1x1xf32> to vector<1x8xf32>
      %mul3A_5401 = arith.mulf %mul3A_5400, %convert_element_type3A_42 : vector<1x8xf32>
      %add3A_5402 = arith.addf %add3A_5390, %mul3A_5401 : vector<1x8xf32>
      %jit3A_5403 = arith.constant 0.000000e+00 : f32
      %broadcast_in_dim3A_5404 = vector.broadcast %jit3A_5403 : f32 to vector<8x1152xf32>
      %select_n3A_5405 = arith.select %eq3A_5268, %get3A_263, %broadcast_in_dim3A_5404 : vector<8x1152xi1>, vector<8x1152xf32>
      %reduce_sum3A_5406 = vector.shape_cast %select_n3A_5405 : vector<8x1152xf32> to vector<1x8x1152xf32>
      %reduce_sum3A_5407 = arith.constant dense<0.000000e+00> : vector<1xf32>
      %reduce_sum3A_5408 = vector.multi_reduction <add>, %reduce_sum3A_5406, %reduce_sum3A_5407 [1, 2] : vector<1x8x1152xf32> to vector<1xf32>
      %reduce_sum3A_5409 = vector.shape_cast %reduce_sum3A_5408 : vector<1xf32> to vector<1x1x1xf32>
      %reduce_sum3A_5410 = vector.extract %reduce_sum3A_5409[0, 0, 0] : f32 from vector<1x1x1xf32>
      %broadcast_in_dim3A_5411 = vector.broadcast %reduce_sum3A_5410 : f32 to vector<1x1xf32>
      %mul3A_5412 = vector.broadcast %broadcast_in_dim3A_5411 : vector<1x1xf32> to vector<1x8xf32>
      %mul3A_5413 = arith.mulf %mul3A_5412, %convert_element_type3A_48 : vector<1x8xf32>
      %add3A_5414 = arith.addf %add3A_5402, %mul3A_5413 : vector<1x8xf32>
      %swap3A_5415 = arith.constant 3 : index
      %swap3A_5416 = arith.index_cast %scan3A_4780 : i32 to index
      %swap3A_5417 = arith.constant 0 : index
      %swap3A_5418 = vector.load %arg1[%swap3A_5415, %swap3A_5416, %swap3A_5417] : memref<4x512x8xf32, #tpu.memory_space<vmem>>, vector<1x1x8xf32>
      %swap3A_5419 = vector.shape_cast %swap3A_5418 : vector<1x1x8xf32> to vector<1x8xf32>
      %swap3A_5420 = vector.shape_cast %add3A_5414 : vector<1x8xf32> to vector<1x1x8xf32>
      tpu.vector_store %arg1[%swap3A_5415, %swap3A_5416, %swap3A_5417], %swap3A_5420 {strides = array<i32>} : memref<4x512x8xf32, #tpu.memory_space<vmem>>, vector<1x1x8xf32>,
      scf.yield %select_n3A_4875, %select_n3A_5035, %select_n3A_5195, %select_n3A_5355 : vector<8x1152xi32>, vector<8x1152xi32>, vector<8x1152xi32>, vector<8x1152xi32>
    }
    %scan3A_290 = arith.constant 512 : i32
    return
  }
}

</mosaic_0001>

<sc_bundles>
// kernel: gather_offload_async_start
scs
__scs_entry_jumppad:
0x0: {  	(pc) =	sbr.rel $0x88, $3  }
0x1: {  	(tag) =	ssettag $0x0;
	lr =	simm.s32 $0x1  }
0x2: {  	[smem:$0x3F9E] =	sst lr;
	_ =	strace $0xD0000000  }
0x3: {  	_ = 	snop  }
0x4: {  	_ = 	snop  }
0x5: {  	_ = 	snop  }
0x6: {  	_ = 	snop  }
0x7: {  	_ = 	snop  }
__scs_overlays_trampoline_lowered:
0x8: {  	[smem:$0x3FAD] =	sst s0  }
0x9: {  	[smem:$0x3FAE] =	sst s1  }
0xa: {  	[smem:$0x3FAF] =	sst s2  }
0xb: {  	[smem:$0x3FB0] =	sst s3  }
0xc: {  	[smem:$0x3FB1] =	sst s4  }
0xd: {  	[smem:$0x3FB2] =	sst s5  }
0xe: {  	[smem:$0x3FB3] =	sst s6  }
0xf: {  	[smem:$0x3FB4] =	sst s7  }
0x10: {  	[smem:$0x3FB5] =	sst s8  }
0x11: {  	[smem:$0x3FB6] =	sst s9;
	s0 =	simm.s32 @!p0 $0x0  }
0x12: {  	s1 =	sld [smem:$0x3F9C];
	s0 =	simm.s32 @p0 $0x1  }
0x13: {  	[smem:$0x3FB7] =	sst s0;
	s0 =	simm.s32 @!p1 $0x0  }
0x14: {  	s2 =	sld [smem:$0x3F9B];
	s0 =	simm.s32 @p1 $0x1  }
0x15: {  	[smem:$0x3FB8] =	sst s0;
	s0 =	simm.s32 @!p2 $0x0  }
0x16: {  	s3 =	sld [smem:$0x3FDB];
	s0 =	simm.s32 @p2 $0x1  }
0x17: {  	s4 =	simm.s32 $0x1BF5;
	[smem:$0x3FBA] =	sst s0  }
0x18: {  	s0 =	sld [smem:$0x3F9D];
	_ =	swait.ge [sflag:s4], $0x0  }
0x19: {  	s7 =	sld [smem:$0x3F9E]  }
0x1a: {  	s8 =	sadd.s32 $0xFFFFE003, lr  }
0x1b: {  	s9 =	sadd.s32 $0xFFFFFEF7, lr;
	s5 =	simm.s32 $0xFFFFFFFF;
	p2 =	slt.u32 s8, $0xFFFFF086  }
0x1c: {  	p1 =	slt.u32 s9, $0xF7A;
	s5 =	simm.s32 @!p2 $0x0  }
0x1d: {  	s5 =	simm.s32 @p1 $0x1;
	p0 =	seq.s32 s7, s2  }
0x1e: {  	s7 =	smul.u32 @!p0 $0xF7A, s2;
	p2 =	seq.s32 @!p0 s5, $0x0  }
0x1f: {  	s9 =	smul.u32 $0xF7A, s1;
	s8 =	simm.s32 @!p0 $0x1BF5;
	p2 =	por !p2, p0  }
0x20: {  	[sflag:s8] =	ssyncset.s32 @!p0 $0xFFFFF086;
	s6 =	sadd.s32 @!p0 s3, s7;
	s7 =	simm.s32 @!p0 $0x108  }
0x21: {  	s3 =	sadd.s32 s3, s9;
	s6 =	sadd.s32 @!p0 $0x88, s6;
	s7 =	simm.s32 @p2 $0x1082  }
0x22: {  	[simem:s7], [sflag:s8] =	dma.local @!p0 [hbm:s6], $0xF7A  }
0x23: {  	s9 =	sor.u32 $0xD0000000, s2;
	s6 =	simm.s32 $0x108;
	_ =	swait.ge @!p0 [sflag:s8], $0x0  }
0x24: {  	s3 =	sadd.s32 $0x88, s3;
	s6 =	simm.s32 @!p1 $0x1082;
	[sflag:s4] =	ssyncset.s32 $0xFFFFF086  }
0x25: {  	[simem:s6], [sflag:s4] =	dma.local [hbm:s3], $0xF7A  }
0x26: {  	[smem:$0x3F9E] =	sst s1;
	(tag) =	ssettag s2;
	_ =	strace s9  }
0x27: {  	s1 =	sld [smem:$0x3FAE]  }
0x28: {  	s2 =	sld [smem:$0x3FAF]  }
0x29: {  	s4 =	sld [smem:$0x3FB1]  }
0x2a: {  	p0 =	seq.s32 s5, $0x0;
	s5 =	sld [smem:$0x3FB2]  }
0x2b: {  	s6 =	sld [smem:$0x3FB3]  }
0x2c: {  	s7 =	sld [smem:$0x3FB4]  }
0x2d: {  	s3 =	simm.s32 $0x108;
	s8 =	sld [smem:$0x3FB5]  }
0x2e: {  	s3 =	simm.s32 @!p0 $0x1082;
	s9 =	sld [smem:$0x3FB6]  }
0x2f: {  	lr =	sadd.s32 s0, s3;
	s0 =	sld [smem:$0x3FAD]  }
0x30: {  	s3 =	sld [smem:$0x3FB0]  }
0x31: {  	[smem:$0x3FB9] =	sst s10  }
0x32: {  	s10 =	sld [smem:$0x3FB7];
	_ =	sdelay $0x3  }
0x33: {  	p0 =	seq.s32 s10, $0x1;
	s10 =	sld [smem:$0x3FB9];
	_ =	sdelay $0x3  }
0x34: {  	[smem:$0x3FB9] =	sst s10  }
0x35: {  	s10 =	sld [smem:$0x3FB8];
	_ =	sdelay $0x3  }
0x36: {  	p1 =	seq.s32 s10, $0x1;
	s10 =	sld [smem:$0x3FB9];
	_ =	sdelay $0x3  }
0x37: {  	[smem:$0x3FB9] =	sst s10  }
0x38: {  	s10 =	sld [smem:$0x3FBA]  }
0x39: {  	_ = 	snop;
	(pc) =	sbr.ind lr, $3  }
0x3a: {  	_ = 	snop  }
0x3b: {  	_ = 	snop  }
0x3c: {  	p2 =	seq.s32 s10, $0x1;
	s10 =	sld [smem:$0x3FB9]  }
0x3d: {  	_ =	shalt  }
0x3e: {  	_ =	shalt  }
0x3f: {  	_ =	shalt  }
0x40: {  	_ =	shalt  }
0x41: {  	_ =	shalt  }
0x42: {  	_ =	shalt  }
0x43: {  	_ =	shalt  }
0x44: {  	_ =	shalt  }
0x45: {  	_ =	shalt  }
0x46: {  	_ =	shalt  }
0x47: {  	_ =	shalt  }
0x48: {  	_ =	shalt  }
0x49: {  	_ =	shalt  }
0x4a: {  	_ =	shalt  }
0x4b: {  	_ =	shalt  }
0x4c: {  	_ =	shalt  }
0x4d: {  	_ =	shalt  }
0x4e: {  	_ =	shalt  }
0x4f: {  	_ =	shalt  }
0x50: {  	_ =	shalt  }
0x51: {  	_ =	shalt  }
0x52: {  	_ =	shalt  }
0x53: {  	_ =	shalt  }
0x54: {  	_ =	shalt  }
0x55: {  	_ =	shalt  }
0x56: {  	_ =	shalt  }
0x57: {  	_ =	shalt  }
0x58: {  	_ =	shalt  }
0x59: {  	_ =	shalt  }
0x5a: {  	_ =	shalt  }
0x5b: {  	_ =	shalt  }
0x5c: {  	_ =	shalt  }
0x5d: {  	_ =	shalt  }
0x5e: {  	_ =	shalt  }
0x5f: {  	_ =	shalt  }
0x60: {  	_ =	shalt  }
0x61: {  	_ =	shalt  }
0x62: {  	_ =	shalt  }
0x63: {  	_ =	shalt  }
0x64: {  	_ =	shalt  }
0x65: {  	_ =	shalt  }
0x66: {  	_ =	shalt  }
0x67: {  	_ =	shalt  }
0x68: {  	_ =	shalt  }
0x69: {  	_ =	shalt  }
0x6a: {  	_ =	shalt  }
0x6b: {  	_ =	shalt  }
0x6c: {  	_ =	shalt  }
0x6d: {  	_ =	shalt  }
0x6e: {  	_ =	shalt  }
0x6f: {  	_ =	shalt  }
0x70: {  	_ =	shalt  }
0x71: {  	_ =	shalt  }
0x72: {  	_ =	shalt  }
0x73: {  	_ =	shalt  }
0x74: {  	_ =	shalt  }
0x75: {  	_ =	shalt  }
0x76: {  	_ =	shalt  }
0x77: {  	_ =	shalt  }
0x78: {  	_ =	shalt  }
0x79: {  	_ =	shalt  }
0x7a: {  	_ =	shalt  }
0x7b: {  	_ =	shalt  }
0x7c: {  	_ =	shalt  }
0x7d: {  	_ =	shalt  }
0x7e: {  	_ =	shalt  }
0x7f: {  	_ =	shalt  }
0x80: {  	_ =	shalt  }
0x81: {  	_ =	shalt  }
0x82: {  	_ =	shalt  }
0x83: {  	_ =	shalt  }
0x84: {  	_ =	shalt  }
0x85: {  	_ =	shalt  }
0x86: {  	_ =	shalt  }
0x87: {  	_ =	shalt  }
.Lfunc_end0:
.L_simem_size_0:
called_computation_lowered:
.L_overlay_start_0:
0x88: {  	s2 =	sld [smem:$0x3FD9]  }
0x89: {  	s3 =	sld [smem:$0x3FFE];
	_ =	sdelay $0x1  }
0x8a: {  	s1 =	srdreg.scid  }
0x8b: {  	s0 =	sand.u32 $0x1, s1  }
0x8c: {  	s16 =	sshll.u32 s0, $0xA;
	s2 =	sadd.s32 s3, s2  }
0x8d: {  	s2 =	sadd.s32 s2, s16  }
0x8e: {  	[smem:$0x3FC5] =	sst s2  }
0x8f: {  	_ = 	snop  }
0x90: {  	(tm) =	ssettm $0x1  }
0x91: {  	s17 =	sld [smem:$0x3FFB];
	_ =	sdelay $0x3  }
0x92: {  	_ =	strace s17  }
0x93: {  	s2 =	sld [smem:$0x3FFC];
	_ =	sdelay $0x3  }
0x94: {  	_ =	strace s2  }
0x95: {  	s2 =	sld [smem:$0x3FFD];
	_ =	sdelay $0x3  }
0x96: {  	_ =	strace s2  }
0x97: {  	_ =	strace $0x8FFFFFFF  }
0x98: {  	s18 =	sld [smem:$0x3FDB];
	_ =	sdelay $0x1  }
0x99: {  	s19 =	simm.s32 $_scs_section_size  }
0x9a: {  	s4 =	simm.s32 $_size__tile_overlayer_lowered;
	s5 =	simm.s32 $_tile_overlayer_lowered  }
0x9b: {  	s22 =	simm.s32 $0x1BFF;
	s21 =	sshll.u32 s5, $0x1;
	s2 =	sadd.s32 s19, s18  }
0x9c: {  	s6 =	simm.s32 $0x0;
	s20 =	sshll.u32 s4, $0x1;
	s4 =	sadd.s32 s21, s2  }
0x9d: {  	[timem:s6], [sflag:s22] =	dma.local [hbm:s4], s20  }
0x9e: {  	_ =	swait.ge [sflag:s22], s20  }
0x9f: {  	s3 =	ssub.s32 $0x0, s20;
	[sflag:s22] =	ssyncset.done $0x0  }
0xa0: {  	[sflag:s22] =	ssyncadd.s32 s3;
	_ =	sdelay $0x1  }
0xa1: {  	s23 =	simm.s32 $0x1B8B  }
0xa2: {  	_ =	swait.ge [sflag:s23], $0x1  }
0xa3: {  	[sflag:s23] =	ssyncset.done $0x0  }
0xa4: {  	s25 =	simm.s32 $0x1B8E;
	s24 =	sld [smem:$0x3FFE];
	[sflag:s23] =	ssyncadd.s32 $0xFFFFFFFF  }
0xa5: {  	s26 =	simm.s32 $execute0_lowered;
	[smem:$0x3FD2] =	sst s25  }
0xa6: {  	s4 =	sshll.u32 s26, $0x1;
	_ =	strace $0x80000046;
	[dreg:$0x1] =	wrdreg $0xFFFFFFFF  }
0xa7: {  	s28 =	simm.s32 $_size_execute0_lowered;
	s2 =	sadd.s32 s2, s4;
	[dreg:$0x0] =	wrdreg $0x0  }
0xa8: {  	s4 =	sshll.u32 s28, $0x1;
	[dreg:$0x2] =	wrdreg s2  }
0xa9: {  	[dreg:$0x3] =	wrdreg s4  }
0xaa: {  	[dreg:$0x4] =	wrdreg $0xC0  }
0xab: {  	_ =	task [dreg:s6], $0x5FFFF  }
0xac: {  	[dreg:$0x1] =	wrdreg $0xFFFFFFFF  }
0xad: {  	[dreg:$0x0] =	wrdreg $0x60  }
0xae: {  	[dreg:$0x2] =	wrdreg s24  }
0xaf: {  	[dreg:$0x3] =	wrdreg $0x9  }
0xb0: {  	_ =	task.clear_ibuf [dreg:s6], $0x4FFFF;
	_ =	strace $0x90000046  }
0xb1: {  	s29 =	simm.s32 $0x9;
	_ =	strace $0x80000048  }
0xb2: {  	_ =	swait.ge [sflag:s29], $0x1  }
0xb3: {  	[sflag:s29] =	ssyncadd.s32 $0xFFFFFFFF  }
0xb4: {  	_ =	strace $0x90000048  }
0xb5: {  	_ =	sfence  }
0xb6: {  	s30 =	sld [smem:$0x0];
	_ =	sdelay $0x2  }
0xb7: {  	s31 =	sshll.u32 s1, $0xD;
	s1 =	sshrl.u32 s1, $0x2  }
0xb8: {  	s3 =	sand.u32 $0x4000, s31;
	s1 =	sadd.s32 s1, s30  }
0xb9: {  	s0 =	sor.u32 s3, s0;
	s1 =	sshll.u32 s1, $0x11  }
0xba: {  	s0 =	sor.u32 s1, s0  }
0xbb: {  	s0 =	sadd.s32 $0x8F2B, s0  }
0xbc: {  	[sflag:s0] =	ssyncadd.remote.s32 $0x1  }
0xbd: {  	_ =	sfence.sel $0xFFFF  }
0xbe: {  	[dreg:$0x0] =	wrdreg $0xFFFFFFFF;
	(pc) =	sbr.abs _section_cstart, $3  }
0xbf: {  	[dreg:$0x1] =	wrdreg $0xFFFFFFFF  }
0xc0: {  	_ =	task.clear_ibuf [dreg:s6], $0x2FFFF;
	_ =	strace $0x9FFFFFFF  }
0xc1: {  	(tm) =	ssettm $0x7FFFFFFF  }
tec
execute0_lowered:
.L_overlay_start_1:
0x0: {  	(tag) =	ssettag $0x1  }
0x1: {  	s0 =	srdreg.scid  }
0x2: {  	s1 =	sshll.u32 s0, $0x4  }
0x3: {  	s0 =	stileid.u32;
	s1 =	sand.u32 $0x10, s1  }
0x4: {  	s1 =	sor.u32 s0, s1  }
0x5: {  	s2 =	smul.u32 $0x3, s1  }
0x6: {  	s3 =	smin.u32 s1, $0x4  }
0x7: {  	s2 =	sadd.s32 s3, s2  }
0x8: {  	p0 =	slt.u32 s1, $0x4;
	s1 =	simm.s32 $0x5A0;
	s2 =	smul.u32 $0x168, s2  }
0x9: {  	s1 =	simm.s32 @!p0 $0x438  }
0xa: {  	s1 =	sadd.s32 s1, s2  }
0xb: {  	s3 =	smin.u32 s1, $0x8CA0  }
0xc: {  	s7 =	ssub.s32 s3, s2  }
0xd: {  	p0 =	sgt.s32 s7, $0x0  }
0xe: {  	s7 =	simm.s32 @!p0 $0x0  }
0xf: {  	s4 =	smul.u32 $0x2D83, s7  }
0x10: {  	s9 =	rddreg [dreg:$0x0];
	s6 =	simm.s32 $0x1;
	s11 =	simm.s32 $0x3  }
0x11: {  	s13 =	simm.s32 $0x0;
	s12 =	simm.s32 $0x0;
	s8 =	sshrl.u32 s4, $0x16  }
0x12: {  	s1 =	rddreg [dreg:$0x1];
	_ =	strace $0x80000047;
	s10 =	smul.u32 $0x168, s8  }
.Ltmp0:
0x13: {  	s5 =	sadd.s32 $0x206000, s9;
	[sflag:s6] =	ssyncpa.u1 $0x0;
	(pc) =	sbr.rel .LBB2_1-.Ltmp0, $4  }
0x14: {  	s4 =	sadd.s32 $0x207200, s9;
	p0 =	sne.s32 s7, s10;
	s10 =	simm.s32 $0x1  }
0x15: {  	s9 =	sadd.s32 $0x8CA00, s9;
	s7 =	simm.s32 $0x2;
	s10 =	simm.s32 @!p0 $0x0  }
0x16: {  	[sflag:s7] =	ssyncpa.u1 $0x0;
	p0 =	por $0x0, $0x0;
	s8 =	sadd.s32 s8, s10  }
0x17: {  	vm0 =	vmmov $0xff;
	vm1 =	vcmask $0x3F20;
	[sflag:s11] =	ssyncpa.u1 $0x0;
	s11 =	smov.u32 s2;
	s10 =	sadd.s32 $0x1, s8  }
.LBB2_6:
0x18: {  	[hbm:s17] =	stream.linear.scatter [tilespmem:s14], [sflag:$0x3], $0x400, $0x38;
	[tilespmem:$0x16AD0] =	vst v63  }
.LBB2_7:
0x19: {  	s13 =	sadd.s32 $0x168, s11  }
0x1a: {  	s15 =	smov.u32 s2;
	p2 =	slt.s32 s13, s3  }
0x1b: {  	s15 =	smov.u32 @p2 s13;
	p2 =	sne.s32 s12, s10  }
.Ltmp1:
0x1c: {  	p1 =	slt.u32 s12, $0x2;
	(pc) =	sbr.rel @!p2 .LBB2_8-.Ltmp1, $4  }
0x1d: {  	s14 =	simm.s32 @!p1 $0x3  }
0x1e: {  	s16 =	sadd.s32 $0x1, s12;
	_ =	swait.ge @!p1 [sflag:s14], $0xB400  }
0x1f: {  	p0 =	por !p0, !p0;
	s13 =	smov.u32 s11;
	[sflag:s14] =	ssyncset.done @!p1 $0x0  }
0x20: {  	s12 =	smov.u32 s16;
	s11 =	smov.u32 s15;
	[sflag:s14] =	ssyncadd.s32 @!p1 $0xFFFF4C00  }
.LBB2_1:
0x21: {  	p1 =	sge.u32 s12, s8  }
0x22: {  	s14 =	sxor.u32 @!p1 $0xFFFFFFFF, s12  }
0x23: {  	s14 =	sand.u32 @!p1 $0x1, s14  }
0x24: {  	s14 =	smul.u32 @!p1 $0x5A0, s14  }
0x25: {  	s31 =	sadd.s32 $0xFFFFFFFF, s12;
	s15 =	sshrl.u32 @!p1 s11, $0x3  }
0x26: {  	s16 =	sand.u32 @!p1 $0x7, s11;
	s15 =	sadd.s32 @!p1 s5, s15;
	s14 =	sshrl.u32 @!p1 s14, $0x2  }
0x27: {  	[tilespmem:s14], [sflag:$0x2] =	stream.linear.gather @!p1 [hbm4b:s15+s16], $0x168, $0x38;
	[tilespmem:$0x16AD0] =	vst v63  }
0x28: {  	p1 =	sge.u32 s31, s8  }
.Ltmp2:
0x29: {  	_ = 	snop;
	(pc) =	sbr.rel @p1 .LBB2_7-.Ltmp2, $1  }
0x2a: {  	_ =	sdelay $0x3  }
0x2b: {  	s14 =	simm.s32 $0x1  }
0x2c: {  	s14 =	simm.s32 @!p0 $0x0  }
0x2d: {  	s15 =	smul.u32 $0x5A0, s14  }
0x2e: {  	_ =	swait.ge [sflag:s7], $0x168  }
0x2f: {  	[sflag:s7] =	ssyncset.done $0x0;
	s17 =	sshrl.u32 s15, $0x2  }
0x30: {  	[sflag:s7] =	ssyncadd.s32 $0xFFFFFE98;
	s15 =	sadd.s32 $0x0, s17  }
0x31: {  	v0 =	vld.msk [tilespmem:s15+$0x0 ss:$0x1], $0xffff;
	_ =	sdelay $0x4  }
0x32: {  	v1 =	vshll.u32 v0, $0x5  }
0x33: {  	vm2 =	veq.s32 v0, $0x80000000;
	v0 =	vshll.u32 v0, $0x15;
	v1 =	vand.u32 $0x1FFF80, v1  }
0x34: {  	v0 =	vand.u32 $0x600000, v0;
	v1 =	vsel vm2, $0xFFFFFF80, v1  }
0x35: {  	v0 =	vsel vm2, $0xFFE00000, v0;
	v2 =	vand.u32 $0xFFFFFC00, v1  }
0x36: {  	v1 =	vand.u32 $0x380, v1;
	v0 =	vadd.s32 v0, v2  }
0x37: {  	v0 =	vor.u32 v1, v0  }
0x38: {  	v0 =	vshrl.u32 v0, $0x3  }
0x39: {  	s14 =	smul.u32 $0x2D000, s14  }
0x3a: {  	s31 =	sand.u32 $0x1, s12  }
0x3b: {  	s16 =	smul.u32 $0x5A0, s31;
	s14 =	sshrl.u32 s14, $0x2  }
0x3c: {  	s19 =	smul.u32 $0x2D000, s31;
	s14 =	sor.u32 $0x2D0, s14  }
0x3d: {  	[tilespmem:s14], [sflag:$0x1] =	stream.indirect_vreg.gather [hbm:s4], $0x80, v0, vm0, $0x38;
	[tilespmem:$0x16AD0] =	vst v63  }
0x3e: {  	s18 =	sshrl.u32 s16, $0x2;
	s20 =	sadd.s32 $0x10, s17;
	s15 =	sadd.s32 $0x400, s14  }
0x3f: {  	[tilespmem:s15], [sflag:$0x1] =	stream.indirect_vreg.gather [hbm:s4], $0x80, v0, vm1, $0x38;
	[tilespmem:$0x16AD0] =	vst v63  }
0x40: {  	s16 =	sshrl.u32 s19, $0x2;
	s19 =	smov.u32 s14;
	v0 =	vld.msk [tilespmem:s20+$0x0 ss:$0x1], $0xffff;
	s20 =	simm.s32 $0x80  }
.LBB2_3:
0x41: {  	p1 =	sne.s32 s20, $0x540;
	_ =	sdelay $0x4  }
0x42: {  	v1 =	vshll.u32 v0, $0x5  }
0x43: {  	vm2 =	veq.s32 v0, $0x80000000;
	v0 =	vshll.u32 v0, $0x15;
	v1 =	vand.u32 $0x1FFF80, v1  }
0x44: {  	v0 =	vand.u32 $0x600000, v0;
	v1 =	vsel vm2, $0xFFFFFF80, v1  }
0x45: {  	v0 =	vsel vm2, $0xFFE00000, v0;
	v2 =	vand.u32 $0xFFFFFC00, v1  }
0x46: {  	v1 =	vand.u32 $0x380, v1;
	v0 =	vadd.s32 v0, v2  }
0x47: {  	v0 =	vor.u32 v1, v0  }
0x48: {  	v0 =	vshrl.u32 v0, $0x3;
	_ =	sdelay $0x3  }
.Ltmp3:
0x49: {  	s21 =	sshra.s32 s20, $0x2;
	s19 =	sadd.s32 $0x800, s19;
	(pc) =	sbr.rel @p1 .LBB2_3-.Ltmp3, $4  }
0x4a: {  	[tilespmem:s19], [sflag:$0x1] =	stream.indirect_vreg.gather [hbm:s4], $0x80, v0, vm0, $0x38;
	[tilespmem:$0x16AD0] =	vst v63  }
0x4b: {  	s21 =	sadd.s32 s21, s17;
	s22 =	sadd.s32 $0x400, s19  }
0x4c: {  	[tilespmem:s22], [sflag:$0x1] =	stream.indirect_vreg.gather [hbm:s4], $0x80, v0, vm1, $0x38;
	[tilespmem:$0x16AD0] =	vst v63  }
0x4d: {  	s20 =	sadd.s32 $0x40, s20;
	v0 =	vld.msk [tilespmem:s21+$0x0 ss:$0x1], $0xffff  }
0x4e: {  	_ =	sdelay $0x3  }
0x4f: {  	v1 =	vshll.u32 v0, $0x5  }
0x50: {  	vm2 =	veq.s32 v0, $0x80000000;
	v61 =	vshll.u32 v0, $0x15;
	v1 =	vand.u32 $0x1FFF80, v1  }
0x51: {  	v0 =	vand.u32 $0x600000, v61;
	v1 =	vsel vm2, $0xFFFFFF80, v1  }
0x52: {  	v0 =	vsel vm2, $0xFFE00000, v0;
	v2 =	vand.u32 $0xFFFFFC00, v1  }
0x53: {  	v1 =	vand.u32 $0x380, v1;
	v0 =	vadd.s32 v0, v2  }
0x54: {  	v0 =	vor.u32 v1, v0  }
0x55: {  	v0 =	vshrl.u32 v0, $0x3;
	_ =	sdelay $0x3  }
0x56: {  	s17 =	sadd.s32 $0x800, s19  }
0x57: {  	[tilespmem:s17], [sflag:$0x1] =	stream.indirect_vreg.gather [hbm:s4], $0x80, v0, vm0, $0x38;
	[tilespmem:$0x16AD0] =	vst v63  }
0x58: {  	s17 =	sadd.s32 $0x400, s17  }
0x59: {  	[tilespmem:s17], [sflag:$0x1] =	stream.indirect_vreg.gather [hbm:s4], $0x80, v0, vm1, $0x38;
	[tilespmem:$0x16AD0] =	vst v63  }
0x5a: {  	v0 =	vld.msk [tilespmem:s18+$0x160 ss:$0x1], $0xff;
	_ =	sdelay $0x4  }
0x5b: {  	v62 =	vshll.u32 v0, $0x5  }
0x5c: {  	vm2 =	veq.s32 v0, $0x80000000;
	v0 =	vshll.u32 v0, $0x15;
	v1 =	vand.u32 $0x1FFF80, v62  }
0x5d: {  	v0 =	vand.u32 $0x600000, v0;
	v1 =	vsel vm2, $0xFFFFFF80, v1  }
0x5e: {  	v0 =	vsel vm2, $0xFFE00000, v0;
	v63 =	vand.u32 $0xFFFFFC00, v1  }
0x5f: {  	v1 =	vand.u32 $0x380, v1;
	v0 =	vadd.s32 v0, v63  }
0x60: {  	v0 =	vor.u32 v1, v0  }
0x61: {  	v0 =	vshrl.u32 v0, $0x3;
	_ =	sdelay $0x3  }
0x62: {  	s16 =	sadd.s32 $0xB2D0, s16  }
0x63: {  	[tilespmem:s16], [sflag:$0x1] =	stream.indirect_vreg.gather [hbm:s4], $0x80, v0, vm0, $0x38;
	[tilespmem:$0x16AD0] =	vst v63  }
0x64: {  	s13 =	sshll.u32 s13, $0x4;
	_ =	swait.ge [sflag:s6], $0xB400  }
0x65: {  	s13 =	sadd.s32 s13, s9;
	[sflag:s6] =	ssyncset.done $0x0  }
0x66: {  	s17 =	sadd.s32 $0x0, s13;
	s16 =	simm.s32 $0x80;
	[sflag:s6] =	ssyncadd.s32 $0xFFFF4C00  }
.LBB2_5:
0x67: {  	[hbm:s17] =	stream.linear.scatter [tilespmem:s14], [sflag:$0x3], $0x400, $0x38;
	[tilespmem:$0x16AD0] =	vst v63  }
0x68: {  	s17 =	smov.u32 s16;
	s14 =	smov.u32 s15;
	p1 =	sne.s32 s16, $0x1600  }
.Ltmp4:
0x69: {  	s16 =	sadd.s32 $0x80, s16;
	(pc) =	sbr.rel @p1 .LBB2_5-.Ltmp4, $2  }
0x6a: {  	_ =	sdelay $0x2  }
0x6b: {  	s15 =	sadd.s32 $0x400, s15;
	s17 =	sadd.s32 s17, s13  }
.Ltmp5:
0x6c: {  	_ = 	snop;
	(pc) =	sbr.rel .LBB2_6-.Ltmp5, $1  }
0x6d: {  	_ =	sdelay $0x3  }
.LBB2_8:
0x6e: {  	_ =	sfence.sel $0x180000  }
0x6f: {  	s2 =	simm.s32 $0x2;
	[bflag:$0x0] =	sbarrier.arrive $0xFFFF  }
0x70: {  	s30 =	simm.s32 $0x3;
	[sflag:s2] =	ssyncpa.u1 $0x1  }
0x71: {  	s31 =	simm.s32 $0x1;
	[sflag:s30] =	ssyncpa.u1 $0x1  }
0x72: {  	[sflag:s31] =	ssyncpa.u1 $0x1  }
0x73: {  	p0 =	sne.s32 s0, $0x0;
	_ =	strace $0x90000047  }
0x74: {  	s0 =	sadd.s32 @!p0 $0x100000, s1;
	[bflag:$0x2] =	sbarrier.arrive $0xFFFF  }
0x75: {  	[sflag:s0] =	ssyncadd.tile.s32 @!p0 $0x1;
	_ =	shalt  }
.Lfunc_end2:
_tile_overlayer_lowered:
.L_overlay_start_2:
0x76: {  	(tag) =	ssettag $0x2  }
0x77: {  	s0 =	rddreg [dreg:$0x0];
	s2 =	stileid.u32  }
0x78: {  	s1 =	rddreg [dreg:$0x1];
	p0 =	sne.s32 s2, $0x0  }
0x79: {  	s3 =	rddreg [dreg:$0x2];
	[bflag:$0x3] =	sbarrier.arrive $0xFFFF;
	s2 =	simm.s32 @!p0 $0x1C01  }
0x7a: {  	[timem:s3], [sflag:s2] =	dma.local @!p0 [hbm:s0], s1  }
0x7b: {  	s0 =	simm.s32 @!p0 $0x1  }
0x7c: {  	_ =	swait.ge @!p0 [sflag:s0], s1  }
0x7d: {  	s1 =	ssub.s32 @!p0 $0x0, s1;
	[sflag:s0] =	ssyncset.done @!p0 $0x0  }
0x7e: {  	[sflag:s0] =	ssyncadd.s32 @!p0 s1  }
0x7f: {  	[bflag:$0x3] =	sbarrier.arrive $0xFFFF  }
0x80: {  	_ =	shalt  }

</sc_bundles>
